<compile_context>
chip_gen: v7x
topology: tpu7x:2x2x1
jax: 0.10.2.dev20260603
libtpu: 0.0.44.dev20260713+nightly
codegen_flags: <defaults>
</compile_context>

<pallas_src>
import functools

import jax
import jax.numpy as jnp
from jax import lax
from jax.experimental import pallas as pl
from jax.experimental.pallas import tpu as pltpu
from jax.experimental.pallas import tpu_sc as plsc

_SIGMA = 1.0
_INV_S = 1.0 / (_SIGMA**2 + 1e-06)
_BIG = 3.0e38
_L = 16


def _mm_body(x_ref, w_ref, o_ref):
    o_ref[...] = jnp.dot(x_ref[...], w_ref[...],
                         preferred_element_type=jnp.float32,
                         precision=lax.Precision.HIGHEST)


def _matmul(x, w, nb):
    n, d = x.shape
    blk = n // nb
    return pl.pallas_call(
        _mm_body,
        grid=(nb,),
        in_specs=[
            pl.BlockSpec((blk, d), lambda i: (i, 0)),
            pl.BlockSpec((d, d), lambda i: (0, 0)),
        ],
        out_specs=pl.BlockSpec((blk, d), lambda i: (i, 0)),
        out_shape=jax.ShapeDtypeStruct((n, d), jnp.float32),
    )(x, w)


def _make_sc_min(n_nodes, n_edges):
    mesh = plsc.VectorSubcoreMesh(core_axis_name="c", subcore_axis_name="s")
    nc, ns = mesh.num_cores, mesh.num_subcores
    nw = nc * ns
    ep = n_edges // nw
    nchunk = ep // _L

    @functools.partial(
        pl.kernel,
        out_type=jax.ShapeDtypeStruct((nw, _L), jnp.float32),
        mesh=mesh,
        compiler_params=pltpu.CompilerParams(needs_layout_passes=False),
        scratch_types=[
            pltpu.VMEM((n_nodes,), jnp.int32),
            pltpu.VMEM((ep,), jnp.int32),
            pltpu.VMEM((ep,), jnp.float32),
            pltpu.VMEM((_L * _L,), jnp.float32),
            pltpu.VMEM((_L,), jnp.float32),
        ],
    )
    def sc_min(src_hbm, batch_hbm, attr_hbm, out_hbm,
               batch_v, src_v, attr_v, minacc, minout):
        wid = lax.axis_index("s") * nc + lax.axis_index("c")
        base = pl.multiple_of(wid * ep, 8)
        pltpu.sync_copy(batch_hbm, batch_v)
        pltpu.sync_copy(src_hbm.at[pl.ds(base, ep)], src_v)
        pltpu.sync_copy(attr_hbm.at[pl.ds(base, ep)], attr_v)

        for l in range(_L):
            minacc[pl.ds(l * _L, _L)] = jnp.full((_L,), _BIG, jnp.float32)

        lane16 = lax.iota(jnp.int32, _L) * _L

        def body(c, carry):
            b = pl.multiple_of(c * _L, 8)
            sv = src_v[pl.ds(b, _L)]
            eb = plsc.load_gather(batch_v, [sv])
            av = attr_v[pl.ds(b, _L)]
            idx = lane16 + eb
            cur = plsc.load_gather(minacc, [idx])
            plsc.store_scatter(minacc, [idx], jnp.minimum(cur, av))
            return carry

        lax.fori_loop(0, nchunk, body, 0)

        m = minacc[pl.ds(0, _L)]
        for l in range(1, _L):
            m = jnp.minimum(m, minacc[pl.ds(l * _L, _L)])
        minout[...] = m
        pltpu.sync_copy(minout, out_hbm.at[wid])

    return sc_min


def _make_sc_edge(n_nodes, n_edges, d, n_pad):
    mesh = plsc.VectorSubcoreMesh(core_axis_name="c", subcore_axis_name="s")
    nc, ns = mesh.num_cores, mesh.num_subcores
    nw = nc * ns
    ep = n_edges // nw
    eblk = 2048
    nblk = ep // eblk
    ck = 32
    nbuf = 4
    nchunk = eblk // ck
    rows_per_tile = n_pad // ns
    zrows = 32
    nvec = d // _L

    @functools.partial(
        pl.kernel,
        out_type=jax.ShapeDtypeStruct((nc, n_pad, d), jnp.float32),
        mesh=mesh,
        compiler_params=pltpu.CompilerParams(needs_layout_passes=False),
        scratch_types=[
            pltpu.VMEM((n_nodes,), jnp.int32),
            pltpu.VMEM((eblk,), jnp.int32),
            pltpu.VMEM((eblk,), jnp.int32),
            pltpu.VMEM((eblk,), jnp.float32),
            pltpu.VMEM((nw, _L), jnp.float32),
            pltpu.VMEM((_L,), jnp.float32),
            [pltpu.VMEM((ck,), jnp.float32) for _ in range(nbuf)],
            [pltpu.VMEM((ck,), jnp.int32) for _ in range(nbuf)],
            [pltpu.VMEM((ck,), jnp.int32) for _ in range(nbuf)],
            [pltpu.VMEM((ck, d), jnp.float32) for _ in range(nbuf)],
            pltpu.VMEM((zrows, d), jnp.float32),
            pltpu.VMEM_SHARED((n_pad, d), jnp.float32),
            [pltpu.SemaphoreType.DMA for _ in range(nbuf)],
            [pltpu.SemaphoreType.DMA for _ in range(nbuf)],
        ],
    )
    def sc_edge(src_hbm, dst_hbm, attr_hbm, batch_hbm, h_hbm, mins_hbm,
                out_hbm,
                batch_v, src_v, dst_v, attr_v, mins_v, min_buf, ea_buf,
                idx_buf, didx_buf, rows, zbuf, agg_sh, gsems, ssems):
        cid = lax.axis_index("c")
        sid = lax.axis_index("s")
        wid = sid * nc + cid
        base = pl.multiple_of(wid * ep, 8)
        row0 = sid * rows_per_tile

        def zb(i, carry):
            for j in range(nvec):
                zbuf[i, pl.ds(j * _L, _L)] = jnp.zeros((_L,), jnp.float32)
            return carry

        lax.fori_loop(0, zrows, zb, 0)
        for t in range(rows_per_tile // zrows):
            pltpu.sync_copy(zbuf, agg_sh.at[pl.ds(row0 + t * zrows, zrows)])
        plsc.subcore_barrier()

        pltpu.sync_copy(batch_hbm, batch_v)
        pltpu.sync_copy(mins_hbm, mins_v)

        m = mins_v[0]
        for r in range(1, nw):
            m = jnp.minimum(m, mins_v[r])
        min_buf[...] = m

        def meta_fire(c, p):
            b = pl.multiple_of(c * ck, 8)
            for q in range(ck // _L):
                sv = src_v[pl.ds(b + q * _L, _L)]
                idx_buf[p][pl.ds(q * _L, _L)] = sv
                eb = plsc.load_gather(batch_v, [sv])
                mv = plsc.load_gather(min_buf, [eb])
                av = attr_v[pl.ds(b + q * _L, _L)]
                dd = av - mv
                ea_buf[p][pl.ds(q * _L, _L)] = jnp.exp(dd * dd * (-_INV_S))
                didx_buf[p][pl.ds(q * _L, _L)] = dst_v[pl.ds(b + q * _L, _L)]
            pltpu.async_copy(h_hbm.at[idx_buf[p]], rows[p], gsems[p])

        def wait_scatter(p):
            pltpu.make_async_copy(rows[p], agg_sh.at[didx_buf[p]],
                                  ssems[p]).wait()

        def consume(c, p):
            pltpu.make_async_copy(h_hbm.at[idx_buf[p]], rows[p],
                                  gsems[p]).wait()

            @plsc.parallel_loop(0, ck, 1, unroll=4)
            def _(k):
                s = plsc.load_gather(ea_buf[p],
                                     [jnp.full((_L,), 1, jnp.int32) * k])
                for j in range(nvec):
                    rows[p][k, pl.ds(j * _L, _L)] = (
                        rows[p][k, pl.ds(j * _L, _L)] * s)

            pltpu.async_copy(rows[p], agg_sh.at[didx_buf[p]], ssems[p],
                             add=True)

        def block(blk, carry):
            eb0 = pl.multiple_of(base + blk * eblk, 8)
            pltpu.sync_copy(src_hbm.at[pl.ds(eb0, eblk)], src_v)
            pltpu.sync_copy(dst_hbm.at[pl.ds(eb0, eblk)], dst_v)
            pltpu.sync_copy(attr_hbm.at[pl.ds(eb0, eblk)], attr_v)
            @pl.when(blk > 0)
            def _():
                wait_scatter(0)
                wait_scatter(1)

            meta_fire(0, 0)
            meta_fire(1, 1)

            def group(t, c4):
                for p in range(nbuf):
                    c = nbuf * t + p
                    consume(c, p)
                    p2 = (p + 2) % nbuf
                    fire = c + 2 < nchunk

                    @pl.when(jnp.logical_and(fire, (blk > 0) | (c >= 2)))
                    def _():
                        wait_scatter(p2)

                    @pl.when(fire)
                    def _():
                        meta_fire(c + 2, p2)
                return c4

            lax.fori_loop(0, nchunk // nbuf, group, 0)
            return carry

        lax.fori_loop(0, nblk, block, 0)
        for p in range(nbuf):
            wait_scatter(p)

        plsc.subcore_barrier()

        for t in range(rows_per_tile // zrows):
            r = row0 + t * zrows
            pltpu.sync_copy(agg_sh.at[pl.ds(r, zrows)], zbuf)
            pltpu.sync_copy(zbuf, out_hbm.at[cid, pl.ds(r, zrows)])

    return sc_edge


def _pool_body(nb, aggs_ref, batch_ref, b1_ref, macro_ref, mean_ref, std_ref,
               o_ref, pooled, cnt):
    i = pl.program_id(0)

    @pl.when(i == 0)
    def _():
        pooled[...] = jnp.zeros_like(pooled)
        cnt[...] = jnp.zeros_like(cnt)

    a = aggs_ref[0] + aggs_ref[1]
    emb = jnp.maximum(a + b1_ref[...], 0.0)
    gids = lax.broadcasted_iota(jnp.int32, (1, 16), 1)
    mask = (batch_ref[...] == gids).astype(jnp.float32)
    pooled[...] += lax.dot_general(
        mask, emb, (((0,), (0,)), ((), ())),
        preferred_element_type=jnp.float32, precision=lax.Precision.HIGHEST)
    cnt[...] += jnp.sum(mask, axis=0, keepdims=True)

    @pl.when(i == nb - 1)
    def _():
        gemb = pooled[...] / jnp.maximum(cnt[...], 1.0).reshape(16, 1)
        tm = (macro_ref[...] - mean_ref[...]) / (std_ref[...] + 1e-06)
        o_ref[...] = jnp.concatenate([gemb, tm], axis=1)


def _pool(aggs, batch2d, b1, macro, mean, std, nb):
    _, n, d = aggs.shape
    g, dm = macro.shape
    blk = n // nb
    return pl.pallas_call(
        functools.partial(_pool_body, nb),
        grid=(nb,),
        in_specs=[
            pl.BlockSpec((2, blk, d), lambda i: (0, i, 0)),
            pl.BlockSpec((blk, 1), lambda i: (i, 0)),
            pl.BlockSpec((1, d), lambda i: (0, 0)),
            pl.BlockSpec((g, dm), lambda i: (0, 0)),
            pl.BlockSpec((1, dm), lambda i: (0, 0)),
            pl.BlockSpec((1, dm), lambda i: (0, 0)),
        ],
        out_specs=pl.BlockSpec((g, d + dm), lambda i: (0, 0)),
        out_shape=jax.ShapeDtypeStruct((g, d + dm), jnp.float32),
        scratch_shapes=[
            pltpu.VMEM((g, d), jnp.float32),
            pltpu.VMEM((1, g), jnp.float32),
        ],
    )(aggs, batch2d, b1, macro, mean, std)


def kernel(x, edge_index, edge_attr, batch, macro_metrics, W1, b1,
           macro_mean, macro_std):
    n, d = x.shape
    e = edge_attr.shape[0]
    g, dm = macro_metrics.shape
    src = edge_index[0]
    dst = edge_index[1]

    n_pad = ((n + 639) // 640) * 640
    e_pad = ((e + 65535) // 65536) * 65536
    if e_pad != e:
        pe = e_pad - e
        src = jnp.concatenate([src, jnp.zeros((pe,), jnp.int32)])
        dst = jnp.concatenate([dst, jnp.full((pe,), n_pad - 1, jnp.int32)])
        edge_attr = jnp.concatenate(
            [edge_attr, jnp.full((pe,), _BIG, jnp.float32)])

    h = _matmul(x, W1, nb=5)
    mins = _make_sc_min(n, e_pad)(src, batch, edge_attr)
    aggs = _make_sc_edge(n, e_pad, d, n_pad)(src, dst, edge_attr, batch,
                                             h, mins)
    batch_p = jnp.concatenate(
        [batch, jnp.full((n_pad - n,), g, jnp.int32)]).reshape(n_pad, 1)
    out = _pool(aggs, batch_p, b1.reshape(1, d), macro_metrics,
                macro_mean.reshape(1, dm), macro_std.reshape(1, dm), nb=5)
    return out

# --- scband reference (transcript-rebuilt; emitter-appended) ---
"""Pipeline reference for scband-graph-latent-11630771437739 (READ-ONLY COPY).

The authoritative reference and input builder live on the scoring server;
editing this copy changes nothing except your own understanding.
"""

import jax, jax.numpy as jnp
import numpy as np

N = 10000
E = 320000
D = 128
G = 16
DM = 8
SIGMA = 1.0


def setup_inputs(seed: int = 0) -> dict:
    key = jax.random.key(seed)
    ks = jax.random.split(key, 8)
    x = jax.random.normal(ks[0], (N, D), dtype=jnp.float32)
    edge_index = jax.random.randint(ks[1], (2, E), 0, N, dtype=jnp.int32)
    batch = jnp.sort(jax.random.randint(ks[2], (N,), 0, G, dtype=jnp.int32))
    edge_attr = jax.random.uniform(ks[3], (E,), dtype=jnp.float32)
    macro_metrics = jax.random.normal(ks[4], (G, DM), dtype=jnp.float32)
    # encoder params: single GCN-style message-passing layer with edge weights
    W1 = jax.random.normal(ks[5], (D, D), dtype=jnp.float32) * 0.05
    b1 = jnp.zeros((D,), dtype=jnp.float32)
    macro_mean = jnp.zeros((DM,), dtype=jnp.float32)
    macro_std = jnp.ones((DM,), dtype=jnp.float32)
    return {
        'x': x,
        'edge_index': edge_index,
        'edge_attr': edge_attr,
        'batch': batch,
        'macro_metrics': macro_metrics,
        'W1': W1,
        'b1': b1,
        'macro_mean': macro_mean,
        'macro_std': macro_std,
    }


def reference(x, edge_index, edge_attr, batch, macro_metrics, W1, b1, macro_mean, macro_std):
    src = edge_index[0]
    dst = edge_index[1]
    # edge_attr gaussian kernel normalization (per-graph min via segment reduce)
    edge_batch = batch[src]
    min_vals = jax.ops.segment_min(edge_attr, edge_batch, num_segments=G)
    ea = edge_attr - min_vals[edge_batch]
    ea = jnp.exp(-(ea ** 2) / (SIGMA ** 2 + 1e-06))
    # encoder: h = x @ W1; aggregate weighted messages by dst; relu
    h = x @ W1
    msg = h[src] * ea[:, None]
    agg = jnp.zeros((N, D), dtype=h.dtype).at[dst].add(msg)
    node_emb = jax.nn.relu(agg + b1)
    # global mean pooling per graph
    sums = jax.ops.segment_sum(node_emb, batch, num_segments=G)
    counts = jax.ops.segment_sum(jnp.ones((N,), dtype=jnp.float32), batch, num_segments=G)
    graph_emb = sums / jnp.maximum(counts, 1.0)[:, None]
    # macro metrics normalization + concat
    tm = (macro_metrics - macro_mean) / (macro_std + 1e-06)
    return jnp.concatenate([graph_emb, tm], axis=-1)

if __name__ == "__main__":
    import jax
    _d = setup_inputs()
    print(jax.jit(kernel)(*tuple(_d.values())))

</pallas_src>

<mosaic_0001>
#map = affine_map<(d0, d1) -> (0)>
#map1 = affine_map<(d0, d1) -> (0, 0)>
module attributes {stable_mosaic.version = 14 : i64} {
  func.func @sc_min(%arg0: i32, %arg1: i32, %arg2: memref<327680xi32, #tpu.memory_space<hbm>>, %arg3: memref<10000xi32, #tpu.memory_space<hbm>>, %arg4: memref<327680xf32, #tpu.memory_space<hbm>>, %arg5: memref<32x16xf32, #tpu.memory_space<hbm>>, %arg6: memref<10000xi32, #tpu.memory_space<vmem>>, %arg7: memref<10240xi32, #tpu.memory_space<vmem>>, %arg8: memref<10240xf32, #tpu.memory_space<vmem>>, %arg9: memref<256xf32, #tpu.memory_space<vmem>>, %arg10: memref<16xf32, #tpu.memory_space<vmem>>) attributes {dimension_semantics = [#tpu.dimension_semantics<core_parallel>, #tpu.dimension_semantics<subcore_parallel>], iteration_bounds = array<i64: 2, 16>, scalar_prefetch = 0 : i64, scratch_operands = 5 : i64, tpu.core_type = #tpu.core_type<sc_vector_subcore>, window_params = [{transform_indices = #map}, {transform_indices = #map}, {transform_indices = #map}, {transform_indices = #map1}]} {
    %mul3A = arith.constant 2 : i32
    %mul3A_0 = arith.muli %arg1, %mul3A : i32
    %add3A = arith.addi %mul3A_0, %arg0 : i32
    %mul3A_1 = arith.constant 10240 : i32
    %mul3A_2 = arith.muli %add3A, %mul3A_1 : i32
    %multiple_of3A = tpu.assume_multiple %mul3A_2, 8 : i32
    "tpu.region"() ({
      %run_scoped3A = tpu.sem_alloc : memref<!tpu.dma_semaphore, #tpu.memory_space<semaphore_mem>>
      tpu.enqueue_dma source(%arg3 : memref<10000xi32, #tpu.memory_space<hbm>>) target(%arg6 : memref<10000xi32, #tpu.memory_space<vmem>>) target_semaphore(%run_scoped3A : memref<!tpu.dma_semaphore, #tpu.memory_space<semaphore_mem>>)
      tpu.wait_dma2 semaphore(%run_scoped3A : memref<!tpu.dma_semaphore, #tpu.memory_space<semaphore_mem>>) src(%arg3 : memref<10000xi32, #tpu.memory_space<hbm>>) dst(%arg6 : memref<10000xi32, #tpu.memory_space<vmem>>)
      tpu.yield
    }) : () -> ()
    "tpu.region"() ({
      %run_scoped3A = tpu.sem_alloc : memref<!tpu.dma_semaphore, #tpu.memory_space<semaphore_mem>>
      %dma_start3A = tpu.memref_slice %arg2[%multiple_of3A] : memref<327680xi32, #tpu.memory_space<hbm>> -> memref<10240xi32, #tpu.memory_space<hbm>>
      %dma_start3A_120 = tpu.memref_slice %arg2[%multiple_of3A] : memref<327680xi32, #tpu.memory_space<hbm>> -> memref<10240xi32, #tpu.memory_space<hbm>>
      tpu.enqueue_dma source(%dma_start3A_120 : memref<10240xi32, #tpu.memory_space<hbm>>) target(%arg7 : memref<10240xi32, #tpu.memory_space<vmem>>) target_semaphore(%run_scoped3A : memref<!tpu.dma_semaphore, #tpu.memory_space<semaphore_mem>>)
      %dma_wait3A = tpu.memref_slice %arg2[%multiple_of3A] : memref<327680xi32, #tpu.memory_space<hbm>> -> memref<10240xi32, #tpu.memory_space<hbm>>
      %dma_wait3A_121 = tpu.memref_slice %arg2[%multiple_of3A] : memref<327680xi32, #tpu.memory_space<hbm>> -> memref<10240xi32, #tpu.memory_space<hbm>>
      tpu.wait_dma2 semaphore(%run_scoped3A : memref<!tpu.dma_semaphore, #tpu.memory_space<semaphore_mem>>) src(%dma_wait3A_121 : memref<10240xi32, #tpu.memory_space<hbm>>) dst(%arg7 : memref<10240xi32, #tpu.memory_space<vmem>>)
      tpu.yield
    }) : () -> ()
    "tpu.region"() ({
      %run_scoped3A = tpu.sem_alloc : memref<!tpu.dma_semaphore, #tpu.memory_space<semaphore_mem>>
      %dma_start3A = tpu.memref_slice %arg4[%multiple_of3A] : memref<327680xf32, #tpu.memory_space<hbm>> -> memref<10240xf32, #tpu.memory_space<hbm>>
      %dma_start3A_120 = tpu.memref_slice %arg4[%multiple_of3A] : memref<327680xf32, #tpu.memory_space<hbm>> -> memref<10240xf32, #tpu.memory_space<hbm>>
      tpu.enqueue_dma source(%dma_start3A_120 : memref<10240xf32, #tpu.memory_space<hbm>>) target(%arg8 : memref<10240xf32, #tpu.memory_space<vmem>>) target_semaphore(%run_scoped3A : memref<!tpu.dma_semaphore, #tpu.memory_space<semaphore_mem>>)
      %dma_wait3A = tpu.memref_slice %arg4[%multiple_of3A] : memref<327680xf32, #tpu.memory_space<hbm>> -> memref<10240xf32, #tpu.memory_space<hbm>>
      %dma_wait3A_121 = tpu.memref_slice %arg4[%multiple_of3A] : memref<327680xf32, #tpu.memory_space<hbm>> -> memref<10240xf32, #tpu.memory_space<hbm>>
      tpu.wait_dma2 semaphore(%run_scoped3A : memref<!tpu.dma_semaphore, #tpu.memory_space<semaphore_mem>>) src(%dma_wait3A_121 : memref<10240xf32, #tpu.memory_space<hbm>>) dst(%arg8 : memref<10240xf32, #tpu.memory_space<vmem>>)
      tpu.yield
    }) : () -> ()
    %broadcast_in_dim3A = arith.constant 3.000000e+38 : f32
    %broadcast_in_dim3A_3 = vector.broadcast %broadcast_in_dim3A : f32 to vector<16xf32>
    %swap3A = arith.constant 0 : index
    %swap3A_4 = tpu.vector_load %arg9[%swap3A] {strides = array<i32>} : memref<256xf32, #tpu.memory_space<vmem>>, vector<16xf32>,
    tpu.vector_store %arg9[%swap3A], %broadcast_in_dim3A_3 {strides = array<i32>} : memref<256xf32, #tpu.memory_space<vmem>>, vector<16xf32>,
    %broadcast_in_dim3A_5 = arith.constant 3.000000e+38 : f32
    %broadcast_in_dim3A_6 = vector.broadcast %broadcast_in_dim3A_5 : f32 to vector<16xf32>
    %swap3A_7 = arith.constant 16 : index
    %swap3A_8 = tpu.vector_load %arg9[%swap3A_7] {strides = array<i32>} : memref<256xf32, #tpu.memory_space<vmem>>, vector<16xf32>,
    tpu.vector_store %arg9[%swap3A_7], %broadcast_in_dim3A_6 {strides = array<i32>} : memref<256xf32, #tpu.memory_space<vmem>>, vector<16xf32>,
    %broadcast_in_dim3A_9 = arith.constant 3.000000e+38 : f32
    %broadcast_in_dim3A_10 = vector.broadcast %broadcast_in_dim3A_9 : f32 to vector<16xf32>
    %swap3A_11 = arith.constant 32 : index
    %swap3A_12 = tpu.vector_load %arg9[%swap3A_11] {strides = array<i32>} : memref<256xf32, #tpu.memory_space<vmem>>, vector<16xf32>,
    tpu.vector_store %arg9[%swap3A_11], %broadcast_in_dim3A_10 {strides = array<i32>} : memref<256xf32, #tpu.memory_space<vmem>>, vector<16xf32>,
    %broadcast_in_dim3A_13 = arith.constant 3.000000e+38 : f32
    %broadcast_in_dim3A_14 = vector.broadcast %broadcast_in_dim3A_13 : f32 to vector<16xf32>
    %swap3A_15 = arith.constant 48 : index
    %swap3A_16 = tpu.vector_load %arg9[%swap3A_15] {strides = array<i32>} : memref<256xf32, #tpu.memory_space<vmem>>, vector<16xf32>,
    tpu.vector_store %arg9[%swap3A_15], %broadcast_in_dim3A_14 {strides = array<i32>} : memref<256xf32, #tpu.memory_space<vmem>>, vector<16xf32>,
    %broadcast_in_dim3A_17 = arith.constant 3.000000e+38 : f32
    %broadcast_in_dim3A_18 = vector.broadcast %broadcast_in_dim3A_17 : f32 to vector<16xf32>
    %swap3A_19 = arith.constant 64 : index
    %swap3A_20 = tpu.vector_load %arg9[%swap3A_19] {strides = array<i32>} : memref<256xf32, #tpu.memory_space<vmem>>, vector<16xf32>,
    tpu.vector_store %arg9[%swap3A_19], %broadcast_in_dim3A_18 {strides = array<i32>} : memref<256xf32, #tpu.memory_space<vmem>>, vector<16xf32>,
    %broadcast_in_dim3A_21 = arith.constant 3.000000e+38 : f32
    %broadcast_in_dim3A_22 = vector.broadcast %broadcast_in_dim3A_21 : f32 to vector<16xf32>
    %swap3A_23 = arith.constant 80 : index
    %swap3A_24 = tpu.vector_load %arg9[%swap3A_23] {strides = array<i32>} : memref<256xf32, #tpu.memory_space<vmem>>, vector<16xf32>,
    tpu.vector_store %arg9[%swap3A_23], %broadcast_in_dim3A_22 {strides = array<i32>} : memref<256xf32, #tpu.memory_space<vmem>>, vector<16xf32>,
    %broadcast_in_dim3A_25 = arith.constant 3.000000e+38 : f32
    %broadcast_in_dim3A_26 = vector.broadcast %broadcast_in_dim3A_25 : f32 to vector<16xf32>
    %swap3A_27 = arith.constant 96 : index
    %swap3A_28 = tpu.vector_load %arg9[%swap3A_27] {strides = array<i32>} : memref<256xf32, #tpu.memory_space<vmem>>, vector<16xf32>,
    tpu.vector_store %arg9[%swap3A_27], %broadcast_in_dim3A_26 {strides = array<i32>} : memref<256xf32, #tpu.memory_space<vmem>>, vector<16xf32>,
    %broadcast_in_dim3A_29 = arith.constant 3.000000e+38 : f32
    %broadcast_in_dim3A_30 = vector.broadcast %broadcast_in_dim3A_29 : f32 to vector<16xf32>
    %swap3A_31 = arith.constant 112 : index
    %swap3A_32 = tpu.vector_load %arg9[%swap3A_31] {strides = array<i32>} : memref<256xf32, #tpu.memory_space<vmem>>, vector<16xf32>,
    tpu.vector_store %arg9[%swap3A_31], %broadcast_in_dim3A_30 {strides = array<i32>} : memref<256xf32, #tpu.memory_space<vmem>>, vector<16xf32>,
    %broadcast_in_dim3A_33 = arith.constant 3.000000e+38 : f32
    %broadcast_in_dim3A_34 = vector.broadcast %broadcast_in_dim3A_33 : f32 to vector<16xf32>
    %swap3A_35 = arith.constant 128 : index
    %swap3A_36 = tpu.vector_load %arg9[%swap3A_35] {strides = array<i32>} : memref<256xf32, #tpu.memory_space<vmem>>, vector<16xf32>,
    tpu.vector_store %arg9[%swap3A_35], %broadcast_in_dim3A_34 {strides = array<i32>} : memref<256xf32, #tpu.memory_space<vmem>>, vector<16xf32>,
    %broadcast_in_dim3A_37 = arith.constant 3.000000e+38 : f32
    %broadcast_in_dim3A_38 = vector.broadcast %broadcast_in_dim3A_37 : f32 to vector<16xf32>
    %swap3A_39 = arith.constant 144 : index
    %swap3A_40 = tpu.vector_load %arg9[%swap3A_39] {strides = array<i32>} : memref<256xf32, #tpu.memory_space<vmem>>, vector<16xf32>,
    tpu.vector_store %arg9[%swap3A_39], %broadcast_in_dim3A_38 {strides = array<i32>} : memref<256xf32, #tpu.memory_space<vmem>>, vector<16xf32>,
    %broadcast_in_dim3A_41 = arith.constant 3.000000e+38 : f32
    %broadcast_in_dim3A_42 = vector.broadcast %broadcast_in_dim3A_41 : f32 to vector<16xf32>
    %swap3A_43 = arith.constant 160 : index
    %swap3A_44 = tpu.vector_load %arg9[%swap3A_43] {strides = array<i32>} : memref<256xf32, #tpu.memory_space<vmem>>, vector<16xf32>,
    tpu.vector_store %arg9[%swap3A_43], %broadcast_in_dim3A_42 {strides = array<i32>} : memref<256xf32, #tpu.memory_space<vmem>>, vector<16xf32>,
    %broadcast_in_dim3A_45 = arith.constant 3.000000e+38 : f32
    %broadcast_in_dim3A_46 = vector.broadcast %broadcast_in_dim3A_45 : f32 to vector<16xf32>
    %swap3A_47 = arith.constant 176 : index
    %swap3A_48 = tpu.vector_load %arg9[%swap3A_47] {strides = array<i32>} : memref<256xf32, #tpu.memory_space<vmem>>, vector<16xf32>,
    tpu.vector_store %arg9[%swap3A_47], %broadcast_in_dim3A_46 {strides = array<i32>} : memref<256xf32, #tpu.memory_space<vmem>>, vector<16xf32>,
    %broadcast_in_dim3A_49 = arith.constant 3.000000e+38 : f32
    %broadcast_in_dim3A_50 = vector.broadcast %broadcast_in_dim3A_49 : f32 to vector<16xf32>
    %swap3A_51 = arith.constant 192 : index
    %swap3A_52 = tpu.vector_load %arg9[%swap3A_51] {strides = array<i32>} : memref<256xf32, #tpu.memory_space<vmem>>, vector<16xf32>,
    tpu.vector_store %arg9[%swap3A_51], %broadcast_in_dim3A_50 {strides = array<i32>} : memref<256xf32, #tpu.memory_space<vmem>>, vector<16xf32>,
    %broadcast_in_dim3A_53 = arith.constant 3.000000e+38 : f32
    %broadcast_in_dim3A_54 = vector.broadcast %broadcast_in_dim3A_53 : f32 to vector<16xf32>
    %swap3A_55 = arith.constant 208 : index
    %swap3A_56 = tpu.vector_load %arg9[%swap3A_55] {strides = array<i32>} : memref<256xf32, #tpu.memory_space<vmem>>, vector<16xf32>,
    tpu.vector_store %arg9[%swap3A_55], %broadcast_in_dim3A_54 {strides = array<i32>} : memref<256xf32, #tpu.memory_space<vmem>>, vector<16xf32>,
    %broadcast_in_dim3A_57 = arith.constant 3.000000e+38 : f32
    %broadcast_in_dim3A_58 = vector.broadcast %broadcast_in_dim3A_57 : f32 to vector<16xf32>
    %swap3A_59 = arith.constant 224 : index
    %swap3A_60 = tpu.vector_load %arg9[%swap3A_59] {strides = array<i32>} : memref<256xf32, #tpu.memory_space<vmem>>, vector<16xf32>,
    tpu.vector_store %arg9[%swap3A_59], %broadcast_in_dim3A_58 {strides = array<i32>} : memref<256xf32, #tpu.memory_space<vmem>>, vector<16xf32>,
    %broadcast_in_dim3A_61 = arith.constant 3.000000e+38 : f32
    %broadcast_in_dim3A_62 = vector.broadcast %broadcast_in_dim3A_61 : f32 to vector<16xf32>
    %swap3A_63 = arith.constant 240 : index
    %swap3A_64 = tpu.vector_load %arg9[%swap3A_63] {strides = array<i32>} : memref<256xf32, #tpu.memory_space<vmem>>, vector<16xf32>,
    tpu.vector_store %arg9[%swap3A_63], %broadcast_in_dim3A_62 {strides = array<i32>} : memref<256xf32, #tpu.memory_space<vmem>>, vector<16xf32>,
    %iota3A = tpu.iota {dimensions = array<i32: 0>} : vector<16xi32>
    %mul3A_65 = arith.constant 16 : i32
    %mul3A_66 = vector.broadcast %mul3A_65 : i32 to vector<16xi32>
    %mul3A_67 = arith.muli %iota3A, %mul3A_66 : vector<16xi32>
    %scan3A = arith.constant 0 : i32
    %scan3A_68 = arith.constant 0 : i32
    %scan3A_69 = arith.constant 640 : i32
    %scan3A_70 = arith.addi %scan3A_68, %scan3A_69 : i32
    %scan3A_71 = arith.constant 1 : i32
    scf.for %scan3A_120 = %scan3A_68 to %scan3A_70 step %scan3A_71  : i32 {
      %mul3A_121 = arith.constant 16 : i32
      %mul3A_122 = arith.muli %scan3A_120, %mul3A_121 : i32
      %multiple_of3A_123 = tpu.assume_multiple %mul3A_122, 8 : i32
      %get3A_124 = arith.index_cast %multiple_of3A_123 : i32 to index
      %get3A_125 = tpu.vector_load %arg7[%get3A_124] {strides = array<i32>} : memref<10240xi32, #tpu.memory_space<vmem>>, vector<16xi32>,
      %gather3A = tpu.vector_load_idx %arg6[%get3A_125] : memref<10000xi32, #tpu.memory_space<vmem>>[vector<16xi32>], vector<16xi32>,
      %get3A_126 = arith.index_cast %multiple_of3A_123 : i32 to index
      %get3A_127 = tpu.vector_load %arg8[%get3A_126] {strides = array<i32>} : memref<10240xf32, #tpu.memory_space<vmem>>, vector<16xf32>,
      %add3A_128 = arith.addi %mul3A_67, %gather3A : vector<16xi32>
      %gather3A_129 = tpu.vector_load_idx %arg9[%add3A_128] : memref<256xf32, #tpu.memory_space<vmem>>[vector<16xi32>], vector<16xf32>,
      %min3A_130 = arith.minimumf %gather3A_129, %get3A_127 : vector<16xf32>
      tpu.vector_store_idx %arg9[%add3A_128], %min3A_130 : memref<256xf32, #tpu.memory_space<vmem>>[vector<16xi32>], vector<16xf32>,
    }
    %scan3A_72 = arith.constant 640 : i32
    %get3A = arith.constant 0 : index
    %get3A_73 = tpu.vector_load %arg9[%get3A] {strides = array<i32>} : memref<256xf32, #tpu.memory_space<vmem>>, vector<16xf32>,
    %get3A_74 = arith.constant 16 : index
    %get3A_75 = tpu.vector_load %arg9[%get3A_74] {strides = array<i32>} : memref<256xf32, #tpu.memory_space<vmem>>, vector<16xf32>,
    %min3A = arith.minimumf %get3A_73, %get3A_75 : vector<16xf32>
    %get3A_76 = arith.constant 32 : index
    %get3A_77 = tpu.vector_load %arg9[%get3A_76] {strides = array<i32>} : memref<256xf32, #tpu.memory_space<vmem>>, vector<16xf32>,
    %min3A_78 = arith.minimumf %min3A, %get3A_77 : vector<16xf32>
    %get3A_79 = arith.constant 48 : index
    %get3A_80 = tpu.vector_load %arg9[%get3A_79] {strides = array<i32>} : memref<256xf32, #tpu.memory_space<vmem>>, vector<16xf32>,
    %min3A_81 = arith.minimumf %min3A_78, %get3A_80 : vector<16xf32>
    %get3A_82 = arith.constant 64 : index
    %get3A_83 = tpu.vector_load %arg9[%get3A_82] {strides = array<i32>} : memref<256xf32, #tpu.memory_space<vmem>>, vector<16xf32>,
    %min3A_84 = arith.minimumf %min3A_81, %get3A_83 : vector<16xf32>
    %get3A_85 = arith.constant 80 : index
    %get3A_86 = tpu.vector_load %arg9[%get3A_85] {strides = array<i32>} : memref<256xf32, #tpu.memory_space<vmem>>, vector<16xf32>,
    %min3A_87 = arith.minimumf %min3A_84, %get3A_86 : vector<16xf32>
    %get3A_88 = arith.constant 96 : index
    %get3A_89 = tpu.vector_load %arg9[%get3A_88] {strides = array<i32>} : memref<256xf32, #tpu.memory_space<vmem>>, vector<16xf32>,
    %min3A_90 = arith.minimumf %min3A_87, %get3A_89 : vector<16xf32>
    %get3A_91 = arith.constant 112 : index
    %get3A_92 = tpu.vector_load %arg9[%get3A_91] {strides = array<i32>} : memref<256xf32, #tpu.memory_space<vmem>>, vector<16xf32>,
    %min3A_93 = arith.minimumf %min3A_90, %get3A_92 : vector<16xf32>
    %get3A_94 = arith.constant 128 : index
    %get3A_95 = tpu.vector_load %arg9[%get3A_94] {strides = array<i32>} : memref<256xf32, #tpu.memory_space<vmem>>, vector<16xf32>,
    %min3A_96 = arith.minimumf %min3A_93, %get3A_95 : vector<16xf32>
    %get3A_97 = arith.constant 144 : index
    %get3A_98 = tpu.vector_load %arg9[%get3A_97] {strides = array<i32>} : memref<256xf32, #tpu.memory_space<vmem>>, vector<16xf32>,
    %min3A_99 = arith.minimumf %min3A_96, %get3A_98 : vector<16xf32>
    %get3A_100 = arith.constant 160 : index
    %get3A_101 = tpu.vector_load %arg9[%get3A_100] {strides = array<i32>} : memref<256xf32, #tpu.memory_space<vmem>>, vector<16xf32>,
    %min3A_102 = arith.minimumf %min3A_99, %get3A_101 : vector<16xf32>
    %get3A_103 = arith.constant 176 : index
    %get3A_104 = tpu.vector_load %arg9[%get3A_103] {strides = array<i32>} : memref<256xf32, #tpu.memory_space<vmem>>, vector<16xf32>,
    %min3A_105 = arith.minimumf %min3A_102, %get3A_104 : vector<16xf32>
    %get3A_106 = arith.constant 192 : index
    %get3A_107 = tpu.vector_load %arg9[%get3A_106] {strides = array<i32>} : memref<256xf32, #tpu.memory_space<vmem>>, vector<16xf32>,
    %min3A_108 = arith.minimumf %min3A_105, %get3A_107 : vector<16xf32>
    %get3A_109 = arith.constant 208 : index
    %get3A_110 = tpu.vector_load %arg9[%get3A_109] {strides = array<i32>} : memref<256xf32, #tpu.memory_space<vmem>>, vector<16xf32>,
    %min3A_111 = arith.minimumf %min3A_108, %get3A_110 : vector<16xf32>
    %get3A_112 = arith.constant 224 : index
    %get3A_113 = tpu.vector_load %arg9[%get3A_112] {strides = array<i32>} : memref<256xf32, #tpu.memory_space<vmem>>, vector<16xf32>,
    %min3A_114 = arith.minimumf %min3A_111, %get3A_113 : vector<16xf32>
    %get3A_115 = arith.constant 240 : index
    %get3A_116 = tpu.vector_load %arg9[%get3A_115] {strides = array<i32>} : memref<256xf32, #tpu.memory_space<vmem>>, vector<16xf32>,
    %min3A_117 = arith.minimumf %min3A_114, %get3A_116 : vector<16xf32>
    %swap3A_118 = arith.constant 0 : index
    %swap3A_119 = tpu.vector_load %arg10[%swap3A_118] {strides = array<i32>} : memref<16xf32, #tpu.memory_space<vmem>>, vector<16xf32>,
    tpu.vector_store %arg10[%swap3A_118], %min3A_117 {strides = array<i32>} : memref<16xf32, #tpu.memory_space<vmem>>, vector<16xf32>,
    "tpu.region"() ({
      %run_scoped3A = tpu.sem_alloc : memref<!tpu.dma_semaphore, #tpu.memory_space<semaphore_mem>>
      %dma_start3A = arith.constant 0 : i32
      %dma_start3A_120 = tpu.memref_slice %arg5[%add3A, %dma_start3A] : memref<32x16xf32, #tpu.memory_space<hbm>> -> memref<1x16xf32, #tpu.memory_space<hbm>>
      %dma_start3A_121 = tpu.memref_squeeze %dma_start3A_120 : memref<1x16xf32, #tpu.memory_space<hbm>> -> memref<16xf32, #tpu.memory_space<hbm>>
      %dma_start3A_122 = arith.constant 0 : i32
      %dma_start3A_123 = tpu.memref_slice %arg5[%add3A, %dma_start3A_122] : memref<32x16xf32, #tpu.memory_space<hbm>> -> memref<1x16xf32, #tpu.memory_space<hbm>>
      %dma_start3A_124 = tpu.memref_squeeze %dma_start3A_123 : memref<1x16xf32, #tpu.memory_space<hbm>> -> memref<16xf32, #tpu.memory_space<hbm>>
      tpu.enqueue_dma source(%arg10 : memref<16xf32, #tpu.memory_space<vmem>>) target(%dma_start3A_124 : memref<16xf32, #tpu.memory_space<hbm>>) target_semaphore(%run_scoped3A : memref<!tpu.dma_semaphore, #tpu.memory_space<semaphore_mem>>)
      %dma_wait3A = arith.constant 0 : i32
      %dma_wait3A_125 = tpu.memref_slice %arg5[%add3A, %dma_wait3A] : memref<32x16xf32, #tpu.memory_space<hbm>> -> memref<1x16xf32, #tpu.memory_space<hbm>>
      %dma_wait3A_126 = tpu.memref_squeeze %dma_wait3A_125 : memref<1x16xf32, #tpu.memory_space<hbm>> -> memref<16xf32, #tpu.memory_space<hbm>>
      %dma_wait3A_127 = arith.constant 0 : i32
      %dma_wait3A_128 = tpu.memref_slice %arg5[%add3A, %dma_wait3A_127] : memref<32x16xf32, #tpu.memory_space<hbm>> -> memref<1x16xf32, #tpu.memory_space<hbm>>
      %dma_wait3A_129 = tpu.memref_squeeze %dma_wait3A_128 : memref<1x16xf32, #tpu.memory_space<hbm>> -> memref<16xf32, #tpu.memory_space<hbm>>
      tpu.wait_dma2 semaphore(%run_scoped3A : memref<!tpu.dma_semaphore, #tpu.memory_space<semaphore_mem>>) src(%arg10 : memref<16xf32, #tpu.memory_space<vmem>>) dst(%dma_wait3A_129 : memref<16xf32, #tpu.memory_space<hbm>>)
      tpu.yield
    }) : () -> ()
    return
  }
}

#map = affine_map<(d0, d1) -> (0)>
#map1 = affine_map<(d0, d1) -> (0, 0)>
#map2 = affine_map<(d0, d1) -> (0, 0, 0)>
module attributes {stable_mosaic.version = 14 : i64} {
  func.func @sc_edge(%arg0: i32, %arg1: i32, %arg2: memref<327680xi32, #tpu.memory_space<hbm>>, %arg3: memref<327680xi32, #tpu.memory_space<hbm>>, %arg4: memref<327680xf32, #tpu.memory_space<hbm>>, %arg5: memref<10000xi32, #tpu.memory_space<hbm>>, %arg6: memref<10000x128xf32, #tpu.memory_space<hbm>>, %arg7: memref<32x16xf32, #tpu.memory_space<hbm>>, %arg8: memref<2x10240x128xf32, #tpu.memory_space<hbm>>, %arg9: memref<10000xi32, #tpu.memory_space<vmem>>, %arg10: memref<2048xi32, #tpu.memory_space<vmem>>, %arg11: memref<2048xi32, #tpu.memory_space<vmem>>, %arg12: memref<2048xf32, #tpu.memory_space<vmem>>, %arg13: memref<32x16xf32, #tpu.memory_space<vmem>>, %arg14: memref<16xf32, #tpu.memory_space<vmem>>, %arg15: memref<32xf32, #tpu.memory_space<vmem>>, %arg16: memref<32xf32, #tpu.memory_space<vmem>>, %arg17: memref<32xf32, #tpu.memory_space<vmem>>, %arg18: memref<32xf32, #tpu.memory_space<vmem>>, %arg19: memref<32xi32, #tpu.memory_space<vmem>>, %arg20: memref<32xi32, #tpu.memory_space<vmem>>, %arg21: memref<32xi32, #tpu.memory_space<vmem>>, %arg22: memref<32xi32, #tpu.memory_space<vmem>>, %arg23: memref<32xi32, #tpu.memory_space<vmem>>, %arg24: memref<32xi32, #tpu.memory_space<vmem>>, %arg25: memref<32xi32, #tpu.memory_space<vmem>>, %arg26: memref<32xi32, #tpu.memory_space<vmem>>, %arg27: memref<32x128xf32, #tpu.memory_space<vmem>>, %arg28: memref<32x128xf32, #tpu.memory_space<vmem>>, %arg29: memref<32x128xf32, #tpu.memory_space<vmem>>, %arg30: memref<32x128xf32, #tpu.memory_space<vmem>>, %arg31: memref<32x128xf32, #tpu.memory_space<vmem>>, %arg32: memref<10240x128xf32, #tpu.memory_space<vmem_shared>>, %arg33: memref<!tpu.dma_semaphore, #tpu.memory_space<semaphore_mem>>, %arg34: memref<!tpu.dma_semaphore, #tpu.memory_space<semaphore_mem>>, %arg35: memref<!tpu.dma_semaphore, #tpu.memory_space<semaphore_mem>>, %arg36: memref<!tpu.dma_semaphore, #tpu.memory_space<semaphore_mem>>, %arg37: memref<!tpu.dma_semaphore, #tpu.memory_space<semaphore_mem>>, %arg38: memref<!tpu.dma_semaphore, #tpu.memory_space<semaphore_mem>>, %arg39: memref<!tpu.dma_semaphore, #tpu.memory_space<semaphore_mem>>, %arg40: memref<!tpu.dma_semaphore, #tpu.memory_space<semaphore_mem>>) attributes {dimension_semantics = [#tpu.dimension_semantics<core_parallel>, #tpu.dimension_semantics<subcore_parallel>], iteration_bounds = array<i64: 2, 16>, scalar_prefetch = 0 : i64, scratch_operands = 32 : i64, tpu.core_type = #tpu.core_type<sc_vector_subcore>, window_params = [{transform_indices = #map}, {transform_indices = #map}, {transform_indices = #map}, {transform_indices = #map}, {transform_indices = #map1}, {transform_indices = #map1}, {transform_indices = #map2}]} {
    %mul3A = arith.constant 2 : i32
    %mul3A_0 = arith.muli %arg1, %mul3A : i32
    %add3A = arith.addi %mul3A_0, %arg0 : i32
    %mul3A_1 = arith.constant 10240 : i32
    %mul3A_2 = arith.muli %add3A, %mul3A_1 : i32
    %multiple_of3A = tpu.assume_multiple %mul3A_2, 8 : i32
    %mul3A_3 = arith.constant 640 : i32
    %mul3A_4 = arith.muli %arg1, %mul3A_3 : i32
    %scan3A = arith.constant 0 : i32
    %scan3A_5 = arith.constant 0 : i32
    %scan3A_6 = arith.constant 32 : i32
    %scan3A_7 = arith.addi %scan3A_5, %scan3A_6 : i32
    %scan3A_8 = arith.constant 1 : i32
    scf.for %scan3A_266 = %scan3A_5 to %scan3A_7 step %scan3A_8  : i32 {
      %broadcast_in_dim3A = arith.constant 0.000000e+00 : f32
      %broadcast_in_dim3A_267 = vector.broadcast %broadcast_in_dim3A : f32 to vector<16xf32>
      %swap3A_268 = arith.index_cast %scan3A_266 : i32 to index
      %swap3A_269 = arith.constant 0 : index
      %swap3A_270 = tpu.vector_load %arg31[%swap3A_268, %swap3A_269] {strides = array<i32>} : memref<32x128xf32, #tpu.memory_space<vmem>>, vector<16xf32>,
      tpu.vector_store %arg31[%swap3A_268, %swap3A_269], %broadcast_in_dim3A_267 {strides = array<i32>} : memref<32x128xf32, #tpu.memory_space<vmem>>, vector<16xf32>,
      %broadcast_in_dim3A_271 = arith.constant 0.000000e+00 : f32
      %broadcast_in_dim3A_272 = vector.broadcast %broadcast_in_dim3A_271 : f32 to vector<16xf32>
      %swap3A_273 = arith.index_cast %scan3A_266 : i32 to index
      %swap3A_274 = arith.constant 16 : index
      %swap3A_275 = tpu.vector_load %arg31[%swap3A_273, %swap3A_274] {strides = array<i32>} : memref<32x128xf32, #tpu.memory_space<vmem>>, vector<16xf32>,
      tpu.vector_store %arg31[%swap3A_273, %swap3A_274], %broadcast_in_dim3A_272 {strides = array<i32>} : memref<32x128xf32, #tpu.memory_space<vmem>>, vector<16xf32>,
      %broadcast_in_dim3A_276 = arith.constant 0.000000e+00 : f32
      %broadcast_in_dim3A_277 = vector.broadcast %broadcast_in_dim3A_276 : f32 to vector<16xf32>
      %swap3A_278 = arith.index_cast %scan3A_266 : i32 to index
      %swap3A_279 = arith.constant 32 : index
      %swap3A_280 = tpu.vector_load %arg31[%swap3A_278, %swap3A_279] {strides = array<i32>} : memref<32x128xf32, #tpu.memory_space<vmem>>, vector<16xf32>,
      tpu.vector_store %arg31[%swap3A_278, %swap3A_279], %broadcast_in_dim3A_277 {strides = array<i32>} : memref<32x128xf32, #tpu.memory_space<vmem>>, vector<16xf32>,
      %broadcast_in_dim3A_281 = arith.constant 0.000000e+00 : f32
      %broadcast_in_dim3A_282 = vector.broadcast %broadcast_in_dim3A_281 : f32 to vector<16xf32>
      %swap3A_283 = arith.index_cast %scan3A_266 : i32 to index
      %swap3A_284 = arith.constant 48 : index
      %swap3A_285 = tpu.vector_load %arg31[%swap3A_283, %swap3A_284] {strides = array<i32>} : memref<32x128xf32, #tpu.memory_space<vmem>>, vector<16xf32>,
      tpu.vector_store %arg31[%swap3A_283, %swap3A_284], %broadcast_in_dim3A_282 {strides = array<i32>} : memref<32x128xf32, #tpu.memory_space<vmem>>, vector<16xf32>,
      %broadcast_in_dim3A_286 = arith.constant 0.000000e+00 : f32
      %broadcast_in_dim3A_287 = vector.broadcast %broadcast_in_dim3A_286 : f32 to vector<16xf32>
      %swap3A_288 = arith.index_cast %scan3A_266 : i32 to index
      %swap3A_289 = arith.constant 64 : index
      %swap3A_290 = tpu.vector_load %arg31[%swap3A_288, %swap3A_289] {strides = array<i32>} : memref<32x128xf32, #tpu.memory_space<vmem>>, vector<16xf32>,
      tpu.vector_store %arg31[%swap3A_288, %swap3A_289], %broadcast_in_dim3A_287 {strides = array<i32>} : memref<32x128xf32, #tpu.memory_space<vmem>>, vector<16xf32>,
      %broadcast_in_dim3A_291 = arith.constant 0.000000e+00 : f32
      %broadcast_in_dim3A_292 = vector.broadcast %broadcast_in_dim3A_291 : f32 to vector<16xf32>
      %swap3A_293 = arith.index_cast %scan3A_266 : i32 to index
      %swap3A_294 = arith.constant 80 : index
      %swap3A_295 = tpu.vector_load %arg31[%swap3A_293, %swap3A_294] {strides = array<i32>} : memref<32x128xf32, #tpu.memory_space<vmem>>, vector<16xf32>,
      tpu.vector_store %arg31[%swap3A_293, %swap3A_294], %broadcast_in_dim3A_292 {strides = array<i32>} : memref<32x128xf32, #tpu.memory_space<vmem>>, vector<16xf32>,
      %broadcast_in_dim3A_296 = arith.constant 0.000000e+00 : f32
      %broadcast_in_dim3A_297 = vector.broadcast %broadcast_in_dim3A_296 : f32 to vector<16xf32>
      %swap3A_298 = arith.index_cast %scan3A_266 : i32 to index
      %swap3A_299 = arith.constant 96 : index
      %swap3A_300 = tpu.vector_load %arg31[%swap3A_298, %swap3A_299] {strides = array<i32>} : memref<32x128xf32, #tpu.memory_space<vmem>>, vector<16xf32>,
      tpu.vector_store %arg31[%swap3A_298, %swap3A_299], %broadcast_in_dim3A_297 {strides = array<i32>} : memref<32x128xf32, #tpu.memory_space<vmem>>, vector<16xf32>,
      %broadcast_in_dim3A_301 = arith.constant 0.000000e+00 : f32
      %broadcast_in_dim3A_302 = vector.broadcast %broadcast_in_dim3A_301 : f32 to vector<16xf32>
      %swap3A_303 = arith.index_cast %scan3A_266 : i32 to index
      %swap3A_304 = arith.constant 112 : index
      %swap3A_305 = tpu.vector_load %arg31[%swap3A_303, %swap3A_304] {strides = array<i32>} : memref<32x128xf32, #tpu.memory_space<vmem>>, vector<16xf32>,
      tpu.vector_store %arg31[%swap3A_303, %swap3A_304], %broadcast_in_dim3A_302 {strides = array<i32>} : memref<32x128xf32, #tpu.memory_space<vmem>>, vector<16xf32>,
    }
    %scan3A_9 = arith.constant 32 : i32
    %add3A_10 = arith.constant 0 : i32
    %add3A_11 = arith.addi %mul3A_4, %add3A_10 : i32
    "tpu.region"() ({
      %run_scoped3A = tpu.sem_alloc : memref<!tpu.dma_semaphore, #tpu.memory_space<semaphore_mem>>
      %dma_start3A = arith.constant 0 : i32
      %dma_start3A_266 = tpu.memref_slice %arg32[%add3A_11, %dma_start3A] : memref<10240x128xf32, #tpu.memory_space<vmem_shared>> -> memref<32x128xf32, #tpu.memory_space<vmem_shared>>
      %dma_start3A_267 = arith.constant 0 : i32
      %dma_start3A_268 = tpu.memref_slice %arg32[%add3A_11, %dma_start3A_267] : memref<10240x128xf32, #tpu.memory_space<vmem_shared>> -> memref<32x128xf32, #tpu.memory_space<vmem_shared>>
      tpu.enqueue_dma source(%arg31 : memref<32x128xf32, #tpu.memory_space<vmem>>) target(%dma_start3A_268 : memref<32x128xf32, #tpu.memory_space<vmem_shared>>) target_semaphore(%run_scoped3A : memref<!tpu.dma_semaphore, #tpu.memory_space<semaphore_mem>>)
      %dma_wait3A_269 = arith.constant 0 : i32
      %dma_wait3A_270 = tpu.memref_slice %arg32[%add3A_11, %dma_wait3A_269] : memref<10240x128xf32, #tpu.memory_space<vmem_shared>> -> memref<32x128xf32, #tpu.memory_space<vmem_shared>>
      %dma_wait3A_271 = arith.constant 0 : i32
      %dma_wait3A_272 = tpu.memref_slice %arg32[%add3A_11, %dma_wait3A_271] : memref<10240x128xf32, #tpu.memory_space<vmem_shared>> -> memref<32x128xf32, #tpu.memory_space<vmem_shared>>
      tpu.wait_dma2 semaphore(%run_scoped3A : memref<!tpu.dma_semaphore, #tpu.memory_space<semaphore_mem>>) src(%arg31 : memref<32x128xf32, #tpu.memory_space<vmem>>) dst(%dma_wait3A_272 : memref<32x128xf32, #tpu.memory_space<vmem_shared>>)
      tpu.yield
    }) : () -> ()
    %add3A_12 = arith.constant 32 : i32
    %add3A_13 = arith.addi %mul3A_4, %add3A_12 : i32
    "tpu.region"() ({
      %run_scoped3A = tpu.sem_alloc : memref<!tpu.dma_semaphore, #tpu.memory_space<semaphore_mem>>
      %dma_start3A = arith.constant 0 : i32
      %dma_start3A_266 = tpu.memref_slice %arg32[%add3A_13, %dma_start3A] : memref<10240x128xf32, #tpu.memory_space<vmem_shared>> -> memref<32x128xf32, #tpu.memory_space<vmem_shared>>
      %dma_start3A_267 = arith.constant 0 : i32
      %dma_start3A_268 = tpu.memref_slice %arg32[%add3A_13, %dma_start3A_267] : memref<10240x128xf32, #tpu.memory_space<vmem_shared>> -> memref<32x128xf32, #tpu.memory_space<vmem_shared>>
      tpu.enqueue_dma source(%arg31 : memref<32x128xf32, #tpu.memory_space<vmem>>) target(%dma_start3A_268 : memref<32x128xf32, #tpu.memory_space<vmem_shared>>) target_semaphore(%run_scoped3A : memref<!tpu.dma_semaphore, #tpu.memory_space<semaphore_mem>>)
      %dma_wait3A_269 = arith.constant 0 : i32
      %dma_wait3A_270 = tpu.memref_slice %arg32[%add3A_13, %dma_wait3A_269] : memref<10240x128xf32, #tpu.memory_space<vmem_shared>> -> memref<32x128xf32, #tpu.memory_space<vmem_shared>>
      %dma_wait3A_271 = arith.constant 0 : i32
      %dma_wait3A_272 = tpu.memref_slice %arg32[%add3A_13, %dma_wait3A_271] : memref<10240x128xf32, #tpu.memory_space<vmem_shared>> -> memref<32x128xf32, #tpu.memory_space<vmem_shared>>
      tpu.wait_dma2 semaphore(%run_scoped3A : memref<!tpu.dma_semaphore, #tpu.memory_space<semaphore_mem>>) src(%arg31 : memref<32x128xf32, #tpu.memory_space<vmem>>) dst(%dma_wait3A_272 : memref<32x128xf32, #tpu.memory_space<vmem_shared>>)
      tpu.yield
    }) : () -> ()
    %add3A_14 = arith.constant 64 : i32
    %add3A_15 = arith.addi %mul3A_4, %add3A_14 : i32
    "tpu.region"() ({
      %run_scoped3A = tpu.sem_alloc : memref<!tpu.dma_semaphore, #tpu.memory_space<semaphore_mem>>
      %dma_start3A = arith.constant 0 : i32
      %dma_start3A_266 = tpu.memref_slice %arg32[%add3A_15, %dma_start3A] : memref<10240x128xf32, #tpu.memory_space<vmem_shared>> -> memref<32x128xf32, #tpu.memory_space<vmem_shared>>
      %dma_start3A_267 = arith.constant 0 : i32
      %dma_start3A_268 = tpu.memref_slice %arg32[%add3A_15, %dma_start3A_267] : memref<10240x128xf32, #tpu.memory_space<vmem_shared>> -> memref<32x128xf32, #tpu.memory_space<vmem_shared>>
      tpu.enqueue_dma source(%arg31 : memref<32x128xf32, #tpu.memory_space<vmem>>) target(%dma_start3A_268 : memref<32x128xf32, #tpu.memory_space<vmem_shared>>) target_semaphore(%run_scoped3A : memref<!tpu.dma_semaphore, #tpu.memory_space<semaphore_mem>>)
      %dma_wait3A_269 = arith.constant 0 : i32
      %dma_wait3A_270 = tpu.memref_slice %arg32[%add3A_15, %dma_wait3A_269] : memref<10240x128xf32, #tpu.memory_space<vmem_shared>> -> memref<32x128xf32, #tpu.memory_space<vmem_shared>>
      %dma_wait3A_271 = arith.constant 0 : i32
      %dma_wait3A_272 = tpu.memref_slice %arg32[%add3A_15, %dma_wait3A_271] : memref<10240x128xf32, #tpu.memory_space<vmem_shared>> -> memref<32x128xf32, #tpu.memory_space<vmem_shared>>
      tpu.wait_dma2 semaphore(%run_scoped3A : memref<!tpu.dma_semaphore, #tpu.memory_space<semaphore_mem>>) src(%arg31 : memref<32x128xf32, #tpu.memory_space<vmem>>) dst(%dma_wait3A_272 : memref<32x128xf32, #tpu.memory_space<vmem_shared>>)
      tpu.yield
    }) : () -> ()
    %add3A_16 = arith.constant 96 : i32
    %add3A_17 = arith.addi %mul3A_4, %add3A_16 : i32
    "tpu.region"() ({
      %run_scoped3A = tpu.sem_alloc : memref<!tpu.dma_semaphore, #tpu.memory_space<semaphore_mem>>
      %dma_start3A = arith.constant 0 : i32
      %dma_start3A_266 = tpu.memref_slice %arg32[%add3A_17, %dma_start3A] : memref<10240x128xf32, #tpu.memory_space<vmem_shared>> -> memref<32x128xf32, #tpu.memory_space<vmem_shared>>
      %dma_start3A_267 = arith.constant 0 : i32
      %dma_start3A_268 = tpu.memref_slice %arg32[%add3A_17, %dma_start3A_267] : memref<10240x128xf32, #tpu.memory_space<vmem_shared>> -> memref<32x128xf32, #tpu.memory_space<vmem_shared>>
      tpu.enqueue_dma source(%arg31 : memref<32x128xf32, #tpu.memory_space<vmem>>) target(%dma_start3A_268 : memref<32x128xf32, #tpu.memory_space<vmem_shared>>) target_semaphore(%run_scoped3A : memref<!tpu.dma_semaphore, #tpu.memory_space<semaphore_mem>>)
      %dma_wait3A_269 = arith.constant 0 : i32
      %dma_wait3A_270 = tpu.memref_slice %arg32[%add3A_17, %dma_wait3A_269] : memref<10240x128xf32, #tpu.memory_space<vmem_shared>> -> memref<32x128xf32, #tpu.memory_space<vmem_shared>>
      %dma_wait3A_271 = arith.constant 0 : i32
      %dma_wait3A_272 = tpu.memref_slice %arg32[%add3A_17, %dma_wait3A_271] : memref<10240x128xf32, #tpu.memory_space<vmem_shared>> -> memref<32x128xf32, #tpu.memory_space<vmem_shared>>
      tpu.wait_dma2 semaphore(%run_scoped3A : memref<!tpu.dma_semaphore, #tpu.memory_space<semaphore_mem>>) src(%arg31 : memref<32x128xf32, #tpu.memory_space<vmem>>) dst(%dma_wait3A_272 : memref<32x128xf32, #tpu.memory_space<vmem_shared>>)
      tpu.yield
    }) : () -> ()
    %add3A_18 = arith.constant 128 : i32
    %add3A_19 = arith.addi %mul3A_4, %add3A_18 : i32
    "tpu.region"() ({
      %run_scoped3A = tpu.sem_alloc : memref<!tpu.dma_semaphore, #tpu.memory_space<semaphore_mem>>
      %dma_start3A = arith.constant 0 : i32
      %dma_start3A_266 = tpu.memref_slice %arg32[%add3A_19, %dma_start3A] : memref<10240x128xf32, #tpu.memory_space<vmem_shared>> -> memref<32x128xf32, #tpu.memory_space<vmem_shared>>
      %dma_start3A_267 = arith.constant 0 : i32
      %dma_start3A_268 = tpu.memref_slice %arg32[%add3A_19, %dma_start3A_267] : memref<10240x128xf32, #tpu.memory_space<vmem_shared>> -> memref<32x128xf32, #tpu.memory_space<vmem_shared>>
      tpu.enqueue_dma source(%arg31 : memref<32x128xf32, #tpu.memory_space<vmem>>) target(%dma_start3A_268 : memref<32x128xf32, #tpu.memory_space<vmem_shared>>) target_semaphore(%run_scoped3A : memref<!tpu.dma_semaphore, #tpu.memory_space<semaphore_mem>>)
      %dma_wait3A_269 = arith.constant 0 : i32
      %dma_wait3A_270 = tpu.memref_slice %arg32[%add3A_19, %dma_wait3A_269] : memref<10240x128xf32, #tpu.memory_space<vmem_shared>> -> memref<32x128xf32, #tpu.memory_space<vmem_shared>>
      %dma_wait3A_271 = arith.constant 0 : i32
      %dma_wait3A_272 = tpu.memref_slice %arg32[%add3A_19, %dma_wait3A_271] : memref<10240x128xf32, #tpu.memory_space<vmem_shared>> -> memref<32x128xf32, #tpu.memory_space<vmem_shared>>
      tpu.wait_dma2 semaphore(%run_scoped3A : memref<!tpu.dma_semaphore, #tpu.memory_space<semaphore_mem>>) src(%arg31 : memref<32x128xf32, #tpu.memory_space<vmem>>) dst(%dma_wait3A_272 : memref<32x128xf32, #tpu.memory_space<vmem_shared>>)
      tpu.yield
    }) : () -> ()
    %add3A_20 = arith.constant 160 : i32
    %add3A_21 = arith.addi %mul3A_4, %add3A_20 : i32
    "tpu.region"() ({
      %run_scoped3A = tpu.sem_alloc : memref<!tpu.dma_semaphore, #tpu.memory_space<semaphore_mem>>
      %dma_start3A = arith.constant 0 : i32
      %dma_start3A_266 = tpu.memref_slice %arg32[%add3A_21, %dma_start3A] : memref<10240x128xf32, #tpu.memory_space<vmem_shared>> -> memref<32x128xf32, #tpu.memory_space<vmem_shared>>
      %dma_start3A_267 = arith.constant 0 : i32
      %dma_start3A_268 = tpu.memref_slice %arg32[%add3A_21, %dma_start3A_267] : memref<10240x128xf32, #tpu.memory_space<vmem_shared>> -> memref<32x128xf32, #tpu.memory_space<vmem_shared>>
      tpu.enqueue_dma source(%arg31 : memref<32x128xf32, #tpu.memory_space<vmem>>) target(%dma_start3A_268 : memref<32x128xf32, #tpu.memory_space<vmem_shared>>) target_semaphore(%run_scoped3A : memref<!tpu.dma_semaphore, #tpu.memory_space<semaphore_mem>>)
      %dma_wait3A_269 = arith.constant 0 : i32
      %dma_wait3A_270 = tpu.memref_slice %arg32[%add3A_21, %dma_wait3A_269] : memref<10240x128xf32, #tpu.memory_space<vmem_shared>> -> memref<32x128xf32, #tpu.memory_space<vmem_shared>>
      %dma_wait3A_271 = arith.constant 0 : i32
      %dma_wait3A_272 = tpu.memref_slice %arg32[%add3A_21, %dma_wait3A_271] : memref<10240x128xf32, #tpu.memory_space<vmem_shared>> -> memref<32x128xf32, #tpu.memory_space<vmem_shared>>
      tpu.wait_dma2 semaphore(%run_scoped3A : memref<!tpu.dma_semaphore, #tpu.memory_space<semaphore_mem>>) src(%arg31 : memref<32x128xf32, #tpu.memory_space<vmem>>) dst(%dma_wait3A_272 : memref<32x128xf32, #tpu.memory_space<vmem_shared>>)
      tpu.yield
    }) : () -> ()
    %add3A_22 = arith.constant 192 : i32
    %add3A_23 = arith.addi %mul3A_4, %add3A_22 : i32
    "tpu.region"() ({
      %run_scoped3A = tpu.sem_alloc : memref<!tpu.dma_semaphore, #tpu.memory_space<semaphore_mem>>
      %dma_start3A = arith.constant 0 : i32
      %dma_start3A_266 = tpu.memref_slice %arg32[%add3A_23, %dma_start3A] : memref<10240x128xf32, #tpu.memory_space<vmem_shared>> -> memref<32x128xf32, #tpu.memory_space<vmem_shared>>
      %dma_start3A_267 = arith.constant 0 : i32
      %dma_start3A_268 = tpu.memref_slice %arg32[%add3A_23, %dma_start3A_267] : memref<10240x128xf32, #tpu.memory_space<vmem_shared>> -> memref<32x128xf32, #tpu.memory_space<vmem_shared>>
      tpu.enqueue_dma source(%arg31 : memref<32x128xf32, #tpu.memory_space<vmem>>) target(%dma_start3A_268 : memref<32x128xf32, #tpu.memory_space<vmem_shared>>) target_semaphore(%run_scoped3A : memref<!tpu.dma_semaphore, #tpu.memory_space<semaphore_mem>>)
      %dma_wait3A_269 = arith.constant 0 : i32
      %dma_wait3A_270 = tpu.memref_slice %arg32[%add3A_23, %dma_wait3A_269] : memref<10240x128xf32, #tpu.memory_space<vmem_shared>> -> memref<32x128xf32, #tpu.memory_space<vmem_shared>>
      %dma_wait3A_271 = arith.constant 0 : i32
      %dma_wait3A_272 = tpu.memref_slice %arg32[%add3A_23, %dma_wait3A_271] : memref<10240x128xf32, #tpu.memory_space<vmem_shared>> -> memref<32x128xf32, #tpu.memory_space<vmem_shared>>
      tpu.wait_dma2 semaphore(%run_scoped3A : memref<!tpu.dma_semaphore, #tpu.memory_space<semaphore_mem>>) src(%arg31 : memref<32x128xf32, #tpu.memory_space<vmem>>) dst(%dma_wait3A_272 : memref<32x128xf32, #tpu.memory_space<vmem_shared>>)
      tpu.yield
    }) : () -> ()
    %add3A_24 = arith.constant 224 : i32
    %add3A_25 = arith.addi %mul3A_4, %add3A_24 : i32
    "tpu.region"() ({
      %run_scoped3A = tpu.sem_alloc : memref<!tpu.dma_semaphore, #tpu.memory_space<semaphore_mem>>
      %dma_start3A = arith.constant 0 : i32
      %dma_start3A_266 = tpu.memref_slice %arg32[%add3A_25, %dma_start3A] : memref<10240x128xf32, #tpu.memory_space<vmem_shared>> -> memref<32x128xf32, #tpu.memory_space<vmem_shared>>
      %dma_start3A_267 = arith.constant 0 : i32
      %dma_start3A_268 = tpu.memref_slice %arg32[%add3A_25, %dma_start3A_267] : memref<10240x128xf32, #tpu.memory_space<vmem_shared>> -> memref<32x128xf32, #tpu.memory_space<vmem_shared>>
      tpu.enqueue_dma source(%arg31 : memref<32x128xf32, #tpu.memory_space<vmem>>) target(%dma_start3A_268 : memref<32x128xf32, #tpu.memory_space<vmem_shared>>) target_semaphore(%run_scoped3A : memref<!tpu.dma_semaphore, #tpu.memory_space<semaphore_mem>>)
      %dma_wait3A_269 = arith.constant 0 : i32
      %dma_wait3A_270 = tpu.memref_slice %arg32[%add3A_25, %dma_wait3A_269] : memref<10240x128xf32, #tpu.memory_space<vmem_shared>> -> memref<32x128xf32, #tpu.memory_space<vmem_shared>>
      %dma_wait3A_271 = arith.constant 0 : i32
      %dma_wait3A_272 = tpu.memref_slice %arg32[%add3A_25, %dma_wait3A_271] : memref<10240x128xf32, #tpu.memory_space<vmem_shared>> -> memref<32x128xf32, #tpu.memory_space<vmem_shared>>
      tpu.wait_dma2 semaphore(%run_scoped3A : memref<!tpu.dma_semaphore, #tpu.memory_space<semaphore_mem>>) src(%arg31 : memref<32x128xf32, #tpu.memory_space<vmem>>) dst(%dma_wait3A_272 : memref<32x128xf32, #tpu.memory_space<vmem_shared>>)
      tpu.yield
    }) : () -> ()
    %add3A_26 = arith.constant 256 : i32
    %add3A_27 = arith.addi %mul3A_4, %add3A_26 : i32
    "tpu.region"() ({
      %run_scoped3A = tpu.sem_alloc : memref<!tpu.dma_semaphore, #tpu.memory_space<semaphore_mem>>
      %dma_start3A = arith.constant 0 : i32
      %dma_start3A_266 = tpu.memref_slice %arg32[%add3A_27, %dma_start3A] : memref<10240x128xf32, #tpu.memory_space<vmem_shared>> -> memref<32x128xf32, #tpu.memory_space<vmem_shared>>
      %dma_start3A_267 = arith.constant 0 : i32
      %dma_start3A_268 = tpu.memref_slice %arg32[%add3A_27, %dma_start3A_267] : memref<10240x128xf32, #tpu.memory_space<vmem_shared>> -> memref<32x128xf32, #tpu.memory_space<vmem_shared>>
      tpu.enqueue_dma source(%arg31 : memref<32x128xf32, #tpu.memory_space<vmem>>) target(%dma_start3A_268 : memref<32x128xf32, #tpu.memory_space<vmem_shared>>) target_semaphore(%run_scoped3A : memref<!tpu.dma_semaphore, #tpu.memory_space<semaphore_mem>>)
      %dma_wait3A_269 = arith.constant 0 : i32
      %dma_wait3A_270 = tpu.memref_slice %arg32[%add3A_27, %dma_wait3A_269] : memref<10240x128xf32, #tpu.memory_space<vmem_shared>> -> memref<32x128xf32, #tpu.memory_space<vmem_shared>>
      %dma_wait3A_271 = arith.constant 0 : i32
      %dma_wait3A_272 = tpu.memref_slice %arg32[%add3A_27, %dma_wait3A_271] : memref<10240x128xf32, #tpu.memory_space<vmem_shared>> -> memref<32x128xf32, #tpu.memory_space<vmem_shared>>
      tpu.wait_dma2 semaphore(%run_scoped3A : memref<!tpu.dma_semaphore, #tpu.memory_space<semaphore_mem>>) src(%arg31 : memref<32x128xf32, #tpu.memory_space<vmem>>) dst(%dma_wait3A_272 : memref<32x128xf32, #tpu.memory_space<vmem_shared>>)
      tpu.yield
    }) : () -> ()
    %add3A_28 = arith.constant 288 : i32
    %add3A_29 = arith.addi %mul3A_4, %add3A_28 : i32
    "tpu.region"() ({
      %run_scoped3A = tpu.sem_alloc : memref<!tpu.dma_semaphore, #tpu.memory_space<semaphore_mem>>
      %dma_start3A = arith.constant 0 : i32
      %dma_start3A_266 = tpu.memref_slice %arg32[%add3A_29, %dma_start3A] : memref<10240x128xf32, #tpu.memory_space<vmem_shared>> -> memref<32x128xf32, #tpu.memory_space<vmem_shared>>
      %dma_start3A_267 = arith.constant 0 : i32
      %dma_start3A_268 = tpu.memref_slice %arg32[%add3A_29, %dma_start3A_267] : memref<10240x128xf32, #tpu.memory_space<vmem_shared>> -> memref<32x128xf32, #tpu.memory_space<vmem_shared>>
      tpu.enqueue_dma source(%arg31 : memref<32x128xf32, #tpu.memory_space<vmem>>) target(%dma_start3A_268 : memref<32x128xf32, #tpu.memory_space<vmem_shared>>) target_semaphore(%run_scoped3A : memref<!tpu.dma_semaphore, #tpu.memory_space<semaphore_mem>>)
      %dma_wait3A_269 = arith.constant 0 : i32
      %dma_wait3A_270 = tpu.memref_slice %arg32[%add3A_29, %dma_wait3A_269] : memref<10240x128xf32, #tpu.memory_space<vmem_shared>> -> memref<32x128xf32, #tpu.memory_space<vmem_shared>>
      %dma_wait3A_271 = arith.constant 0 : i32
      %dma_wait3A_272 = tpu.memref_slice %arg32[%add3A_29, %dma_wait3A_271] : memref<10240x128xf32, #tpu.memory_space<vmem_shared>> -> memref<32x128xf32, #tpu.memory_space<vmem_shared>>
      tpu.wait_dma2 semaphore(%run_scoped3A : memref<!tpu.dma_semaphore, #tpu.memory_space<semaphore_mem>>) src(%arg31 : memref<32x128xf32, #tpu.memory_space<vmem>>) dst(%dma_wait3A_272 : memref<32x128xf32, #tpu.memory_space<vmem_shared>>)
      tpu.yield
    }) : () -> ()
    %add3A_30 = arith.constant 320 : i32
    %add3A_31 = arith.addi %mul3A_4, %add3A_30 : i32
    "tpu.region"() ({
      %run_scoped3A = tpu.sem_alloc : memref<!tpu.dma_semaphore, #tpu.memory_space<semaphore_mem>>
      %dma_start3A = arith.constant 0 : i32
      %dma_start3A_266 = tpu.memref_slice %arg32[%add3A_31, %dma_start3A] : memref<10240x128xf32, #tpu.memory_space<vmem_shared>> -> memref<32x128xf32, #tpu.memory_space<vmem_shared>>
      %dma_start3A_267 = arith.constant 0 : i32
      %dma_start3A_268 = tpu.memref_slice %arg32[%add3A_31, %dma_start3A_267] : memref<10240x128xf32, #tpu.memory_space<vmem_shared>> -> memref<32x128xf32, #tpu.memory_space<vmem_shared>>
      tpu.enqueue_dma source(%arg31 : memref<32x128xf32, #tpu.memory_space<vmem>>) target(%dma_start3A_268 : memref<32x128xf32, #tpu.memory_space<vmem_shared>>) target_semaphore(%run_scoped3A : memref<!tpu.dma_semaphore, #tpu.memory_space<semaphore_mem>>)
      %dma_wait3A_269 = arith.constant 0 : i32
      %dma_wait3A_270 = tpu.memref_slice %arg32[%add3A_31, %dma_wait3A_269] : memref<10240x128xf32, #tpu.memory_space<vmem_shared>> -> memref<32x128xf32, #tpu.memory_space<vmem_shared>>
      %dma_wait3A_271 = arith.constant 0 : i32
      %dma_wait3A_272 = tpu.memref_slice %arg32[%add3A_31, %dma_wait3A_271] : memref<10240x128xf32, #tpu.memory_space<vmem_shared>> -> memref<32x128xf32, #tpu.memory_space<vmem_shared>>
      tpu.wait_dma2 semaphore(%run_scoped3A : memref<!tpu.dma_semaphore, #tpu.memory_space<semaphore_mem>>) src(%arg31 : memref<32x128xf32, #tpu.memory_space<vmem>>) dst(%dma_wait3A_272 : memref<32x128xf32, #tpu.memory_space<vmem_shared>>)
      tpu.yield
    }) : () -> ()
    %add3A_32 = arith.constant 352 : i32
    %add3A_33 = arith.addi %mul3A_4, %add3A_32 : i32
    "tpu.region"() ({
      %run_scoped3A = tpu.sem_alloc : memref<!tpu.dma_semaphore, #tpu.memory_space<semaphore_mem>>
      %dma_start3A = arith.constant 0 : i32
      %dma_start3A_266 = tpu.memref_slice %arg32[%add3A_33, %dma_start3A] : memref<10240x128xf32, #tpu.memory_space<vmem_shared>> -> memref<32x128xf32, #tpu.memory_space<vmem_shared>>
      %dma_start3A_267 = arith.constant 0 : i32
      %dma_start3A_268 = tpu.memref_slice %arg32[%add3A_33, %dma_start3A_267] : memref<10240x128xf32, #tpu.memory_space<vmem_shared>> -> memref<32x128xf32, #tpu.memory_space<vmem_shared>>
      tpu.enqueue_dma source(%arg31 : memref<32x128xf32, #tpu.memory_space<vmem>>) target(%dma_start3A_268 : memref<32x128xf32, #tpu.memory_space<vmem_shared>>) target_semaphore(%run_scoped3A : memref<!tpu.dma_semaphore, #tpu.memory_space<semaphore_mem>>)
      %dma_wait3A_269 = arith.constant 0 : i32
      %dma_wait3A_270 = tpu.memref_slice %arg32[%add3A_33, %dma_wait3A_269] : memref<10240x128xf32, #tpu.memory_space<vmem_shared>> -> memref<32x128xf32, #tpu.memory_space<vmem_shared>>
      %dma_wait3A_271 = arith.constant 0 : i32
      %dma_wait3A_272 = tpu.memref_slice %arg32[%add3A_33, %dma_wait3A_271] : memref<10240x128xf32, #tpu.memory_space<vmem_shared>> -> memref<32x128xf32, #tpu.memory_space<vmem_shared>>
      tpu.wait_dma2 semaphore(%run_scoped3A : memref<!tpu.dma_semaphore, #tpu.memory_space<semaphore_mem>>) src(%arg31 : memref<32x128xf32, #tpu.memory_space<vmem>>) dst(%dma_wait3A_272 : memref<32x128xf32, #tpu.memory_space<vmem_shared>>)
      tpu.yield
    }) : () -> ()
    %add3A_34 = arith.constant 384 : i32
    %add3A_35 = arith.addi %mul3A_4, %add3A_34 : i32
    "tpu.region"() ({
      %run_scoped3A = tpu.sem_alloc : memref<!tpu.dma_semaphore, #tpu.memory_space<semaphore_mem>>
      %dma_start3A = arith.constant 0 : i32
      %dma_start3A_266 = tpu.memref_slice %arg32[%add3A_35, %dma_start3A] : memref<10240x128xf32, #tpu.memory_space<vmem_shared>> -> memref<32x128xf32, #tpu.memory_space<vmem_shared>>
      %dma_start3A_267 = arith.constant 0 : i32
      %dma_start3A_268 = tpu.memref_slice %arg32[%add3A_35, %dma_start3A_267] : memref<10240x128xf32, #tpu.memory_space<vmem_shared>> -> memref<32x128xf32, #tpu.memory_space<vmem_shared>>
      tpu.enqueue_dma source(%arg31 : memref<32x128xf32, #tpu.memory_space<vmem>>) target(%dma_start3A_268 : memref<32x128xf32, #tpu.memory_space<vmem_shared>>) target_semaphore(%run_scoped3A : memref<!tpu.dma_semaphore, #tpu.memory_space<semaphore_mem>>)
      %dma_wait3A_269 = arith.constant 0 : i32
      %dma_wait3A_270 = tpu.memref_slice %arg32[%add3A_35, %dma_wait3A_269] : memref<10240x128xf32, #tpu.memory_space<vmem_shared>> -> memref<32x128xf32, #tpu.memory_space<vmem_shared>>
      %dma_wait3A_271 = arith.constant 0 : i32
      %dma_wait3A_272 = tpu.memref_slice %arg32[%add3A_35, %dma_wait3A_271] : memref<10240x128xf32, #tpu.memory_space<vmem_shared>> -> memref<32x128xf32, #tpu.memory_space<vmem_shared>>
      tpu.wait_dma2 semaphore(%run_scoped3A : memref<!tpu.dma_semaphore, #tpu.memory_space<semaphore_mem>>) src(%arg31 : memref<32x128xf32, #tpu.memory_space<vmem>>) dst(%dma_wait3A_272 : memref<32x128xf32, #tpu.memory_space<vmem_shared>>)
      tpu.yield
    }) : () -> ()
    %add3A_36 = arith.constant 416 : i32
    %add3A_37 = arith.addi %mul3A_4, %add3A_36 : i32
    "tpu.region"() ({
      %run_scoped3A = tpu.sem_alloc : memref<!tpu.dma_semaphore, #tpu.memory_space<semaphore_mem>>
      %dma_start3A = arith.constant 0 : i32
      %dma_start3A_266 = tpu.memref_slice %arg32[%add3A_37, %dma_start3A] : memref<10240x128xf32, #tpu.memory_space<vmem_shared>> -> memref<32x128xf32, #tpu.memory_space<vmem_shared>>
      %dma_start3A_267 = arith.constant 0 : i32
      %dma_start3A_268 = tpu.memref_slice %arg32[%add3A_37, %dma_start3A_267] : memref<10240x128xf32, #tpu.memory_space<vmem_shared>> -> memref<32x128xf32, #tpu.memory_space<vmem_shared>>
      tpu.enqueue_dma source(%arg31 : memref<32x128xf32, #tpu.memory_space<vmem>>) target(%dma_start3A_268 : memref<32x128xf32, #tpu.memory_space<vmem_shared>>) target_semaphore(%run_scoped3A : memref<!tpu.dma_semaphore, #tpu.memory_space<semaphore_mem>>)
      %dma_wait3A_269 = arith.constant 0 : i32
      %dma_wait3A_270 = tpu.memref_slice %arg32[%add3A_37, %dma_wait3A_269] : memref<10240x128xf32, #tpu.memory_space<vmem_shared>> -> memref<32x128xf32, #tpu.memory_space<vmem_shared>>
      %dma_wait3A_271 = arith.constant 0 : i32
      %dma_wait3A_272 = tpu.memref_slice %arg32[%add3A_37, %dma_wait3A_271] : memref<10240x128xf32, #tpu.memory_space<vmem_shared>> -> memref<32x128xf32, #tpu.memory_space<vmem_shared>>
      tpu.wait_dma2 semaphore(%run_scoped3A : memref<!tpu.dma_semaphore, #tpu.memory_space<semaphore_mem>>) src(%arg31 : memref<32x128xf32, #tpu.memory_space<vmem>>) dst(%dma_wait3A_272 : memref<32x128xf32, #tpu.memory_space<vmem_shared>>)
      tpu.yield
    }) : () -> ()
    %add3A_38 = arith.constant 448 : i32
    %add3A_39 = arith.addi %mul3A_4, %add3A_38 : i32
    "tpu.region"() ({
      %run_scoped3A = tpu.sem_alloc : memref<!tpu.dma_semaphore, #tpu.memory_space<semaphore_mem>>
      %dma_start3A = arith.constant 0 : i32
      %dma_start3A_266 = tpu.memref_slice %arg32[%add3A_39, %dma_start3A] : memref<10240x128xf32, #tpu.memory_space<vmem_shared>> -> memref<32x128xf32, #tpu.memory_space<vmem_shared>>
      %dma_start3A_267 = arith.constant 0 : i32
      %dma_start3A_268 = tpu.memref_slice %arg32[%add3A_39, %dma_start3A_267] : memref<10240x128xf32, #tpu.memory_space<vmem_shared>> -> memref<32x128xf32, #tpu.memory_space<vmem_shared>>
      tpu.enqueue_dma source(%arg31 : memref<32x128xf32, #tpu.memory_space<vmem>>) target(%dma_start3A_268 : memref<32x128xf32, #tpu.memory_space<vmem_shared>>) target_semaphore(%run_scoped3A : memref<!tpu.dma_semaphore, #tpu.memory_space<semaphore_mem>>)
      %dma_wait3A_269 = arith.constant 0 : i32
      %dma_wait3A_270 = tpu.memref_slice %arg32[%add3A_39, %dma_wait3A_269] : memref<10240x128xf32, #tpu.memory_space<vmem_shared>> -> memref<32x128xf32, #tpu.memory_space<vmem_shared>>
      %dma_wait3A_271 = arith.constant 0 : i32
      %dma_wait3A_272 = tpu.memref_slice %arg32[%add3A_39, %dma_wait3A_271] : memref<10240x128xf32, #tpu.memory_space<vmem_shared>> -> memref<32x128xf32, #tpu.memory_space<vmem_shared>>
      tpu.wait_dma2 semaphore(%run_scoped3A : memref<!tpu.dma_semaphore, #tpu.memory_space<semaphore_mem>>) src(%arg31 : memref<32x128xf32, #tpu.memory_space<vmem>>) dst(%dma_wait3A_272 : memref<32x128xf32, #tpu.memory_space<vmem_shared>>)
      tpu.yield
    }) : () -> ()
    %add3A_40 = arith.constant 480 : i32
    %add3A_41 = arith.addi %mul3A_4, %add3A_40 : i32
    "tpu.region"() ({
      %run_scoped3A = tpu.sem_alloc : memref<!tpu.dma_semaphore, #tpu.memory_space<semaphore_mem>>
      %dma_start3A = arith.constant 0 : i32
      %dma_start3A_266 = tpu.memref_slice %arg32[%add3A_41, %dma_start3A] : memref<10240x128xf32, #tpu.memory_space<vmem_shared>> -> memref<32x128xf32, #tpu.memory_space<vmem_shared>>
      %dma_start3A_267 = arith.constant 0 : i32
      %dma_start3A_268 = tpu.memref_slice %arg32[%add3A_41, %dma_start3A_267] : memref<10240x128xf32, #tpu.memory_space<vmem_shared>> -> memref<32x128xf32, #tpu.memory_space<vmem_shared>>
      tpu.enqueue_dma source(%arg31 : memref<32x128xf32, #tpu.memory_space<vmem>>) target(%dma_start3A_268 : memref<32x128xf32, #tpu.memory_space<vmem_shared>>) target_semaphore(%run_scoped3A : memref<!tpu.dma_semaphore, #tpu.memory_space<semaphore_mem>>)
      %dma_wait3A_269 = arith.constant 0 : i32
      %dma_wait3A_270 = tpu.memref_slice %arg32[%add3A_41, %dma_wait3A_269] : memref<10240x128xf32, #tpu.memory_space<vmem_shared>> -> memref<32x128xf32, #tpu.memory_space<vmem_shared>>
      %dma_wait3A_271 = arith.constant 0 : i32
      %dma_wait3A_272 = tpu.memref_slice %arg32[%add3A_41, %dma_wait3A_271] : memref<10240x128xf32, #tpu.memory_space<vmem_shared>> -> memref<32x128xf32, #tpu.memory_space<vmem_shared>>
      tpu.wait_dma2 semaphore(%run_scoped3A : memref<!tpu.dma_semaphore, #tpu.memory_space<semaphore_mem>>) src(%arg31 : memref<32x128xf32, #tpu.memory_space<vmem>>) dst(%dma_wait3A_272 : memref<32x128xf32, #tpu.memory_space<vmem_shared>>)
      tpu.yield
    }) : () -> ()
    %add3A_42 = arith.constant 512 : i32
    %add3A_43 = arith.addi %mul3A_4, %add3A_42 : i32
    "tpu.region"() ({
      %run_scoped3A = tpu.sem_alloc : memref<!tpu.dma_semaphore, #tpu.memory_space<semaphore_mem>>
      %dma_start3A = arith.constant 0 : i32
      %dma_start3A_266 = tpu.memref_slice %arg32[%add3A_43, %dma_start3A] : memref<10240x128xf32, #tpu.memory_space<vmem_shared>> -> memref<32x128xf32, #tpu.memory_space<vmem_shared>>
      %dma_start3A_267 = arith.constant 0 : i32
      %dma_start3A_268 = tpu.memref_slice %arg32[%add3A_43, %dma_start3A_267] : memref<10240x128xf32, #tpu.memory_space<vmem_shared>> -> memref<32x128xf32, #tpu.memory_space<vmem_shared>>
      tpu.enqueue_dma source(%arg31 : memref<32x128xf32, #tpu.memory_space<vmem>>) target(%dma_start3A_268 : memref<32x128xf32, #tpu.memory_space<vmem_shared>>) target_semaphore(%run_scoped3A : memref<!tpu.dma_semaphore, #tpu.memory_space<semaphore_mem>>)
      %dma_wait3A_269 = arith.constant 0 : i32
      %dma_wait3A_270 = tpu.memref_slice %arg32[%add3A_43, %dma_wait3A_269] : memref<10240x128xf32, #tpu.memory_space<vmem_shared>> -> memref<32x128xf32, #tpu.memory_space<vmem_shared>>
      %dma_wait3A_271 = arith.constant 0 : i32
      %dma_wait3A_272 = tpu.memref_slice %arg32[%add3A_43, %dma_wait3A_271] : memref<10240x128xf32, #tpu.memory_space<vmem_shared>> -> memref<32x128xf32, #tpu.memory_space<vmem_shared>>
      tpu.wait_dma2 semaphore(%run_scoped3A : memref<!tpu.dma_semaphore, #tpu.memory_space<semaphore_mem>>) src(%arg31 : memref<32x128xf32, #tpu.memory_space<vmem>>) dst(%dma_wait3A_272 : memref<32x128xf32, #tpu.memory_space<vmem_shared>>)
      tpu.yield
    }) : () -> ()
    %add3A_44 = arith.constant 544 : i32
    %add3A_45 = arith.addi %mul3A_4, %add3A_44 : i32
    "tpu.region"() ({
      %run_scoped3A = tpu.sem_alloc : memref<!tpu.dma_semaphore, #tpu.memory_space<semaphore_mem>>
      %dma_start3A = arith.constant 0 : i32
      %dma_start3A_266 = tpu.memref_slice %arg32[%add3A_45, %dma_start3A] : memref<10240x128xf32, #tpu.memory_space<vmem_shared>> -> memref<32x128xf32, #tpu.memory_space<vmem_shared>>
      %dma_start3A_267 = arith.constant 0 : i32
      %dma_start3A_268 = tpu.memref_slice %arg32[%add3A_45, %dma_start3A_267] : memref<10240x128xf32, #tpu.memory_space<vmem_shared>> -> memref<32x128xf32, #tpu.memory_space<vmem_shared>>
      tpu.enqueue_dma source(%arg31 : memref<32x128xf32, #tpu.memory_space<vmem>>) target(%dma_start3A_268 : memref<32x128xf32, #tpu.memory_space<vmem_shared>>) target_semaphore(%run_scoped3A : memref<!tpu.dma_semaphore, #tpu.memory_space<semaphore_mem>>)
      %dma_wait3A_269 = arith.constant 0 : i32
      %dma_wait3A_270 = tpu.memref_slice %arg32[%add3A_45, %dma_wait3A_269] : memref<10240x128xf32, #tpu.memory_space<vmem_shared>> -> memref<32x128xf32, #tpu.memory_space<vmem_shared>>
      %dma_wait3A_271 = arith.constant 0 : i32
      %dma_wait3A_272 = tpu.memref_slice %arg32[%add3A_45, %dma_wait3A_271] : memref<10240x128xf32, #tpu.memory_space<vmem_shared>> -> memref<32x128xf32, #tpu.memory_space<vmem_shared>>
      tpu.wait_dma2 semaphore(%run_scoped3A : memref<!tpu.dma_semaphore, #tpu.memory_space<semaphore_mem>>) src(%arg31 : memref<32x128xf32, #tpu.memory_space<vmem>>) dst(%dma_wait3A_272 : memref<32x128xf32, #tpu.memory_space<vmem_shared>>)
      tpu.yield
    }) : () -> ()
    %add3A_46 = arith.constant 576 : i32
    %add3A_47 = arith.addi %mul3A_4, %add3A_46 : i32
    "tpu.region"() ({
      %run_scoped3A = tpu.sem_alloc : memref<!tpu.dma_semaphore, #tpu.memory_space<semaphore_mem>>
      %dma_start3A = arith.constant 0 : i32
      %dma_start3A_266 = tpu.memref_slice %arg32[%add3A_47, %dma_start3A] : memref<10240x128xf32, #tpu.memory_space<vmem_shared>> -> memref<32x128xf32, #tpu.memory_space<vmem_shared>>
      %dma_start3A_267 = arith.constant 0 : i32
      %dma_start3A_268 = tpu.memref_slice %arg32[%add3A_47, %dma_start3A_267] : memref<10240x128xf32, #tpu.memory_space<vmem_shared>> -> memref<32x128xf32, #tpu.memory_space<vmem_shared>>
      tpu.enqueue_dma source(%arg31 : memref<32x128xf32, #tpu.memory_space<vmem>>) target(%dma_start3A_268 : memref<32x128xf32, #tpu.memory_space<vmem_shared>>) target_semaphore(%run_scoped3A : memref<!tpu.dma_semaphore, #tpu.memory_space<semaphore_mem>>)
      %dma_wait3A_269 = arith.constant 0 : i32
      %dma_wait3A_270 = tpu.memref_slice %arg32[%add3A_47, %dma_wait3A_269] : memref<10240x128xf32, #tpu.memory_space<vmem_shared>> -> memref<32x128xf32, #tpu.memory_space<vmem_shared>>
      %dma_wait3A_271 = arith.constant 0 : i32
      %dma_wait3A_272 = tpu.memref_slice %arg32[%add3A_47, %dma_wait3A_271] : memref<10240x128xf32, #tpu.memory_space<vmem_shared>> -> memref<32x128xf32, #tpu.memory_space<vmem_shared>>
      tpu.wait_dma2 semaphore(%run_scoped3A : memref<!tpu.dma_semaphore, #tpu.memory_space<semaphore_mem>>) src(%arg31 : memref<32x128xf32, #tpu.memory_space<vmem>>) dst(%dma_wait3A_272 : memref<32x128xf32, #tpu.memory_space<vmem_shared>>)
      tpu.yield
    }) : () -> ()
    %add3A_48 = arith.constant 608 : i32
    %add3A_49 = arith.addi %mul3A_4, %add3A_48 : i32
    "tpu.region"() ({
      %run_scoped3A = tpu.sem_alloc : memref<!tpu.dma_semaphore, #tpu.memory_space<semaphore_mem>>
      %dma_start3A = arith.constant 0 : i32
      %dma_start3A_266 = tpu.memref_slice %arg32[%add3A_49, %dma_start3A] : memref<10240x128xf32, #tpu.memory_space<vmem_shared>> -> memref<32x128xf32, #tpu.memory_space<vmem_shared>>
      %dma_start3A_267 = arith.constant 0 : i32
      %dma_start3A_268 = tpu.memref_slice %arg32[%add3A_49, %dma_start3A_267] : memref<10240x128xf32, #tpu.memory_space<vmem_shared>> -> memref<32x128xf32, #tpu.memory_space<vmem_shared>>
      tpu.enqueue_dma source(%arg31 : memref<32x128xf32, #tpu.memory_space<vmem>>) target(%dma_start3A_268 : memref<32x128xf32, #tpu.memory_space<vmem_shared>>) target_semaphore(%run_scoped3A : memref<!tpu.dma_semaphore, #tpu.memory_space<semaphore_mem>>)
      %dma_wait3A_269 = arith.constant 0 : i32
      %dma_wait3A_270 = tpu.memref_slice %arg32[%add3A_49, %dma_wait3A_269] : memref<10240x128xf32, #tpu.memory_space<vmem_shared>> -> memref<32x128xf32, #tpu.memory_space<vmem_shared>>
      %dma_wait3A_271 = arith.constant 0 : i32
      %dma_wait3A_272 = tpu.memref_slice %arg32[%add3A_49, %dma_wait3A_271] : memref<10240x128xf32, #tpu.memory_space<vmem_shared>> -> memref<32x128xf32, #tpu.memory_space<vmem_shared>>
      tpu.wait_dma2 semaphore(%run_scoped3A : memref<!tpu.dma_semaphore, #tpu.memory_space<semaphore_mem>>) src(%arg31 : memref<32x128xf32, #tpu.memory_space<vmem>>) dst(%dma_wait3A_272 : memref<32x128xf32, #tpu.memory_space<vmem_shared>>)
      tpu.yield
    }) : () -> ()
    %barrier3A = arith.constant 0 : index
    tpu.barrier barrier_id(%barrier3A)
    "tpu.region"() ({
      %run_scoped3A = tpu.sem_alloc : memref<!tpu.dma_semaphore, #tpu.memory_space<semaphore_mem>>
      tpu.enqueue_dma source(%arg5 : memref<10000xi32, #tpu.memory_space<hbm>>) target(%arg9 : memref<10000xi32, #tpu.memory_space<vmem>>) target_semaphore(%run_scoped3A : memref<!tpu.dma_semaphore, #tpu.memory_space<semaphore_mem>>)
      tpu.wait_dma2 semaphore(%run_scoped3A : memref<!tpu.dma_semaphore, #tpu.memory_space<semaphore_mem>>) src(%arg5 : memref<10000xi32, #tpu.memory_space<hbm>>) dst(%arg9 : memref<10000xi32, #tpu.memory_space<vmem>>)
      tpu.yield
    }) : () -> ()
    "tpu.region"() ({
      %run_scoped3A = tpu.sem_alloc : memref<!tpu.dma_semaphore, #tpu.memory_space<semaphore_mem>>
      tpu.enqueue_dma source(%arg7 : memref<32x16xf32, #tpu.memory_space<hbm>>) target(%arg13 : memref<32x16xf32, #tpu.memory_space<vmem>>) target_semaphore(%run_scoped3A : memref<!tpu.dma_semaphore, #tpu.memory_space<semaphore_mem>>)
      tpu.wait_dma2 semaphore(%run_scoped3A : memref<!tpu.dma_semaphore, #tpu.memory_space<semaphore_mem>>) src(%arg7 : memref<32x16xf32, #tpu.memory_space<hbm>>) dst(%arg13 : memref<32x16xf32, #tpu.memory_space<vmem>>)
      tpu.yield
    }) : () -> ()
    %get3A = arith.constant 0 : i32
    %get3A_50 = arith.index_cast %get3A : i32 to index
    %get3A_51 = arith.constant 0 : index
    %get3A_52 = tpu.vector_load %arg13[%get3A_50, %get3A_51] {strides = array<i32>} : memref<32x16xf32, #tpu.memory_space<vmem>>, vector<16xf32>,
    %get3A_53 = arith.constant 1 : i32
    %get3A_54 = arith.index_cast %get3A_53 : i32 to index
    %get3A_55 = arith.constant 0 : index
    %get3A_56 = tpu.vector_load %arg13[%get3A_54, %get3A_55] {strides = array<i32>} : memref<32x16xf32, #tpu.memory_space<vmem>>, vector<16xf32>,
    %min3A = arith.minimumf %get3A_52, %get3A_56 : vector<16xf32>
    %get3A_57 = arith.constant 2 : i32
    %get3A_58 = arith.index_cast %get3A_57 : i32 to index
    %get3A_59 = arith.constant 0 : index
    %get3A_60 = tpu.vector_load %arg13[%get3A_58, %get3A_59] {strides = array<i32>} : memref<32x16xf32, #tpu.memory_space<vmem>>, vector<16xf32>,
    %min3A_61 = arith.minimumf %min3A, %get3A_60 : vector<16xf32>
    %get3A_62 = arith.constant 3 : i32
    %get3A_63 = arith.index_cast %get3A_62 : i32 to index
    %get3A_64 = arith.constant 0 : index
    %get3A_65 = tpu.vector_load %arg13[%get3A_63, %get3A_64] {strides = array<i32>} : memref<32x16xf32, #tpu.memory_space<vmem>>, vector<16xf32>,
    %min3A_66 = arith.minimumf %min3A_61, %get3A_65 : vector<16xf32>
    %get3A_67 = arith.constant 4 : i32
    %get3A_68 = arith.index_cast %get3A_67 : i32 to index
    %get3A_69 = arith.constant 0 : index
    %get3A_70 = tpu.vector_load %arg13[%get3A_68, %get3A_69] {strides = array<i32>} : memref<32x16xf32, #tpu.memory_space<vmem>>, vector<16xf32>,
    %min3A_71 = arith.minimumf %min3A_66, %get3A_70 : vector<16xf32>
    %get3A_72 = arith.constant 5 : i32
    %get3A_73 = arith.index_cast %get3A_72 : i32 to index
    %get3A_74 = arith.constant 0 : index
    %get3A_75 = tpu.vector_load %arg13[%get3A_73, %get3A_74] {strides = array<i32>} : memref<32x16xf32, #tpu.memory_space<vmem>>, vector<16xf32>,
    %min3A_76 = arith.minimumf %min3A_71, %get3A_75 : vector<16xf32>
    %get3A_77 = arith.constant 6 : i32
    %get3A_78 = arith.index_cast %get3A_77 : i32 to index
    %get3A_79 = arith.constant 0 : index
    %get3A_80 = tpu.vector_load %arg13[%get3A_78, %get3A_79] {strides = array<i32>} : memref<32x16xf32, #tpu.memory_space<vmem>>, vector<16xf32>,
    %min3A_81 = arith.minimumf %min3A_76, %get3A_80 : vector<16xf32>
    %get3A_82 = arith.constant 7 : i32
    %get3A_83 = arith.index_cast %get3A_82 : i32 to index
    %get3A_84 = arith.constant 0 : index
    %get3A_85 = tpu.vector_load %arg13[%get3A_83, %get3A_84] {strides = array<i32>} : memref<32x16xf32, #tpu.memory_space<vmem>>, vector<16xf32>,
    %min3A_86 = arith.minimumf %min3A_81, %get3A_85 : vector<16xf32>
    %get3A_87 = arith.constant 8 : i32
    %get3A_88 = arith.index_cast %get3A_87 : i32 to index
    %get3A_89 = arith.constant 0 : index
    %get3A_90 = tpu.vector_load %arg13[%get3A_88, %get3A_89] {strides = array<i32>} : memref<32x16xf32, #tpu.memory_space<vmem>>, vector<16xf32>,
    %min3A_91 = arith.minimumf %min3A_86, %get3A_90 : vector<16xf32>
    %get3A_92 = arith.constant 9 : i32
    %get3A_93 = arith.index_cast %get3A_92 : i32 to index
    %get3A_94 = arith.constant 0 : index
    %get3A_95 = tpu.vector_load %arg13[%get3A_93, %get3A_94] {strides = array<i32>} : memref<32x16xf32, #tpu.memory_space<vmem>>, vector<16xf32>,
    %min3A_96 = arith.minimumf %min3A_91, %get3A_95 : vector<16xf32>
    %get3A_97 = arith.constant 10 : i32
    %get3A_98 = arith.index_cast %get3A_97 : i32 to index
    %get3A_99 = arith.constant 0 : index
    %get3A_100 = tpu.vector_load %arg13[%get3A_98, %get3A_99] {strides = array<i32>} : memref<32x16xf32, #tpu.memory_space<vmem>>, vector<16xf32>,
    %min3A_101 = arith.minimumf %min3A_96, %get3A_100 : vector<16xf32>
    %get3A_102 = arith.constant 11 : i32
    %get3A_103 = arith.index_cast %get3A_102 : i32 to index
    %get3A_104 = arith.constant 0 : index
    %get3A_105 = tpu.vector_load %arg13[%get3A_103, %get3A_104] {strides = array<i32>} : memref<32x16xf32, #tpu.memory_space<vmem>>, vector<16xf32>,
    %min3A_106 = arith.minimumf %min3A_101, %get3A_105 : vector<16xf32>
    %get3A_107 = arith.constant 12 : i32
    %get3A_108 = arith.index_cast %get3A_107 : i32 to index
    %get3A_109 = arith.constant 0 : index
    %get3A_110 = tpu.vector_load %arg13[%get3A_108, %get3A_109] {strides = array<i32>} : memref<32x16xf32, #tpu.memory_space<vmem>>, vector<16xf32>,
    %min3A_111 = arith.minimumf %min3A_106, %get3A_110 : vector<16xf32>
    %get3A_112 = arith.constant 13 : i32
    %get3A_113 = arith.index_cast %get3A_112 : i32 to index
    %get3A_114 = arith.constant 0 : index
    %get3A_115 = tpu.vector_load %arg13[%get3A_113, %get3A_114] {strides = array<i32>} : memref<32x16xf32, #tpu.memory_space<vmem>>, vector<16xf32>,
    %min3A_116 = arith.minimumf %min3A_111, %get3A_115 : vector<16xf32>
    %get3A_117 = arith.constant 14 : i32
    %get3A_118 = arith.index_cast %get3A_117 : i32 to index
    %get3A_119 = arith.constant 0 : index
    %get3A_120 = tpu.vector_load %arg13[%get3A_118, %get3A_119] {strides = array<i32>} : memref<32x16xf32, #tpu.memory_space<vmem>>, vector<16xf32>,
    %min3A_121 = arith.minimumf %min3A_116, %get3A_120 : vector<16xf32>
    %get3A_122 = arith.constant 15 : i32
    %get3A_123 = arith.index_cast %get3A_122 : i32 to index
    %get3A_124 = arith.constant 0 : index
    %get3A_125 = tpu.vector_load %arg13[%get3A_123, %get3A_124] {strides = array<i32>} : memref<32x16xf32, #tpu.memory_space<vmem>>, vector<16xf32>,
    %min3A_126 = arith.minimumf %min3A_121, %get3A_125 : vector<16xf32>
    %get3A_127 = arith.constant 16 : i32
    %get3A_128 = arith.index_cast %get3A_127 : i32 to index
    %get3A_129 = arith.constant 0 : index
    %get3A_130 = tpu.vector_load %arg13[%get3A_128, %get3A_129] {strides = array<i32>} : memref<32x16xf32, #tpu.memory_space<vmem>>, vector<16xf32>,
    %min3A_131 = arith.minimumf %min3A_126, %get3A_130 : vector<16xf32>
    %get3A_132 = arith.constant 17 : i32
    %get3A_133 = arith.index_cast %get3A_132 : i32 to index
    %get3A_134 = arith.constant 0 : index
    %get3A_135 = tpu.vector_load %arg13[%get3A_133, %get3A_134] {strides = array<i32>} : memref<32x16xf32, #tpu.memory_space<vmem>>, vector<16xf32>,
    %min3A_136 = arith.minimumf %min3A_131, %get3A_135 : vector<16xf32>
    %get3A_137 = arith.constant 18 : i32
    %get3A_138 = arith.index_cast %get3A_137 : i32 to index
    %get3A_139 = arith.constant 0 : index
    %get3A_140 = tpu.vector_load %arg13[%get3A_138, %get3A_139] {strides = array<i32>} : memref<32x16xf32, #tpu.memory_space<vmem>>, vector<16xf32>,
    %min3A_141 = arith.minimumf %min3A_136, %get3A_140 : vector<16xf32>
    %get3A_142 = arith.constant 19 : i32
    %get3A_143 = arith.index_cast %get3A_142 : i32 to index
    %get3A_144 = arith.constant 0 : index
    %get3A_145 = tpu.vector_load %arg13[%get3A_143, %get3A_144] {strides = array<i32>} : memref<32x16xf32, #tpu.memory_space<vmem>>, vector<16xf32>,
    %min3A_146 = arith.minimumf %min3A_141, %get3A_145 : vector<16xf32>
    %get3A_147 = arith.constant 20 : i32
    %get3A_148 = arith.index_cast %get3A_147 : i32 to index
    %get3A_149 = arith.constant 0 : index
    %get3A_150 = tpu.vector_load %arg13[%get3A_148, %get3A_149] {strides = array<i32>} : memref<32x16xf32, #tpu.memory_space<vmem>>, vector<16xf32>,
    %min3A_151 = arith.minimumf %min3A_146, %get3A_150 : vector<16xf32>
    %get3A_152 = arith.constant 21 : i32
    %get3A_153 = arith.index_cast %get3A_152 : i32 to index
    %get3A_154 = arith.constant 0 : index
    %get3A_155 = tpu.vector_load %arg13[%get3A_153, %get3A_154] {strides = array<i32>} : memref<32x16xf32, #tpu.memory_space<vmem>>, vector<16xf32>,
    %min3A_156 = arith.minimumf %min3A_151, %get3A_155 : vector<16xf32>
    %get3A_157 = arith.constant 22 : i32
    %get3A_158 = arith.index_cast %get3A_157 : i32 to index
    %get3A_159 = arith.constant 0 : index
    %get3A_160 = tpu.vector_load %arg13[%get3A_158, %get3A_159] {strides = array<i32>} : memref<32x16xf32, #tpu.memory_space<vmem>>, vector<16xf32>,
    %min3A_161 = arith.minimumf %min3A_156, %get3A_160 : vector<16xf32>
    %get3A_162 = arith.constant 23 : i32
    %get3A_163 = arith.index_cast %get3A_162 : i32 to index
    %get3A_164 = arith.constant 0 : index
    %get3A_165 = tpu.vector_load %arg13[%get3A_163, %get3A_164] {strides = array<i32>} : memref<32x16xf32, #tpu.memory_space<vmem>>, vector<16xf32>,
    %min3A_166 = arith.minimumf %min3A_161, %get3A_165 : vector<16xf32>
    %get3A_167 = arith.constant 24 : i32
    %get3A_168 = arith.index_cast %get3A_167 : i32 to index
    %get3A_169 = arith.constant 0 : index
    %get3A_170 = tpu.vector_load %arg13[%get3A_168, %get3A_169] {strides = array<i32>} : memref<32x16xf32, #tpu.memory_space<vmem>>, vector<16xf32>,
    %min3A_171 = arith.minimumf %min3A_166, %get3A_170 : vector<16xf32>
    %get3A_172 = arith.constant 25 : i32
    %get3A_173 = arith.index_cast %get3A_172 : i32 to index
    %get3A_174 = arith.constant 0 : index
    %get3A_175 = tpu.vector_load %arg13[%get3A_173, %get3A_174] {strides = array<i32>} : memref<32x16xf32, #tpu.memory_space<vmem>>, vector<16xf32>,
    %min3A_176 = arith.minimumf %min3A_171, %get3A_175 : vector<16xf32>
    %get3A_177 = arith.constant 26 : i32
    %get3A_178 = arith.index_cast %get3A_177 : i32 to index
    %get3A_179 = arith.constant 0 : index
    %get3A_180 = tpu.vector_load %arg13[%get3A_178, %get3A_179] {strides = array<i32>} : memref<32x16xf32, #tpu.memory_space<vmem>>, vector<16xf32>,
    %min3A_181 = arith.minimumf %min3A_176, %get3A_180 : vector<16xf32>
    %get3A_182 = arith.constant 27 : i32
    %get3A_183 = arith.index_cast %get3A_182 : i32 to index
    %get3A_184 = arith.constant 0 : index
    %get3A_185 = tpu.vector_load %arg13[%get3A_183, %get3A_184] {strides = array<i32>} : memref<32x16xf32, #tpu.memory_space<vmem>>, vector<16xf32>,
    %min3A_186 = arith.minimumf %min3A_181, %get3A_185 : vector<16xf32>
    %get3A_187 = arith.constant 28 : i32
    %get3A_188 = arith.index_cast %get3A_187 : i32 to index
    %get3A_189 = arith.constant 0 : index
    %get3A_190 = tpu.vector_load %arg13[%get3A_188, %get3A_189] {strides = array<i32>} : memref<32x16xf32, #tpu.memory_space<vmem>>, vector<16xf32>,
    %min3A_191 = arith.minimumf %min3A_186, %get3A_190 : vector<16xf32>
    %get3A_192 = arith.constant 29 : i32
    %get3A_193 = arith.index_cast %get3A_192 : i32 to index
    %get3A_194 = arith.constant 0 : index
    %get3A_195 = tpu.vector_load %arg13[%get3A_193, %get3A_194] {strides = array<i32>} : memref<32x16xf32, #tpu.memory_space<vmem>>, vector<16xf32>,
    %min3A_196 = arith.minimumf %min3A_191, %get3A_195 : vector<16xf32>
    %get3A_197 = arith.constant 30 : i32
    %get3A_198 = arith.index_cast %get3A_197 : i32 to index
    %get3A_199 = arith.constant 0 : index
    %get3A_200 = tpu.vector_load %arg13[%get3A_198, %get3A_199] {strides = array<i32>} : memref<32x16xf32, #tpu.memory_space<vmem>>, vector<16xf32>,
    %min3A_201 = arith.minimumf %min3A_196, %get3A_200 : vector<16xf32>
    %get3A_202 = arith.constant 31 : i32
    %get3A_203 = arith.index_cast %get3A_202 : i32 to index
    %get3A_204 = arith.constant 0 : index
    %get3A_205 = tpu.vector_load %arg13[%get3A_203, %get3A_204] {strides = array<i32>} : memref<32x16xf32, #tpu.memory_space<vmem>>, vector<16xf32>,
    %min3A_206 = arith.minimumf %min3A_201, %get3A_205 : vector<16xf32>
    %swap3A = arith.constant 0 : index
    %swap3A_207 = tpu.vector_load %arg14[%swap3A] {strides = array<i32>} : memref<16xf32, #tpu.memory_space<vmem>>, vector<16xf32>,
    tpu.vector_store %arg14[%swap3A], %min3A_206 {strides = array<i32>} : memref<16xf32, #tpu.memory_space<vmem>>, vector<16xf32>,
    %scan3A_208 = arith.constant 0 : i32
    %scan3A_209 = arith.constant 0 : i32
    %scan3A_210 = arith.constant 5 : i32
    %scan3A_211 = arith.addi %scan3A_209, %scan3A_210 : i32
    %scan3A_212 = arith.constant 1 : i32
    scf.for %scan3A_266 = %scan3A_209 to %scan3A_211 step %scan3A_212  : i32 {
      %mul3A_267 = arith.constant 2048 : i32
      %mul3A_268 = arith.muli %scan3A_266, %mul3A_267 : i32
      %add3A_269 = arith.addi %multiple_of3A, %mul3A_268 : i32
      %multiple_of3A_270 = tpu.assume_multiple %add3A_269, 8 : i32
      "tpu.region"() ({
        %run_scoped3A = tpu.sem_alloc : memref<!tpu.dma_semaphore, #tpu.memory_space<semaphore_mem>>
        %dma_start3A_389 = tpu.memref_slice %arg2[%multiple_of3A_270] : memref<327680xi32, #tpu.memory_space<hbm>> -> memref<2048xi32, #tpu.memory_space<hbm>>
        %dma_start3A_390 = tpu.memref_slice %arg2[%multiple_of3A_270] : memref<327680xi32, #tpu.memory_space<hbm>> -> memref<2048xi32, #tpu.memory_space<hbm>>
        tpu.enqueue_dma source(%dma_start3A_390 : memref<2048xi32, #tpu.memory_space<hbm>>) target(%arg10 : memref<2048xi32, #tpu.memory_space<vmem>>) target_semaphore(%run_scoped3A : memref<!tpu.dma_semaphore, #tpu.memory_space<semaphore_mem>>)
        %dma_wait3A_391 = tpu.memref_slice %arg2[%multiple_of3A_270] : memref<327680xi32, #tpu.memory_space<hbm>> -> memref<2048xi32, #tpu.memory_space<hbm>>
        %dma_wait3A_392 = tpu.memref_slice %arg2[%multiple_of3A_270] : memref<327680xi32, #tpu.memory_space<hbm>> -> memref<2048xi32, #tpu.memory_space<hbm>>
        tpu.wait_dma2 semaphore(%run_scoped3A : memref<!tpu.dma_semaphore, #tpu.memory_space<semaphore_mem>>) src(%dma_wait3A_392 : memref<2048xi32, #tpu.memory_space<hbm>>) dst(%arg10 : memref<2048xi32, #tpu.memory_space<vmem>>)
        tpu.yield
      }) : () -> ()
      "tpu.region"() ({
        %run_scoped3A = tpu.sem_alloc : memref<!tpu.dma_semaphore, #tpu.memory_space<semaphore_mem>>
        %dma_start3A_389 = tpu.memref_slice %arg3[%multiple_of3A_270] : memref<327680xi32, #tpu.memory_space<hbm>> -> memref<2048xi32, #tpu.memory_space<hbm>>
        %dma_start3A_390 = tpu.memref_slice %arg3[%multiple_of3A_270] : memref<327680xi32, #tpu.memory_space<hbm>> -> memref<2048xi32, #tpu.memory_space<hbm>>
        tpu.enqueue_dma source(%dma_start3A_390 : memref<2048xi32, #tpu.memory_space<hbm>>) target(%arg11 : memref<2048xi32, #tpu.memory_space<vmem>>) target_semaphore(%run_scoped3A : memref<!tpu.dma_semaphore, #tpu.memory_space<semaphore_mem>>)
        %dma_wait3A_391 = tpu.memref_slice %arg3[%multiple_of3A_270] : memref<327680xi32, #tpu.memory_space<hbm>> -> memref<2048xi32, #tpu.memory_space<hbm>>
        %dma_wait3A_392 = tpu.memref_slice %arg3[%multiple_of3A_270] : memref<327680xi32, #tpu.memory_space<hbm>> -> memref<2048xi32, #tpu.memory_space<hbm>>
        tpu.wait_dma2 semaphore(%run_scoped3A : memref<!tpu.dma_semaphore, #tpu.memory_space<semaphore_mem>>) src(%dma_wait3A_392 : memref<2048xi32, #tpu.memory_space<hbm>>) dst(%arg11 : memref<2048xi32, #tpu.memory_space<vmem>>)
        tpu.yield
      }) : () -> ()
      "tpu.region"() ({
        %run_scoped3A = tpu.sem_alloc : memref<!tpu.dma_semaphore, #tpu.memory_space<semaphore_mem>>
        %dma_start3A_389 = tpu.memref_slice %arg4[%multiple_of3A_270] : memref<327680xf32, #tpu.memory_space<hbm>> -> memref<2048xf32, #tpu.memory_space<hbm>>
        %dma_start3A_390 = tpu.memref_slice %arg4[%multiple_of3A_270] : memref<327680xf32, #tpu.memory_space<hbm>> -> memref<2048xf32, #tpu.memory_space<hbm>>
        tpu.enqueue_dma source(%dma_start3A_390 : memref<2048xf32, #tpu.memory_space<hbm>>) target(%arg12 : memref<2048xf32, #tpu.memory_space<vmem>>) target_semaphore(%run_scoped3A : memref<!tpu.dma_semaphore, #tpu.memory_space<semaphore_mem>>)
        %dma_wait3A_391 = tpu.memref_slice %arg4[%multiple_of3A_270] : memref<327680xf32, #tpu.memory_space<hbm>> -> memref<2048xf32, #tpu.memory_space<hbm>>
        %dma_wait3A_392 = tpu.memref_slice %arg4[%multiple_of3A_270] : memref<327680xf32, #tpu.memory_space<hbm>> -> memref<2048xf32, #tpu.memory_space<hbm>>
        tpu.wait_dma2 semaphore(%run_scoped3A : memref<!tpu.dma_semaphore, #tpu.memory_space<semaphore_mem>>) src(%dma_wait3A_392 : memref<2048xf32, #tpu.memory_space<hbm>>) dst(%arg12 : memref<2048xf32, #tpu.memory_space<vmem>>)
        tpu.yield
      }) : () -> ()
      %gt3A = arith.constant 0 : i32
      %gt3A_271 = arith.cmpi sgt, %scan3A_266, %gt3A : i32
      %convert_element_type3A = arith.extui %gt3A_271 : i1 to i32
      %cond3A = arith.constant 0 : i32
      %cond3A_272 = arith.cmpi ne, %convert_element_type3A, %cond3A : i32
      scf.if %cond3A_272 {
        %dma_wait3A_389 = arith.constant 0 : i32
        %dma_wait3A_390 = arith.constant 0 : i32
        %dma_wait3A_391 = tpu.memref_slice %arg32[%dma_wait3A_389, %dma_wait3A_390] : memref<10240x128xf32, #tpu.memory_space<vmem_shared>> -> memref<10240x128xf32, #tpu.memory_space<vmem_shared>>
        tpu.wait_indirect_dma semaphore(%arg37 : memref<!tpu.dma_semaphore, #tpu.memory_space<semaphore_mem>>) src(%arg27 : memref<32x128xf32, #tpu.memory_space<vmem>>) dst(%dma_wait3A_391 : memref<10240x128xf32, #tpu.memory_space<vmem_shared>>)
        %dma_wait3A_392 = arith.constant 0 : i32
        %dma_wait3A_393 = arith.constant 0 : i32
        %dma_wait3A_394 = tpu.memref_slice %arg32[%dma_wait3A_392, %dma_wait3A_393] : memref<10240x128xf32, #tpu.memory_space<vmem_shared>> -> memref<10240x128xf32, #tpu.memory_space<vmem_shared>>
        tpu.wait_indirect_dma semaphore(%arg38 : memref<!tpu.dma_semaphore, #tpu.memory_space<semaphore_mem>>) src(%arg28 : memref<32x128xf32, #tpu.memory_space<vmem>>) dst(%dma_wait3A_394 : memref<10240x128xf32, #tpu.memory_space<vmem_shared>>)
      } else {
      }
      %multiple_of3A_273 = arith.constant 0 : i32
      %multiple_of3A_274 = tpu.assume_multiple %multiple_of3A_273, 8 : i32
      %add3A_275 = arith.constant 0 : i32
      %add3A_276 = arith.addi %multiple_of3A_274, %add3A_275 : i32
      %get3A_277 = arith.index_cast %add3A_276 : i32 to index
      %get3A_278 = tpu.vector_load %arg10[%get3A_277] {strides = array<i32>} : memref<2048xi32, #tpu.memory_space<vmem>>, vector<16xi32>,
      %swap3A_279 = arith.constant 0 : index
      %swap3A_280 = tpu.vector_load %arg19[%swap3A_279] {strides = array<i32>} : memref<32xi32, #tpu.memory_space<vmem>>, vector<16xi32>,
      tpu.vector_store %arg19[%swap3A_279], %get3A_278 {strides = array<i32>} : memref<32xi32, #tpu.memory_space<vmem>>, vector<16xi32>,
      %gather3A = tpu.vector_load_idx %arg9[%get3A_278] : memref<10000xi32, #tpu.memory_space<vmem>>[vector<16xi32>], vector<16xi32>,
      %gather3A_281 = tpu.vector_load_idx %arg14[%gather3A] : memref<16xf32, #tpu.memory_space<vmem>>[vector<16xi32>], vector<16xf32>,
      %add3A_282 = arith.constant 0 : i32
      %add3A_283 = arith.addi %multiple_of3A_274, %add3A_282 : i32
      %get3A_284 = arith.index_cast %add3A_283 : i32 to index
      %get3A_285 = tpu.vector_load %arg12[%get3A_284] {strides = array<i32>} : memref<2048xf32, #tpu.memory_space<vmem>>, vector<16xf32>,
      %sub3A = arith.subf %get3A_285, %gather3A_281 : vector<16xf32>
      %mul3A_286 = arith.mulf %sub3A, %sub3A : vector<16xf32>
      %mul3A_287 = arith.constant -0.999998986 : f32
      %mul3A_288 = vector.broadcast %mul3A_287 : f32 to vector<16xf32>
      %mul3A_289 = arith.mulf %mul3A_286, %mul3A_288 : vector<16xf32>
      %exp3A = math.exp %mul3A_289 : vector<16xf32>
      %swap3A_290 = arith.constant 0 : index
      %swap3A_291 = tpu.vector_load %arg15[%swap3A_290] {strides = array<i32>} : memref<32xf32, #tpu.memory_space<vmem>>, vector<16xf32>,
      tpu.vector_store %arg15[%swap3A_290], %exp3A {strides = array<i32>} : memref<32xf32, #tpu.memory_space<vmem>>, vector<16xf32>,
      %add3A_292 = arith.constant 0 : i32
      %add3A_293 = arith.addi %multiple_of3A_274, %add3A_292 : i32
      %get3A_294 = arith.index_cast %add3A_293 : i32 to index
      %get3A_295 = tpu.vector_load %arg11[%get3A_294] {strides = array<i32>} : memref<2048xi32, #tpu.memory_space<vmem>>, vector<16xi32>,
      %swap3A_296 = arith.constant 0 : index
      %swap3A_297 = tpu.vector_load %arg23[%swap3A_296] {strides = array<i32>} : memref<32xi32, #tpu.memory_space<vmem>>, vector<16xi32>,
      tpu.vector_store %arg23[%swap3A_296], %get3A_295 {strides = array<i32>} : memref<32xi32, #tpu.memory_space<vmem>>, vector<16xi32>,
      %add3A_298 = arith.constant 16 : i32
      %add3A_299 = arith.addi %multiple_of3A_274, %add3A_298 : i32
      %get3A_300 = arith.index_cast %add3A_299 : i32 to index
      %get3A_301 = tpu.vector_load %arg10[%get3A_300] {strides = array<i32>} : memref<2048xi32, #tpu.memory_space<vmem>>, vector<16xi32>,
      %swap3A_302 = arith.constant 16 : index
      %swap3A_303 = tpu.vector_load %arg19[%swap3A_302] {strides = array<i32>} : memref<32xi32, #tpu.memory_space<vmem>>, vector<16xi32>,
      tpu.vector_store %arg19[%swap3A_302], %get3A_301 {strides = array<i32>} : memref<32xi32, #tpu.memory_space<vmem>>, vector<16xi32>,
      %gather3A_304 = tpu.vector_load_idx %arg9[%get3A_301] : memref<10000xi32, #tpu.memory_space<vmem>>[vector<16xi32>], vector<16xi32>,
      %gather3A_305 = tpu.vector_load_idx %arg14[%gather3A_304] : memref<16xf32, #tpu.memory_space<vmem>>[vector<16xi32>], vector<16xf32>,
      %add3A_306 = arith.constant 16 : i32
      %add3A_307 = arith.addi %multiple_of3A_274, %add3A_306 : i32
      %get3A_308 = arith.index_cast %add3A_307 : i32 to index
      %get3A_309 = tpu.vector_load %arg12[%get3A_308] {strides = array<i32>} : memref<2048xf32, #tpu.memory_space<vmem>>, vector<16xf32>,
      %sub3A_310 = arith.subf %get3A_309, %gather3A_305 : vector<16xf32>
      %mul3A_311 = arith.mulf %sub3A_310, %sub3A_310 : vector<16xf32>
      %mul3A_312 = arith.constant -0.999998986 : f32
      %mul3A_313 = vector.broadcast %mul3A_312 : f32 to vector<16xf32>
      %mul3A_314 = arith.mulf %mul3A_311, %mul3A_313 : vector<16xf32>
      %exp3A_315 = math.exp %mul3A_314 : vector<16xf32>
      %swap3A_316 = arith.constant 16 : index
      %swap3A_317 = tpu.vector_load %arg15[%swap3A_316] {strides = array<i32>} : memref<32xf32, #tpu.memory_space<vmem>>, vector<16xf32>,
      tpu.vector_store %arg15[%swap3A_316], %exp3A_315 {strides = array<i32>} : memref<32xf32, #tpu.memory_space<vmem>>, vector<16xf32>,
      %add3A_318 = arith.constant 16 : i32
      %add3A_319 = arith.addi %multiple_of3A_274, %add3A_318 : i32
      %get3A_320 = arith.index_cast %add3A_319 : i32 to index
      %get3A_321 = tpu.vector_load %arg11[%get3A_320] {strides = array<i32>} : memref<2048xi32, #tpu.memory_space<vmem>>, vector<16xi32>,
      %swap3A_322 = arith.constant 16 : index
      %swap3A_323 = tpu.vector_load %arg23[%swap3A_322] {strides = array<i32>} : memref<32xi32, #tpu.memory_space<vmem>>, vector<16xi32>,
      tpu.vector_store %arg23[%swap3A_322], %get3A_321 {strides = array<i32>} : memref<32xi32, #tpu.memory_space<vmem>>, vector<16xi32>,
      %dma_start3A = arith.constant 0 : i32
      %dma_start3A_324 = arith.constant 0 : i32
      %dma_start3A_325 = tpu.memref_slice %arg6[%dma_start3A, %dma_start3A_324] : memref<10000x128xf32, #tpu.memory_space<hbm>> -> memref<10000x128xf32, #tpu.memory_space<hbm>>
      tpu.enqueue_indirect_dma source(%dma_start3A_325 : memref<10000x128xf32, #tpu.memory_space<hbm>>) target(%arg27 : memref<32x128xf32, #tpu.memory_space<vmem>>) offsets(%arg19 : memref<32xi32, #tpu.memory_space<vmem>>) semaphore(%arg33 : memref<!tpu.dma_semaphore, #tpu.memory_space<semaphore_mem>>)
      %multiple_of3A_326 = arith.constant 32 : i32
      %multiple_of3A_327 = tpu.assume_multiple %multiple_of3A_326, 8 : i32
      %add3A_328 = arith.constant 0 : i32
      %add3A_329 = arith.addi %multiple_of3A_327, %add3A_328 : i32
      %get3A_330 = arith.index_cast %add3A_329 : i32 to index
      %get3A_331 = tpu.vector_load %arg10[%get3A_330] {strides = array<i32>} : memref<2048xi32, #tpu.memory_space<vmem>>, vector<16xi32>,
      %swap3A_332 = arith.constant 0 : index
      %swap3A_333 = tpu.vector_load %arg20[%swap3A_332] {strides = array<i32>} : memref<32xi32, #tpu.memory_space<vmem>>, vector<16xi32>,
      tpu.vector_store %arg20[%swap3A_332], %get3A_331 {strides = array<i32>} : memref<32xi32, #tpu.memory_space<vmem>>, vector<16xi32>,
      %gather3A_334 = tpu.vector_load_idx %arg9[%get3A_331] : memref<10000xi32, #tpu.memory_space<vmem>>[vector<16xi32>], vector<16xi32>,
      %gather3A_335 = tpu.vector_load_idx %arg14[%gather3A_334] : memref<16xf32, #tpu.memory_space<vmem>>[vector<16xi32>], vector<16xf32>,
      %add3A_336 = arith.constant 0 : i32
      %add3A_337 = arith.addi %multiple_of3A_327, %add3A_336 : i32
      %get3A_338 = arith.index_cast %add3A_337 : i32 to index
      %get3A_339 = tpu.vector_load %arg12[%get3A_338] {strides = array<i32>} : memref<2048xf32, #tpu.memory_space<vmem>>, vector<16xf32>,
      %sub3A_340 = arith.subf %get3A_339, %gather3A_335 : vector<16xf32>
      %mul3A_341 = arith.mulf %sub3A_340, %sub3A_340 : vector<16xf32>
      %mul3A_342 = arith.constant -0.999998986 : f32
      %mul3A_343 = vector.broadcast %mul3A_342 : f32 to vector<16xf32>
      %mul3A_344 = arith.mulf %mul3A_341, %mul3A_343 : vector<16xf32>
      %exp3A_345 = math.exp %mul3A_344 : vector<16xf32>
      %swap3A_346 = arith.constant 0 : index
      %swap3A_347 = tpu.vector_load %arg16[%swap3A_346] {strides = array<i32>} : memref<32xf32, #tpu.memory_space<vmem>>, vector<16xf32>,
      tpu.vector_store %arg16[%swap3A_346], %exp3A_345 {strides = array<i32>} : memref<32xf32, #tpu.memory_space<vmem>>, vector<16xf32>,
      %add3A_348 = arith.constant 0 : i32
      %add3A_349 = arith.addi %multiple_of3A_327, %add3A_348 : i32
      %get3A_350 = arith.index_cast %add3A_349 : i32 to index
      %get3A_351 = tpu.vector_load %arg11[%get3A_350] {strides = array<i32>} : memref<2048xi32, #tpu.memory_space<vmem>>, vector<16xi32>,
      %swap3A_352 = arith.constant 0 : index
      %swap3A_353 = tpu.vector_load %arg24[%swap3A_352] {strides = array<i32>} : memref<32xi32, #tpu.memory_space<vmem>>, vector<16xi32>,
      tpu.vector_store %arg24[%swap3A_352], %get3A_351 {strides = array<i32>} : memref<32xi32, #tpu.memory_space<vmem>>, vector<16xi32>,
      %add3A_354 = arith.constant 16 : i32
      %add3A_355 = arith.addi %multiple_of3A_327, %add3A_354 : i32
      %get3A_356 = arith.index_cast %add3A_355 : i32 to index
      %get3A_357 = tpu.vector_load %arg10[%get3A_356] {strides = array<i32>} : memref<2048xi32, #tpu.memory_space<vmem>>, vector<16xi32>,
      %swap3A_358 = arith.constant 16 : index
      %swap3A_359 = tpu.vector_load %arg20[%swap3A_358] {strides = array<i32>} : memref<32xi32, #tpu.memory_space<vmem>>, vector<16xi32>,
      tpu.vector_store %arg20[%swap3A_358], %get3A_357 {strides = array<i32>} : memref<32xi32, #tpu.memory_space<vmem>>, vector<16xi32>,
      %gather3A_360 = tpu.vector_load_idx %arg9[%get3A_357] : memref<10000xi32, #tpu.memory_space<vmem>>[vector<16xi32>], vector<16xi32>,
      %gather3A_361 = tpu.vector_load_idx %arg14[%gather3A_360] : memref<16xf32, #tpu.memory_space<vmem>>[vector<16xi32>], vector<16xf32>,
      %add3A_362 = arith.constant 16 : i32
      %add3A_363 = arith.addi %multiple_of3A_327, %add3A_362 : i32
      %get3A_364 = arith.index_cast %add3A_363 : i32 to index
      %get3A_365 = tpu.vector_load %arg12[%get3A_364] {strides = array<i32>} : memref<2048xf32, #tpu.memory_space<vmem>>, vector<16xf32>,
      %sub3A_366 = arith.subf %get3A_365, %gather3A_361 : vector<16xf32>
      %mul3A_367 = arith.mulf %sub3A_366, %sub3A_366 : vector<16xf32>
      %mul3A_368 = arith.constant -0.999998986 : f32
      %mul3A_369 = vector.broadcast %mul3A_368 : f32 to vector<16xf32>
      %mul3A_370 = arith.mulf %mul3A_367, %mul3A_369 : vector<16xf32>
      %exp3A_371 = math.exp %mul3A_370 : vector<16xf32>
      %swap3A_372 = arith.constant 16 : index
      %swap3A_373 = tpu.vector_load %arg16[%swap3A_372] {strides = array<i32>} : memref<32xf32, #tpu.memory_space<vmem>>, vector<16xf32>,
      tpu.vector_store %arg16[%swap3A_372], %exp3A_371 {strides = array<i32>} : memref<32xf32, #tpu.memory_space<vmem>>, vector<16xf32>,
      %add3A_374 = arith.constant 16 : i32
      %add3A_375 = arith.addi %multiple_of3A_327, %add3A_374 : i32
      %get3A_376 = arith.index_cast %add3A_375 : i32 to index
      %get3A_377 = tpu.vector_load %arg11[%get3A_376] {strides = array<i32>} : memref<2048xi32, #tpu.memory_space<vmem>>, vector<16xi32>,
      %swap3A_378 = arith.constant 16 : index
      %swap3A_379 = tpu.vector_load %arg24[%swap3A_378] {strides = array<i32>} : memref<32xi32, #tpu.memory_space<vmem>>, vector<16xi32>,
      tpu.vector_store %arg24[%swap3A_378], %get3A_377 {strides = array<i32>} : memref<32xi32, #tpu.memory_space<vmem>>, vector<16xi32>,
      %dma_start3A_380 = arith.constant 0 : i32
      %dma_start3A_381 = arith.constant 0 : i32
      %dma_start3A_382 = tpu.memref_slice %arg6[%dma_start3A_380, %dma_start3A_381] : memref<10000x128xf32, #tpu.memory_space<hbm>> -> memref<10000x128xf32, #tpu.memory_space<hbm>>
      tpu.enqueue_indirect_dma source(%dma_start3A_382 : memref<10000x128xf32, #tpu.memory_space<hbm>>) target(%arg28 : memref<32x128xf32, #tpu.memory_space<vmem>>) offsets(%arg20 : memref<32xi32, #tpu.memory_space<vmem>>) semaphore(%arg34 : memref<!tpu.dma_semaphore, #tpu.memory_space<semaphore_mem>>)
      %scan3A_383 = arith.constant 0 : i32
      %scan3A_384 = arith.constant 0 : i32
      %scan3A_385 = arith.constant 16 : i32
      %scan3A_386 = arith.addi %scan3A_384, %scan3A_385 : i32
      %scan3A_387 = arith.constant 1 : i32
      scf.for %scan3A_389 = %scan3A_384 to %scan3A_386 step %scan3A_387  : i32 {
        %mul3A_390 = arith.constant 4 : i32
        %mul3A_391 = arith.muli %mul3A_390, %scan3A_389 : i32
        %add3A_392 = arith.constant 0 : i32
        %add3A_393 = arith.addi %mul3A_391, %add3A_392 : i32
        %dma_wait3A_394 = arith.constant 0 : i32
        %dma_wait3A_395 = arith.constant 0 : i32
        %dma_wait3A_396 = tpu.memref_slice %arg6[%dma_wait3A_394, %dma_wait3A_395] : memref<10000x128xf32, #tpu.memory_space<hbm>> -> memref<10000x128xf32, #tpu.memory_space<hbm>>
        tpu.wait_indirect_dma semaphore(%arg33 : memref<!tpu.dma_semaphore, #tpu.memory_space<semaphore_mem>>) src(%dma_wait3A_396 : memref<10000x128xf32, #tpu.memory_space<hbm>>) dst(%arg27 : memref<32x128xf32, #tpu.memory_space<vmem>>)
        %parallel_loop3A = arith.constant 0 : i32
        %parallel_loop3A_397 = arith.constant 32 : i32
        %parallel_loop3A_398 = arith.constant 1 : i32
        scf.for %parallel_loop3A_501 = %parallel_loop3A to %parallel_loop3A_397 step %parallel_loop3A_398  : i32 {
          %parallel_loop3A_502 = arith.constant 1 : i32
          %parallel_loop3A_503 = vector.broadcast %parallel_loop3A_502 : i32 to vector<16xi32>
          %parallel_loop3A_504 = vector.broadcast %parallel_loop3A_501 : i32 to vector<16xi32>
          %parallel_loop3A_505 = arith.muli %parallel_loop3A_503, %parallel_loop3A_504 : vector<16xi32>
          %parallel_loop3A_506 = tpu.vector_load_idx %arg15[%parallel_loop3A_505] : memref<32xf32, #tpu.memory_space<vmem>>[vector<16xi32>], vector<16xf32>,
          %parallel_loop3A_507 = arith.index_cast %parallel_loop3A_501 : i32 to index
          %parallel_loop3A_508 = arith.constant 0 : index
          %parallel_loop3A_509 = tpu.vector_load %arg27[%parallel_loop3A_507, %parallel_loop3A_508] {strides = array<i32>} : memref<32x128xf32, #tpu.memory_space<vmem>>, vector<16xf32>,
          %parallel_loop3A_510 = arith.mulf %parallel_loop3A_509, %parallel_loop3A_506 : vector<16xf32>
          %parallel_loop3A_511 = arith.index_cast %parallel_loop3A_501 : i32 to index
          %parallel_loop3A_512 = arith.constant 0 : index
          %parallel_loop3A_513 = tpu.vector_load %arg27[%parallel_loop3A_511, %parallel_loop3A_512] {strides = array<i32>} : memref<32x128xf32, #tpu.memory_space<vmem>>, vector<16xf32>,
          tpu.vector_store %arg27[%parallel_loop3A_511, %parallel_loop3A_512], %parallel_loop3A_510 {strides = array<i32>} : memref<32x128xf32, #tpu.memory_space<vmem>>, vector<16xf32>,
          %parallel_loop3A_514 = arith.index_cast %parallel_loop3A_501 : i32 to index
          %parallel_loop3A_515 = arith.constant 16 : index
          %parallel_loop3A_516 = tpu.vector_load %arg27[%parallel_loop3A_514, %parallel_loop3A_515] {strides = array<i32>} : memref<32x128xf32, #tpu.memory_space<vmem>>, vector<16xf32>,
          %parallel_loop3A_517 = arith.mulf %parallel_loop3A_516, %parallel_loop3A_506 : vector<16xf32>
          %parallel_loop3A_518 = arith.index_cast %parallel_loop3A_501 : i32 to index
          %parallel_loop3A_519 = arith.constant 16 : index
          %parallel_loop3A_520 = tpu.vector_load %arg27[%parallel_loop3A_518, %parallel_loop3A_519] {strides = array<i32>} : memref<32x128xf32, #tpu.memory_space<vmem>>, vector<16xf32>,
          tpu.vector_store %arg27[%parallel_loop3A_518, %parallel_loop3A_519], %parallel_loop3A_517 {strides = array<i32>} : memref<32x128xf32, #tpu.memory_space<vmem>>, vector<16xf32>,
          %parallel_loop3A_521 = arith.index_cast %parallel_loop3A_501 : i32 to index
          %parallel_loop3A_522 = arith.constant 32 : index
          %parallel_loop3A_523 = tpu.vector_load %arg27[%parallel_loop3A_521, %parallel_loop3A_522] {strides = array<i32>} : memref<32x128xf32, #tpu.memory_space<vmem>>, vector<16xf32>,
          %parallel_loop3A_524 = arith.mulf %parallel_loop3A_523, %parallel_loop3A_506 : vector<16xf32>
          %parallel_loop3A_525 = arith.index_cast %parallel_loop3A_501 : i32 to index
          %parallel_loop3A_526 = arith.constant 32 : index
          %parallel_loop3A_527 = tpu.vector_load %arg27[%parallel_loop3A_525, %parallel_loop3A_526] {strides = array<i32>} : memref<32x128xf32, #tpu.memory_space<vmem>>, vector<16xf32>,
          tpu.vector_store %arg27[%parallel_loop3A_525, %parallel_loop3A_526], %parallel_loop3A_524 {strides = array<i32>} : memref<32x128xf32, #tpu.memory_space<vmem>>, vector<16xf32>,
          %parallel_loop3A_528 = arith.index_cast %parallel_loop3A_501 : i32 to index
          %parallel_loop3A_529 = arith.constant 48 : index
          %parallel_loop3A_530 = tpu.vector_load %arg27[%parallel_loop3A_528, %parallel_loop3A_529] {strides = array<i32>} : memref<32x128xf32, #tpu.memory_space<vmem>>, vector<16xf32>,
          %parallel_loop3A_531 = arith.mulf %parallel_loop3A_530, %parallel_loop3A_506 : vector<16xf32>
          %parallel_loop3A_532 = arith.index_cast %parallel_loop3A_501 : i32 to index
          %parallel_loop3A_533 = arith.constant 48 : index
          %parallel_loop3A_534 = tpu.vector_load %arg27[%parallel_loop3A_532, %parallel_loop3A_533] {strides = array<i32>} : memref<32x128xf32, #tpu.memory_space<vmem>>, vector<16xf32>,
          tpu.vector_store %arg27[%parallel_loop3A_532, %parallel_loop3A_533], %parallel_loop3A_531 {strides = array<i32>} : memref<32x128xf32, #tpu.memory_space<vmem>>, vector<16xf32>,
          %parallel_loop3A_535 = arith.index_cast %parallel_loop3A_501 : i32 to index
          %parallel_loop3A_536 = arith.constant 64 : index
          %parallel_loop3A_537 = tpu.vector_load %arg27[%parallel_loop3A_535, %parallel_loop3A_536] {strides = array<i32>} : memref<32x128xf32, #tpu.memory_space<vmem>>, vector<16xf32>,
          %parallel_loop3A_538 = arith.mulf %parallel_loop3A_537, %parallel_loop3A_506 : vector<16xf32>
          %parallel_loop3A_539 = arith.index_cast %parallel_loop3A_501 : i32 to index
          %parallel_loop3A_540 = arith.constant 64 : index
          %parallel_loop3A_541 = tpu.vector_load %arg27[%parallel_loop3A_539, %parallel_loop3A_540] {strides = array<i32>} : memref<32x128xf32, #tpu.memory_space<vmem>>, vector<16xf32>,
          tpu.vector_store %arg27[%parallel_loop3A_539, %parallel_loop3A_540], %parallel_loop3A_538 {strides = array<i32>} : memref<32x128xf32, #tpu.memory_space<vmem>>, vector<16xf32>,
          %parallel_loop3A_542 = arith.index_cast %parallel_loop3A_501 : i32 to index
          %parallel_loop3A_543 = arith.constant 80 : index
          %parallel_loop3A_544 = tpu.vector_load %arg27[%parallel_loop3A_542, %parallel_loop3A_543] {strides = array<i32>} : memref<32x128xf32, #tpu.memory_space<vmem>>, vector<16xf32>,
          %parallel_loop3A_545 = arith.mulf %parallel_loop3A_544, %parallel_loop3A_506 : vector<16xf32>
          %parallel_loop3A_546 = arith.index_cast %parallel_loop3A_501 : i32 to index
          %parallel_loop3A_547 = arith.constant 80 : index
          %parallel_loop3A_548 = tpu.vector_load %arg27[%parallel_loop3A_546, %parallel_loop3A_547] {strides = array<i32>} : memref<32x128xf32, #tpu.memory_space<vmem>>, vector<16xf32>,
          tpu.vector_store %arg27[%parallel_loop3A_546, %parallel_loop3A_547], %parallel_loop3A_545 {strides = array<i32>} : memref<32x128xf32, #tpu.memory_space<vmem>>, vector<16xf32>,
          %parallel_loop3A_549 = arith.index_cast %parallel_loop3A_501 : i32 to index
          %parallel_loop3A_550 = arith.constant 96 : index
          %parallel_loop3A_551 = tpu.vector_load %arg27[%parallel_loop3A_549, %parallel_loop3A_550] {strides = array<i32>} : memref<32x128xf32, #tpu.memory_space<vmem>>, vector<16xf32>,
          %parallel_loop3A_552 = arith.mulf %parallel_loop3A_551, %parallel_loop3A_506 : vector<16xf32>
          %parallel_loop3A_553 = arith.index_cast %parallel_loop3A_501 : i32 to index
          %parallel_loop3A_554 = arith.constant 96 : index
          %parallel_loop3A_555 = tpu.vector_load %arg27[%parallel_loop3A_553, %parallel_loop3A_554] {strides = array<i32>} : memref<32x128xf32, #tpu.memory_space<vmem>>, vector<16xf32>,
          tpu.vector_store %arg27[%parallel_loop3A_553, %parallel_loop3A_554], %parallel_loop3A_552 {strides = array<i32>} : memref<32x128xf32, #tpu.memory_space<vmem>>, vector<16xf32>,
          %parallel_loop3A_556 = arith.index_cast %parallel_loop3A_501 : i32 to index
          %parallel_loop3A_557 = arith.constant 112 : index
          %parallel_loop3A_558 = tpu.vector_load %arg27[%parallel_loop3A_556, %parallel_loop3A_557] {strides = array<i32>} : memref<32x128xf32, #tpu.memory_space<vmem>>, vector<16xf32>,
          %parallel_loop3A_559 = arith.mulf %parallel_loop3A_558, %parallel_loop3A_506 : vector<16xf32>
          %parallel_loop3A_560 = arith.index_cast %parallel_loop3A_501 : i32 to index
          %parallel_loop3A_561 = arith.constant 112 : index
          %parallel_loop3A_562 = tpu.vector_load %arg27[%parallel_loop3A_560, %parallel_loop3A_561] {strides = array<i32>} : memref<32x128xf32, #tpu.memory_space<vmem>>, vector<16xf32>,
          tpu.vector_store %arg27[%parallel_loop3A_560, %parallel_loop3A_561], %parallel_loop3A_559 {strides = array<i32>} : memref<32x128xf32, #tpu.memory_space<vmem>>, vector<16xf32>,
        } {sc.loop_unroll_factor = 4 : i64, sc.parallel_access}
        %dma_start3A_399 = arith.constant 0 : i32
        %dma_start3A_400 = arith.constant 0 : i32
        %dma_start3A_401 = tpu.memref_slice %arg32[%dma_start3A_399, %dma_start3A_400] : memref<10240x128xf32, #tpu.memory_space<vmem_shared>> -> memref<10240x128xf32, #tpu.memory_space<vmem_shared>>
        tpu.enqueue_indirect_dma source(%arg27 : memref<32x128xf32, #tpu.memory_space<vmem>>) target(%dma_start3A_401 : memref<10240x128xf32, #tpu.memory_space<vmem_shared>>) offsets(%arg23 : memref<32xi32, #tpu.memory_space<vmem>>) semaphore(%arg37 : memref<!tpu.dma_semaphore, #tpu.memory_space<semaphore_mem>>) {add = true}
        %add3A_402 = arith.constant 2 : i32
        %add3A_403 = arith.addi %add3A_393, %add3A_402 : i32
        %lt3A = arith.constant 64 : i32
        %lt3A_404 = arith.cmpi slt, %add3A_403, %lt3A : i32
        %gt3A_405 = arith.constant 0 : i32
        %gt3A_406 = arith.cmpi sgt, %scan3A_266, %gt3A_405 : i32
        %ge3A = arith.constant 2 : i32
        %ge3A_407 = arith.cmpi sge, %add3A_393, %ge3A : i32
        %or3A = arith.ori %gt3A_406, %ge3A_407 : i1
        %and3A = arith.andi %lt3A_404, %or3A : i1
        %convert_element_type3A_408 = arith.extui %and3A : i1 to i32
        %cond3A_409 = arith.constant 0 : i32
        %cond3A_410 = arith.cmpi ne, %convert_element_type3A_408, %cond3A_409 : i32
        scf.if %cond3A_410 {
          %dma_wait3A_501 = arith.constant 0 : i32
          %dma_wait3A_502 = arith.constant 0 : i32
          %dma_wait3A_503 = tpu.memref_slice %arg32[%dma_wait3A_501, %dma_wait3A_502] : memref<10240x128xf32, #tpu.memory_space<vmem_shared>> -> memref<10240x128xf32, #tpu.memory_space<vmem_shared>>
          tpu.wait_indirect_dma semaphore(%arg39 : memref<!tpu.dma_semaphore, #tpu.memory_space<semaphore_mem>>) src(%arg29 : memref<32x128xf32, #tpu.memory_space<vmem>>) dst(%dma_wait3A_503 : memref<10240x128xf32, #tpu.memory_space<vmem_shared>>)
        } else {
        }
        %convert_element_type3A_411 = arith.extui %lt3A_404 : i1 to i32
        %cond3A_412 = arith.constant 0 : i32
        %cond3A_413 = arith.cmpi ne, %convert_element_type3A_411, %cond3A_412 : i32
        scf.if %cond3A_413 {
          %add3A_501 = arith.constant 2 : i32
          %add3A_502 = arith.addi %add3A_393, %add3A_501 : i32
          %mul3A_503 = arith.constant 32 : i32
          %mul3A_504 = arith.muli %add3A_502, %mul3A_503 : i32
          %multiple_of3A_505 = tpu.assume_multiple %mul3A_504, 8 : i32
          %add3A_506 = arith.constant 0 : i32
          %add3A_507 = arith.addi %multiple_of3A_505, %add3A_506 : i32
          %get3A_508 = arith.index_cast %add3A_507 : i32 to index
          %get3A_509 = tpu.vector_load %arg10[%get3A_508] {strides = array<i32>} : memref<2048xi32, #tpu.memory_space<vmem>>, vector<16xi32>,
          %swap3A_510 = arith.constant 0 : index
          %swap3A_511 = tpu.vector_load %arg21[%swap3A_510] {strides = array<i32>} : memref<32xi32, #tpu.memory_space<vmem>>, vector<16xi32>,
          tpu.vector_store %arg21[%swap3A_510], %get3A_509 {strides = array<i32>} : memref<32xi32, #tpu.memory_space<vmem>>, vector<16xi32>,
          %gather3A_512 = tpu.vector_load_idx %arg9[%get3A_509] : memref<10000xi32, #tpu.memory_space<vmem>>[vector<16xi32>], vector<16xi32>,
          %gather3A_513 = tpu.vector_load_idx %arg14[%gather3A_512] : memref<16xf32, #tpu.memory_space<vmem>>[vector<16xi32>], vector<16xf32>,
          %add3A_514 = arith.constant 0 : i32
          %add3A_515 = arith.addi %multiple_of3A_505, %add3A_514 : i32
          %get3A_516 = arith.index_cast %add3A_515 : i32 to index
          %get3A_517 = tpu.vector_load %arg12[%get3A_516] {strides = array<i32>} : memref<2048xf32, #tpu.memory_space<vmem>>, vector<16xf32>,
          %sub3A_518 = arith.subf %get3A_517, %gather3A_513 : vector<16xf32>
          %mul3A_519 = arith.mulf %sub3A_518, %sub3A_518 : vector<16xf32>
          %mul3A_520 = arith.constant -0.999998986 : f32
          %mul3A_521 = vector.broadcast %mul3A_520 : f32 to vector<16xf32>
          %mul3A_522 = arith.mulf %mul3A_519, %mul3A_521 : vector<16xf32>
          %exp3A_523 = math.exp %mul3A_522 : vector<16xf32>
          %swap3A_524 = arith.constant 0 : index
          %swap3A_525 = tpu.vector_load %arg17[%swap3A_524] {strides = array<i32>} : memref<32xf32, #tpu.memory_space<vmem>>, vector<16xf32>,
          tpu.vector_store %arg17[%swap3A_524], %exp3A_523 {strides = array<i32>} : memref<32xf32, #tpu.memory_space<vmem>>, vector<16xf32>,
          %add3A_526 = arith.constant 0 : i32
          %add3A_527 = arith.addi %multiple_of3A_505, %add3A_526 : i32
          %get3A_528 = arith.index_cast %add3A_527 : i32 to index
          %get3A_529 = tpu.vector_load %arg11[%get3A_528] {strides = array<i32>} : memref<2048xi32, #tpu.memory_space<vmem>>, vector<16xi32>,
          %swap3A_530 = arith.constant 0 : index
          %swap3A_531 = tpu.vector_load %arg25[%swap3A_530] {strides = array<i32>} : memref<32xi32, #tpu.memory_space<vmem>>, vector<16xi32>,
          tpu.vector_store %arg25[%swap3A_530], %get3A_529 {strides = array<i32>} : memref<32xi32, #tpu.memory_space<vmem>>, vector<16xi32>,
          %add3A_532 = arith.constant 16 : i32
          %add3A_533 = arith.addi %multiple_of3A_505, %add3A_532 : i32
          %get3A_534 = arith.index_cast %add3A_533 : i32 to index
          %get3A_535 = tpu.vector_load %arg10[%get3A_534] {strides = array<i32>} : memref<2048xi32, #tpu.memory_space<vmem>>, vector<16xi32>,
          %swap3A_536 = arith.constant 16 : index
          %swap3A_537 = tpu.vector_load %arg21[%swap3A_536] {strides = array<i32>} : memref<32xi32, #tpu.memory_space<vmem>>, vector<16xi32>,
          tpu.vector_store %arg21[%swap3A_536], %get3A_535 {strides = array<i32>} : memref<32xi32, #tpu.memory_space<vmem>>, vector<16xi32>,
          %gather3A_538 = tpu.vector_load_idx %arg9[%get3A_535] : memref<10000xi32, #tpu.memory_space<vmem>>[vector<16xi32>], vector<16xi32>,
          %gather3A_539 = tpu.vector_load_idx %arg14[%gather3A_538] : memref<16xf32, #tpu.memory_space<vmem>>[vector<16xi32>], vector<16xf32>,
          %add3A_540 = arith.constant 16 : i32
          %add3A_541 = arith.addi %multiple_of3A_505, %add3A_540 : i32
          %get3A_542 = arith.index_cast %add3A_541 : i32 to index
          %get3A_543 = tpu.vector_load %arg12[%get3A_542] {strides = array<i32>} : memref<2048xf32, #tpu.memory_space<vmem>>, vector<16xf32>,
          %sub3A_544 = arith.subf %get3A_543, %gather3A_539 : vector<16xf32>
          %mul3A_545 = arith.mulf %sub3A_544, %sub3A_544 : vector<16xf32>
          %mul3A_546 = arith.constant -0.999998986 : f32
          %mul3A_547 = vector.broadcast %mul3A_546 : f32 to vector<16xf32>
          %mul3A_548 = arith.mulf %mul3A_545, %mul3A_547 : vector<16xf32>
          %exp3A_549 = math.exp %mul3A_548 : vector<16xf32>
          %swap3A_550 = arith.constant 16 : index
          %swap3A_551 = tpu.vector_load %arg17[%swap3A_550] {strides = array<i32>} : memref<32xf32, #tpu.memory_space<vmem>>, vector<16xf32>,
          tpu.vector_store %arg17[%swap3A_550], %exp3A_549 {strides = array<i32>} : memref<32xf32, #tpu.memory_space<vmem>>, vector<16xf32>,
          %add3A_552 = arith.constant 16 : i32
          %add3A_553 = arith.addi %multiple_of3A_505, %add3A_552 : i32
          %get3A_554 = arith.index_cast %add3A_553 : i32 to index
          %get3A_555 = tpu.vector_load %arg11[%get3A_554] {strides = array<i32>} : memref<2048xi32, #tpu.memory_space<vmem>>, vector<16xi32>,
          %swap3A_556 = arith.constant 16 : index
          %swap3A_557 = tpu.vector_load %arg25[%swap3A_556] {strides = array<i32>} : memref<32xi32, #tpu.memory_space<vmem>>, vector<16xi32>,
          tpu.vector_store %arg25[%swap3A_556], %get3A_555 {strides = array<i32>} : memref<32xi32, #tpu.memory_space<vmem>>, vector<16xi32>,
          %dma_start3A_558 = arith.constant 0 : i32
          %dma_start3A_559 = arith.constant 0 : i32
          %dma_start3A_560 = tpu.memref_slice %arg6[%dma_start3A_558, %dma_start3A_559] : memref<10000x128xf32, #tpu.memory_space<hbm>> -> memref<10000x128xf32, #tpu.memory_space<hbm>>
          tpu.enqueue_indirect_dma source(%dma_start3A_560 : memref<10000x128xf32, #tpu.memory_space<hbm>>) target(%arg29 : memref<32x128xf32, #tpu.memory_space<vmem>>) offsets(%arg21 : memref<32xi32, #tpu.memory_space<vmem>>) semaphore(%arg35 : memref<!tpu.dma_semaphore, #tpu.memory_space<semaphore_mem>>)
        } else {
        }
        %mul3A_414 = arith.constant 4 : i32
        %mul3A_415 = arith.muli %mul3A_414, %scan3A_389 : i32
        %add3A_416 = arith.constant 1 : i32
        %add3A_417 = arith.addi %mul3A_415, %add3A_416 : i32
        %dma_wait3A_418 = arith.constant 0 : i32
        %dma_wait3A_419 = arith.constant 0 : i32
        %dma_wait3A_420 = tpu.memref_slice %arg6[%dma_wait3A_418, %dma_wait3A_419] : memref<10000x128xf32, #tpu.memory_space<hbm>> -> memref<10000x128xf32, #tpu.memory_space<hbm>>
        tpu.wait_indirect_dma semaphore(%arg34 : memref<!tpu.dma_semaphore, #tpu.memory_space<semaphore_mem>>) src(%dma_wait3A_420 : memref<10000x128xf32, #tpu.memory_space<hbm>>) dst(%arg28 : memref<32x128xf32, #tpu.memory_space<vmem>>)
        %parallel_loop3A_421 = arith.constant 0 : i32
        %parallel_loop3A_422 = arith.constant 32 : i32
        %parallel_loop3A_423 = arith.constant 1 : i32
        scf.for %parallel_loop3A_501 = %parallel_loop3A_421 to %parallel_loop3A_422 step %parallel_loop3A_423  : i32 {
          %parallel_loop3A_502 = arith.constant 1 : i32
          %parallel_loop3A_503 = vector.broadcast %parallel_loop3A_502 : i32 to vector<16xi32>
          %parallel_loop3A_504 = vector.broadcast %parallel_loop3A_501 : i32 to vector<16xi32>
          %parallel_loop3A_505 = arith.muli %parallel_loop3A_503, %parallel_loop3A_504 : vector<16xi32>
          %parallel_loop3A_506 = tpu.vector_load_idx %arg16[%parallel_loop3A_505] : memref<32xf32, #tpu.memory_space<vmem>>[vector<16xi32>], vector<16xf32>,
          %parallel_loop3A_507 = arith.index_cast %parallel_loop3A_501 : i32 to index
          %parallel_loop3A_508 = arith.constant 0 : index
          %parallel_loop3A_509 = tpu.vector_load %arg28[%parallel_loop3A_507, %parallel_loop3A_508] {strides = array<i32>} : memref<32x128xf32, #tpu.memory_space<vmem>>, vector<16xf32>,
          %parallel_loop3A_510 = arith.mulf %parallel_loop3A_509, %parallel_loop3A_506 : vector<16xf32>
          %parallel_loop3A_511 = arith.index_cast %parallel_loop3A_501 : i32 to index
          %parallel_loop3A_512 = arith.constant 0 : index
          %parallel_loop3A_513 = tpu.vector_load %arg28[%parallel_loop3A_511, %parallel_loop3A_512] {strides = array<i32>} : memref<32x128xf32, #tpu.memory_space<vmem>>, vector<16xf32>,
          tpu.vector_store %arg28[%parallel_loop3A_511, %parallel_loop3A_512], %parallel_loop3A_510 {strides = array<i32>} : memref<32x128xf32, #tpu.memory_space<vmem>>, vector<16xf32>,
          %parallel_loop3A_514 = arith.index_cast %parallel_loop3A_501 : i32 to index
          %parallel_loop3A_515 = arith.constant 16 : index
          %parallel_loop3A_516 = tpu.vector_load %arg28[%parallel_loop3A_514, %parallel_loop3A_515] {strides = array<i32>} : memref<32x128xf32, #tpu.memory_space<vmem>>, vector<16xf32>,
          %parallel_loop3A_517 = arith.mulf %parallel_loop3A_516, %parallel_loop3A_506 : vector<16xf32>
          %parallel_loop3A_518 = arith.index_cast %parallel_loop3A_501 : i32 to index
          %parallel_loop3A_519 = arith.constant 16 : index
          %parallel_loop3A_520 = tpu.vector_load %arg28[%parallel_loop3A_518, %parallel_loop3A_519] {strides = array<i32>} : memref<32x128xf32, #tpu.memory_space<vmem>>, vector<16xf32>,
          tpu.vector_store %arg28[%parallel_loop3A_518, %parallel_loop3A_519], %parallel_loop3A_517 {strides = array<i32>} : memref<32x128xf32, #tpu.memory_space<vmem>>, vector<16xf32>,
          %parallel_loop3A_521 = arith.index_cast %parallel_loop3A_501 : i32 to index
          %parallel_loop3A_522 = arith.constant 32 : index
          %parallel_loop3A_523 = tpu.vector_load %arg28[%parallel_loop3A_521, %parallel_loop3A_522] {strides = array<i32>} : memref<32x128xf32, #tpu.memory_space<vmem>>, vector<16xf32>,
          %parallel_loop3A_524 = arith.mulf %parallel_loop3A_523, %parallel_loop3A_506 : vector<16xf32>
          %parallel_loop3A_525 = arith.index_cast %parallel_loop3A_501 : i32 to index
          %parallel_loop3A_526 = arith.constant 32 : index
          %parallel_loop3A_527 = tpu.vector_load %arg28[%parallel_loop3A_525, %parallel_loop3A_526] {strides = array<i32>} : memref<32x128xf32, #tpu.memory_space<vmem>>, vector<16xf32>,
          tpu.vector_store %arg28[%parallel_loop3A_525, %parallel_loop3A_526], %parallel_loop3A_524 {strides = array<i32>} : memref<32x128xf32, #tpu.memory_space<vmem>>, vector<16xf32>,
          %parallel_loop3A_528 = arith.index_cast %parallel_loop3A_501 : i32 to index
          %parallel_loop3A_529 = arith.constant 48 : index
          %parallel_loop3A_530 = tpu.vector_load %arg28[%parallel_loop3A_528, %parallel_loop3A_529] {strides = array<i32>} : memref<32x128xf32, #tpu.memory_space<vmem>>, vector<16xf32>,
          %parallel_loop3A_531 = arith.mulf %parallel_loop3A_530, %parallel_loop3A_506 : vector<16xf32>
          %parallel_loop3A_532 = arith.index_cast %parallel_loop3A_501 : i32 to index
          %parallel_loop3A_533 = arith.constant 48 : index
          %parallel_loop3A_534 = tpu.vector_load %arg28[%parallel_loop3A_532, %parallel_loop3A_533] {strides = array<i32>} : memref<32x128xf32, #tpu.memory_space<vmem>>, vector<16xf32>,
          tpu.vector_store %arg28[%parallel_loop3A_532, %parallel_loop3A_533], %parallel_loop3A_531 {strides = array<i32>} : memref<32x128xf32, #tpu.memory_space<vmem>>, vector<16xf32>,
          %parallel_loop3A_535 = arith.index_cast %parallel_loop3A_501 : i32 to index
          %parallel_loop3A_536 = arith.constant 64 : index
          %parallel_loop3A_537 = tpu.vector_load %arg28[%parallel_loop3A_535, %parallel_loop3A_536] {strides = array<i32>} : memref<32x128xf32, #tpu.memory_space<vmem>>, vector<16xf32>,
          %parallel_loop3A_538 = arith.mulf %parallel_loop3A_537, %parallel_loop3A_506 : vector<16xf32>
          %parallel_loop3A_539 = arith.index_cast %parallel_loop3A_501 : i32 to index
          %parallel_loop3A_540 = arith.constant 64 : index
          %parallel_loop3A_541 = tpu.vector_load %arg28[%parallel_loop3A_539, %parallel_loop3A_540] {strides = array<i32>} : memref<32x128xf32, #tpu.memory_space<vmem>>, vector<16xf32>,
          tpu.vector_store %arg28[%parallel_loop3A_539, %parallel_loop3A_540], %parallel_loop3A_538 {strides = array<i32>} : memref<32x128xf32, #tpu.memory_space<vmem>>, vector<16xf32>,
          %parallel_loop3A_542 = arith.index_cast %parallel_loop3A_501 : i32 to index
          %parallel_loop3A_543 = arith.constant 80 : index
          %parallel_loop3A_544 = tpu.vector_load %arg28[%parallel_loop3A_542, %parallel_loop3A_543] {strides = array<i32>} : memref<32x128xf32, #tpu.memory_space<vmem>>, vector<16xf32>,
          %parallel_loop3A_545 = arith.mulf %parallel_loop3A_544, %parallel_loop3A_506 : vector<16xf32>
          %parallel_loop3A_546 = arith.index_cast %parallel_loop3A_501 : i32 to index
          %parallel_loop3A_547 = arith.constant 80 : index
          %parallel_loop3A_548 = tpu.vector_load %arg28[%parallel_loop3A_546, %parallel_loop3A_547] {strides = array<i32>} : memref<32x128xf32, #tpu.memory_space<vmem>>, vector<16xf32>,
          tpu.vector_store %arg28[%parallel_loop3A_546, %parallel_loop3A_547], %parallel_loop3A_545 {strides = array<i32>} : memref<32x128xf32, #tpu.memory_space<vmem>>, vector<16xf32>,
          %parallel_loop3A_549 = arith.index_cast %parallel_loop3A_501 : i32 to index
          %parallel_loop3A_550 = arith.constant 96 : index
          %parallel_loop3A_551 = tpu.vector_load %arg28[%parallel_loop3A_549, %parallel_loop3A_550] {strides = array<i32>} : memref<32x128xf32, #tpu.memory_space<vmem>>, vector<16xf32>,
          %parallel_loop3A_552 = arith.mulf %parallel_loop3A_551, %parallel_loop3A_506 : vector<16xf32>
          %parallel_loop3A_553 = arith.index_cast %parallel_loop3A_501 : i32 to index
          %parallel_loop3A_554 = arith.constant 96 : index
          %parallel_loop3A_555 = tpu.vector_load %arg28[%parallel_loop3A_553, %parallel_loop3A_554] {strides = array<i32>} : memref<32x128xf32, #tpu.memory_space<vmem>>, vector<16xf32>,
          tpu.vector_store %arg28[%parallel_loop3A_553, %parallel_loop3A_554], %parallel_loop3A_552 {strides = array<i32>} : memref<32x128xf32, #tpu.memory_space<vmem>>, vector<16xf32>,
          %parallel_loop3A_556 = arith.index_cast %parallel_loop3A_501 : i32 to index
          %parallel_loop3A_557 = arith.constant 112 : index
          %parallel_loop3A_558 = tpu.vector_load %arg28[%parallel_loop3A_556, %parallel_loop3A_557] {strides = array<i32>} : memref<32x128xf32, #tpu.memory_space<vmem>>, vector<16xf32>,
          %parallel_loop3A_559 = arith.mulf %parallel_loop3A_558, %parallel_loop3A_506 : vector<16xf32>
          %parallel_loop3A_560 = arith.index_cast %parallel_loop3A_501 : i32 to index
          %parallel_loop3A_561 = arith.constant 112 : index
          %parallel_loop3A_562 = tpu.vector_load %arg28[%parallel_loop3A_560, %parallel_loop3A_561] {strides = array<i32>} : memref<32x128xf32, #tpu.memory_space<vmem>>, vector<16xf32>,
          tpu.vector_store %arg28[%parallel_loop3A_560, %parallel_loop3A_561], %parallel_loop3A_559 {strides = array<i32>} : memref<32x128xf32, #tpu.memory_space<vmem>>, vector<16xf32>,
        } {sc.loop_unroll_factor = 4 : i64, sc.parallel_access}
        %dma_start3A_424 = arith.constant 0 : i32
        %dma_start3A_425 = arith.constant 0 : i32
        %dma_start3A_426 = tpu.memref_slice %arg32[%dma_start3A_424, %dma_start3A_425] : memref<10240x128xf32, #tpu.memory_space<vmem_shared>> -> memref<10240x128xf32, #tpu.memory_space<vmem_shared>>
        tpu.enqueue_indirect_dma source(%arg28 : memref<32x128xf32, #tpu.memory_space<vmem>>) target(%dma_start3A_426 : memref<10240x128xf32, #tpu.memory_space<vmem_shared>>) offsets(%arg24 : memref<32xi32, #tpu.memory_space<vmem>>) semaphore(%arg38 : memref<!tpu.dma_semaphore, #tpu.memory_space<semaphore_mem>>) {add = true}
        %add3A_427 = arith.constant 2 : i32
        %add3A_428 = arith.addi %add3A_417, %add3A_427 : i32
        %lt3A_429 = arith.constant 64 : i32
        %lt3A_430 = arith.cmpi slt, %add3A_428, %lt3A_429 : i32
        %gt3A_431 = arith.constant 0 : i32
        %gt3A_432 = arith.cmpi sgt, %scan3A_266, %gt3A_431 : i32
        %ge3A_433 = arith.constant 2 : i32
        %ge3A_434 = arith.cmpi sge, %add3A_417, %ge3A_433 : i32
        %or3A_435 = arith.ori %gt3A_432, %ge3A_434 : i1
        %and3A_436 = arith.andi %lt3A_430, %or3A_435 : i1
        %convert_element_type3A_437 = arith.extui %and3A_436 : i1 to i32
        %cond3A_438 = arith.constant 0 : i32
        %cond3A_439 = arith.cmpi ne, %convert_element_type3A_437, %cond3A_438 : i32
        scf.if %cond3A_439 {
          %dma_wait3A_501 = arith.constant 0 : i32
          %dma_wait3A_502 = arith.constant 0 : i32
          %dma_wait3A_503 = tpu.memref_slice %arg32[%dma_wait3A_501, %dma_wait3A_502] : memref<10240x128xf32, #tpu.memory_space<vmem_shared>> -> memref<10240x128xf32, #tpu.memory_space<vmem_shared>>
          tpu.wait_indirect_dma semaphore(%arg40 : memref<!tpu.dma_semaphore, #tpu.memory_space<semaphore_mem>>) src(%arg30 : memref<32x128xf32, #tpu.memory_space<vmem>>) dst(%dma_wait3A_503 : memref<10240x128xf32, #tpu.memory_space<vmem_shared>>)
        } else {
        }
        %convert_element_type3A_440 = arith.extui %lt3A_430 : i1 to i32
        %cond3A_441 = arith.constant 0 : i32
        %cond3A_442 = arith.cmpi ne, %convert_element_type3A_440, %cond3A_441 : i32
        scf.if %cond3A_442 {
          %add3A_501 = arith.constant 2 : i32
          %add3A_502 = arith.addi %add3A_417, %add3A_501 : i32
          %mul3A_503 = arith.constant 32 : i32
          %mul3A_504 = arith.muli %add3A_502, %mul3A_503 : i32
          %multiple_of3A_505 = tpu.assume_multiple %mul3A_504, 8 : i32
          %add3A_506 = arith.constant 0 : i32
          %add3A_507 = arith.addi %multiple_of3A_505, %add3A_506 : i32
          %get3A_508 = arith.index_cast %add3A_507 : i32 to index
          %get3A_509 = tpu.vector_load %arg10[%get3A_508] {strides = array<i32>} : memref<2048xi32, #tpu.memory_space<vmem>>, vector<16xi32>,
          %swap3A_510 = arith.constant 0 : index
          %swap3A_511 = tpu.vector_load %arg22[%swap3A_510] {strides = array<i32>} : memref<32xi32, #tpu.memory_space<vmem>>, vector<16xi32>,
          tpu.vector_store %arg22[%swap3A_510], %get3A_509 {strides = array<i32>} : memref<32xi32, #tpu.memory_space<vmem>>, vector<16xi32>,
          %gather3A_512 = tpu.vector_load_idx %arg9[%get3A_509] : memref<10000xi32, #tpu.memory_space<vmem>>[vector<16xi32>], vector<16xi32>,
          %gather3A_513 = tpu.vector_load_idx %arg14[%gather3A_512] : memref<16xf32, #tpu.memory_space<vmem>>[vector<16xi32>], vector<16xf32>,
          %add3A_514 = arith.constant 0 : i32
          %add3A_515 = arith.addi %multiple_of3A_505, %add3A_514 : i32
          %get3A_516 = arith.index_cast %add3A_515 : i32 to index
          %get3A_517 = tpu.vector_load %arg12[%get3A_516] {strides = array<i32>} : memref<2048xf32, #tpu.memory_space<vmem>>, vector<16xf32>,
          %sub3A_518 = arith.subf %get3A_517, %gather3A_513 : vector<16xf32>
          %mul3A_519 = arith.mulf %sub3A_518, %sub3A_518 : vector<16xf32>
          %mul3A_520 = arith.constant -0.999998986 : f32
          %mul3A_521 = vector.broadcast %mul3A_520 : f32 to vector<16xf32>
          %mul3A_522 = arith.mulf %mul3A_519, %mul3A_521 : vector<16xf32>
          %exp3A_523 = math.exp %mul3A_522 : vector<16xf32>
          %swap3A_524 = arith.constant 0 : index
          %swap3A_525 = tpu.vector_load %arg18[%swap3A_524] {strides = array<i32>} : memref<32xf32, #tpu.memory_space<vmem>>, vector<16xf32>,
          tpu.vector_store %arg18[%swap3A_524], %exp3A_523 {strides = array<i32>} : memref<32xf32, #tpu.memory_space<vmem>>, vector<16xf32>,
          %add3A_526 = arith.constant 0 : i32
          %add3A_527 = arith.addi %multiple_of3A_505, %add3A_526 : i32
          %get3A_528 = arith.index_cast %add3A_527 : i32 to index
          %get3A_529 = tpu.vector_load %arg11[%get3A_528] {strides = array<i32>} : memref<2048xi32, #tpu.memory_space<vmem>>, vector<16xi32>,
          %swap3A_530 = arith.constant 0 : index
          %swap3A_531 = tpu.vector_load %arg26[%swap3A_530] {strides = array<i32>} : memref<32xi32, #tpu.memory_space<vmem>>, vector<16xi32>,
          tpu.vector_store %arg26[%swap3A_530], %get3A_529 {strides = array<i32>} : memref<32xi32, #tpu.memory_space<vmem>>, vector<16xi32>,
          %add3A_532 = arith.constant 16 : i32
          %add3A_533 = arith.addi %multiple_of3A_505, %add3A_532 : i32
          %get3A_534 = arith.index_cast %add3A_533 : i32 to index
          %get3A_535 = tpu.vector_load %arg10[%get3A_534] {strides = array<i32>} : memref<2048xi32, #tpu.memory_space<vmem>>, vector<16xi32>,
          %swap3A_536 = arith.constant 16 : index
          %swap3A_537 = tpu.vector_load %arg22[%swap3A_536] {strides = array<i32>} : memref<32xi32, #tpu.memory_space<vmem>>, vector<16xi32>,
          tpu.vector_store %arg22[%swap3A_536], %get3A_535 {strides = array<i32>} : memref<32xi32, #tpu.memory_space<vmem>>, vector<16xi32>,
          %gather3A_538 = tpu.vector_load_idx %arg9[%get3A_535] : memref<10000xi32, #tpu.memory_space<vmem>>[vector<16xi32>], vector<16xi32>,
          %gather3A_539 = tpu.vector_load_idx %arg14[%gather3A_538] : memref<16xf32, #tpu.memory_space<vmem>>[vector<16xi32>], vector<16xf32>,
          %add3A_540 = arith.constant 16 : i32
          %add3A_541 = arith.addi %multiple_of3A_505, %add3A_540 : i32
          %get3A_542 = arith.index_cast %add3A_541 : i32 to index
          %get3A_543 = tpu.vector_load %arg12[%get3A_542] {strides = array<i32>} : memref<2048xf32, #tpu.memory_space<vmem>>, vector<16xf32>,
          %sub3A_544 = arith.subf %get3A_543, %gather3A_539 : vector<16xf32>
          %mul3A_545 = arith.mulf %sub3A_544, %sub3A_544 : vector<16xf32>
          %mul3A_546 = arith.constant -0.999998986 : f32
          %mul3A_547 = vector.broadcast %mul3A_546 : f32 to vector<16xf32>
          %mul3A_548 = arith.mulf %mul3A_545, %mul3A_547 : vector<16xf32>
          %exp3A_549 = math.exp %mul3A_548 : vector<16xf32>
          %swap3A_550 = arith.constant 16 : index
          %swap3A_551 = tpu.vector_load %arg18[%swap3A_550] {strides = array<i32>} : memref<32xf32, #tpu.memory_space<vmem>>, vector<16xf32>,
          tpu.vector_store %arg18[%swap3A_550], %exp3A_549 {strides = array<i32>} : memref<32xf32, #tpu.memory_space<vmem>>, vector<16xf32>,
          %add3A_552 = arith.constant 16 : i32
          %add3A_553 = arith.addi %multiple_of3A_505, %add3A_552 : i32
          %get3A_554 = arith.index_cast %add3A_553 : i32 to index
          %get3A_555 = tpu.vector_load %arg11[%get3A_554] {strides = array<i32>} : memref<2048xi32, #tpu.memory_space<vmem>>, vector<16xi32>,
          %swap3A_556 = arith.constant 16 : index
          %swap3A_557 = tpu.vector_load %arg26[%swap3A_556] {strides = array<i32>} : memref<32xi32, #tpu.memory_space<vmem>>, vector<16xi32>,
          tpu.vector_store %arg26[%swap3A_556], %get3A_555 {strides = array<i32>} : memref<32xi32, #tpu.memory_space<vmem>>, vector<16xi32>,
          %dma_start3A_558 = arith.constant 0 : i32
          %dma_start3A_559 = arith.constant 0 : i32
          %dma_start3A_560 = tpu.memref_slice %arg6[%dma_start3A_558, %dma_start3A_559] : memref<10000x128xf32, #tpu.memory_space<hbm>> -> memref<10000x128xf32, #tpu.memory_space<hbm>>
          tpu.enqueue_indirect_dma source(%dma_start3A_560 : memref<10000x128xf32, #tpu.memory_space<hbm>>) target(%arg30 : memref<32x128xf32, #tpu.memory_space<vmem>>) offsets(%arg22 : memref<32xi32, #tpu.memory_space<vmem>>) semaphore(%arg36 : memref<!tpu.dma_semaphore, #tpu.memory_space<semaphore_mem>>)
        } else {
        }
        %mul3A_443 = arith.constant 4 : i32
        %mul3A_444 = arith.muli %mul3A_443, %scan3A_389 : i32
        %add3A_445 = arith.constant 2 : i32
        %add3A_446 = arith.addi %mul3A_444, %add3A_445 : i32
        %dma_wait3A_447 = arith.constant 0 : i32
        %dma_wait3A_448 = arith.constant 0 : i32
        %dma_wait3A_449 = tpu.memref_slice %arg6[%dma_wait3A_447, %dma_wait3A_448] : memref<10000x128xf32, #tpu.memory_space<hbm>> -> memref<10000x128xf32, #tpu.memory_space<hbm>>
        tpu.wait_indirect_dma semaphore(%arg35 : memref<!tpu.dma_semaphore, #tpu.memory_space<semaphore_mem>>) src(%dma_wait3A_449 : memref<10000x128xf32, #tpu.memory_space<hbm>>) dst(%arg29 : memref<32x128xf32, #tpu.memory_space<vmem>>)
        %parallel_loop3A_450 = arith.constant 0 : i32
        %parallel_loop3A_451 = arith.constant 32 : i32
        %parallel_loop3A_452 = arith.constant 1 : i32
        scf.for %parallel_loop3A_501 = %parallel_loop3A_450 to %parallel_loop3A_451 step %parallel_loop3A_452  : i32 {
          %parallel_loop3A_502 = arith.constant 1 : i32
          %parallel_loop3A_503 = vector.broadcast %parallel_loop3A_502 : i32 to vector<16xi32>
          %parallel_loop3A_504 = vector.broadcast %parallel_loop3A_501 : i32 to vector<16xi32>
          %parallel_loop3A_505 = arith.muli %parallel_loop3A_503, %parallel_loop3A_504 : vector<16xi32>
          %parallel_loop3A_506 = tpu.vector_load_idx %arg17[%parallel_loop3A_505] : memref<32xf32, #tpu.memory_space<vmem>>[vector<16xi32>], vector<16xf32>,
          %parallel_loop3A_507 = arith.index_cast %parallel_loop3A_501 : i32 to index
          %parallel_loop3A_508 = arith.constant 0 : index
          %parallel_loop3A_509 = tpu.vector_load %arg29[%parallel_loop3A_507, %parallel_loop3A_508] {strides = array<i32>} : memref<32x128xf32, #tpu.memory_space<vmem>>, vector<16xf32>,
          %parallel_loop3A_510 = arith.mulf %parallel_loop3A_509, %parallel_loop3A_506 : vector<16xf32>
          %parallel_loop3A_511 = arith.index_cast %parallel_loop3A_501 : i32 to index
          %parallel_loop3A_512 = arith.constant 0 : index
          %parallel_loop3A_513 = tpu.vector_load %arg29[%parallel_loop3A_511, %parallel_loop3A_512] {strides = array<i32>} : memref<32x128xf32, #tpu.memory_space<vmem>>, vector<16xf32>,
          tpu.vector_store %arg29[%parallel_loop3A_511, %parallel_loop3A_512], %parallel_loop3A_510 {strides = array<i32>} : memref<32x128xf32, #tpu.memory_space<vmem>>, vector<16xf32>,
          %parallel_loop3A_514 = arith.index_cast %parallel_loop3A_501 : i32 to index
          %parallel_loop3A_515 = arith.constant 16 : index
          %parallel_loop3A_516 = tpu.vector_load %arg29[%parallel_loop3A_514, %parallel_loop3A_515] {strides = array<i32>} : memref<32x128xf32, #tpu.memory_space<vmem>>, vector<16xf32>,
          %parallel_loop3A_517 = arith.mulf %parallel_loop3A_516, %parallel_loop3A_506 : vector<16xf32>
          %parallel_loop3A_518 = arith.index_cast %parallel_loop3A_501 : i32 to index
          %parallel_loop3A_519 = arith.constant 16 : index
          %parallel_loop3A_520 = tpu.vector_load %arg29[%parallel_loop3A_518, %parallel_loop3A_519] {strides = array<i32>} : memref<32x128xf32, #tpu.memory_space<vmem>>, vector<16xf32>,
          tpu.vector_store %arg29[%parallel_loop3A_518, %parallel_loop3A_519], %parallel_loop3A_517 {strides = array<i32>} : memref<32x128xf32, #tpu.memory_space<vmem>>, vector<16xf32>,
          %parallel_loop3A_521 = arith.index_cast %parallel_loop3A_501 : i32 to index
          %parallel_loop3A_522 = arith.constant 32 : index
          %parallel_loop3A_523 = tpu.vector_load %arg29[%parallel_loop3A_521, %parallel_loop3A_522] {strides = array<i32>} : memref<32x128xf32, #tpu.memory_space<vmem>>, vector<16xf32>,
          %parallel_loop3A_524 = arith.mulf %parallel_loop3A_523, %parallel_loop3A_506 : vector<16xf32>
          %parallel_loop3A_525 = arith.index_cast %parallel_loop3A_501 : i32 to index
          %parallel_loop3A_526 = arith.constant 32 : index
          %parallel_loop3A_527 = tpu.vector_load %arg29[%parallel_loop3A_525, %parallel_loop3A_526] {strides = array<i32>} : memref<32x128xf32, #tpu.memory_space<vmem>>, vector<16xf32>,
          tpu.vector_store %arg29[%parallel_loop3A_525, %parallel_loop3A_526], %parallel_loop3A_524 {strides = array<i32>} : memref<32x128xf32, #tpu.memory_space<vmem>>, vector<16xf32>,
          %parallel_loop3A_528 = arith.index_cast %parallel_loop3A_501 : i32 to index
          %parallel_loop3A_529 = arith.constant 48 : index
          %parallel_loop3A_530 = tpu.vector_load %arg29[%parallel_loop3A_528, %parallel_loop3A_529] {strides = array<i32>} : memref<32x128xf32, #tpu.memory_space<vmem>>, vector<16xf32>,
          %parallel_loop3A_531 = arith.mulf %parallel_loop3A_530, %parallel_loop3A_506 : vector<16xf32>
          %parallel_loop3A_532 = arith.index_cast %parallel_loop3A_501 : i32 to index
          %parallel_loop3A_533 = arith.constant 48 : index
          %parallel_loop3A_534 = tpu.vector_load %arg29[%parallel_loop3A_532, %parallel_loop3A_533] {strides = array<i32>} : memref<32x128xf32, #tpu.memory_space<vmem>>, vector<16xf32>,
          tpu.vector_store %arg29[%parallel_loop3A_532, %parallel_loop3A_533], %parallel_loop3A_531 {strides = array<i32>} : memref<32x128xf32, #tpu.memory_space<vmem>>, vector<16xf32>,
          %parallel_loop3A_535 = arith.index_cast %parallel_loop3A_501 : i32 to index
          %parallel_loop3A_536 = arith.constant 64 : index
          %parallel_loop3A_537 = tpu.vector_load %arg29[%parallel_loop3A_535, %parallel_loop3A_536] {strides = array<i32>} : memref<32x128xf32, #tpu.memory_space<vmem>>, vector<16xf32>,
          %parallel_loop3A_538 = arith.mulf %parallel_loop3A_537, %parallel_loop3A_506 : vector<16xf32>
          %parallel_loop3A_539 = arith.index_cast %parallel_loop3A_501 : i32 to index
          %parallel_loop3A_540 = arith.constant 64 : index
          %parallel_loop3A_541 = tpu.vector_load %arg29[%parallel_loop3A_539, %parallel_loop3A_540] {strides = array<i32>} : memref<32x128xf32, #tpu.memory_space<vmem>>, vector<16xf32>,
          tpu.vector_store %arg29[%parallel_loop3A_539, %parallel_loop3A_540], %parallel_loop3A_538 {strides = array<i32>} : memref<32x128xf32, #tpu.memory_space<vmem>>, vector<16xf32>,
          %parallel_loop3A_542 = arith.index_cast %parallel_loop3A_501 : i32 to index
          %parallel_loop3A_543 = arith.constant 80 : index
          %parallel_loop3A_544 = tpu.vector_load %arg29[%parallel_loop3A_542, %parallel_loop3A_543] {strides = array<i32>} : memref<32x128xf32, #tpu.memory_space<vmem>>, vector<16xf32>,
          %parallel_loop3A_545 = arith.mulf %parallel_loop3A_544, %parallel_loop3A_506 : vector<16xf32>
          %parallel_loop3A_546 = arith.index_cast %parallel_loop3A_501 : i32 to index
          %parallel_loop3A_547 = arith.constant 80 : index
          %parallel_loop3A_548 = tpu.vector_load %arg29[%parallel_loop3A_546, %parallel_loop3A_547] {strides = array<i32>} : memref<32x128xf32, #tpu.memory_space<vmem>>, vector<16xf32>,
          tpu.vector_store %arg29[%parallel_loop3A_546, %parallel_loop3A_547], %parallel_loop3A_545 {strides = array<i32>} : memref<32x128xf32, #tpu.memory_space<vmem>>, vector<16xf32>,
          %parallel_loop3A_549 = arith.index_cast %parallel_loop3A_501 : i32 to index
          %parallel_loop3A_550 = arith.constant 96 : index
          %parallel_loop3A_551 = tpu.vector_load %arg29[%parallel_loop3A_549, %parallel_loop3A_550] {strides = array<i32>} : memref<32x128xf32, #tpu.memory_space<vmem>>, vector<16xf32>,
          %parallel_loop3A_552 = arith.mulf %parallel_loop3A_551, %parallel_loop3A_506 : vector<16xf32>
          %parallel_loop3A_553 = arith.index_cast %parallel_loop3A_501 : i32 to index
          %parallel_loop3A_554 = arith.constant 96 : index
          %parallel_loop3A_555 = tpu.vector_load %arg29[%parallel_loop3A_553, %parallel_loop3A_554] {strides = array<i32>} : memref<32x128xf32, #tpu.memory_space<vmem>>, vector<16xf32>,
          tpu.vector_store %arg29[%parallel_loop3A_553, %parallel_loop3A_554], %parallel_loop3A_552 {strides = array<i32>} : memref<32x128xf32, #tpu.memory_space<vmem>>, vector<16xf32>,
          %parallel_loop3A_556 = arith.index_cast %parallel_loop3A_501 : i32 to index
          %parallel_loop3A_557 = arith.constant 112 : index
          %parallel_loop3A_558 = tpu.vector_load %arg29[%parallel_loop3A_556, %parallel_loop3A_557] {strides = array<i32>} : memref<32x128xf32, #tpu.memory_space<vmem>>, vector<16xf32>,
          %parallel_loop3A_559 = arith.mulf %parallel_loop3A_558, %parallel_loop3A_506 : vector<16xf32>
          %parallel_loop3A_560 = arith.index_cast %parallel_loop3A_501 : i32 to index
          %parallel_loop3A_561 = arith.constant 112 : index
          %parallel_loop3A_562 = tpu.vector_load %arg29[%parallel_loop3A_560, %parallel_loop3A_561] {strides = array<i32>} : memref<32x128xf32, #tpu.memory_space<vmem>>, vector<16xf32>,
          tpu.vector_store %arg29[%parallel_loop3A_560, %parallel_loop3A_561], %parallel_loop3A_559 {strides = array<i32>} : memref<32x128xf32, #tpu.memory_space<vmem>>, vector<16xf32>,
        } {sc.loop_unroll_factor = 4 : i64, sc.parallel_access}
        %dma_start3A_453 = arith.constant 0 : i32
        %dma_start3A_454 = arith.constant 0 : i32
        %dma_start3A_455 = tpu.memref_slice %arg32[%dma_start3A_453, %dma_start3A_454] : memref<10240x128xf32, #tpu.memory_space<vmem_shared>> -> memref<10240x128xf32, #tpu.memory_space<vmem_shared>>
        tpu.enqueue_indirect_dma source(%arg29 : memref<32x128xf32, #tpu.memory_space<vmem>>) target(%dma_start3A_455 : memref<10240x128xf32, #tpu.memory_space<vmem_shared>>) offsets(%arg25 : memref<32xi32, #tpu.memory_space<vmem>>) semaphore(%arg39 : memref<!tpu.dma_semaphore, #tpu.memory_space<semaphore_mem>>) {add = true}
        %add3A_456 = arith.constant 2 : i32
        %add3A_457 = arith.addi %add3A_446, %add3A_456 : i32
        %lt3A_458 = arith.constant 64 : i32
        %lt3A_459 = arith.cmpi slt, %add3A_457, %lt3A_458 : i32
        %gt3A_460 = arith.constant 0 : i32
        %gt3A_461 = arith.cmpi sgt, %scan3A_266, %gt3A_460 : i32
        %ge3A_462 = arith.constant 2 : i32
        %ge3A_463 = arith.cmpi sge, %add3A_446, %ge3A_462 : i32
        %or3A_464 = arith.ori %gt3A_461, %ge3A_463 : i1
        %and3A_465 = arith.andi %lt3A_459, %or3A_464 : i1
        %convert_element_type3A_466 = arith.extui %and3A_465 : i1 to i32
        %cond3A_467 = arith.constant 0 : i32
        %cond3A_468 = arith.cmpi ne, %convert_element_type3A_466, %cond3A_467 : i32
        scf.if %cond3A_468 {
          %dma_wait3A_501 = arith.constant 0 : i32
          %dma_wait3A_502 = arith.constant 0 : i32
          %dma_wait3A_503 = tpu.memref_slice %arg32[%dma_wait3A_501, %dma_wait3A_502] : memref<10240x128xf32, #tpu.memory_space<vmem_shared>> -> memref<10240x128xf32, #tpu.memory_space<vmem_shared>>
          tpu.wait_indirect_dma semaphore(%arg37 : memref<!tpu.dma_semaphore, #tpu.memory_space<semaphore_mem>>) src(%arg27 : memref<32x128xf32, #tpu.memory_space<vmem>>) dst(%dma_wait3A_503 : memref<10240x128xf32, #tpu.memory_space<vmem_shared>>)
        } else {
        }
        %convert_element_type3A_469 = arith.extui %lt3A_459 : i1 to i32
        %cond3A_470 = arith.constant 0 : i32
        %cond3A_471 = arith.cmpi ne, %convert_element_type3A_469, %cond3A_470 : i32
        scf.if %cond3A_471 {
          %add3A_501 = arith.constant 2 : i32
          %add3A_502 = arith.addi %add3A_446, %add3A_501 : i32
          %mul3A_503 = arith.constant 32 : i32
          %mul3A_504 = arith.muli %add3A_502, %mul3A_503 : i32
          %multiple_of3A_505 = tpu.assume_multiple %mul3A_504, 8 : i32
          %add3A_506 = arith.constant 0 : i32
          %add3A_507 = arith.addi %multiple_of3A_505, %add3A_506 : i32
          %get3A_508 = arith.index_cast %add3A_507 : i32 to index
          %get3A_509 = tpu.vector_load %arg10[%get3A_508] {strides = array<i32>} : memref<2048xi32, #tpu.memory_space<vmem>>, vector<16xi32>,
          %swap3A_510 = arith.constant 0 : index
          %swap3A_511 = tpu.vector_load %arg19[%swap3A_510] {strides = array<i32>} : memref<32xi32, #tpu.memory_space<vmem>>, vector<16xi32>,
          tpu.vector_store %arg19[%swap3A_510], %get3A_509 {strides = array<i32>} : memref<32xi32, #tpu.memory_space<vmem>>, vector<16xi32>,
          %gather3A_512 = tpu.vector_load_idx %arg9[%get3A_509] : memref<10000xi32, #tpu.memory_space<vmem>>[vector<16xi32>], vector<16xi32>,
          %gather3A_513 = tpu.vector_load_idx %arg14[%gather3A_512] : memref<16xf32, #tpu.memory_space<vmem>>[vector<16xi32>], vector<16xf32>,
          %add3A_514 = arith.constant 0 : i32
          %add3A_515 = arith.addi %multiple_of3A_505, %add3A_514 : i32
          %get3A_516 = arith.index_cast %add3A_515 : i32 to index
          %get3A_517 = tpu.vector_load %arg12[%get3A_516] {strides = array<i32>} : memref<2048xf32, #tpu.memory_space<vmem>>, vector<16xf32>,
          %sub3A_518 = arith.subf %get3A_517, %gather3A_513 : vector<16xf32>
          %mul3A_519 = arith.mulf %sub3A_518, %sub3A_518 : vector<16xf32>
          %mul3A_520 = arith.constant -0.999998986 : f32
          %mul3A_521 = vector.broadcast %mul3A_520 : f32 to vector<16xf32>
          %mul3A_522 = arith.mulf %mul3A_519, %mul3A_521 : vector<16xf32>
          %exp3A_523 = math.exp %mul3A_522 : vector<16xf32>
          %swap3A_524 = arith.constant 0 : index
          %swap3A_525 = tpu.vector_load %arg15[%swap3A_524] {strides = array<i32>} : memref<32xf32, #tpu.memory_space<vmem>>, vector<16xf32>,
          tpu.vector_store %arg15[%swap3A_524], %exp3A_523 {strides = array<i32>} : memref<32xf32, #tpu.memory_space<vmem>>, vector<16xf32>,
          %add3A_526 = arith.constant 0 : i32
          %add3A_527 = arith.addi %multiple_of3A_505, %add3A_526 : i32
          %get3A_528 = arith.index_cast %add3A_527 : i32 to index
          %get3A_529 = tpu.vector_load %arg11[%get3A_528] {strides = array<i32>} : memref<2048xi32, #tpu.memory_space<vmem>>, vector<16xi32>,
          %swap3A_530 = arith.constant 0 : index
          %swap3A_531 = tpu.vector_load %arg23[%swap3A_530] {strides = array<i32>} : memref<32xi32, #tpu.memory_space<vmem>>, vector<16xi32>,
          tpu.vector_store %arg23[%swap3A_530], %get3A_529 {strides = array<i32>} : memref<32xi32, #tpu.memory_space<vmem>>, vector<16xi32>,
          %add3A_532 = arith.constant 16 : i32
          %add3A_533 = arith.addi %multiple_of3A_505, %add3A_532 : i32
          %get3A_534 = arith.index_cast %add3A_533 : i32 to index
          %get3A_535 = tpu.vector_load %arg10[%get3A_534] {strides = array<i32>} : memref<2048xi32, #tpu.memory_space<vmem>>, vector<16xi32>,
          %swap3A_536 = arith.constant 16 : index
          %swap3A_537 = tpu.vector_load %arg19[%swap3A_536] {strides = array<i32>} : memref<32xi32, #tpu.memory_space<vmem>>, vector<16xi32>,
          tpu.vector_store %arg19[%swap3A_536], %get3A_535 {strides = array<i32>} : memref<32xi32, #tpu.memory_space<vmem>>, vector<16xi32>,
          %gather3A_538 = tpu.vector_load_idx %arg9[%get3A_535] : memref<10000xi32, #tpu.memory_space<vmem>>[vector<16xi32>], vector<16xi32>,
          %gather3A_539 = tpu.vector_load_idx %arg14[%gather3A_538] : memref<16xf32, #tpu.memory_space<vmem>>[vector<16xi32>], vector<16xf32>,
          %add3A_540 = arith.constant 16 : i32
          %add3A_541 = arith.addi %multiple_of3A_505, %add3A_540 : i32
          %get3A_542 = arith.index_cast %add3A_541 : i32 to index
          %get3A_543 = tpu.vector_load %arg12[%get3A_542] {strides = array<i32>} : memref<2048xf32, #tpu.memory_space<vmem>>, vector<16xf32>,
          %sub3A_544 = arith.subf %get3A_543, %gather3A_539 : vector<16xf32>
          %mul3A_545 = arith.mulf %sub3A_544, %sub3A_544 : vector<16xf32>
          %mul3A_546 = arith.constant -0.999998986 : f32
          %mul3A_547 = vector.broadcast %mul3A_546 : f32 to vector<16xf32>
          %mul3A_548 = arith.mulf %mul3A_545, %mul3A_547 : vector<16xf32>
          %exp3A_549 = math.exp %mul3A_548 : vector<16xf32>
          %swap3A_550 = arith.constant 16 : index
          %swap3A_551 = tpu.vector_load %arg15[%swap3A_550] {strides = array<i32>} : memref<32xf32, #tpu.memory_space<vmem>>, vector<16xf32>,
          tpu.vector_store %arg15[%swap3A_550], %exp3A_549 {strides = array<i32>} : memref<32xf32, #tpu.memory_space<vmem>>, vector<16xf32>,
          %add3A_552 = arith.constant 16 : i32
          %add3A_553 = arith.addi %multiple_of3A_505, %add3A_552 : i32
          %get3A_554 = arith.index_cast %add3A_553 : i32 to index
          %get3A_555 = tpu.vector_load %arg11[%get3A_554] {strides = array<i32>} : memref<2048xi32, #tpu.memory_space<vmem>>, vector<16xi32>,
          %swap3A_556 = arith.constant 16 : index
          %swap3A_557 = tpu.vector_load %arg23[%swap3A_556] {strides = array<i32>} : memref<32xi32, #tpu.memory_space<vmem>>, vector<16xi32>,
          tpu.vector_store %arg23[%swap3A_556], %get3A_555 {strides = array<i32>} : memref<32xi32, #tpu.memory_space<vmem>>, vector<16xi32>,
          %dma_start3A_558 = arith.constant 0 : i32
          %dma_start3A_559 = arith.constant 0 : i32
          %dma_start3A_560 = tpu.memref_slice %arg6[%dma_start3A_558, %dma_start3A_559] : memref<10000x128xf32, #tpu.memory_space<hbm>> -> memref<10000x128xf32, #tpu.memory_space<hbm>>
          tpu.enqueue_indirect_dma source(%dma_start3A_560 : memref<10000x128xf32, #tpu.memory_space<hbm>>) target(%arg27 : memref<32x128xf32, #tpu.memory_space<vmem>>) offsets(%arg19 : memref<32xi32, #tpu.memory_space<vmem>>) semaphore(%arg33 : memref<!tpu.dma_semaphore, #tpu.memory_space<semaphore_mem>>)
        } else {
        }
        %mul3A_472 = arith.constant 4 : i32
        %mul3A_473 = arith.muli %mul3A_472, %scan3A_389 : i32
        %add3A_474 = arith.constant 3 : i32
        %add3A_475 = arith.addi %mul3A_473, %add3A_474 : i32
        %dma_wait3A_476 = arith.constant 0 : i32
        %dma_wait3A_477 = arith.constant 0 : i32
        %dma_wait3A_478 = tpu.memref_slice %arg6[%dma_wait3A_476, %dma_wait3A_477] : memref<10000x128xf32, #tpu.memory_space<hbm>> -> memref<10000x128xf32, #tpu.memory_space<hbm>>
        tpu.wait_indirect_dma semaphore(%arg36 : memref<!tpu.dma_semaphore, #tpu.memory_space<semaphore_mem>>) src(%dma_wait3A_478 : memref<10000x128xf32, #tpu.memory_space<hbm>>) dst(%arg30 : memref<32x128xf32, #tpu.memory_space<vmem>>)
        %parallel_loop3A_479 = arith.constant 0 : i32
        %parallel_loop3A_480 = arith.constant 32 : i32
        %parallel_loop3A_481 = arith.constant 1 : i32
        scf.for %parallel_loop3A_501 = %parallel_loop3A_479 to %parallel_loop3A_480 step %parallel_loop3A_481  : i32 {
          %parallel_loop3A_502 = arith.constant 1 : i32
          %parallel_loop3A_503 = vector.broadcast %parallel_loop3A_502 : i32 to vector<16xi32>
          %parallel_loop3A_504 = vector.broadcast %parallel_loop3A_501 : i32 to vector<16xi32>
          %parallel_loop3A_505 = arith.muli %parallel_loop3A_503, %parallel_loop3A_504 : vector<16xi32>
          %parallel_loop3A_506 = tpu.vector_load_idx %arg18[%parallel_loop3A_505] : memref<32xf32, #tpu.memory_space<vmem>>[vector<16xi32>], vector<16xf32>,
          %parallel_loop3A_507 = arith.index_cast %parallel_loop3A_501 : i32 to index
          %parallel_loop3A_508 = arith.constant 0 : index
          %parallel_loop3A_509 = tpu.vector_load %arg30[%parallel_loop3A_507, %parallel_loop3A_508] {strides = array<i32>} : memref<32x128xf32, #tpu.memory_space<vmem>>, vector<16xf32>,
          %parallel_loop3A_510 = arith.mulf %parallel_loop3A_509, %parallel_loop3A_506 : vector<16xf32>
          %parallel_loop3A_511 = arith.index_cast %parallel_loop3A_501 : i32 to index
          %parallel_loop3A_512 = arith.constant 0 : index
          %parallel_loop3A_513 = tpu.vector_load %arg30[%parallel_loop3A_511, %parallel_loop3A_512] {strides = array<i32>} : memref<32x128xf32, #tpu.memory_space<vmem>>, vector<16xf32>,
          tpu.vector_store %arg30[%parallel_loop3A_511, %parallel_loop3A_512], %parallel_loop3A_510 {strides = array<i32>} : memref<32x128xf32, #tpu.memory_space<vmem>>, vector<16xf32>,
          %parallel_loop3A_514 = arith.index_cast %parallel_loop3A_501 : i32 to index
          %parallel_loop3A_515 = arith.constant 16 : index
          %parallel_loop3A_516 = tpu.vector_load %arg30[%parallel_loop3A_514, %parallel_loop3A_515] {strides = array<i32>} : memref<32x128xf32, #tpu.memory_space<vmem>>, vector<16xf32>,
          %parallel_loop3A_517 = arith.mulf %parallel_loop3A_516, %parallel_loop3A_506 : vector<16xf32>
          %parallel_loop3A_518 = arith.index_cast %parallel_loop3A_501 : i32 to index
          %parallel_loop3A_519 = arith.constant 16 : index
          %parallel_loop3A_520 = tpu.vector_load %arg30[%parallel_loop3A_518, %parallel_loop3A_519] {strides = array<i32>} : memref<32x128xf32, #tpu.memory_space<vmem>>, vector<16xf32>,
          tpu.vector_store %arg30[%parallel_loop3A_518, %parallel_loop3A_519], %parallel_loop3A_517 {strides = array<i32>} : memref<32x128xf32, #tpu.memory_space<vmem>>, vector<16xf32>,
          %parallel_loop3A_521 = arith.index_cast %parallel_loop3A_501 : i32 to index
          %parallel_loop3A_522 = arith.constant 32 : index
          %parallel_loop3A_523 = tpu.vector_load %arg30[%parallel_loop3A_521, %parallel_loop3A_522] {strides = array<i32>} : memref<32x128xf32, #tpu.memory_space<vmem>>, vector<16xf32>,
          %parallel_loop3A_524 = arith.mulf %parallel_loop3A_523, %parallel_loop3A_506 : vector<16xf32>
          %parallel_loop3A_525 = arith.index_cast %parallel_loop3A_501 : i32 to index
          %parallel_loop3A_526 = arith.constant 32 : index
          %parallel_loop3A_527 = tpu.vector_load %arg30[%parallel_loop3A_525, %parallel_loop3A_526] {strides = array<i32>} : memref<32x128xf32, #tpu.memory_space<vmem>>, vector<16xf32>,
          tpu.vector_store %arg30[%parallel_loop3A_525, %parallel_loop3A_526], %parallel_loop3A_524 {strides = array<i32>} : memref<32x128xf32, #tpu.memory_space<vmem>>, vector<16xf32>,
          %parallel_loop3A_528 = arith.index_cast %parallel_loop3A_501 : i32 to index
          %parallel_loop3A_529 = arith.constant 48 : index
          %parallel_loop3A_530 = tpu.vector_load %arg30[%parallel_loop3A_528, %parallel_loop3A_529] {strides = array<i32>} : memref<32x128xf32, #tpu.memory_space<vmem>>, vector<16xf32>,
          %parallel_loop3A_531 = arith.mulf %parallel_loop3A_530, %parallel_loop3A_506 : vector<16xf32>
          %parallel_loop3A_532 = arith.index_cast %parallel_loop3A_501 : i32 to index
          %parallel_loop3A_533 = arith.constant 48 : index
          %parallel_loop3A_534 = tpu.vector_load %arg30[%parallel_loop3A_532, %parallel_loop3A_533] {strides = array<i32>} : memref<32x128xf32, #tpu.memory_space<vmem>>, vector<16xf32>,
          tpu.vector_store %arg30[%parallel_loop3A_532, %parallel_loop3A_533], %parallel_loop3A_531 {strides = array<i32>} : memref<32x128xf32, #tpu.memory_space<vmem>>, vector<16xf32>,
          %parallel_loop3A_535 = arith.index_cast %parallel_loop3A_501 : i32 to index
          %parallel_loop3A_536 = arith.constant 64 : index
          %parallel_loop3A_537 = tpu.vector_load %arg30[%parallel_loop3A_535, %parallel_loop3A_536] {strides = array<i32>} : memref<32x128xf32, #tpu.memory_space<vmem>>, vector<16xf32>,
          %parallel_loop3A_538 = arith.mulf %parallel_loop3A_537, %parallel_loop3A_506 : vector<16xf32>
          %parallel_loop3A_539 = arith.index_cast %parallel_loop3A_501 : i32 to index
          %parallel_loop3A_540 = arith.constant 64 : index
          %parallel_loop3A_541 = tpu.vector_load %arg30[%parallel_loop3A_539, %parallel_loop3A_540] {strides = array<i32>} : memref<32x128xf32, #tpu.memory_space<vmem>>, vector<16xf32>,
          tpu.vector_store %arg30[%parallel_loop3A_539, %parallel_loop3A_540], %parallel_loop3A_538 {strides = array<i32>} : memref<32x128xf32, #tpu.memory_space<vmem>>, vector<16xf32>,
          %parallel_loop3A_542 = arith.index_cast %parallel_loop3A_501 : i32 to index
          %parallel_loop3A_543 = arith.constant 80 : index
          %parallel_loop3A_544 = tpu.vector_load %arg30[%parallel_loop3A_542, %parallel_loop3A_543] {strides = array<i32>} : memref<32x128xf32, #tpu.memory_space<vmem>>, vector<16xf32>,
          %parallel_loop3A_545 = arith.mulf %parallel_loop3A_544, %parallel_loop3A_506 : vector<16xf32>
          %parallel_loop3A_546 = arith.index_cast %parallel_loop3A_501 : i32 to index
          %parallel_loop3A_547 = arith.constant 80 : index
          %parallel_loop3A_548 = tpu.vector_load %arg30[%parallel_loop3A_546, %parallel_loop3A_547] {strides = array<i32>} : memref<32x128xf32, #tpu.memory_space<vmem>>, vector<16xf32>,
          tpu.vector_store %arg30[%parallel_loop3A_546, %parallel_loop3A_547], %parallel_loop3A_545 {strides = array<i32>} : memref<32x128xf32, #tpu.memory_space<vmem>>, vector<16xf32>,
          %parallel_loop3A_549 = arith.index_cast %parallel_loop3A_501 : i32 to index
          %parallel_loop3A_550 = arith.constant 96 : index
          %parallel_loop3A_551 = tpu.vector_load %arg30[%parallel_loop3A_549, %parallel_loop3A_550] {strides = array<i32>} : memref<32x128xf32, #tpu.memory_space<vmem>>, vector<16xf32>,
          %parallel_loop3A_552 = arith.mulf %parallel_loop3A_551, %parallel_loop3A_506 : vector<16xf32>
          %parallel_loop3A_553 = arith.index_cast %parallel_loop3A_501 : i32 to index
          %parallel_loop3A_554 = arith.constant 96 : index
          %parallel_loop3A_555 = tpu.vector_load %arg30[%parallel_loop3A_553, %parallel_loop3A_554] {strides = array<i32>} : memref<32x128xf32, #tpu.memory_space<vmem>>, vector<16xf32>,
          tpu.vector_store %arg30[%parallel_loop3A_553, %parallel_loop3A_554], %parallel_loop3A_552 {strides = array<i32>} : memref<32x128xf32, #tpu.memory_space<vmem>>, vector<16xf32>,
          %parallel_loop3A_556 = arith.index_cast %parallel_loop3A_501 : i32 to index
          %parallel_loop3A_557 = arith.constant 112 : index
          %parallel_loop3A_558 = tpu.vector_load %arg30[%parallel_loop3A_556, %parallel_loop3A_557] {strides = array<i32>} : memref<32x128xf32, #tpu.memory_space<vmem>>, vector<16xf32>,
          %parallel_loop3A_559 = arith.mulf %parallel_loop3A_558, %parallel_loop3A_506 : vector<16xf32>
          %parallel_loop3A_560 = arith.index_cast %parallel_loop3A_501 : i32 to index
          %parallel_loop3A_561 = arith.constant 112 : index
          %parallel_loop3A_562 = tpu.vector_load %arg30[%parallel_loop3A_560, %parallel_loop3A_561] {strides = array<i32>} : memref<32x128xf32, #tpu.memory_space<vmem>>, vector<16xf32>,
          tpu.vector_store %arg30[%parallel_loop3A_560, %parallel_loop3A_561], %parallel_loop3A_559 {strides = array<i32>} : memref<32x128xf32, #tpu.memory_space<vmem>>, vector<16xf32>,
        } {sc.loop_unroll_factor = 4 : i64, sc.parallel_access}
        %dma_start3A_482 = arith.constant 0 : i32
        %dma_start3A_483 = arith.constant 0 : i32
        %dma_start3A_484 = tpu.memref_slice %arg32[%dma_start3A_482, %dma_start3A_483] : memref<10240x128xf32, #tpu.memory_space<vmem_shared>> -> memref<10240x128xf32, #tpu.memory_space<vmem_shared>>
        tpu.enqueue_indirect_dma source(%arg30 : memref<32x128xf32, #tpu.memory_space<vmem>>) target(%dma_start3A_484 : memref<10240x128xf32, #tpu.memory_space<vmem_shared>>) offsets(%arg26 : memref<32xi32, #tpu.memory_space<vmem>>) semaphore(%arg40 : memref<!tpu.dma_semaphore, #tpu.memory_space<semaphore_mem>>) {add = true}
        %add3A_485 = arith.constant 2 : i32
        %add3A_486 = arith.addi %add3A_475, %add3A_485 : i32
        %lt3A_487 = arith.constant 64 : i32
        %lt3A_488 = arith.cmpi slt, %add3A_486, %lt3A_487 : i32
        %gt3A_489 = arith.constant 0 : i32
        %gt3A_490 = arith.cmpi sgt, %scan3A_266, %gt3A_489 : i32
        %ge3A_491 = arith.constant 2 : i32
        %ge3A_492 = arith.cmpi sge, %add3A_475, %ge3A_491 : i32
        %or3A_493 = arith.ori %gt3A_490, %ge3A_492 : i1
        %and3A_494 = arith.andi %lt3A_488, %or3A_493 : i1
        %convert_element_type3A_495 = arith.extui %and3A_494 : i1 to i32
        %cond3A_496 = arith.constant 0 : i32
        %cond3A_497 = arith.cmpi ne, %convert_element_type3A_495, %cond3A_496 : i32
        scf.if %cond3A_497 {
          %dma_wait3A_501 = arith.constant 0 : i32
          %dma_wait3A_502 = arith.constant 0 : i32
          %dma_wait3A_503 = tpu.memref_slice %arg32[%dma_wait3A_501, %dma_wait3A_502] : memref<10240x128xf32, #tpu.memory_space<vmem_shared>> -> memref<10240x128xf32, #tpu.memory_space<vmem_shared>>
          tpu.wait_indirect_dma semaphore(%arg38 : memref<!tpu.dma_semaphore, #tpu.memory_space<semaphore_mem>>) src(%arg28 : memref<32x128xf32, #tpu.memory_space<vmem>>) dst(%dma_wait3A_503 : memref<10240x128xf32, #tpu.memory_space<vmem_shared>>)
        } else {
        }
        %convert_element_type3A_498 = arith.extui %lt3A_488 : i1 to i32
        %cond3A_499 = arith.constant 0 : i32
        %cond3A_500 = arith.cmpi ne, %convert_element_type3A_498, %cond3A_499 : i32
        scf.if %cond3A_500 {
          %add3A_501 = arith.constant 2 : i32
          %add3A_502 = arith.addi %add3A_475, %add3A_501 : i32
          %mul3A_503 = arith.constant 32 : i32
          %mul3A_504 = arith.muli %add3A_502, %mul3A_503 : i32
          %multiple_of3A_505 = tpu.assume_multiple %mul3A_504, 8 : i32
          %add3A_506 = arith.constant 0 : i32
          %add3A_507 = arith.addi %multiple_of3A_505, %add3A_506 : i32
          %get3A_508 = arith.index_cast %add3A_507 : i32 to index
          %get3A_509 = tpu.vector_load %arg10[%get3A_508] {strides = array<i32>} : memref<2048xi32, #tpu.memory_space<vmem>>, vector<16xi32>,
          %swap3A_510 = arith.constant 0 : index
          %swap3A_511 = tpu.vector_load %arg20[%swap3A_510] {strides = array<i32>} : memref<32xi32, #tpu.memory_space<vmem>>, vector<16xi32>,
          tpu.vector_store %arg20[%swap3A_510], %get3A_509 {strides = array<i32>} : memref<32xi32, #tpu.memory_space<vmem>>, vector<16xi32>,
          %gather3A_512 = tpu.vector_load_idx %arg9[%get3A_509] : memref<10000xi32, #tpu.memory_space<vmem>>[vector<16xi32>], vector<16xi32>,
          %gather3A_513 = tpu.vector_load_idx %arg14[%gather3A_512] : memref<16xf32, #tpu.memory_space<vmem>>[vector<16xi32>], vector<16xf32>,
          %add3A_514 = arith.constant 0 : i32
          %add3A_515 = arith.addi %multiple_of3A_505, %add3A_514 : i32
          %get3A_516 = arith.index_cast %add3A_515 : i32 to index
          %get3A_517 = tpu.vector_load %arg12[%get3A_516] {strides = array<i32>} : memref<2048xf32, #tpu.memory_space<vmem>>, vector<16xf32>,
          %sub3A_518 = arith.subf %get3A_517, %gather3A_513 : vector<16xf32>
          %mul3A_519 = arith.mulf %sub3A_518, %sub3A_518 : vector<16xf32>
          %mul3A_520 = arith.constant -0.999998986 : f32
          %mul3A_521 = vector.broadcast %mul3A_520 : f32 to vector<16xf32>
          %mul3A_522 = arith.mulf %mul3A_519, %mul3A_521 : vector<16xf32>
          %exp3A_523 = math.exp %mul3A_522 : vector<16xf32>
          %swap3A_524 = arith.constant 0 : index
          %swap3A_525 = tpu.vector_load %arg16[%swap3A_524] {strides = array<i32>} : memref<32xf32, #tpu.memory_space<vmem>>, vector<16xf32>,
          tpu.vector_store %arg16[%swap3A_524], %exp3A_523 {strides = array<i32>} : memref<32xf32, #tpu.memory_space<vmem>>, vector<16xf32>,
          %add3A_526 = arith.constant 0 : i32
          %add3A_527 = arith.addi %multiple_of3A_505, %add3A_526 : i32
          %get3A_528 = arith.index_cast %add3A_527 : i32 to index
          %get3A_529 = tpu.vector_load %arg11[%get3A_528] {strides = array<i32>} : memref<2048xi32, #tpu.memory_space<vmem>>, vector<16xi32>,
          %swap3A_530 = arith.constant 0 : index
          %swap3A_531 = tpu.vector_load %arg24[%swap3A_530] {strides = array<i32>} : memref<32xi32, #tpu.memory_space<vmem>>, vector<16xi32>,
          tpu.vector_store %arg24[%swap3A_530], %get3A_529 {strides = array<i32>} : memref<32xi32, #tpu.memory_space<vmem>>, vector<16xi32>,
          %add3A_532 = arith.constant 16 : i32
          %add3A_533 = arith.addi %multiple_of3A_505, %add3A_532 : i32
          %get3A_534 = arith.index_cast %add3A_533 : i32 to index
          %get3A_535 = tpu.vector_load %arg10[%get3A_534] {strides = array<i32>} : memref<2048xi32, #tpu.memory_space<vmem>>, vector<16xi32>,
          %swap3A_536 = arith.constant 16 : index
          %swap3A_537 = tpu.vector_load %arg20[%swap3A_536] {strides = array<i32>} : memref<32xi32, #tpu.memory_space<vmem>>, vector<16xi32>,
          tpu.vector_store %arg20[%swap3A_536], %get3A_535 {strides = array<i32>} : memref<32xi32, #tpu.memory_space<vmem>>, vector<16xi32>,
          %gather3A_538 = tpu.vector_load_idx %arg9[%get3A_535] : memref<10000xi32, #tpu.memory_space<vmem>>[vector<16xi32>], vector<16xi32>,
          %gather3A_539 = tpu.vector_load_idx %arg14[%gather3A_538] : memref<16xf32, #tpu.memory_space<vmem>>[vector<16xi32>], vector<16xf32>,
          %add3A_540 = arith.constant 16 : i32
          %add3A_541 = arith.addi %multiple_of3A_505, %add3A_540 : i32
          %get3A_542 = arith.index_cast %add3A_541 : i32 to index
          %get3A_543 = tpu.vector_load %arg12[%get3A_542] {strides = array<i32>} : memref<2048xf32, #tpu.memory_space<vmem>>, vector<16xf32>,
          %sub3A_544 = arith.subf %get3A_543, %gather3A_539 : vector<16xf32>
          %mul3A_545 = arith.mulf %sub3A_544, %sub3A_544 : vector<16xf32>
          %mul3A_546 = arith.constant -0.999998986 : f32
          %mul3A_547 = vector.broadcast %mul3A_546 : f32 to vector<16xf32>
          %mul3A_548 = arith.mulf %mul3A_545, %mul3A_547 : vector<16xf32>
          %exp3A_549 = math.exp %mul3A_548 : vector<16xf32>
          %swap3A_550 = arith.constant 16 : index
          %swap3A_551 = tpu.vector_load %arg16[%swap3A_550] {strides = array<i32>} : memref<32xf32, #tpu.memory_space<vmem>>, vector<16xf32>,
          tpu.vector_store %arg16[%swap3A_550], %exp3A_549 {strides = array<i32>} : memref<32xf32, #tpu.memory_space<vmem>>, vector<16xf32>,
          %add3A_552 = arith.constant 16 : i32
          %add3A_553 = arith.addi %multiple_of3A_505, %add3A_552 : i32
          %get3A_554 = arith.index_cast %add3A_553 : i32 to index
          %get3A_555 = tpu.vector_load %arg11[%get3A_554] {strides = array<i32>} : memref<2048xi32, #tpu.memory_space<vmem>>, vector<16xi32>,
          %swap3A_556 = arith.constant 16 : index
          %swap3A_557 = tpu.vector_load %arg24[%swap3A_556] {strides = array<i32>} : memref<32xi32, #tpu.memory_space<vmem>>, vector<16xi32>,
          tpu.vector_store %arg24[%swap3A_556], %get3A_555 {strides = array<i32>} : memref<32xi32, #tpu.memory_space<vmem>>, vector<16xi32>,
          %dma_start3A_558 = arith.constant 0 : i32
          %dma_start3A_559 = arith.constant 0 : i32
          %dma_start3A_560 = tpu.memref_slice %arg6[%dma_start3A_558, %dma_start3A_559] : memref<10000x128xf32, #tpu.memory_space<hbm>> -> memref<10000x128xf32, #tpu.memory_space<hbm>>
          tpu.enqueue_indirect_dma source(%dma_start3A_560 : memref<10000x128xf32, #tpu.memory_space<hbm>>) target(%arg28 : memref<32x128xf32, #tpu.memory_space<vmem>>) offsets(%arg20 : memref<32xi32, #tpu.memory_space<vmem>>) semaphore(%arg34 : memref<!tpu.dma_semaphore, #tpu.memory_space<semaphore_mem>>)
        } else {
        }
      }
      %scan3A_388 = arith.constant 16 : i32
    }
    %scan3A_213 = arith.constant 5 : i32
    %dma_wait3A = arith.constant 0 : i32
    %dma_wait3A_214 = arith.constant 0 : i32
    %dma_wait3A_215 = tpu.memref_slice %arg32[%dma_wait3A, %dma_wait3A_214] : memref<10240x128xf32, #tpu.memory_space<vmem_shared>> -> memref<10240x128xf32, #tpu.memory_space<vmem_shared>>
    tpu.wait_indirect_dma semaphore(%arg37 : memref<!tpu.dma_semaphore, #tpu.memory_space<semaphore_mem>>) src(%arg27 : memref<32x128xf32, #tpu.memory_space<vmem>>) dst(%dma_wait3A_215 : memref<10240x128xf32, #tpu.memory_space<vmem_shared>>)
    %dma_wait3A_216 = arith.constant 0 : i32
    %dma_wait3A_217 = arith.constant 0 : i32
    %dma_wait3A_218 = tpu.memref_slice %arg32[%dma_wait3A_216, %dma_wait3A_217] : memref<10240x128xf32, #tpu.memory_space<vmem_shared>> -> memref<10240x128xf32, #tpu.memory_space<vmem_shared>>
    tpu.wait_indirect_dma semaphore(%arg38 : memref<!tpu.dma_semaphore, #tpu.memory_space<semaphore_mem>>) src(%arg28 : memref<32x128xf32, #tpu.memory_space<vmem>>) dst(%dma_wait3A_218 : memref<10240x128xf32, #tpu.memory_space<vmem_shared>>)
    %dma_wait3A_219 = arith.constant 0 : i32
    %dma_wait3A_220 = arith.constant 0 : i32
    %dma_wait3A_221 = tpu.memref_slice %arg32[%dma_wait3A_219, %dma_wait3A_220] : memref<10240x128xf32, #tpu.memory_space<vmem_shared>> -> memref<10240x128xf32, #tpu.memory_space<vmem_shared>>
    tpu.wait_indirect_dma semaphore(%arg39 : memref<!tpu.dma_semaphore, #tpu.memory_space<semaphore_mem>>) src(%arg29 : memref<32x128xf32, #tpu.memory_space<vmem>>) dst(%dma_wait3A_221 : memref<10240x128xf32, #tpu.memory_space<vmem_shared>>)
    %dma_wait3A_222 = arith.constant 0 : i32
    %dma_wait3A_223 = arith.constant 0 : i32
    %dma_wait3A_224 = tpu.memref_slice %arg32[%dma_wait3A_222, %dma_wait3A_223] : memref<10240x128xf32, #tpu.memory_space<vmem_shared>> -> memref<10240x128xf32, #tpu.memory_space<vmem_shared>>
    tpu.wait_indirect_dma semaphore(%arg40 : memref<!tpu.dma_semaphore, #tpu.memory_space<semaphore_mem>>) src(%arg30 : memref<32x128xf32, #tpu.memory_space<vmem>>) dst(%dma_wait3A_224 : memref<10240x128xf32, #tpu.memory_space<vmem_shared>>)
    %barrier3A_225 = arith.constant 0 : index
    tpu.barrier barrier_id(%barrier3A_225)
    %add3A_226 = arith.constant 0 : i32
    %add3A_227 = arith.addi %mul3A_4, %add3A_226 : i32
    "tpu.region"() ({
      %run_scoped3A = tpu.sem_alloc : memref<!tpu.dma_semaphore, #tpu.memory_space<semaphore_mem>>
      %dma_start3A = arith.constant 0 : i32
      %dma_start3A_266 = tpu.memref_slice %arg32[%add3A_227, %dma_start3A] : memref<10240x128xf32, #tpu.memory_space<vmem_shared>> -> memref<32x128xf32, #tpu.memory_space<vmem_shared>>
      %dma_start3A_267 = arith.constant 0 : i32
      %dma_start3A_268 = tpu.memref_slice %arg32[%add3A_227, %dma_start3A_267] : memref<10240x128xf32, #tpu.memory_space<vmem_shared>> -> memref<32x128xf32, #tpu.memory_space<vmem_shared>>
      tpu.enqueue_dma source(%dma_start3A_268 : memref<32x128xf32, #tpu.memory_space<vmem_shared>>) target(%arg31 : memref<32x128xf32, #tpu.memory_space<vmem>>) target_semaphore(%run_scoped3A : memref<!tpu.dma_semaphore, #tpu.memory_space<semaphore_mem>>)
      %dma_wait3A_269 = arith.constant 0 : i32
      %dma_wait3A_270 = tpu.memref_slice %arg32[%add3A_227, %dma_wait3A_269] : memref<10240x128xf32, #tpu.memory_space<vmem_shared>> -> memref<32x128xf32, #tpu.memory_space<vmem_shared>>
      %dma_wait3A_271 = arith.constant 0 : i32
      %dma_wait3A_272 = tpu.memref_slice %arg32[%add3A_227, %dma_wait3A_271] : memref<10240x128xf32, #tpu.memory_space<vmem_shared>> -> memref<32x128xf32, #tpu.memory_space<vmem_shared>>
      tpu.wait_dma2 semaphore(%run_scoped3A : memref<!tpu.dma_semaphore, #tpu.memory_space<semaphore_mem>>) src(%dma_wait3A_272 : memref<32x128xf32, #tpu.memory_space<vmem_shared>>) dst(%arg31 : memref<32x128xf32, #tpu.memory_space<vmem>>)
      tpu.yield
    }) : () -> ()
    "tpu.region"() ({
      %run_scoped3A = tpu.sem_alloc : memref<!tpu.dma_semaphore, #tpu.memory_space<semaphore_mem>>
      %dma_start3A = arith.constant 0 : i32
      %dma_start3A_266 = tpu.memref_slice %arg8[%arg0, %add3A_227, %dma_start3A] : memref<2x10240x128xf32, #tpu.memory_space<hbm>> -> memref<1x32x128xf32, #tpu.memory_space<hbm>>
      %dma_start3A_267 = tpu.memref_squeeze %dma_start3A_266 : memref<1x32x128xf32, #tpu.memory_space<hbm>> -> memref<32x128xf32, #tpu.memory_space<hbm>>
      %dma_start3A_268 = arith.constant 0 : i32
      %dma_start3A_269 = tpu.memref_slice %arg8[%arg0, %add3A_227, %dma_start3A_268] : memref<2x10240x128xf32, #tpu.memory_space<hbm>> -> memref<1x32x128xf32, #tpu.memory_space<hbm>>
      %dma_start3A_270 = tpu.memref_squeeze %dma_start3A_269 : memref<1x32x128xf32, #tpu.memory_space<hbm>> -> memref<32x128xf32, #tpu.memory_space<hbm>>
      tpu.enqueue_dma source(%arg31 : memref<32x128xf32, #tpu.memory_space<vmem>>) target(%dma_start3A_270 : memref<32x128xf32, #tpu.memory_space<hbm>>) target_semaphore(%run_scoped3A : memref<!tpu.dma_semaphore, #tpu.memory_space<semaphore_mem>>)
      %dma_wait3A_271 = arith.constant 0 : i32
      %dma_wait3A_272 = tpu.memref_slice %arg8[%arg0, %add3A_227, %dma_wait3A_271] : memref<2x10240x128xf32, #tpu.memory_space<hbm>> -> memref<1x32x128xf32, #tpu.memory_space<hbm>>
      %dma_wait3A_273 = tpu.memref_squeeze %dma_wait3A_272 : memref<1x32x128xf32, #tpu.memory_space<hbm>> -> memref<32x128xf32, #tpu.memory_space<hbm>>
      %dma_wait3A_274 = arith.constant 0 : i32
      %dma_wait3A_275 = tpu.memref_slice %arg8[%arg0, %add3A_227, %dma_wait3A_274] : memref<2x10240x128xf32, #tpu.memory_space<hbm>> -> memref<1x32x128xf32, #tpu.memory_space<hbm>>
      %dma_wait3A_276 = tpu.memref_squeeze %dma_wait3A_275 : memref<1x32x128xf32, #tpu.memory_space<hbm>> -> memref<32x128xf32, #tpu.memory_space<hbm>>
      tpu.wait_dma2 semaphore(%run_scoped3A : memref<!tpu.dma_semaphore, #tpu.memory_space<semaphore_mem>>) src(%arg31 : memref<32x128xf32, #tpu.memory_space<vmem>>) dst(%dma_wait3A_276 : memref<32x128xf32, #tpu.memory_space<hbm>>)
      tpu.yield
    }) : () -> ()
    %add3A_228 = arith.constant 32 : i32
    %add3A_229 = arith.addi %mul3A_4, %add3A_228 : i32
    "tpu.region"() ({
      %run_scoped3A = tpu.sem_alloc : memref<!tpu.dma_semaphore, #tpu.memory_space<semaphore_mem>>
      %dma_start3A = arith.constant 0 : i32
      %dma_start3A_266 = tpu.memref_slice %arg32[%add3A_229, %dma_start3A] : memref<10240x128xf32, #tpu.memory_space<vmem_shared>> -> memref<32x128xf32, #tpu.memory_space<vmem_shared>>
      %dma_start3A_267 = arith.constant 0 : i32
      %dma_start3A_268 = tpu.memref_slice %arg32[%add3A_229, %dma_start3A_267] : memref<10240x128xf32, #tpu.memory_space<vmem_shared>> -> memref<32x128xf32, #tpu.memory_space<vmem_shared>>
      tpu.enqueue_dma source(%dma_start3A_268 : memref<32x128xf32, #tpu.memory_space<vmem_shared>>) target(%arg31 : memref<32x128xf32, #tpu.memory_space<vmem>>) target_semaphore(%run_scoped3A : memref<!tpu.dma_semaphore, #tpu.memory_space<semaphore_mem>>)
      %dma_wait3A_269 = arith.constant 0 : i32
      %dma_wait3A_270 = tpu.memref_slice %arg32[%add3A_229, %dma_wait3A_269] : memref<10240x128xf32, #tpu.memory_space<vmem_shared>> -> memref<32x128xf32, #tpu.memory_space<vmem_shared>>
      %dma_wait3A_271 = arith.constant 0 : i32
      %dma_wait3A_272 = tpu.memref_slice %arg32[%add3A_229, %dma_wait3A_271] : memref<10240x128xf32, #tpu.memory_space<vmem_shared>> -> memref<32x128xf32, #tpu.memory_space<vmem_shared>>
      tpu.wait_dma2 semaphore(%run_scoped3A : memref<!tpu.dma_semaphore, #tpu.memory_space<semaphore_mem>>) src(%dma_wait3A_272 : memref<32x128xf32, #tpu.memory_space<vmem_shared>>) dst(%arg31 : memref<32x128xf32, #tpu.memory_space<vmem>>)
      tpu.yield
    }) : () -> ()
    "tpu.region"() ({
      %run_scoped3A = tpu.sem_alloc : memref<!tpu.dma_semaphore, #tpu.memory_space<semaphore_mem>>
      %dma_start3A = arith.constant 0 : i32
      %dma_start3A_266 = tpu.memref_slice %arg8[%arg0, %add3A_229, %dma_start3A] : memref<2x10240x128xf32, #tpu.memory_space<hbm>> -> memref<1x32x128xf32, #tpu.memory_space<hbm>>
      %dma_start3A_267 = tpu.memref_squeeze %dma_start3A_266 : memref<1x32x128xf32, #tpu.memory_space<hbm>> -> memref<32x128xf32, #tpu.memory_space<hbm>>
      %dma_start3A_268 = arith.constant 0 : i32
      %dma_start3A_269 = tpu.memref_slice %arg8[%arg0, %add3A_229, %dma_start3A_268] : memref<2x10240x128xf32, #tpu.memory_space<hbm>> -> memref<1x32x128xf32, #tpu.memory_space<hbm>>
      %dma_start3A_270 = tpu.memref_squeeze %dma_start3A_269 : memref<1x32x128xf32, #tpu.memory_space<hbm>> -> memref<32x128xf32, #tpu.memory_space<hbm>>
      tpu.enqueue_dma source(%arg31 : memref<32x128xf32, #tpu.memory_space<vmem>>) target(%dma_start3A_270 : memref<32x128xf32, #tpu.memory_space<hbm>>) target_semaphore(%run_scoped3A : memref<!tpu.dma_semaphore, #tpu.memory_space<semaphore_mem>>)
      %dma_wait3A_271 = arith.constant 0 : i32
      %dma_wait3A_272 = tpu.memref_slice %arg8[%arg0, %add3A_229, %dma_wait3A_271] : memref<2x10240x128xf32, #tpu.memory_space<hbm>> -> memref<1x32x128xf32, #tpu.memory_space<hbm>>
      %dma_wait3A_273 = tpu.memref_squeeze %dma_wait3A_272 : memref<1x32x128xf32, #tpu.memory_space<hbm>> -> memref<32x128xf32, #tpu.memory_space<hbm>>
      %dma_wait3A_274 = arith.constant 0 : i32
      %dma_wait3A_275 = tpu.memref_slice %arg8[%arg0, %add3A_229, %dma_wait3A_274] : memref<2x10240x128xf32, #tpu.memory_space<hbm>> -> memref<1x32x128xf32, #tpu.memory_space<hbm>>
      %dma_wait3A_276 = tpu.memref_squeeze %dma_wait3A_275 : memref<1x32x128xf32, #tpu.memory_space<hbm>> -> memref<32x128xf32, #tpu.memory_space<hbm>>
      tpu.wait_dma2 semaphore(%run_scoped3A : memref<!tpu.dma_semaphore, #tpu.memory_space<semaphore_mem>>) src(%arg31 : memref<32x128xf32, #tpu.memory_space<vmem>>) dst(%dma_wait3A_276 : memref<32x128xf32, #tpu.memory_space<hbm>>)
      tpu.yield
    }) : () -> ()
    %add3A_230 = arith.constant 64 : i32
    %add3A_231 = arith.addi %mul3A_4, %add3A_230 : i32
    "tpu.region"() ({
      %run_scoped3A = tpu.sem_alloc : memref<!tpu.dma_semaphore, #tpu.memory_space<semaphore_mem>>
      %dma_start3A = arith.constant 0 : i32
      %dma_start3A_266 = tpu.memref_slice %arg32[%add3A_231, %dma_start3A] : memref<10240x128xf32, #tpu.memory_space<vmem_shared>> -> memref<32x128xf32, #tpu.memory_space<vmem_shared>>
      %dma_start3A_267 = arith.constant 0 : i32
      %dma_start3A_268 = tpu.memref_slice %arg32[%add3A_231, %dma_start3A_267] : memref<10240x128xf32, #tpu.memory_space<vmem_shared>> -> memref<32x128xf32, #tpu.memory_space<vmem_shared>>
      tpu.enqueue_dma source(%dma_start3A_268 : memref<32x128xf32, #tpu.memory_space<vmem_shared>>) target(%arg31 : memref<32x128xf32, #tpu.memory_space<vmem>>) target_semaphore(%run_scoped3A : memref<!tpu.dma_semaphore, #tpu.memory_space<semaphore_mem>>)
      %dma_wait3A_269 = arith.constant 0 : i32
      %dma_wait3A_270 = tpu.memref_slice %arg32[%add3A_231, %dma_wait3A_269] : memref<10240x128xf32, #tpu.memory_space<vmem_shared>> -> memref<32x128xf32, #tpu.memory_space<vmem_shared>>
      %dma_wait3A_271 = arith.constant 0 : i32
      %dma_wait3A_272 = tpu.memref_slice %arg32[%add3A_231, %dma_wait3A_271] : memref<10240x128xf32, #tpu.memory_space<vmem_shared>> -> memref<32x128xf32, #tpu.memory_space<vmem_shared>>
      tpu.wait_dma2 semaphore(%run_scoped3A : memref<!tpu.dma_semaphore, #tpu.memory_space<semaphore_mem>>) src(%dma_wait3A_272 : memref<32x128xf32, #tpu.memory_space<vmem_shared>>) dst(%arg31 : memref<32x128xf32, #tpu.memory_space<vmem>>)
      tpu.yield
    }) : () -> ()
    "tpu.region"() ({
      %run_scoped3A = tpu.sem_alloc : memref<!tpu.dma_semaphore, #tpu.memory_space<semaphore_mem>>
      %dma_start3A = arith.constant 0 : i32
      %dma_start3A_266 = tpu.memref_slice %arg8[%arg0, %add3A_231, %dma_start3A] : memref<2x10240x128xf32, #tpu.memory_space<hbm>> -> memref<1x32x128xf32, #tpu.memory_space<hbm>>
      %dma_start3A_267 = tpu.memref_squeeze %dma_start3A_266 : memref<1x32x128xf32, #tpu.memory_space<hbm>> -> memref<32x128xf32, #tpu.memory_space<hbm>>
      %dma_start3A_268 = arith.constant 0 : i32
      %dma_start3A_269 = tpu.memref_slice %arg8[%arg0, %add3A_231, %dma_start3A_268] : memref<2x10240x128xf32, #tpu.memory_space<hbm>> -> memref<1x32x128xf32, #tpu.memory_space<hbm>>
      %dma_start3A_270 = tpu.memref_squeeze %dma_start3A_269 : memref<1x32x128xf32, #tpu.memory_space<hbm>> -> memref<32x128xf32, #tpu.memory_space<hbm>>
      tpu.enqueue_dma source(%arg31 : memref<32x128xf32, #tpu.memory_space<vmem>>) target(%dma_start3A_270 : memref<32x128xf32, #tpu.memory_space<hbm>>) target_semaphore(%run_scoped3A : memref<!tpu.dma_semaphore, #tpu.memory_space<semaphore_mem>>)
      %dma_wait3A_271 = arith.constant 0 : i32
      %dma_wait3A_272 = tpu.memref_slice %arg8[%arg0, %add3A_231, %dma_wait3A_271] : memref<2x10240x128xf32, #tpu.memory_space<hbm>> -> memref<1x32x128xf32, #tpu.memory_space<hbm>>
      %dma_wait3A_273 = tpu.memref_squeeze %dma_wait3A_272 : memref<1x32x128xf32, #tpu.memory_space<hbm>> -> memref<32x128xf32, #tpu.memory_space<hbm>>
      %dma_wait3A_274 = arith.constant 0 : i32
      %dma_wait3A_275 = tpu.memref_slice %arg8[%arg0, %add3A_231, %dma_wait3A_274] : memref<2x10240x128xf32, #tpu.memory_space<hbm>> -> memref<1x32x128xf32, #tpu.memory_space<hbm>>
      %dma_wait3A_276 = tpu.memref_squeeze %dma_wait3A_275 : memref<1x32x128xf32, #tpu.memory_space<hbm>> -> memref<32x128xf32, #tpu.memory_space<hbm>>
      tpu.wait_dma2 semaphore(%run_scoped3A : memref<!tpu.dma_semaphore, #tpu.memory_space<semaphore_mem>>) src(%arg31 : memref<32x128xf32, #tpu.memory_space<vmem>>) dst(%dma_wait3A_276 : memref<32x128xf32, #tpu.memory_space<hbm>>)
      tpu.yield
    }) : () -> ()
    %add3A_232 = arith.constant 96 : i32
    %add3A_233 = arith.addi %mul3A_4, %add3A_232 : i32
    "tpu.region"() ({
      %run_scoped3A = tpu.sem_alloc : memref<!tpu.dma_semaphore, #tpu.memory_space<semaphore_mem>>
      %dma_start3A = arith.constant 0 : i32
      %dma_start3A_266 = tpu.memref_slice %arg32[%add3A_233, %dma_start3A] : memref<10240x128xf32, #tpu.memory_space<vmem_shared>> -> memref<32x128xf32, #tpu.memory_space<vmem_shared>>
      %dma_start3A_267 = arith.constant 0 : i32
      %dma_start3A_268 = tpu.memref_slice %arg32[%add3A_233, %dma_start3A_267] : memref<10240x128xf32, #tpu.memory_space<vmem_shared>> -> memref<32x128xf32, #tpu.memory_space<vmem_shared>>
      tpu.enqueue_dma source(%dma_start3A_268 : memref<32x128xf32, #tpu.memory_space<vmem_shared>>) target(%arg31 : memref<32x128xf32, #tpu.memory_space<vmem>>) target_semaphore(%run_scoped3A : memref<!tpu.dma_semaphore, #tpu.memory_space<semaphore_mem>>)
      %dma_wait3A_269 = arith.constant 0 : i32
      %dma_wait3A_270 = tpu.memref_slice %arg32[%add3A_233, %dma_wait3A_269] : memref<10240x128xf32, #tpu.memory_space<vmem_shared>> -> memref<32x128xf32, #tpu.memory_space<vmem_shared>>
      %dma_wait3A_271 = arith.constant 0 : i32
      %dma_wait3A_272 = tpu.memref_slice %arg32[%add3A_233, %dma_wait3A_271] : memref<10240x128xf32, #tpu.memory_space<vmem_shared>> -> memref<32x128xf32, #tpu.memory_space<vmem_shared>>
      tpu.wait_dma2 semaphore(%run_scoped3A : memref<!tpu.dma_semaphore, #tpu.memory_space<semaphore_mem>>) src(%dma_wait3A_272 : memref<32x128xf32, #tpu.memory_space<vmem_shared>>) dst(%arg31 : memref<32x128xf32, #tpu.memory_space<vmem>>)
      tpu.yield
    }) : () -> ()
    "tpu.region"() ({
      %run_scoped3A = tpu.sem_alloc : memref<!tpu.dma_semaphore, #tpu.memory_space<semaphore_mem>>
      %dma_start3A = arith.constant 0 : i32
      %dma_start3A_266 = tpu.memref_slice %arg8[%arg0, %add3A_233, %dma_start3A] : memref<2x10240x128xf32, #tpu.memory_space<hbm>> -> memref<1x32x128xf32, #tpu.memory_space<hbm>>
      %dma_start3A_267 = tpu.memref_squeeze %dma_start3A_266 : memref<1x32x128xf32, #tpu.memory_space<hbm>> -> memref<32x128xf32, #tpu.memory_space<hbm>>
      %dma_start3A_268 = arith.constant 0 : i32
      %dma_start3A_269 = tpu.memref_slice %arg8[%arg0, %add3A_233, %dma_start3A_268] : memref<2x10240x128xf32, #tpu.memory_space<hbm>> -> memref<1x32x128xf32, #tpu.memory_space<hbm>>
      %dma_start3A_270 = tpu.memref_squeeze %dma_start3A_269 : memref<1x32x128xf32, #tpu.memory_space<hbm>> -> memref<32x128xf32, #tpu.memory_space<hbm>>
      tpu.enqueue_dma source(%arg31 : memref<32x128xf32, #tpu.memory_space<vmem>>) target(%dma_start3A_270 : memref<32x128xf32, #tpu.memory_space<hbm>>) target_semaphore(%run_scoped3A : memref<!tpu.dma_semaphore, #tpu.memory_space<semaphore_mem>>)
      %dma_wait3A_271 = arith.constant 0 : i32
      %dma_wait3A_272 = tpu.memref_slice %arg8[%arg0, %add3A_233, %dma_wait3A_271] : memref<2x10240x128xf32, #tpu.memory_space<hbm>> -> memref<1x32x128xf32, #tpu.memory_space<hbm>>
      %dma_wait3A_273 = tpu.memref_squeeze %dma_wait3A_272 : memref<1x32x128xf32, #tpu.memory_space<hbm>> -> memref<32x128xf32, #tpu.memory_space<hbm>>
      %dma_wait3A_274 = arith.constant 0 : i32
      %dma_wait3A_275 = tpu.memref_slice %arg8[%arg0, %add3A_233, %dma_wait3A_274] : memref<2x10240x128xf32, #tpu.memory_space<hbm>> -> memref<1x32x128xf32, #tpu.memory_space<hbm>>
      %dma_wait3A_276 = tpu.memref_squeeze %dma_wait3A_275 : memref<1x32x128xf32, #tpu.memory_space<hbm>> -> memref<32x128xf32, #tpu.memory_space<hbm>>
      tpu.wait_dma2 semaphore(%run_scoped3A : memref<!tpu.dma_semaphore, #tpu.memory_space<semaphore_mem>>) src(%arg31 : memref<32x128xf32, #tpu.memory_space<vmem>>) dst(%dma_wait3A_276 : memref<32x128xf32, #tpu.memory_space<hbm>>)
      tpu.yield
    }) : () -> ()
    %add3A_234 = arith.constant 128 : i32
    %add3A_235 = arith.addi %mul3A_4, %add3A_234 : i32
    "tpu.region"() ({
      %run_scoped3A = tpu.sem_alloc : memref<!tpu.dma_semaphore, #tpu.memory_space<semaphore_mem>>
      %dma_start3A = arith.constant 0 : i32
      %dma_start3A_266 = tpu.memref_slice %arg32[%add3A_235, %dma_start3A] : memref<10240x128xf32, #tpu.memory_space<vmem_shared>> -> memref<32x128xf32, #tpu.memory_space<vmem_shared>>
      %dma_start3A_267 = arith.constant 0 : i32
      %dma_start3A_268 = tpu.memref_slice %arg32[%add3A_235, %dma_start3A_267] : memref<10240x128xf32, #tpu.memory_space<vmem_shared>> -> memref<32x128xf32, #tpu.memory_space<vmem_shared>>
      tpu.enqueue_dma source(%dma_start3A_268 : memref<32x128xf32, #tpu.memory_space<vmem_shared>>) target(%arg31 : memref<32x128xf32, #tpu.memory_space<vmem>>) target_semaphore(%run_scoped3A : memref<!tpu.dma_semaphore, #tpu.memory_space<semaphore_mem>>)
      %dma_wait3A_269 = arith.constant 0 : i32
      %dma_wait3A_270 = tpu.memref_slice %arg32[%add3A_235, %dma_wait3A_269] : memref<10240x128xf32, #tpu.memory_space<vmem_shared>> -> memref<32x128xf32, #tpu.memory_space<vmem_shared>>
      %dma_wait3A_271 = arith.constant 0 : i32
      %dma_wait3A_272 = tpu.memref_slice %arg32[%add3A_235, %dma_wait3A_271] : memref<10240x128xf32, #tpu.memory_space<vmem_shared>> -> memref<32x128xf32, #tpu.memory_space<vmem_shared>>
      tpu.wait_dma2 semaphore(%run_scoped3A : memref<!tpu.dma_semaphore, #tpu.memory_space<semaphore_mem>>) src(%dma_wait3A_272 : memref<32x128xf32, #tpu.memory_space<vmem_shared>>) dst(%arg31 : memref<32x128xf32, #tpu.memory_space<vmem>>)
      tpu.yield
    }) : () -> ()
    "tpu.region"() ({
      %run_scoped3A = tpu.sem_alloc : memref<!tpu.dma_semaphore, #tpu.memory_space<semaphore_mem>>
      %dma_start3A = arith.constant 0 : i32
      %dma_start3A_266 = tpu.memref_slice %arg8[%arg0, %add3A_235, %dma_start3A] : memref<2x10240x128xf32, #tpu.memory_space<hbm>> -> memref<1x32x128xf32, #tpu.memory_space<hbm>>
      %dma_start3A_267 = tpu.memref_squeeze %dma_start3A_266 : memref<1x32x128xf32, #tpu.memory_space<hbm>> -> memref<32x128xf32, #tpu.memory_space<hbm>>
      %dma_start3A_268 = arith.constant 0 : i32
      %dma_start3A_269 = tpu.memref_slice %arg8[%arg0, %add3A_235, %dma_start3A_268] : memref<2x10240x128xf32, #tpu.memory_space<hbm>> -> memref<1x32x128xf32, #tpu.memory_space<hbm>>
      %dma_start3A_270 = tpu.memref_squeeze %dma_start3A_269 : memref<1x32x128xf32, #tpu.memory_space<hbm>> -> memref<32x128xf32, #tpu.memory_space<hbm>>
      tpu.enqueue_dma source(%arg31 : memref<32x128xf32, #tpu.memory_space<vmem>>) target(%dma_start3A_270 : memref<32x128xf32, #tpu.memory_space<hbm>>) target_semaphore(%run_scoped3A : memref<!tpu.dma_semaphore, #tpu.memory_space<semaphore_mem>>)
      %dma_wait3A_271 = arith.constant 0 : i32
      %dma_wait3A_272 = tpu.memref_slice %arg8[%arg0, %add3A_235, %dma_wait3A_271] : memref<2x10240x128xf32, #tpu.memory_space<hbm>> -> memref<1x32x128xf32, #tpu.memory_space<hbm>>
      %dma_wait3A_273 = tpu.memref_squeeze %dma_wait3A_272 : memref<1x32x128xf32, #tpu.memory_space<hbm>> -> memref<32x128xf32, #tpu.memory_space<hbm>>
      %dma_wait3A_274 = arith.constant 0 : i32
      %dma_wait3A_275 = tpu.memref_slice %arg8[%arg0, %add3A_235, %dma_wait3A_274] : memref<2x10240x128xf32, #tpu.memory_space<hbm>> -> memref<1x32x128xf32, #tpu.memory_space<hbm>>
      %dma_wait3A_276 = tpu.memref_squeeze %dma_wait3A_275 : memref<1x32x128xf32, #tpu.memory_space<hbm>> -> memref<32x128xf32, #tpu.memory_space<hbm>>
      tpu.wait_dma2 semaphore(%run_scoped3A : memref<!tpu.dma_semaphore, #tpu.memory_space<semaphore_mem>>) src(%arg31 : memref<32x128xf32, #tpu.memory_space<vmem>>) dst(%dma_wait3A_276 : memref<32x128xf32, #tpu.memory_space<hbm>>)
      tpu.yield
    }) : () -> ()
    %add3A_236 = arith.constant 160 : i32
    %add3A_237 = arith.addi %mul3A_4, %add3A_236 : i32
    "tpu.region"() ({
      %run_scoped3A = tpu.sem_alloc : memref<!tpu.dma_semaphore, #tpu.memory_space<semaphore_mem>>
      %dma_start3A = arith.constant 0 : i32
      %dma_start3A_266 = tpu.memref_slice %arg32[%add3A_237, %dma_start3A] : memref<10240x128xf32, #tpu.memory_space<vmem_shared>> -> memref<32x128xf32, #tpu.memory_space<vmem_shared>>
      %dma_start3A_267 = arith.constant 0 : i32
      %dma_start3A_268 = tpu.memref_slice %arg32[%add3A_237, %dma_start3A_267] : memref<10240x128xf32, #tpu.memory_space<vmem_shared>> -> memref<32x128xf32, #tpu.memory_space<vmem_shared>>
      tpu.enqueue_dma source(%dma_start3A_268 : memref<32x128xf32, #tpu.memory_space<vmem_shared>>) target(%arg31 : memref<32x128xf32, #tpu.memory_space<vmem>>) target_semaphore(%run_scoped3A : memref<!tpu.dma_semaphore, #tpu.memory_space<semaphore_mem>>)
      %dma_wait3A_269 = arith.constant 0 : i32
      %dma_wait3A_270 = tpu.memref_slice %arg32[%add3A_237, %dma_wait3A_269] : memref<10240x128xf32, #tpu.memory_space<vmem_shared>> -> memref<32x128xf32, #tpu.memory_space<vmem_shared>>
      %dma_wait3A_271 = arith.constant 0 : i32
      %dma_wait3A_272 = tpu.memref_slice %arg32[%add3A_237, %dma_wait3A_271] : memref<10240x128xf32, #tpu.memory_space<vmem_shared>> -> memref<32x128xf32, #tpu.memory_space<vmem_shared>>
      tpu.wait_dma2 semaphore(%run_scoped3A : memref<!tpu.dma_semaphore, #tpu.memory_space<semaphore_mem>>) src(%dma_wait3A_272 : memref<32x128xf32, #tpu.memory_space<vmem_shared>>) dst(%arg31 : memref<32x128xf32, #tpu.memory_space<vmem>>)
      tpu.yield
    }) : () -> ()
    "tpu.region"() ({
      %run_scoped3A = tpu.sem_alloc : memref<!tpu.dma_semaphore, #tpu.memory_space<semaphore_mem>>
      %dma_start3A = arith.constant 0 : i32
      %dma_start3A_266 = tpu.memref_slice %arg8[%arg0, %add3A_237, %dma_start3A] : memref<2x10240x128xf32, #tpu.memory_space<hbm>> -> memref<1x32x128xf32, #tpu.memory_space<hbm>>
      %dma_start3A_267 = tpu.memref_squeeze %dma_start3A_266 : memref<1x32x128xf32, #tpu.memory_space<hbm>> -> memref<32x128xf32, #tpu.memory_space<hbm>>
      %dma_start3A_268 = arith.constant 0 : i32
      %dma_start3A_269 = tpu.memref_slice %arg8[%arg0, %add3A_237, %dma_start3A_268] : memref<2x10240x128xf32, #tpu.memory_space<hbm>> -> memref<1x32x128xf32, #tpu.memory_space<hbm>>
      %dma_start3A_270 = tpu.memref_squeeze %dma_start3A_269 : memref<1x32x128xf32, #tpu.memory_space<hbm>> -> memref<32x128xf32, #tpu.memory_space<hbm>>
      tpu.enqueue_dma source(%arg31 : memref<32x128xf32, #tpu.memory_space<vmem>>) target(%dma_start3A_270 : memref<32x128xf32, #tpu.memory_space<hbm>>) target_semaphore(%run_scoped3A : memref<!tpu.dma_semaphore, #tpu.memory_space<semaphore_mem>>)
      %dma_wait3A_271 = arith.constant 0 : i32
      %dma_wait3A_272 = tpu.memref_slice %arg8[%arg0, %add3A_237, %dma_wait3A_271] : memref<2x10240x128xf32, #tpu.memory_space<hbm>> -> memref<1x32x128xf32, #tpu.memory_space<hbm>>
      %dma_wait3A_273 = tpu.memref_squeeze %dma_wait3A_272 : memref<1x32x128xf32, #tpu.memory_space<hbm>> -> memref<32x128xf32, #tpu.memory_space<hbm>>
      %dma_wait3A_274 = arith.constant 0 : i32
      %dma_wait3A_275 = tpu.memref_slice %arg8[%arg0, %add3A_237, %dma_wait3A_274] : memref<2x10240x128xf32, #tpu.memory_space<hbm>> -> memref<1x32x128xf32, #tpu.memory_space<hbm>>
      %dma_wait3A_276 = tpu.memref_squeeze %dma_wait3A_275 : memref<1x32x128xf32, #tpu.memory_space<hbm>> -> memref<32x128xf32, #tpu.memory_space<hbm>>
      tpu.wait_dma2 semaphore(%run_scoped3A : memref<!tpu.dma_semaphore, #tpu.memory_space<semaphore_mem>>) src(%arg31 : memref<32x128xf32, #tpu.memory_space<vmem>>) dst(%dma_wait3A_276 : memref<32x128xf32, #tpu.memory_space<hbm>>)
      tpu.yield
    }) : () -> ()
    %add3A_238 = arith.constant 192 : i32
    %add3A_239 = arith.addi %mul3A_4, %add3A_238 : i32
    "tpu.region"() ({
      %run_scoped3A = tpu.sem_alloc : memref<!tpu.dma_semaphore, #tpu.memory_space<semaphore_mem>>
      %dma_start3A = arith.constant 0 : i32
      %dma_start3A_266 = tpu.memref_slice %arg32[%add3A_239, %dma_start3A] : memref<10240x128xf32, #tpu.memory_space<vmem_shared>> -> memref<32x128xf32, #tpu.memory_space<vmem_shared>>
      %dma_start3A_267 = arith.constant 0 : i32
      %dma_start3A_268 = tpu.memref_slice %arg32[%add3A_239, %dma_start3A_267] : memref<10240x128xf32, #tpu.memory_space<vmem_shared>> -> memref<32x128xf32, #tpu.memory_space<vmem_shared>>
      tpu.enqueue_dma source(%dma_start3A_268 : memref<32x128xf32, #tpu.memory_space<vmem_shared>>) target(%arg31 : memref<32x128xf32, #tpu.memory_space<vmem>>) target_semaphore(%run_scoped3A : memref<!tpu.dma_semaphore, #tpu.memory_space<semaphore_mem>>)
      %dma_wait3A_269 = arith.constant 0 : i32
      %dma_wait3A_270 = tpu.memref_slice %arg32[%add3A_239, %dma_wait3A_269] : memref<10240x128xf32, #tpu.memory_space<vmem_shared>> -> memref<32x128xf32, #tpu.memory_space<vmem_shared>>
      %dma_wait3A_271 = arith.constant 0 : i32
      %dma_wait3A_272 = tpu.memref_slice %arg32[%add3A_239, %dma_wait3A_271] : memref<10240x128xf32, #tpu.memory_space<vmem_shared>> -> memref<32x128xf32, #tpu.memory_space<vmem_shared>>
      tpu.wait_dma2 semaphore(%run_scoped3A : memref<!tpu.dma_semaphore, #tpu.memory_space<semaphore_mem>>) src(%dma_wait3A_272 : memref<32x128xf32, #tpu.memory_space<vmem_shared>>) dst(%arg31 : memref<32x128xf32, #tpu.memory_space<vmem>>)
      tpu.yield
    }) : () -> ()
    "tpu.region"() ({
      %run_scoped3A = tpu.sem_alloc : memref<!tpu.dma_semaphore, #tpu.memory_space<semaphore_mem>>
      %dma_start3A = arith.constant 0 : i32
      %dma_start3A_266 = tpu.memref_slice %arg8[%arg0, %add3A_239, %dma_start3A] : memref<2x10240x128xf32, #tpu.memory_space<hbm>> -> memref<1x32x128xf32, #tpu.memory_space<hbm>>
      %dma_start3A_267 = tpu.memref_squeeze %dma_start3A_266 : memref<1x32x128xf32, #tpu.memory_space<hbm>> -> memref<32x128xf32, #tpu.memory_space<hbm>>
      %dma_start3A_268 = arith.constant 0 : i32
      %dma_start3A_269 = tpu.memref_slice %arg8[%arg0, %add3A_239, %dma_start3A_268] : memref<2x10240x128xf32, #tpu.memory_space<hbm>> -> memref<1x32x128xf32, #tpu.memory_space<hbm>>
      %dma_start3A_270 = tpu.memref_squeeze %dma_start3A_269 : memref<1x32x128xf32, #tpu.memory_space<hbm>> -> memref<32x128xf32, #tpu.memory_space<hbm>>
      tpu.enqueue_dma source(%arg31 : memref<32x128xf32, #tpu.memory_space<vmem>>) target(%dma_start3A_270 : memref<32x128xf32, #tpu.memory_space<hbm>>) target_semaphore(%run_scoped3A : memref<!tpu.dma_semaphore, #tpu.memory_space<semaphore_mem>>)
      %dma_wait3A_271 = arith.constant 0 : i32
      %dma_wait3A_272 = tpu.memref_slice %arg8[%arg0, %add3A_239, %dma_wait3A_271] : memref<2x10240x128xf32, #tpu.memory_space<hbm>> -> memref<1x32x128xf32, #tpu.memory_space<hbm>>
      %dma_wait3A_273 = tpu.memref_squeeze %dma_wait3A_272 : memref<1x32x128xf32, #tpu.memory_space<hbm>> -> memref<32x128xf32, #tpu.memory_space<hbm>>
      %dma_wait3A_274 = arith.constant 0 : i32
      %dma_wait3A_275 = tpu.memref_slice %arg8[%arg0, %add3A_239, %dma_wait3A_274] : memref<2x10240x128xf32, #tpu.memory_space<hbm>> -> memref<1x32x128xf32, #tpu.memory_space<hbm>>
      %dma_wait3A_276 = tpu.memref_squeeze %dma_wait3A_275 : memref<1x32x128xf32, #tpu.memory_space<hbm>> -> memref<32x128xf32, #tpu.memory_space<hbm>>
      tpu.wait_dma2 semaphore(%run_scoped3A : memref<!tpu.dma_semaphore, #tpu.memory_space<semaphore_mem>>) src(%arg31 : memref<32x128xf32, #tpu.memory_space<vmem>>) dst(%dma_wait3A_276 : memref<32x128xf32, #tpu.memory_space<hbm>>)
      tpu.yield
    }) : () -> ()
    %add3A_240 = arith.constant 224 : i32
    %add3A_241 = arith.addi %mul3A_4, %add3A_240 : i32
    "tpu.region"() ({
      %run_scoped3A = tpu.sem_alloc : memref<!tpu.dma_semaphore, #tpu.memory_space<semaphore_mem>>
      %dma_start3A = arith.constant 0 : i32
      %dma_start3A_266 = tpu.memref_slice %arg32[%add3A_241, %dma_start3A] : memref<10240x128xf32, #tpu.memory_space<vmem_shared>> -> memref<32x128xf32, #tpu.memory_space<vmem_shared>>
      %dma_start3A_267 = arith.constant 0 : i32
      %dma_start3A_268 = tpu.memref_slice %arg32[%add3A_241, %dma_start3A_267] : memref<10240x128xf32, #tpu.memory_space<vmem_shared>> -> memref<32x128xf32, #tpu.memory_space<vmem_shared>>
      tpu.enqueue_dma source(%dma_start3A_268 : memref<32x128xf32, #tpu.memory_space<vmem_shared>>) target(%arg31 : memref<32x128xf32, #tpu.memory_space<vmem>>) target_semaphore(%run_scoped3A : memref<!tpu.dma_semaphore, #tpu.memory_space<semaphore_mem>>)
      %dma_wait3A_269 = arith.constant 0 : i32
      %dma_wait3A_270 = tpu.memref_slice %arg32[%add3A_241, %dma_wait3A_269] : memref<10240x128xf32, #tpu.memory_space<vmem_shared>> -> memref<32x128xf32, #tpu.memory_space<vmem_shared>>
      %dma_wait3A_271 = arith.constant 0 : i32
      %dma_wait3A_272 = tpu.memref_slice %arg32[%add3A_241, %dma_wait3A_271] : memref<10240x128xf32, #tpu.memory_space<vmem_shared>> -> memref<32x128xf32, #tpu.memory_space<vmem_shared>>
      tpu.wait_dma2 semaphore(%run_scoped3A : memref<!tpu.dma_semaphore, #tpu.memory_space<semaphore_mem>>) src(%dma_wait3A_272 : memref<32x128xf32, #tpu.memory_space<vmem_shared>>) dst(%arg31 : memref<32x128xf32, #tpu.memory_space<vmem>>)
      tpu.yield
    }) : () -> ()
    "tpu.region"() ({
      %run_scoped3A = tpu.sem_alloc : memref<!tpu.dma_semaphore, #tpu.memory_space<semaphore_mem>>
      %dma_start3A = arith.constant 0 : i32
      %dma_start3A_266 = tpu.memref_slice %arg8[%arg0, %add3A_241, %dma_start3A] : memref<2x10240x128xf32, #tpu.memory_space<hbm>> -> memref<1x32x128xf32, #tpu.memory_space<hbm>>
      %dma_start3A_267 = tpu.memref_squeeze %dma_start3A_266 : memref<1x32x128xf32, #tpu.memory_space<hbm>> -> memref<32x128xf32, #tpu.memory_space<hbm>>
      %dma_start3A_268 = arith.constant 0 : i32
      %dma_start3A_269 = tpu.memref_slice %arg8[%arg0, %add3A_241, %dma_start3A_268] : memref<2x10240x128xf32, #tpu.memory_space<hbm>> -> memref<1x32x128xf32, #tpu.memory_space<hbm>>
      %dma_start3A_270 = tpu.memref_squeeze %dma_start3A_269 : memref<1x32x128xf32, #tpu.memory_space<hbm>> -> memref<32x128xf32, #tpu.memory_space<hbm>>
      tpu.enqueue_dma source(%arg31 : memref<32x128xf32, #tpu.memory_space<vmem>>) target(%dma_start3A_270 : memref<32x128xf32, #tpu.memory_space<hbm>>) target_semaphore(%run_scoped3A : memref<!tpu.dma_semaphore, #tpu.memory_space<semaphore_mem>>)
      %dma_wait3A_271 = arith.constant 0 : i32
      %dma_wait3A_272 = tpu.memref_slice %arg8[%arg0, %add3A_241, %dma_wait3A_271] : memref<2x10240x128xf32, #tpu.memory_space<hbm>> -> memref<1x32x128xf32, #tpu.memory_space<hbm>>
      %dma_wait3A_273 = tpu.memref_squeeze %dma_wait3A_272 : memref<1x32x128xf32, #tpu.memory_space<hbm>> -> memref<32x128xf32, #tpu.memory_space<hbm>>
      %dma_wait3A_274 = arith.constant 0 : i32
      %dma_wait3A_275 = tpu.memref_slice %arg8[%arg0, %add3A_241, %dma_wait3A_274] : memref<2x10240x128xf32, #tpu.memory_space<hbm>> -> memref<1x32x128xf32, #tpu.memory_space<hbm>>
      %dma_wait3A_276 = tpu.memref_squeeze %dma_wait3A_275 : memref<1x32x128xf32, #tpu.memory_space<hbm>> -> memref<32x128xf32, #tpu.memory_space<hbm>>
      tpu.wait_dma2 semaphore(%run_scoped3A : memref<!tpu.dma_semaphore, #tpu.memory_space<semaphore_mem>>) src(%arg31 : memref<32x128xf32, #tpu.memory_space<vmem>>) dst(%dma_wait3A_276 : memref<32x128xf32, #tpu.memory_space<hbm>>)
      tpu.yield
    }) : () -> ()
    %add3A_242 = arith.constant 256 : i32
    %add3A_243 = arith.addi %mul3A_4, %add3A_242 : i32
    "tpu.region"() ({
      %run_scoped3A = tpu.sem_alloc : memref<!tpu.dma_semaphore, #tpu.memory_space<semaphore_mem>>
      %dma_start3A = arith.constant 0 : i32
      %dma_start3A_266 = tpu.memref_slice %arg32[%add3A_243, %dma_start3A] : memref<10240x128xf32, #tpu.memory_space<vmem_shared>> -> memref<32x128xf32, #tpu.memory_space<vmem_shared>>
      %dma_start3A_267 = arith.constant 0 : i32
      %dma_start3A_268 = tpu.memref_slice %arg32[%add3A_243, %dma_start3A_267] : memref<10240x128xf32, #tpu.memory_space<vmem_shared>> -> memref<32x128xf32, #tpu.memory_space<vmem_shared>>
      tpu.enqueue_dma source(%dma_start3A_268 : memref<32x128xf32, #tpu.memory_space<vmem_shared>>) target(%arg31 : memref<32x128xf32, #tpu.memory_space<vmem>>) target_semaphore(%run_scoped3A : memref<!tpu.dma_semaphore, #tpu.memory_space<semaphore_mem>>)
      %dma_wait3A_269 = arith.constant 0 : i32
      %dma_wait3A_270 = tpu.memref_slice %arg32[%add3A_243, %dma_wait3A_269] : memref<10240x128xf32, #tpu.memory_space<vmem_shared>> -> memref<32x128xf32, #tpu.memory_space<vmem_shared>>
      %dma_wait3A_271 = arith.constant 0 : i32
      %dma_wait3A_272 = tpu.memref_slice %arg32[%add3A_243, %dma_wait3A_271] : memref<10240x128xf32, #tpu.memory_space<vmem_shared>> -> memref<32x128xf32, #tpu.memory_space<vmem_shared>>
      tpu.wait_dma2 semaphore(%run_scoped3A : memref<!tpu.dma_semaphore, #tpu.memory_space<semaphore_mem>>) src(%dma_wait3A_272 : memref<32x128xf32, #tpu.memory_space<vmem_shared>>) dst(%arg31 : memref<32x128xf32, #tpu.memory_space<vmem>>)
      tpu.yield
    }) : () -> ()
    "tpu.region"() ({
      %run_scoped3A = tpu.sem_alloc : memref<!tpu.dma_semaphore, #tpu.memory_space<semaphore_mem>>
      %dma_start3A = arith.constant 0 : i32
      %dma_start3A_266 = tpu.memref_slice %arg8[%arg0, %add3A_243, %dma_start3A] : memref<2x10240x128xf32, #tpu.memory_space<hbm>> -> memref<1x32x128xf32, #tpu.memory_space<hbm>>
      %dma_start3A_267 = tpu.memref_squeeze %dma_start3A_266 : memref<1x32x128xf32, #tpu.memory_space<hbm>> -> memref<32x128xf32, #tpu.memory_space<hbm>>
      %dma_start3A_268 = arith.constant 0 : i32
      %dma_start3A_269 = tpu.memref_slice %arg8[%arg0, %add3A_243, %dma_start3A_268] : memref<2x10240x128xf32, #tpu.memory_space<hbm>> -> memref<1x32x128xf32, #tpu.memory_space<hbm>>
      %dma_start3A_270 = tpu.memref_squeeze %dma_start3A_269 : memref<1x32x128xf32, #tpu.memory_space<hbm>> -> memref<32x128xf32, #tpu.memory_space<hbm>>
      tpu.enqueue_dma source(%arg31 : memref<32x128xf32, #tpu.memory_space<vmem>>) target(%dma_start3A_270 : memref<32x128xf32, #tpu.memory_space<hbm>>) target_semaphore(%run_scoped3A : memref<!tpu.dma_semaphore, #tpu.memory_space<semaphore_mem>>)
      %dma_wait3A_271 = arith.constant 0 : i32
      %dma_wait3A_272 = tpu.memref_slice %arg8[%arg0, %add3A_243, %dma_wait3A_271] : memref<2x10240x128xf32, #tpu.memory_space<hbm>> -> memref<1x32x128xf32, #tpu.memory_space<hbm>>
      %dma_wait3A_273 = tpu.memref_squeeze %dma_wait3A_272 : memref<1x32x128xf32, #tpu.memory_space<hbm>> -> memref<32x128xf32, #tpu.memory_space<hbm>>
      %dma_wait3A_274 = arith.constant 0 : i32
      %dma_wait3A_275 = tpu.memref_slice %arg8[%arg0, %add3A_243, %dma_wait3A_274] : memref<2x10240x128xf32, #tpu.memory_space<hbm>> -> memref<1x32x128xf32, #tpu.memory_space<hbm>>
      %dma_wait3A_276 = tpu.memref_squeeze %dma_wait3A_275 : memref<1x32x128xf32, #tpu.memory_space<hbm>> -> memref<32x128xf32, #tpu.memory_space<hbm>>
      tpu.wait_dma2 semaphore(%run_scoped3A : memref<!tpu.dma_semaphore, #tpu.memory_space<semaphore_mem>>) src(%arg31 : memref<32x128xf32, #tpu.memory_space<vmem>>) dst(%dma_wait3A_276 : memref<32x128xf32, #tpu.memory_space<hbm>>)
      tpu.yield
    }) : () -> ()
    %add3A_244 = arith.constant 288 : i32
    %add3A_245 = arith.addi %mul3A_4, %add3A_244 : i32
    "tpu.region"() ({
      %run_scoped3A = tpu.sem_alloc : memref<!tpu.dma_semaphore, #tpu.memory_space<semaphore_mem>>
      %dma_start3A = arith.constant 0 : i32
      %dma_start3A_266 = tpu.memref_slice %arg32[%add3A_245, %dma_start3A] : memref<10240x128xf32, #tpu.memory_space<vmem_shared>> -> memref<32x128xf32, #tpu.memory_space<vmem_shared>>
      %dma_start3A_267 = arith.constant 0 : i32
      %dma_start3A_268 = tpu.memref_slice %arg32[%add3A_245, %dma_start3A_267] : memref<10240x128xf32, #tpu.memory_space<vmem_shared>> -> memref<32x128xf32, #tpu.memory_space<vmem_shared>>
      tpu.enqueue_dma source(%dma_start3A_268 : memref<32x128xf32, #tpu.memory_space<vmem_shared>>) target(%arg31 : memref<32x128xf32, #tpu.memory_space<vmem>>) target_semaphore(%run_scoped3A : memref<!tpu.dma_semaphore, #tpu.memory_space<semaphore_mem>>)
      %dma_wait3A_269 = arith.constant 0 : i32
      %dma_wait3A_270 = tpu.memref_slice %arg32[%add3A_245, %dma_wait3A_269] : memref<10240x128xf32, #tpu.memory_space<vmem_shared>> -> memref<32x128xf32, #tpu.memory_space<vmem_shared>>
      %dma_wait3A_271 = arith.constant 0 : i32
      %dma_wait3A_272 = tpu.memref_slice %arg32[%add3A_245, %dma_wait3A_271] : memref<10240x128xf32, #tpu.memory_space<vmem_shared>> -> memref<32x128xf32, #tpu.memory_space<vmem_shared>>
      tpu.wait_dma2 semaphore(%run_scoped3A : memref<!tpu.dma_semaphore, #tpu.memory_space<semaphore_mem>>) src(%dma_wait3A_272 : memref<32x128xf32, #tpu.memory_space<vmem_shared>>) dst(%arg31 : memref<32x128xf32, #tpu.memory_space<vmem>>)
      tpu.yield
    }) : () -> ()
    "tpu.region"() ({
      %run_scoped3A = tpu.sem_alloc : memref<!tpu.dma_semaphore, #tpu.memory_space<semaphore_mem>>
      %dma_start3A = arith.constant 0 : i32
      %dma_start3A_266 = tpu.memref_slice %arg8[%arg0, %add3A_245, %dma_start3A] : memref<2x10240x128xf32, #tpu.memory_space<hbm>> -> memref<1x32x128xf32, #tpu.memory_space<hbm>>
      %dma_start3A_267 = tpu.memref_squeeze %dma_start3A_266 : memref<1x32x128xf32, #tpu.memory_space<hbm>> -> memref<32x128xf32, #tpu.memory_space<hbm>>
      %dma_start3A_268 = arith.constant 0 : i32
      %dma_start3A_269 = tpu.memref_slice %arg8[%arg0, %add3A_245, %dma_start3A_268] : memref<2x10240x128xf32, #tpu.memory_space<hbm>> -> memref<1x32x128xf32, #tpu.memory_space<hbm>>
      %dma_start3A_270 = tpu.memref_squeeze %dma_start3A_269 : memref<1x32x128xf32, #tpu.memory_space<hbm>> -> memref<32x128xf32, #tpu.memory_space<hbm>>
      tpu.enqueue_dma source(%arg31 : memref<32x128xf32, #tpu.memory_space<vmem>>) target(%dma_start3A_270 : memref<32x128xf32, #tpu.memory_space<hbm>>) target_semaphore(%run_scoped3A : memref<!tpu.dma_semaphore, #tpu.memory_space<semaphore_mem>>)
      %dma_wait3A_271 = arith.constant 0 : i32
      %dma_wait3A_272 = tpu.memref_slice %arg8[%arg0, %add3A_245, %dma_wait3A_271] : memref<2x10240x128xf32, #tpu.memory_space<hbm>> -> memref<1x32x128xf32, #tpu.memory_space<hbm>>
      %dma_wait3A_273 = tpu.memref_squeeze %dma_wait3A_272 : memref<1x32x128xf32, #tpu.memory_space<hbm>> -> memref<32x128xf32, #tpu.memory_space<hbm>>
      %dma_wait3A_274 = arith.constant 0 : i32
      %dma_wait3A_275 = tpu.memref_slice %arg8[%arg0, %add3A_245, %dma_wait3A_274] : memref<2x10240x128xf32, #tpu.memory_space<hbm>> -> memref<1x32x128xf32, #tpu.memory_space<hbm>>
      %dma_wait3A_276 = tpu.memref_squeeze %dma_wait3A_275 : memref<1x32x128xf32, #tpu.memory_space<hbm>> -> memref<32x128xf32, #tpu.memory_space<hbm>>
      tpu.wait_dma2 semaphore(%run_scoped3A : memref<!tpu.dma_semaphore, #tpu.memory_space<semaphore_mem>>) src(%arg31 : memref<32x128xf32, #tpu.memory_space<vmem>>) dst(%dma_wait3A_276 : memref<32x128xf32, #tpu.memory_space<hbm>>)
      tpu.yield
    }) : () -> ()
    %add3A_246 = arith.constant 320 : i32
    %add3A_247 = arith.addi %mul3A_4, %add3A_246 : i32
    "tpu.region"() ({
      %run_scoped3A = tpu.sem_alloc : memref<!tpu.dma_semaphore, #tpu.memory_space<semaphore_mem>>
      %dma_start3A = arith.constant 0 : i32
      %dma_start3A_266 = tpu.memref_slice %arg32[%add3A_247, %dma_start3A] : memref<10240x128xf32, #tpu.memory_space<vmem_shared>> -> memref<32x128xf32, #tpu.memory_space<vmem_shared>>
      %dma_start3A_267 = arith.constant 0 : i32
      %dma_start3A_268 = tpu.memref_slice %arg32[%add3A_247, %dma_start3A_267] : memref<10240x128xf32, #tpu.memory_space<vmem_shared>> -> memref<32x128xf32, #tpu.memory_space<vmem_shared>>
      tpu.enqueue_dma source(%dma_start3A_268 : memref<32x128xf32, #tpu.memory_space<vmem_shared>>) target(%arg31 : memref<32x128xf32, #tpu.memory_space<vmem>>) target_semaphore(%run_scoped3A : memref<!tpu.dma_semaphore, #tpu.memory_space<semaphore_mem>>)
      %dma_wait3A_269 = arith.constant 0 : i32
      %dma_wait3A_270 = tpu.memref_slice %arg32[%add3A_247, %dma_wait3A_269] : memref<10240x128xf32, #tpu.memory_space<vmem_shared>> -> memref<32x128xf32, #tpu.memory_space<vmem_shared>>
      %dma_wait3A_271 = arith.constant 0 : i32
      %dma_wait3A_272 = tpu.memref_slice %arg32[%add3A_247, %dma_wait3A_271] : memref<10240x128xf32, #tpu.memory_space<vmem_shared>> -> memref<32x128xf32, #tpu.memory_space<vmem_shared>>
      tpu.wait_dma2 semaphore(%run_scoped3A : memref<!tpu.dma_semaphore, #tpu.memory_space<semaphore_mem>>) src(%dma_wait3A_272 : memref<32x128xf32, #tpu.memory_space<vmem_shared>>) dst(%arg31 : memref<32x128xf32, #tpu.memory_space<vmem>>)
      tpu.yield
    }) : () -> ()
    "tpu.region"() ({
      %run_scoped3A = tpu.sem_alloc : memref<!tpu.dma_semaphore, #tpu.memory_space<semaphore_mem>>
      %dma_start3A = arith.constant 0 : i32
      %dma_start3A_266 = tpu.memref_slice %arg8[%arg0, %add3A_247, %dma_start3A] : memref<2x10240x128xf32, #tpu.memory_space<hbm>> -> memref<1x32x128xf32, #tpu.memory_space<hbm>>
      %dma_start3A_267 = tpu.memref_squeeze %dma_start3A_266 : memref<1x32x128xf32, #tpu.memory_space<hbm>> -> memref<32x128xf32, #tpu.memory_space<hbm>>
      %dma_start3A_268 = arith.constant 0 : i32
      %dma_start3A_269 = tpu.memref_slice %arg8[%arg0, %add3A_247, %dma_start3A_268] : memref<2x10240x128xf32, #tpu.memory_space<hbm>> -> memref<1x32x128xf32, #tpu.memory_space<hbm>>
      %dma_start3A_270 = tpu.memref_squeeze %dma_start3A_269 : memref<1x32x128xf32, #tpu.memory_space<hbm>> -> memref<32x128xf32, #tpu.memory_space<hbm>>
      tpu.enqueue_dma source(%arg31 : memref<32x128xf32, #tpu.memory_space<vmem>>) target(%dma_start3A_270 : memref<32x128xf32, #tpu.memory_space<hbm>>) target_semaphore(%run_scoped3A : memref<!tpu.dma_semaphore, #tpu.memory_space<semaphore_mem>>)
      %dma_wait3A_271 = arith.constant 0 : i32
      %dma_wait3A_272 = tpu.memref_slice %arg8[%arg0, %add3A_247, %dma_wait3A_271] : memref<2x10240x128xf32, #tpu.memory_space<hbm>> -> memref<1x32x128xf32, #tpu.memory_space<hbm>>
      %dma_wait3A_273 = tpu.memref_squeeze %dma_wait3A_272 : memref<1x32x128xf32, #tpu.memory_space<hbm>> -> memref<32x128xf32, #tpu.memory_space<hbm>>
      %dma_wait3A_274 = arith.constant 0 : i32
      %dma_wait3A_275 = tpu.memref_slice %arg8[%arg0, %add3A_247, %dma_wait3A_274] : memref<2x10240x128xf32, #tpu.memory_space<hbm>> -> memref<1x32x128xf32, #tpu.memory_space<hbm>>
      %dma_wait3A_276 = tpu.memref_squeeze %dma_wait3A_275 : memref<1x32x128xf32, #tpu.memory_space<hbm>> -> memref<32x128xf32, #tpu.memory_space<hbm>>
      tpu.wait_dma2 semaphore(%run_scoped3A : memref<!tpu.dma_semaphore, #tpu.memory_space<semaphore_mem>>) src(%arg31 : memref<32x128xf32, #tpu.memory_space<vmem>>) dst(%dma_wait3A_276 : memref<32x128xf32, #tpu.memory_space<hbm>>)
      tpu.yield
    }) : () -> ()
    %add3A_248 = arith.constant 352 : i32
    %add3A_249 = arith.addi %mul3A_4, %add3A_248 : i32
    "tpu.region"() ({
      %run_scoped3A = tpu.sem_alloc : memref<!tpu.dma_semaphore, #tpu.memory_space<semaphore_mem>>
      %dma_start3A = arith.constant 0 : i32
      %dma_start3A_266 = tpu.memref_slice %arg32[%add3A_249, %dma_start3A] : memref<10240x128xf32, #tpu.memory_space<vmem_shared>> -> memref<32x128xf32, #tpu.memory_space<vmem_shared>>
      %dma_start3A_267 = arith.constant 0 : i32
      %dma_start3A_268 = tpu.memref_slice %arg32[%add3A_249, %dma_start3A_267] : memref<10240x128xf32, #tpu.memory_space<vmem_shared>> -> memref<32x128xf32, #tpu.memory_space<vmem_shared>>
      tpu.enqueue_dma source(%dma_start3A_268 : memref<32x128xf32, #tpu.memory_space<vmem_shared>>) target(%arg31 : memref<32x128xf32, #tpu.memory_space<vmem>>) target_semaphore(%run_scoped3A : memref<!tpu.dma_semaphore, #tpu.memory_space<semaphore_mem>>)
      %dma_wait3A_269 = arith.constant 0 : i32
      %dma_wait3A_270 = tpu.memref_slice %arg32[%add3A_249, %dma_wait3A_269] : memref<10240x128xf32, #tpu.memory_space<vmem_shared>> -> memref<32x128xf32, #tpu.memory_space<vmem_shared>>
      %dma_wait3A_271 = arith.constant 0 : i32
      %dma_wait3A_272 = tpu.memref_slice %arg32[%add3A_249, %dma_wait3A_271] : memref<10240x128xf32, #tpu.memory_space<vmem_shared>> -> memref<32x128xf32, #tpu.memory_space<vmem_shared>>
      tpu.wait_dma2 semaphore(%run_scoped3A : memref<!tpu.dma_semaphore, #tpu.memory_space<semaphore_mem>>) src(%dma_wait3A_272 : memref<32x128xf32, #tpu.memory_space<vmem_shared>>) dst(%arg31 : memref<32x128xf32, #tpu.memory_space<vmem>>)
      tpu.yield
    }) : () -> ()
    "tpu.region"() ({
      %run_scoped3A = tpu.sem_alloc : memref<!tpu.dma_semaphore, #tpu.memory_space<semaphore_mem>>
      %dma_start3A = arith.constant 0 : i32
      %dma_start3A_266 = tpu.memref_slice %arg8[%arg0, %add3A_249, %dma_start3A] : memref<2x10240x128xf32, #tpu.memory_space<hbm>> -> memref<1x32x128xf32, #tpu.memory_space<hbm>>
      %dma_start3A_267 = tpu.memref_squeeze %dma_start3A_266 : memref<1x32x128xf32, #tpu.memory_space<hbm>> -> memref<32x128xf32, #tpu.memory_space<hbm>>
      %dma_start3A_268 = arith.constant 0 : i32
      %dma_start3A_269 = tpu.memref_slice %arg8[%arg0, %add3A_249, %dma_start3A_268] : memref<2x10240x128xf32, #tpu.memory_space<hbm>> -> memref<1x32x128xf32, #tpu.memory_space<hbm>>
      %dma_start3A_270 = tpu.memref_squeeze %dma_start3A_269 : memref<1x32x128xf32, #tpu.memory_space<hbm>> -> memref<32x128xf32, #tpu.memory_space<hbm>>
      tpu.enqueue_dma source(%arg31 : memref<32x128xf32, #tpu.memory_space<vmem>>) target(%dma_start3A_270 : memref<32x128xf32, #tpu.memory_space<hbm>>) target_semaphore(%run_scoped3A : memref<!tpu.dma_semaphore, #tpu.memory_space<semaphore_mem>>)
      %dma_wait3A_271 = arith.constant 0 : i32
      %dma_wait3A_272 = tpu.memref_slice %arg8[%arg0, %add3A_249, %dma_wait3A_271] : memref<2x10240x128xf32, #tpu.memory_space<hbm>> -> memref<1x32x128xf32, #tpu.memory_space<hbm>>
      %dma_wait3A_273 = tpu.memref_squeeze %dma_wait3A_272 : memref<1x32x128xf32, #tpu.memory_space<hbm>> -> memref<32x128xf32, #tpu.memory_space<hbm>>
      %dma_wait3A_274 = arith.constant 0 : i32
      %dma_wait3A_275 = tpu.memref_slice %arg8[%arg0, %add3A_249, %dma_wait3A_274] : memref<2x10240x128xf32, #tpu.memory_space<hbm>> -> memref<1x32x128xf32, #tpu.memory_space<hbm>>
      %dma_wait3A_276 = tpu.memref_squeeze %dma_wait3A_275 : memref<1x32x128xf32, #tpu.memory_space<hbm>> -> memref<32x128xf32, #tpu.memory_space<hbm>>
      tpu.wait_dma2 semaphore(%run_scoped3A : memref<!tpu.dma_semaphore, #tpu.memory_space<semaphore_mem>>) src(%arg31 : memref<32x128xf32, #tpu.memory_space<vmem>>) dst(%dma_wait3A_276 : memref<32x128xf32, #tpu.memory_space<hbm>>)
      tpu.yield
    }) : () -> ()
    %add3A_250 = arith.constant 384 : i32
    %add3A_251 = arith.addi %mul3A_4, %add3A_250 : i32
    "tpu.region"() ({
      %run_scoped3A = tpu.sem_alloc : memref<!tpu.dma_semaphore, #tpu.memory_space<semaphore_mem>>
      %dma_start3A = arith.constant 0 : i32
      %dma_start3A_266 = tpu.memref_slice %arg32[%add3A_251, %dma_start3A] : memref<10240x128xf32, #tpu.memory_space<vmem_shared>> -> memref<32x128xf32, #tpu.memory_space<vmem_shared>>
      %dma_start3A_267 = arith.constant 0 : i32
      %dma_start3A_268 = tpu.memref_slice %arg32[%add3A_251, %dma_start3A_267] : memref<10240x128xf32, #tpu.memory_space<vmem_shared>> -> memref<32x128xf32, #tpu.memory_space<vmem_shared>>
      tpu.enqueue_dma source(%dma_start3A_268 : memref<32x128xf32, #tpu.memory_space<vmem_shared>>) target(%arg31 : memref<32x128xf32, #tpu.memory_space<vmem>>) target_semaphore(%run_scoped3A : memref<!tpu.dma_semaphore, #tpu.memory_space<semaphore_mem>>)
      %dma_wait3A_269 = arith.constant 0 : i32
      %dma_wait3A_270 = tpu.memref_slice %arg32[%add3A_251, %dma_wait3A_269] : memref<10240x128xf32, #tpu.memory_space<vmem_shared>> -> memref<32x128xf32, #tpu.memory_space<vmem_shared>>
      %dma_wait3A_271 = arith.constant 0 : i32
      %dma_wait3A_272 = tpu.memref_slice %arg32[%add3A_251, %dma_wait3A_271] : memref<10240x128xf32, #tpu.memory_space<vmem_shared>> -> memref<32x128xf32, #tpu.memory_space<vmem_shared>>
      tpu.wait_dma2 semaphore(%run_scoped3A : memref<!tpu.dma_semaphore, #tpu.memory_space<semaphore_mem>>) src(%dma_wait3A_272 : memref<32x128xf32, #tpu.memory_space<vmem_shared>>) dst(%arg31 : memref<32x128xf32, #tpu.memory_space<vmem>>)
      tpu.yield
    }) : () -> ()
    "tpu.region"() ({
      %run_scoped3A = tpu.sem_alloc : memref<!tpu.dma_semaphore, #tpu.memory_space<semaphore_mem>>
      %dma_start3A = arith.constant 0 : i32
      %dma_start3A_266 = tpu.memref_slice %arg8[%arg0, %add3A_251, %dma_start3A] : memref<2x10240x128xf32, #tpu.memory_space<hbm>> -> memref<1x32x128xf32, #tpu.memory_space<hbm>>
      %dma_start3A_267 = tpu.memref_squeeze %dma_start3A_266 : memref<1x32x128xf32, #tpu.memory_space<hbm>> -> memref<32x128xf32, #tpu.memory_space<hbm>>
      %dma_start3A_268 = arith.constant 0 : i32
      %dma_start3A_269 = tpu.memref_slice %arg8[%arg0, %add3A_251, %dma_start3A_268] : memref<2x10240x128xf32, #tpu.memory_space<hbm>> -> memref<1x32x128xf32, #tpu.memory_space<hbm>>
      %dma_start3A_270 = tpu.memref_squeeze %dma_start3A_269 : memref<1x32x128xf32, #tpu.memory_space<hbm>> -> memref<32x128xf32, #tpu.memory_space<hbm>>
      tpu.enqueue_dma source(%arg31 : memref<32x128xf32, #tpu.memory_space<vmem>>) target(%dma_start3A_270 : memref<32x128xf32, #tpu.memory_space<hbm>>) target_semaphore(%run_scoped3A : memref<!tpu.dma_semaphore, #tpu.memory_space<semaphore_mem>>)
      %dma_wait3A_271 = arith.constant 0 : i32
      %dma_wait3A_272 = tpu.memref_slice %arg8[%arg0, %add3A_251, %dma_wait3A_271] : memref<2x10240x128xf32, #tpu.memory_space<hbm>> -> memref<1x32x128xf32, #tpu.memory_space<hbm>>
      %dma_wait3A_273 = tpu.memref_squeeze %dma_wait3A_272 : memref<1x32x128xf32, #tpu.memory_space<hbm>> -> memref<32x128xf32, #tpu.memory_space<hbm>>
      %dma_wait3A_274 = arith.constant 0 : i32
      %dma_wait3A_275 = tpu.memref_slice %arg8[%arg0, %add3A_251, %dma_wait3A_274] : memref<2x10240x128xf32, #tpu.memory_space<hbm>> -> memref<1x32x128xf32, #tpu.memory_space<hbm>>
      %dma_wait3A_276 = tpu.memref_squeeze %dma_wait3A_275 : memref<1x32x128xf32, #tpu.memory_space<hbm>> -> memref<32x128xf32, #tpu.memory_space<hbm>>
      tpu.wait_dma2 semaphore(%run_scoped3A : memref<!tpu.dma_semaphore, #tpu.memory_space<semaphore_mem>>) src(%arg31 : memref<32x128xf32, #tpu.memory_space<vmem>>) dst(%dma_wait3A_276 : memref<32x128xf32, #tpu.memory_space<hbm>>)
      tpu.yield
    }) : () -> ()
    %add3A_252 = arith.constant 416 : i32
    %add3A_253 = arith.addi %mul3A_4, %add3A_252 : i32
    "tpu.region"() ({
      %run_scoped3A = tpu.sem_alloc : memref<!tpu.dma_semaphore, #tpu.memory_space<semaphore_mem>>
      %dma_start3A = arith.constant 0 : i32
      %dma_start3A_266 = tpu.memref_slice %arg32[%add3A_253, %dma_start3A] : memref<10240x128xf32, #tpu.memory_space<vmem_shared>> -> memref<32x128xf32, #tpu.memory_space<vmem_shared>>
      %dma_start3A_267 = arith.constant 0 : i32
      %dma_start3A_268 = tpu.memref_slice %arg32[%add3A_253, %dma_start3A_267] : memref<10240x128xf32, #tpu.memory_space<vmem_shared>> -> memref<32x128xf32, #tpu.memory_space<vmem_shared>>
      tpu.enqueue_dma source(%dma_start3A_268 : memref<32x128xf32, #tpu.memory_space<vmem_shared>>) target(%arg31 : memref<32x128xf32, #tpu.memory_space<vmem>>) target_semaphore(%run_scoped3A : memref<!tpu.dma_semaphore, #tpu.memory_space<semaphore_mem>>)
      %dma_wait3A_269 = arith.constant 0 : i32
      %dma_wait3A_270 = tpu.memref_slice %arg32[%add3A_253, %dma_wait3A_269] : memref<10240x128xf32, #tpu.memory_space<vmem_shared>> -> memref<32x128xf32, #tpu.memory_space<vmem_shared>>
      %dma_wait3A_271 = arith.constant 0 : i32
      %dma_wait3A_272 = tpu.memref_slice %arg32[%add3A_253, %dma_wait3A_271] : memref<10240x128xf32, #tpu.memory_space<vmem_shared>> -> memref<32x128xf32, #tpu.memory_space<vmem_shared>>
      tpu.wait_dma2 semaphore(%run_scoped3A : memref<!tpu.dma_semaphore, #tpu.memory_space<semaphore_mem>>) src(%dma_wait3A_272 : memref<32x128xf32, #tpu.memory_space<vmem_shared>>) dst(%arg31 : memref<32x128xf32, #tpu.memory_space<vmem>>)
      tpu.yield
    }) : () -> ()
    "tpu.region"() ({
      %run_scoped3A = tpu.sem_alloc : memref<!tpu.dma_semaphore, #tpu.memory_space<semaphore_mem>>
      %dma_start3A = arith.constant 0 : i32
      %dma_start3A_266 = tpu.memref_slice %arg8[%arg0, %add3A_253, %dma_start3A] : memref<2x10240x128xf32, #tpu.memory_space<hbm>> -> memref<1x32x128xf32, #tpu.memory_space<hbm>>
      %dma_start3A_267 = tpu.memref_squeeze %dma_start3A_266 : memref<1x32x128xf32, #tpu.memory_space<hbm>> -> memref<32x128xf32, #tpu.memory_space<hbm>>
      %dma_start3A_268 = arith.constant 0 : i32
      %dma_start3A_269 = tpu.memref_slice %arg8[%arg0, %add3A_253, %dma_start3A_268] : memref<2x10240x128xf32, #tpu.memory_space<hbm>> -> memref<1x32x128xf32, #tpu.memory_space<hbm>>
      %dma_start3A_270 = tpu.memref_squeeze %dma_start3A_269 : memref<1x32x128xf32, #tpu.memory_space<hbm>> -> memref<32x128xf32, #tpu.memory_space<hbm>>
      tpu.enqueue_dma source(%arg31 : memref<32x128xf32, #tpu.memory_space<vmem>>) target(%dma_start3A_270 : memref<32x128xf32, #tpu.memory_space<hbm>>) target_semaphore(%run_scoped3A : memref<!tpu.dma_semaphore, #tpu.memory_space<semaphore_mem>>)
      %dma_wait3A_271 = arith.constant 0 : i32
      %dma_wait3A_272 = tpu.memref_slice %arg8[%arg0, %add3A_253, %dma_wait3A_271] : memref<2x10240x128xf32, #tpu.memory_space<hbm>> -> memref<1x32x128xf32, #tpu.memory_space<hbm>>
      %dma_wait3A_273 = tpu.memref_squeeze %dma_wait3A_272 : memref<1x32x128xf32, #tpu.memory_space<hbm>> -> memref<32x128xf32, #tpu.memory_space<hbm>>
      %dma_wait3A_274 = arith.constant 0 : i32
      %dma_wait3A_275 = tpu.memref_slice %arg8[%arg0, %add3A_253, %dma_wait3A_274] : memref<2x10240x128xf32, #tpu.memory_space<hbm>> -> memref<1x32x128xf32, #tpu.memory_space<hbm>>
      %dma_wait3A_276 = tpu.memref_squeeze %dma_wait3A_275 : memref<1x32x128xf32, #tpu.memory_space<hbm>> -> memref<32x128xf32, #tpu.memory_space<hbm>>
      tpu.wait_dma2 semaphore(%run_scoped3A : memref<!tpu.dma_semaphore, #tpu.memory_space<semaphore_mem>>) src(%arg31 : memref<32x128xf32, #tpu.memory_space<vmem>>) dst(%dma_wait3A_276 : memref<32x128xf32, #tpu.memory_space<hbm>>)
      tpu.yield
    }) : () -> ()
    %add3A_254 = arith.constant 448 : i32
    %add3A_255 = arith.addi %mul3A_4, %add3A_254 : i32
    "tpu.region"() ({
      %run_scoped3A = tpu.sem_alloc : memref<!tpu.dma_semaphore, #tpu.memory_space<semaphore_mem>>
      %dma_start3A = arith.constant 0 : i32
      %dma_start3A_266 = tpu.memref_slice %arg32[%add3A_255, %dma_start3A] : memref<10240x128xf32, #tpu.memory_space<vmem_shared>> -> memref<32x128xf32, #tpu.memory_space<vmem_shared>>
      %dma_start3A_267 = arith.constant 0 : i32
      %dma_start3A_268 = tpu.memref_slice %arg32[%add3A_255, %dma_start3A_267] : memref<10240x128xf32, #tpu.memory_space<vmem_shared>> -> memref<32x128xf32, #tpu.memory_space<vmem_shared>>
      tpu.enqueue_dma source(%dma_start3A_268 : memref<32x128xf32, #tpu.memory_space<vmem_shared>>) target(%arg31 : memref<32x128xf32, #tpu.memory_space<vmem>>) target_semaphore(%run_scoped3A : memref<!tpu.dma_semaphore, #tpu.memory_space<semaphore_mem>>)
      %dma_wait3A_269 = arith.constant 0 : i32
      %dma_wait3A_270 = tpu.memref_slice %arg32[%add3A_255, %dma_wait3A_269] : memref<10240x128xf32, #tpu.memory_space<vmem_shared>> -> memref<32x128xf32, #tpu.memory_space<vmem_shared>>
      %dma_wait3A_271 = arith.constant 0 : i32
      %dma_wait3A_272 = tpu.memref_slice %arg32[%add3A_255, %dma_wait3A_271] : memref<10240x128xf32, #tpu.memory_space<vmem_shared>> -> memref<32x128xf32, #tpu.memory_space<vmem_shared>>
      tpu.wait_dma2 semaphore(%run_scoped3A : memref<!tpu.dma_semaphore, #tpu.memory_space<semaphore_mem>>) src(%dma_wait3A_272 : memref<32x128xf32, #tpu.memory_space<vmem_shared>>) dst(%arg31 : memref<32x128xf32, #tpu.memory_space<vmem>>)
      tpu.yield
    }) : () -> ()
    "tpu.region"() ({
      %run_scoped3A = tpu.sem_alloc : memref<!tpu.dma_semaphore, #tpu.memory_space<semaphore_mem>>
      %dma_start3A = arith.constant 0 : i32
      %dma_start3A_266 = tpu.memref_slice %arg8[%arg0, %add3A_255, %dma_start3A] : memref<2x10240x128xf32, #tpu.memory_space<hbm>> -> memref<1x32x128xf32, #tpu.memory_space<hbm>>
      %dma_start3A_267 = tpu.memref_squeeze %dma_start3A_266 : memref<1x32x128xf32, #tpu.memory_space<hbm>> -> memref<32x128xf32, #tpu.memory_space<hbm>>
      %dma_start3A_268 = arith.constant 0 : i32
      %dma_start3A_269 = tpu.memref_slice %arg8[%arg0, %add3A_255, %dma_start3A_268] : memref<2x10240x128xf32, #tpu.memory_space<hbm>> -> memref<1x32x128xf32, #tpu.memory_space<hbm>>
      %dma_start3A_270 = tpu.memref_squeeze %dma_start3A_269 : memref<1x32x128xf32, #tpu.memory_space<hbm>> -> memref<32x128xf32, #tpu.memory_space<hbm>>
      tpu.enqueue_dma source(%arg31 : memref<32x128xf32, #tpu.memory_space<vmem>>) target(%dma_start3A_270 : memref<32x128xf32, #tpu.memory_space<hbm>>) target_semaphore(%run_scoped3A : memref<!tpu.dma_semaphore, #tpu.memory_space<semaphore_mem>>)
      %dma_wait3A_271 = arith.constant 0 : i32
      %dma_wait3A_272 = tpu.memref_slice %arg8[%arg0, %add3A_255, %dma_wait3A_271] : memref<2x10240x128xf32, #tpu.memory_space<hbm>> -> memref<1x32x128xf32, #tpu.memory_space<hbm>>
      %dma_wait3A_273 = tpu.memref_squeeze %dma_wait3A_272 : memref<1x32x128xf32, #tpu.memory_space<hbm>> -> memref<32x128xf32, #tpu.memory_space<hbm>>
      %dma_wait3A_274 = arith.constant 0 : i32
      %dma_wait3A_275 = tpu.memref_slice %arg8[%arg0, %add3A_255, %dma_wait3A_274] : memref<2x10240x128xf32, #tpu.memory_space<hbm>> -> memref<1x32x128xf32, #tpu.memory_space<hbm>>
      %dma_wait3A_276 = tpu.memref_squeeze %dma_wait3A_275 : memref<1x32x128xf32, #tpu.memory_space<hbm>> -> memref<32x128xf32, #tpu.memory_space<hbm>>
      tpu.wait_dma2 semaphore(%run_scoped3A : memref<!tpu.dma_semaphore, #tpu.memory_space<semaphore_mem>>) src(%arg31 : memref<32x128xf32, #tpu.memory_space<vmem>>) dst(%dma_wait3A_276 : memref<32x128xf32, #tpu.memory_space<hbm>>)
      tpu.yield
    }) : () -> ()
    %add3A_256 = arith.constant 480 : i32
    %add3A_257 = arith.addi %mul3A_4, %add3A_256 : i32
    "tpu.region"() ({
      %run_scoped3A = tpu.sem_alloc : memref<!tpu.dma_semaphore, #tpu.memory_space<semaphore_mem>>
      %dma_start3A = arith.constant 0 : i32
      %dma_start3A_266 = tpu.memref_slice %arg32[%add3A_257, %dma_start3A] : memref<10240x128xf32, #tpu.memory_space<vmem_shared>> -> memref<32x128xf32, #tpu.memory_space<vmem_shared>>
      %dma_start3A_267 = arith.constant 0 : i32
      %dma_start3A_268 = tpu.memref_slice %arg32[%add3A_257, %dma_start3A_267] : memref<10240x128xf32, #tpu.memory_space<vmem_shared>> -> memref<32x128xf32, #tpu.memory_space<vmem_shared>>
      tpu.enqueue_dma source(%dma_start3A_268 : memref<32x128xf32, #tpu.memory_space<vmem_shared>>) target(%arg31 : memref<32x128xf32, #tpu.memory_space<vmem>>) target_semaphore(%run_scoped3A : memref<!tpu.dma_semaphore, #tpu.memory_space<semaphore_mem>>)
      %dma_wait3A_269 = arith.constant 0 : i32
      %dma_wait3A_270 = tpu.memref_slice %arg32[%add3A_257, %dma_wait3A_269] : memref<10240x128xf32, #tpu.memory_space<vmem_shared>> -> memref<32x128xf32, #tpu.memory_space<vmem_shared>>
      %dma_wait3A_271 = arith.constant 0 : i32
      %dma_wait3A_272 = tpu.memref_slice %arg32[%add3A_257, %dma_wait3A_271] : memref<10240x128xf32, #tpu.memory_space<vmem_shared>> -> memref<32x128xf32, #tpu.memory_space<vmem_shared>>
      tpu.wait_dma2 semaphore(%run_scoped3A : memref<!tpu.dma_semaphore, #tpu.memory_space<semaphore_mem>>) src(%dma_wait3A_272 : memref<32x128xf32, #tpu.memory_space<vmem_shared>>) dst(%arg31 : memref<32x128xf32, #tpu.memory_space<vmem>>)
      tpu.yield
    }) : () -> ()
    "tpu.region"() ({
      %run_scoped3A = tpu.sem_alloc : memref<!tpu.dma_semaphore, #tpu.memory_space<semaphore_mem>>
      %dma_start3A = arith.constant 0 : i32
      %dma_start3A_266 = tpu.memref_slice %arg8[%arg0, %add3A_257, %dma_start3A] : memref<2x10240x128xf32, #tpu.memory_space<hbm>> -> memref<1x32x128xf32, #tpu.memory_space<hbm>>
      %dma_start3A_267 = tpu.memref_squeeze %dma_start3A_266 : memref<1x32x128xf32, #tpu.memory_space<hbm>> -> memref<32x128xf32, #tpu.memory_space<hbm>>
      %dma_start3A_268 = arith.constant 0 : i32
      %dma_start3A_269 = tpu.memref_slice %arg8[%arg0, %add3A_257, %dma_start3A_268] : memref<2x10240x128xf32, #tpu.memory_space<hbm>> -> memref<1x32x128xf32, #tpu.memory_space<hbm>>
      %dma_start3A_270 = tpu.memref_squeeze %dma_start3A_269 : memref<1x32x128xf32, #tpu.memory_space<hbm>> -> memref<32x128xf32, #tpu.memory_space<hbm>>
      tpu.enqueue_dma source(%arg31 : memref<32x128xf32, #tpu.memory_space<vmem>>) target(%dma_start3A_270 : memref<32x128xf32, #tpu.memory_space<hbm>>) target_semaphore(%run_scoped3A : memref<!tpu.dma_semaphore, #tpu.memory_space<semaphore_mem>>)
      %dma_wait3A_271 = arith.constant 0 : i32
      %dma_wait3A_272 = tpu.memref_slice %arg8[%arg0, %add3A_257, %dma_wait3A_271] : memref<2x10240x128xf32, #tpu.memory_space<hbm>> -> memref<1x32x128xf32, #tpu.memory_space<hbm>>
      %dma_wait3A_273 = tpu.memref_squeeze %dma_wait3A_272 : memref<1x32x128xf32, #tpu.memory_space<hbm>> -> memref<32x128xf32, #tpu.memory_space<hbm>>
      %dma_wait3A_274 = arith.constant 0 : i32
      %dma_wait3A_275 = tpu.memref_slice %arg8[%arg0, %add3A_257, %dma_wait3A_274] : memref<2x10240x128xf32, #tpu.memory_space<hbm>> -> memref<1x32x128xf32, #tpu.memory_space<hbm>>
      %dma_wait3A_276 = tpu.memref_squeeze %dma_wait3A_275 : memref<1x32x128xf32, #tpu.memory_space<hbm>> -> memref<32x128xf32, #tpu.memory_space<hbm>>
      tpu.wait_dma2 semaphore(%run_scoped3A : memref<!tpu.dma_semaphore, #tpu.memory_space<semaphore_mem>>) src(%arg31 : memref<32x128xf32, #tpu.memory_space<vmem>>) dst(%dma_wait3A_276 : memref<32x128xf32, #tpu.memory_space<hbm>>)
      tpu.yield
    }) : () -> ()
    %add3A_258 = arith.constant 512 : i32
    %add3A_259 = arith.addi %mul3A_4, %add3A_258 : i32
    "tpu.region"() ({
      %run_scoped3A = tpu.sem_alloc : memref<!tpu.dma_semaphore, #tpu.memory_space<semaphore_mem>>
      %dma_start3A = arith.constant 0 : i32
      %dma_start3A_266 = tpu.memref_slice %arg32[%add3A_259, %dma_start3A] : memref<10240x128xf32, #tpu.memory_space<vmem_shared>> -> memref<32x128xf32, #tpu.memory_space<vmem_shared>>
      %dma_start3A_267 = arith.constant 0 : i32
      %dma_start3A_268 = tpu.memref_slice %arg32[%add3A_259, %dma_start3A_267] : memref<10240x128xf32, #tpu.memory_space<vmem_shared>> -> memref<32x128xf32, #tpu.memory_space<vmem_shared>>
      tpu.enqueue_dma source(%dma_start3A_268 : memref<32x128xf32, #tpu.memory_space<vmem_shared>>) target(%arg31 : memref<32x128xf32, #tpu.memory_space<vmem>>) target_semaphore(%run_scoped3A : memref<!tpu.dma_semaphore, #tpu.memory_space<semaphore_mem>>)
      %dma_wait3A_269 = arith.constant 0 : i32
      %dma_wait3A_270 = tpu.memref_slice %arg32[%add3A_259, %dma_wait3A_269] : memref<10240x128xf32, #tpu.memory_space<vmem_shared>> -> memref<32x128xf32, #tpu.memory_space<vmem_shared>>
      %dma_wait3A_271 = arith.constant 0 : i32
      %dma_wait3A_272 = tpu.memref_slice %arg32[%add3A_259, %dma_wait3A_271] : memref<10240x128xf32, #tpu.memory_space<vmem_shared>> -> memref<32x128xf32, #tpu.memory_space<vmem_shared>>
      tpu.wait_dma2 semaphore(%run_scoped3A : memref<!tpu.dma_semaphore, #tpu.memory_space<semaphore_mem>>) src(%dma_wait3A_272 : memref<32x128xf32, #tpu.memory_space<vmem_shared>>) dst(%arg31 : memref<32x128xf32, #tpu.memory_space<vmem>>)
      tpu.yield
    }) : () -> ()
    "tpu.region"() ({
      %run_scoped3A = tpu.sem_alloc : memref<!tpu.dma_semaphore, #tpu.memory_space<semaphore_mem>>
      %dma_start3A = arith.constant 0 : i32
      %dma_start3A_266 = tpu.memref_slice %arg8[%arg0, %add3A_259, %dma_start3A] : memref<2x10240x128xf32, #tpu.memory_space<hbm>> -> memref<1x32x128xf32, #tpu.memory_space<hbm>>
      %dma_start3A_267 = tpu.memref_squeeze %dma_start3A_266 : memref<1x32x128xf32, #tpu.memory_space<hbm>> -> memref<32x128xf32, #tpu.memory_space<hbm>>
      %dma_start3A_268 = arith.constant 0 : i32
      %dma_start3A_269 = tpu.memref_slice %arg8[%arg0, %add3A_259, %dma_start3A_268] : memref<2x10240x128xf32, #tpu.memory_space<hbm>> -> memref<1x32x128xf32, #tpu.memory_space<hbm>>
      %dma_start3A_270 = tpu.memref_squeeze %dma_start3A_269 : memref<1x32x128xf32, #tpu.memory_space<hbm>> -> memref<32x128xf32, #tpu.memory_space<hbm>>
      tpu.enqueue_dma source(%arg31 : memref<32x128xf32, #tpu.memory_space<vmem>>) target(%dma_start3A_270 : memref<32x128xf32, #tpu.memory_space<hbm>>) target_semaphore(%run_scoped3A : memref<!tpu.dma_semaphore, #tpu.memory_space<semaphore_mem>>)
      %dma_wait3A_271 = arith.constant 0 : i32
      %dma_wait3A_272 = tpu.memref_slice %arg8[%arg0, %add3A_259, %dma_wait3A_271] : memref<2x10240x128xf32, #tpu.memory_space<hbm>> -> memref<1x32x128xf32, #tpu.memory_space<hbm>>
      %dma_wait3A_273 = tpu.memref_squeeze %dma_wait3A_272 : memref<1x32x128xf32, #tpu.memory_space<hbm>> -> memref<32x128xf32, #tpu.memory_space<hbm>>
      %dma_wait3A_274 = arith.constant 0 : i32
      %dma_wait3A_275 = tpu.memref_slice %arg8[%arg0, %add3A_259, %dma_wait3A_274] : memref<2x10240x128xf32, #tpu.memory_space<hbm>> -> memref<1x32x128xf32, #tpu.memory_space<hbm>>
      %dma_wait3A_276 = tpu.memref_squeeze %dma_wait3A_275 : memref<1x32x128xf32, #tpu.memory_space<hbm>> -> memref<32x128xf32, #tpu.memory_space<hbm>>
      tpu.wait_dma2 semaphore(%run_scoped3A : memref<!tpu.dma_semaphore, #tpu.memory_space<semaphore_mem>>) src(%arg31 : memref<32x128xf32, #tpu.memory_space<vmem>>) dst(%dma_wait3A_276 : memref<32x128xf32, #tpu.memory_space<hbm>>)
      tpu.yield
    }) : () -> ()
    %add3A_260 = arith.constant 544 : i32
    %add3A_261 = arith.addi %mul3A_4, %add3A_260 : i32
    "tpu.region"() ({
      %run_scoped3A = tpu.sem_alloc : memref<!tpu.dma_semaphore, #tpu.memory_space<semaphore_mem>>
      %dma_start3A = arith.constant 0 : i32
      %dma_start3A_266 = tpu.memref_slice %arg32[%add3A_261, %dma_start3A] : memref<10240x128xf32, #tpu.memory_space<vmem_shared>> -> memref<32x128xf32, #tpu.memory_space<vmem_shared>>
      %dma_start3A_267 = arith.constant 0 : i32
      %dma_start3A_268 = tpu.memref_slice %arg32[%add3A_261, %dma_start3A_267] : memref<10240x128xf32, #tpu.memory_space<vmem_shared>> -> memref<32x128xf32, #tpu.memory_space<vmem_shared>>
      tpu.enqueue_dma source(%dma_start3A_268 : memref<32x128xf32, #tpu.memory_space<vmem_shared>>) target(%arg31 : memref<32x128xf32, #tpu.memory_space<vmem>>) target_semaphore(%run_scoped3A : memref<!tpu.dma_semaphore, #tpu.memory_space<semaphore_mem>>)
      %dma_wait3A_269 = arith.constant 0 : i32
      %dma_wait3A_270 = tpu.memref_slice %arg32[%add3A_261, %dma_wait3A_269] : memref<10240x128xf32, #tpu.memory_space<vmem_shared>> -> memref<32x128xf32, #tpu.memory_space<vmem_shared>>
      %dma_wait3A_271 = arith.constant 0 : i32
      %dma_wait3A_272 = tpu.memref_slice %arg32[%add3A_261, %dma_wait3A_271] : memref<10240x128xf32, #tpu.memory_space<vmem_shared>> -> memref<32x128xf32, #tpu.memory_space<vmem_shared>>
      tpu.wait_dma2 semaphore(%run_scoped3A : memref<!tpu.dma_semaphore, #tpu.memory_space<semaphore_mem>>) src(%dma_wait3A_272 : memref<32x128xf32, #tpu.memory_space<vmem_shared>>) dst(%arg31 : memref<32x128xf32, #tpu.memory_space<vmem>>)
      tpu.yield
    }) : () -> ()
    "tpu.region"() ({
      %run_scoped3A = tpu.sem_alloc : memref<!tpu.dma_semaphore, #tpu.memory_space<semaphore_mem>>
      %dma_start3A = arith.constant 0 : i32
      %dma_start3A_266 = tpu.memref_slice %arg8[%arg0, %add3A_261, %dma_start3A] : memref<2x10240x128xf32, #tpu.memory_space<hbm>> -> memref<1x32x128xf32, #tpu.memory_space<hbm>>
      %dma_start3A_267 = tpu.memref_squeeze %dma_start3A_266 : memref<1x32x128xf32, #tpu.memory_space<hbm>> -> memref<32x128xf32, #tpu.memory_space<hbm>>
      %dma_start3A_268 = arith.constant 0 : i32
      %dma_start3A_269 = tpu.memref_slice %arg8[%arg0, %add3A_261, %dma_start3A_268] : memref<2x10240x128xf32, #tpu.memory_space<hbm>> -> memref<1x32x128xf32, #tpu.memory_space<hbm>>
      %dma_start3A_270 = tpu.memref_squeeze %dma_start3A_269 : memref<1x32x128xf32, #tpu.memory_space<hbm>> -> memref<32x128xf32, #tpu.memory_space<hbm>>
      tpu.enqueue_dma source(%arg31 : memref<32x128xf32, #tpu.memory_space<vmem>>) target(%dma_start3A_270 : memref<32x128xf32, #tpu.memory_space<hbm>>) target_semaphore(%run_scoped3A : memref<!tpu.dma_semaphore, #tpu.memory_space<semaphore_mem>>)
      %dma_wait3A_271 = arith.constant 0 : i32
      %dma_wait3A_272 = tpu.memref_slice %arg8[%arg0, %add3A_261, %dma_wait3A_271] : memref<2x10240x128xf32, #tpu.memory_space<hbm>> -> memref<1x32x128xf32, #tpu.memory_space<hbm>>
      %dma_wait3A_273 = tpu.memref_squeeze %dma_wait3A_272 : memref<1x32x128xf32, #tpu.memory_space<hbm>> -> memref<32x128xf32, #tpu.memory_space<hbm>>
      %dma_wait3A_274 = arith.constant 0 : i32
      %dma_wait3A_275 = tpu.memref_slice %arg8[%arg0, %add3A_261, %dma_wait3A_274] : memref<2x10240x128xf32, #tpu.memory_space<hbm>> -> memref<1x32x128xf32, #tpu.memory_space<hbm>>
      %dma_wait3A_276 = tpu.memref_squeeze %dma_wait3A_275 : memref<1x32x128xf32, #tpu.memory_space<hbm>> -> memref<32x128xf32, #tpu.memory_space<hbm>>
      tpu.wait_dma2 semaphore(%run_scoped3A : memref<!tpu.dma_semaphore, #tpu.memory_space<semaphore_mem>>) src(%arg31 : memref<32x128xf32, #tpu.memory_space<vmem>>) dst(%dma_wait3A_276 : memref<32x128xf32, #tpu.memory_space<hbm>>)
      tpu.yield
    }) : () -> ()
    %add3A_262 = arith.constant 576 : i32
    %add3A_263 = arith.addi %mul3A_4, %add3A_262 : i32
    "tpu.region"() ({
      %run_scoped3A = tpu.sem_alloc : memref<!tpu.dma_semaphore, #tpu.memory_space<semaphore_mem>>
      %dma_start3A = arith.constant 0 : i32
      %dma_start3A_266 = tpu.memref_slice %arg32[%add3A_263, %dma_start3A] : memref<10240x128xf32, #tpu.memory_space<vmem_shared>> -> memref<32x128xf32, #tpu.memory_space<vmem_shared>>
      %dma_start3A_267 = arith.constant 0 : i32
      %dma_start3A_268 = tpu.memref_slice %arg32[%add3A_263, %dma_start3A_267] : memref<10240x128xf32, #tpu.memory_space<vmem_shared>> -> memref<32x128xf32, #tpu.memory_space<vmem_shared>>
      tpu.enqueue_dma source(%dma_start3A_268 : memref<32x128xf32, #tpu.memory_space<vmem_shared>>) target(%arg31 : memref<32x128xf32, #tpu.memory_space<vmem>>) target_semaphore(%run_scoped3A : memref<!tpu.dma_semaphore, #tpu.memory_space<semaphore_mem>>)
      %dma_wait3A_269 = arith.constant 0 : i32
      %dma_wait3A_270 = tpu.memref_slice %arg32[%add3A_263, %dma_wait3A_269] : memref<10240x128xf32, #tpu.memory_space<vmem_shared>> -> memref<32x128xf32, #tpu.memory_space<vmem_shared>>
      %dma_wait3A_271 = arith.constant 0 : i32
      %dma_wait3A_272 = tpu.memref_slice %arg32[%add3A_263, %dma_wait3A_271] : memref<10240x128xf32, #tpu.memory_space<vmem_shared>> -> memref<32x128xf32, #tpu.memory_space<vmem_shared>>
      tpu.wait_dma2 semaphore(%run_scoped3A : memref<!tpu.dma_semaphore, #tpu.memory_space<semaphore_mem>>) src(%dma_wait3A_272 : memref<32x128xf32, #tpu.memory_space<vmem_shared>>) dst(%arg31 : memref<32x128xf32, #tpu.memory_space<vmem>>)
      tpu.yield
    }) : () -> ()
    "tpu.region"() ({
      %run_scoped3A = tpu.sem_alloc : memref<!tpu.dma_semaphore, #tpu.memory_space<semaphore_mem>>
      %dma_start3A = arith.constant 0 : i32
      %dma_start3A_266 = tpu.memref_slice %arg8[%arg0, %add3A_263, %dma_start3A] : memref<2x10240x128xf32, #tpu.memory_space<hbm>> -> memref<1x32x128xf32, #tpu.memory_space<hbm>>
      %dma_start3A_267 = tpu.memref_squeeze %dma_start3A_266 : memref<1x32x128xf32, #tpu.memory_space<hbm>> -> memref<32x128xf32, #tpu.memory_space<hbm>>
      %dma_start3A_268 = arith.constant 0 : i32
      %dma_start3A_269 = tpu.memref_slice %arg8[%arg0, %add3A_263, %dma_start3A_268] : memref<2x10240x128xf32, #tpu.memory_space<hbm>> -> memref<1x32x128xf32, #tpu.memory_space<hbm>>
      %dma_start3A_270 = tpu.memref_squeeze %dma_start3A_269 : memref<1x32x128xf32, #tpu.memory_space<hbm>> -> memref<32x128xf32, #tpu.memory_space<hbm>>
      tpu.enqueue_dma source(%arg31 : memref<32x128xf32, #tpu.memory_space<vmem>>) target(%dma_start3A_270 : memref<32x128xf32, #tpu.memory_space<hbm>>) target_semaphore(%run_scoped3A : memref<!tpu.dma_semaphore, #tpu.memory_space<semaphore_mem>>)
      %dma_wait3A_271 = arith.constant 0 : i32
      %dma_wait3A_272 = tpu.memref_slice %arg8[%arg0, %add3A_263, %dma_wait3A_271] : memref<2x10240x128xf32, #tpu.memory_space<hbm>> -> memref<1x32x128xf32, #tpu.memory_space<hbm>>
      %dma_wait3A_273 = tpu.memref_squeeze %dma_wait3A_272 : memref<1x32x128xf32, #tpu.memory_space<hbm>> -> memref<32x128xf32, #tpu.memory_space<hbm>>
      %dma_wait3A_274 = arith.constant 0 : i32
      %dma_wait3A_275 = tpu.memref_slice %arg8[%arg0, %add3A_263, %dma_wait3A_274] : memref<2x10240x128xf32, #tpu.memory_space<hbm>> -> memref<1x32x128xf32, #tpu.memory_space<hbm>>
      %dma_wait3A_276 = tpu.memref_squeeze %dma_wait3A_275 : memref<1x32x128xf32, #tpu.memory_space<hbm>> -> memref<32x128xf32, #tpu.memory_space<hbm>>
      tpu.wait_dma2 semaphore(%run_scoped3A : memref<!tpu.dma_semaphore, #tpu.memory_space<semaphore_mem>>) src(%arg31 : memref<32x128xf32, #tpu.memory_space<vmem>>) dst(%dma_wait3A_276 : memref<32x128xf32, #tpu.memory_space<hbm>>)
      tpu.yield
    }) : () -> ()
    %add3A_264 = arith.constant 608 : i32
    %add3A_265 = arith.addi %mul3A_4, %add3A_264 : i32
    "tpu.region"() ({
      %run_scoped3A = tpu.sem_alloc : memref<!tpu.dma_semaphore, #tpu.memory_space<semaphore_mem>>
      %dma_start3A = arith.constant 0 : i32
      %dma_start3A_266 = tpu.memref_slice %arg32[%add3A_265, %dma_start3A] : memref<10240x128xf32, #tpu.memory_space<vmem_shared>> -> memref<32x128xf32, #tpu.memory_space<vmem_shared>>
      %dma_start3A_267 = arith.constant 0 : i32
      %dma_start3A_268 = tpu.memref_slice %arg32[%add3A_265, %dma_start3A_267] : memref<10240x128xf32, #tpu.memory_space<vmem_shared>> -> memref<32x128xf32, #tpu.memory_space<vmem_shared>>
      tpu.enqueue_dma source(%dma_start3A_268 : memref<32x128xf32, #tpu.memory_space<vmem_shared>>) target(%arg31 : memref<32x128xf32, #tpu.memory_space<vmem>>) target_semaphore(%run_scoped3A : memref<!tpu.dma_semaphore, #tpu.memory_space<semaphore_mem>>)
      %dma_wait3A_269 = arith.constant 0 : i32
      %dma_wait3A_270 = tpu.memref_slice %arg32[%add3A_265, %dma_wait3A_269] : memref<10240x128xf32, #tpu.memory_space<vmem_shared>> -> memref<32x128xf32, #tpu.memory_space<vmem_shared>>
      %dma_wait3A_271 = arith.constant 0 : i32
      %dma_wait3A_272 = tpu.memref_slice %arg32[%add3A_265, %dma_wait3A_271] : memref<10240x128xf32, #tpu.memory_space<vmem_shared>> -> memref<32x128xf32, #tpu.memory_space<vmem_shared>>
      tpu.wait_dma2 semaphore(%run_scoped3A : memref<!tpu.dma_semaphore, #tpu.memory_space<semaphore_mem>>) src(%dma_wait3A_272 : memref<32x128xf32, #tpu.memory_space<vmem_shared>>) dst(%arg31 : memref<32x128xf32, #tpu.memory_space<vmem>>)
      tpu.yield
    }) : () -> ()
    "tpu.region"() ({
      %run_scoped3A = tpu.sem_alloc : memref<!tpu.dma_semaphore, #tpu.memory_space<semaphore_mem>>
      %dma_start3A = arith.constant 0 : i32
      %dma_start3A_266 = tpu.memref_slice %arg8[%arg0, %add3A_265, %dma_start3A] : memref<2x10240x128xf32, #tpu.memory_space<hbm>> -> memref<1x32x128xf32, #tpu.memory_space<hbm>>
      %dma_start3A_267 = tpu.memref_squeeze %dma_start3A_266 : memref<1x32x128xf32, #tpu.memory_space<hbm>> -> memref<32x128xf32, #tpu.memory_space<hbm>>
      %dma_start3A_268 = arith.constant 0 : i32
      %dma_start3A_269 = tpu.memref_slice %arg8[%arg0, %add3A_265, %dma_start3A_268] : memref<2x10240x128xf32, #tpu.memory_space<hbm>> -> memref<1x32x128xf32, #tpu.memory_space<hbm>>
      %dma_start3A_270 = tpu.memref_squeeze %dma_start3A_269 : memref<1x32x128xf32, #tpu.memory_space<hbm>> -> memref<32x128xf32, #tpu.memory_space<hbm>>
      tpu.enqueue_dma source(%arg31 : memref<32x128xf32, #tpu.memory_space<vmem>>) target(%dma_start3A_270 : memref<32x128xf32, #tpu.memory_space<hbm>>) target_semaphore(%run_scoped3A : memref<!tpu.dma_semaphore, #tpu.memory_space<semaphore_mem>>)
      %dma_wait3A_271 = arith.constant 0 : i32
      %dma_wait3A_272 = tpu.memref_slice %arg8[%arg0, %add3A_265, %dma_wait3A_271] : memref<2x10240x128xf32, #tpu.memory_space<hbm>> -> memref<1x32x128xf32, #tpu.memory_space<hbm>>
      %dma_wait3A_273 = tpu.memref_squeeze %dma_wait3A_272 : memref<1x32x128xf32, #tpu.memory_space<hbm>> -> memref<32x128xf32, #tpu.memory_space<hbm>>
      %dma_wait3A_274 = arith.constant 0 : i32
      %dma_wait3A_275 = tpu.memref_slice %arg8[%arg0, %add3A_265, %dma_wait3A_274] : memref<2x10240x128xf32, #tpu.memory_space<hbm>> -> memref<1x32x128xf32, #tpu.memory_space<hbm>>
      %dma_wait3A_276 = tpu.memref_squeeze %dma_wait3A_275 : memref<1x32x128xf32, #tpu.memory_space<hbm>> -> memref<32x128xf32, #tpu.memory_space<hbm>>
      tpu.wait_dma2 semaphore(%run_scoped3A : memref<!tpu.dma_semaphore, #tpu.memory_space<semaphore_mem>>) src(%arg31 : memref<32x128xf32, #tpu.memory_space<vmem>>) dst(%dma_wait3A_276 : memref<32x128xf32, #tpu.memory_space<hbm>>)
      tpu.yield
    }) : () -> ()
    return
  }
}

module attributes {stable_mosaic.version = 14 : i64} {
  func.func @_mm_body(%arg0: i32, %arg1: memref<2000x128xf32, #tpu.memory_space<vmem>>, %arg2: memref<128x128xf32, #tpu.memory_space<vmem>>, %arg3: memref<2000x128xf32, #tpu.memory_space<vmem>>) attributes {dimension_semantics = [#tpu.dimension_semantics<arbitrary>], iteration_bounds = array<i64: 5>, scalar_prefetch = 0 : i64, scratch_operands = 0 : i64, tpu.core_type = #tpu.core_type<tc>, window_params = [{transform_indices = @transform_0, window_bounds = array<i64: 2000, 128>}, {pipeline_mode = #tpu.pipeline_mode<synchronous>, transform_indices = @transform_1, window_bounds = array<i64: 128, 128>}, {transform_indices = @transform_2, window_bounds = array<i64: 2000, 128>}]} {
    %get3A = arith.constant 0 : index
    %get3A_0 = arith.constant 0 : index
    %get3A_1 = vector.load %arg1[%get3A, %get3A_0] : memref<2000x128xf32, #tpu.memory_space<vmem>>, vector<2000x128xf32>
    %get3A_2 = arith.constant 0 : index
    %get3A_3 = arith.constant 0 : index
    %get3A_4 = vector.load %arg2[%get3A_2, %get3A_3] : memref<128x128xf32, #tpu.memory_space<vmem>>, vector<128x128xf32>
    %dot_general3A = arith.constant dense<0.000000e+00> : vector<2000x128xf32>
    %dot_general3A_5 = tpu.matmul %get3A_1, %get3A_4, %dot_general3A {dimension_numbers = #tpu.dot_dimension_numbers<[1], [0], [0], [1], [0, 0, 1, 1], [], []>, precision = #tpu.contract_precision<fp32>, transpose_lhs_hint = false} : vector<2000x128xf32>, vector<128x128xf32>, vector<2000x128xf32> -> vector<2000x128xf32>
    %swap3A = arith.constant 0 : index
    %swap3A_6 = arith.constant 0 : index
    %swap3A_7 = vector.load %arg3[%swap3A, %swap3A_6] : memref<2000x128xf32, #tpu.memory_space<vmem>>, vector<2000x128xf32>
    tpu.vector_store %arg3[%swap3A, %swap3A_6], %dot_general3A_5 {strides = array<i32>} : memref<2000x128xf32, #tpu.memory_space<vmem>>, vector<2000x128xf32>,
    return
  }
  func.func @transform_0(%arg0: i32) -> (i32, i32) {
    %c0_i32 = arith.constant 0 : i32
    %c0_i32_0 = arith.constant 0 : i32
    return %arg0, %c0_i32 : i32, i32
  }
  func.func @transform_1(%arg0: i32) -> (i32, i32) {
    %c0_i32 = arith.constant 0 : i32
    %c0_i32_0 = arith.constant 0 : i32
    %c0_i32_1 = arith.constant 0 : i32
    return %c0_i32, %c0_i32_0 : i32, i32
  }
  func.func @transform_2(%arg0: i32) -> (i32, i32) {
    %c0_i32 = arith.constant 0 : i32
    %c0_i32_0 = arith.constant 0 : i32
    return %arg0, %c0_i32 : i32, i32
  }
}

module attributes {stable_mosaic.version = 14 : i64} {
  func.func @_pool_body(%arg0: i32, %arg1: memref<2x2048x128xf32, #tpu.memory_space<vmem>>, %arg2: memref<2048x1xi32, #tpu.memory_space<vmem>>, %arg3: memref<1x128xf32, #tpu.memory_space<vmem>>, %arg4: memref<16x8xf32, #tpu.memory_space<vmem>>, %arg5: memref<1x8xf32, #tpu.memory_space<vmem>>, %arg6: memref<1x8xf32, #tpu.memory_space<vmem>>, %arg7: memref<16x136xf32, #tpu.memory_space<vmem>>, %arg8: memref<16x128xf32, #tpu.memory_space<vmem>>, %arg9: memref<1x16xf32, #tpu.memory_space<vmem>>) attributes {dimension_semantics = [#tpu.dimension_semantics<arbitrary>], iteration_bounds = array<i64: 5>, scalar_prefetch = 0 : i64, scratch_operands = 2 : i64, tpu.core_type = #tpu.core_type<tc>, window_params = [{transform_indices = @transform_0, window_bounds = array<i64: 2, 2048, 128>}, {transform_indices = @transform_1, window_bounds = array<i64: 2048, 1>}, {pipeline_mode = #tpu.pipeline_mode<synchronous>, transform_indices = @transform_2, window_bounds = array<i64: 1, 128>}, {pipeline_mode = #tpu.pipeline_mode<synchronous>, transform_indices = @transform_3, window_bounds = array<i64: 16, 8>}, {pipeline_mode = #tpu.pipeline_mode<synchronous>, transform_indices = @transform_4, window_bounds = array<i64: 1, 8>}, {pipeline_mode = #tpu.pipeline_mode<synchronous>, transform_indices = @transform_5, window_bounds = array<i64: 1, 8>}, {pipeline_mode = #tpu.pipeline_mode<synchronous>, transform_indices = @transform_6, window_bounds = array<i64: 16, 136>}]} {
    %eq3A = arith.constant 0 : i32
    %eq3A_0 = arith.cmpi eq, %arg0, %eq3A : i32
    %convert_element_type3A = arith.extui %eq3A_0 : i1 to i32
    %cond3A = arith.constant 0 : i32
    %cond3A_1 = arith.cmpi ne, %convert_element_type3A, %cond3A : i32
    scf.if %cond3A_1 {
      %broadcast_in_dim3A_46 = arith.constant 0.000000e+00 : f32
      %broadcast_in_dim3A_47 = vector.broadcast %broadcast_in_dim3A_46 : f32 to vector<16x128xf32>
      %swap3A_48 = arith.constant 0 : index
      %swap3A_49 = arith.constant 0 : index
      %swap3A_50 = vector.load %arg8[%swap3A_48, %swap3A_49] : memref<16x128xf32, #tpu.memory_space<vmem>>, vector<16x128xf32>
      tpu.vector_store %arg8[%swap3A_48, %swap3A_49], %broadcast_in_dim3A_47 {strides = array<i32>} : memref<16x128xf32, #tpu.memory_space<vmem>>, vector<16x128xf32>,
      %broadcast_in_dim3A_51 = arith.constant 0.000000e+00 : f32
      %broadcast_in_dim3A_52 = vector.broadcast %broadcast_in_dim3A_51 : f32 to vector<1x16xf32>
      %swap3A_53 = arith.constant 0 : index
      %swap3A_54 = arith.constant 0 : index
      %swap3A_55 = vector.load %arg9[%swap3A_53, %swap3A_54] : memref<1x16xf32, #tpu.memory_space<vmem>>, vector<1x16xf32>
      tpu.vector_store %arg9[%swap3A_53, %swap3A_54], %broadcast_in_dim3A_52 {strides = array<i32>} : memref<1x16xf32, #tpu.memory_space<vmem>>, vector<1x16xf32>,
    } else {
    }
    %get3A = arith.constant 0 : index
    %get3A_2 = arith.constant 0 : index
    %get3A_3 = arith.constant 0 : index
    %get3A_4 = vector.load %arg1[%get3A, %get3A_2, %get3A_3] : memref<2x2048x128xf32, #tpu.memory_space<vmem>>, vector<1x2048x128xf32>
    %get3A_5 = vector.shape_cast %get3A_4 : vector<1x2048x128xf32> to vector<2048x128xf32>
    %get3A_6 = arith.constant 1 : index
    %get3A_7 = arith.constant 0 : index
    %get3A_8 = arith.constant 0 : index
    %get3A_9 = vector.load %arg1[%get3A_6, %get3A_7, %get3A_8] : memref<2x2048x128xf32, #tpu.memory_space<vmem>>, vector<1x2048x128xf32>
    %get3A_10 = vector.shape_cast %get3A_9 : vector<1x2048x128xf32> to vector<2048x128xf32>
    %add3A = arith.addf %get3A_5, %get3A_10 : vector<2048x128xf32>
    %get3A_11 = arith.constant 0 : index
    %get3A_12 = arith.constant 0 : index
    %get3A_13 = vector.load %arg3[%get3A_11, %get3A_12] : memref<1x128xf32, #tpu.memory_space<vmem>>, vector<1x128xf32>
    %add3A_14 = vector.broadcast %get3A_13 : vector<1x128xf32> to vector<2048x128xf32>
    %add3A_15 = arith.addf %add3A, %add3A_14 : vector<2048x128xf32>
    %max3A = arith.constant 0.000000e+00 : f32
    %max3A_16 = vector.broadcast %max3A : f32 to vector<2048x128xf32>
    %max3A_17 = arith.maximumf %add3A_15, %max3A_16 : vector<2048x128xf32>
    %iota3A = tpu.iota {dimensions = array<i32: 1>} : vector<1x16xi32>
    %get3A_18 = arith.constant 0 : index
    %get3A_19 = arith.constant 0 : index
    %get3A_20 = vector.load %arg2[%get3A_18, %get3A_19] : memref<2048x1xi32, #tpu.memory_space<vmem>>, vector<2048x1xi32>
    %eq3A_21 = vector.broadcast %get3A_20 : vector<2048x1xi32> to vector<2048x16xi32>
    %eq3A_22 = vector.broadcast %iota3A : vector<1x16xi32> to vector<2048x16xi32>
    %eq3A_23 = arith.cmpi eq, %eq3A_21, %eq3A_22 : vector<2048x16xi32>
    %convert_element_type3A_24 = arith.extui %eq3A_23 : vector<2048x16xi1> to vector<2048x16xi32>
    %convert_element_type3A_25 = arith.sitofp %convert_element_type3A_24 : vector<2048x16xi32> to vector<2048x16xf32>
    %get3A_26 = arith.constant 0 : index
    %get3A_27 = arith.constant 0 : index
    %get3A_28 = vector.load %arg8[%get3A_26, %get3A_27] : memref<16x128xf32, #tpu.memory_space<vmem>>, vector<16x128xf32>
    %dot_general3A = arith.constant dense<0.000000e+00> : vector<16x128xf32>
    %dot_general3A_29 = tpu.matmul %convert_element_type3A_25, %max3A_17, %dot_general3A {dimension_numbers = #tpu.dot_dimension_numbers<[0], [0], [1], [1], [0, 1, 1, 1], [], []>, precision = #tpu.contract_precision<fp32>, transpose_lhs_hint = false} : vector<2048x16xf32>, vector<2048x128xf32>, vector<16x128xf32> -> vector<16x128xf32>
    %add3A_30 = arith.addf %get3A_28, %dot_general3A_29 : vector<16x128xf32>
    %swap3A = arith.constant 0 : index
    %swap3A_31 = arith.constant 0 : index
    %swap3A_32 = vector.load %arg8[%swap3A, %swap3A_31] : memref<16x128xf32, #tpu.memory_space<vmem>>, vector<16x128xf32>
    tpu.vector_store %arg8[%swap3A, %swap3A_31], %add3A_30 {strides = array<i32>} : memref<16x128xf32, #tpu.memory_space<vmem>>, vector<16x128xf32>,
    %get3A_33 = arith.constant 0 : index
    %get3A_34 = arith.constant 0 : index
    %get3A_35 = vector.load %arg9[%get3A_33, %get3A_34] : memref<1x16xf32, #tpu.memory_space<vmem>>, vector<1x16xf32>
    %reduce_sum3A = arith.constant dense<0.000000e+00> : vector<16xf32>
    %reduce_sum3A_36 = vector.multi_reduction <add>, %convert_element_type3A_25, %reduce_sum3A [0] : vector<2048x16xf32> to vector<16xf32>
    %broadcast_in_dim3A = vector.shape_cast %reduce_sum3A_36 : vector<16xf32> to vector<1x16xf32>
    %add3A_37 = arith.addf %get3A_35, %broadcast_in_dim3A : vector<1x16xf32>
    %swap3A_38 = arith.constant 0 : index
    %swap3A_39 = arith.constant 0 : index
    %swap3A_40 = vector.load %arg9[%swap3A_38, %swap3A_39] : memref<1x16xf32, #tpu.memory_space<vmem>>, vector<1x16xf32>
    tpu.vector_store %arg9[%swap3A_38, %swap3A_39], %add3A_37 {strides = array<i32>} : memref<1x16xf32, #tpu.memory_space<vmem>>, vector<1x16xf32>,
    %eq3A_41 = arith.constant 4 : i32
    %eq3A_42 = arith.cmpi eq, %arg0, %eq3A_41 : i32
    %convert_element_type3A_43 = arith.extui %eq3A_42 : i1 to i32
    %cond3A_44 = arith.constant 0 : i32
    %cond3A_45 = arith.cmpi ne, %convert_element_type3A_43, %cond3A_44 : i32
    scf.if %cond3A_45 {
      %get3A_46 = arith.constant 0 : index
      %get3A_47 = arith.constant 0 : index
      %get3A_48 = vector.load %arg8[%get3A_46, %get3A_47] : memref<16x128xf32, #tpu.memory_space<vmem>>, vector<16x128xf32>
      %get3A_49 = arith.constant 0 : index
      %get3A_50 = arith.constant 0 : index
      %get3A_51 = vector.load %arg9[%get3A_49, %get3A_50] : memref<1x16xf32, #tpu.memory_space<vmem>>, vector<1x16xf32>
      %max3A_52 = arith.constant 1.000000e+00 : f32
      %max3A_53 = vector.broadcast %max3A_52 : f32 to vector<1x16xf32>
      %max3A_54 = arith.maximumf %get3A_51, %max3A_53 : vector<1x16xf32>
      %reshape3A = vector.shape_cast %max3A_54 : vector<1x16xf32> to vector<16x1xf32>
      %div3A = vector.broadcast %reshape3A : vector<16x1xf32> to vector<16x128xf32>
      %div3A_55 = arith.divf %get3A_48, %div3A : vector<16x128xf32>
      %get3A_56 = arith.constant 0 : index
      %get3A_57 = arith.constant 0 : index
      %get3A_58 = vector.load %arg4[%get3A_56, %get3A_57] : memref<16x8xf32, #tpu.memory_space<vmem>>, vector<16x8xf32>
      %get3A_59 = arith.constant 0 : index
      %get3A_60 = arith.constant 0 : index
      %get3A_61 = vector.load %arg5[%get3A_59, %get3A_60] : memref<1x8xf32, #tpu.memory_space<vmem>>, vector<1x8xf32>
      %sub3A = vector.broadcast %get3A_61 : vector<1x8xf32> to vector<16x8xf32>
      %sub3A_62 = arith.subf %get3A_58, %sub3A : vector<16x8xf32>
      %get3A_63 = arith.constant 0 : index
      %get3A_64 = arith.constant 0 : index
      %get3A_65 = vector.load %arg6[%get3A_63, %get3A_64] : memref<1x8xf32, #tpu.memory_space<vmem>>, vector<1x8xf32>
      %add3A_66 = arith.constant 9.99999997E-7 : f32
      %add3A_67 = vector.broadcast %add3A_66 : f32 to vector<1x8xf32>
      %add3A_68 = arith.addf %get3A_65, %add3A_67 : vector<1x8xf32>
      %div3A_69 = vector.broadcast %add3A_68 : vector<1x8xf32> to vector<16x8xf32>
      %div3A_70 = arith.divf %sub3A_62, %div3A_69 : vector<16x8xf32>
      %concatenate3A = tpu.concatenate %div3A_55, %div3A_70 in 1 : vector<16x128xf32>, vector<16x8xf32> -> vector<16x136xf32>
      %swap3A_71 = arith.constant 0 : index
      %swap3A_72 = arith.constant 0 : index
      %swap3A_73 = vector.load %arg7[%swap3A_71, %swap3A_72] : memref<16x136xf32, #tpu.memory_space<vmem>>, vector<16x136xf32>
      tpu.vector_store %arg7[%swap3A_71, %swap3A_72], %concatenate3A {strides = array<i32>} : memref<16x136xf32, #tpu.memory_space<vmem>>, vector<16x136xf32>,
    } else {
    }
    return
  }
  func.func @transform_0(%arg0: i32) -> (i32, i32, i32) {
    %c0_i32 = arith.constant 0 : i32
    %c0_i32_0 = arith.constant 0 : i32
    %c0_i32_1 = arith.constant 0 : i32
    return %c0_i32, %arg0, %c0_i32_0 : i32, i32, i32
  }
  func.func @transform_1(%arg0: i32) -> (i32, i32) {
    %c0_i32 = arith.constant 0 : i32
    %c0_i32_0 = arith.constant 0 : i32
    return %arg0, %c0_i32 : i32, i32
  }
  func.func @transform_2(%arg0: i32) -> (i32, i32) {
    %c0_i32 = arith.constant 0 : i32
    %c0_i32_0 = arith.constant 0 : i32
    %c0_i32_1 = arith.constant 0 : i32
    return %c0_i32, %c0_i32_0 : i32, i32
  }
  func.func @transform_3(%arg0: i32) -> (i32, i32) {
    %c0_i32 = arith.constant 0 : i32
    %c0_i32_0 = arith.constant 0 : i32
    %c0_i32_1 = arith.constant 0 : i32
    return %c0_i32, %c0_i32_0 : i32, i32
  }
  func.func @transform_4(%arg0: i32) -> (i32, i32) {
    %c0_i32 = arith.constant 0 : i32
    %c0_i32_0 = arith.constant 0 : i32
    %c0_i32_1 = arith.constant 0 : i32
    return %c0_i32, %c0_i32_0 : i32, i32
  }
  func.func @transform_5(%arg0: i32) -> (i32, i32) {
    %c0_i32 = arith.constant 0 : i32
    %c0_i32_0 = arith.constant 0 : i32
    %c0_i32_1 = arith.constant 0 : i32
    return %c0_i32, %c0_i32_0 : i32, i32
  }
  func.func @transform_6(%arg0: i32) -> (i32, i32) {
    %c0_i32 = arith.constant 0 : i32
    %c0_i32_0 = arith.constant 0 : i32
    %c0_i32_1 = arith.constant 0 : i32
    return %c0_i32, %c0_i32_0 : i32, i32
  }
}

</mosaic_0001>

<sc_bundles>
// kernel: kernel.6.cloned.1.call-start
scs
__scs_entry_jumppad:
0x0: {  	(pc) =	sbr.rel $0x88, $3  }
0x1: {  	(tag) =	ssettag $0x0;
	lr =	simm.s32 $0x1  }
0x2: {  	[smem:$0x3F98] =	sst lr;
	_ =	strace $0xD0000000  }
0x3: {  	_ = 	snop  }
0x4: {  	_ = 	snop  }
0x5: {  	_ = 	snop  }
0x6: {  	_ = 	snop  }
0x7: {  	_ = 	snop  }
__scs_overlays_trampoline_lowered:
0x8: {  	[smem:$0x3FA7] =	sst s0  }
0x9: {  	[smem:$0x3FA8] =	sst s1  }
0xa: {  	[smem:$0x3FA9] =	sst s2  }
0xb: {  	[smem:$0x3FAA] =	sst s3  }
0xc: {  	[smem:$0x3FAB] =	sst s4  }
0xd: {  	[smem:$0x3FAC] =	sst s5  }
0xe: {  	[smem:$0x3FAD] =	sst s6  }
0xf: {  	[smem:$0x3FAE] =	sst s7  }
0x10: {  	[smem:$0x3FAF] =	sst s8  }
0x11: {  	[smem:$0x3FB0] =	sst s9;
	s0 =	simm.s32 @!p0 $0x0  }
0x12: {  	s1 =	sld [smem:$0x3F96];
	s0 =	simm.s32 @p0 $0x1  }
0x13: {  	[smem:$0x3FB1] =	sst s0;
	s0 =	simm.s32 @!p1 $0x0  }
0x14: {  	s2 =	sld [smem:$0x3F95];
	s0 =	simm.s32 @p1 $0x1  }
0x15: {  	[smem:$0x3FB2] =	sst s0;
	s0 =	simm.s32 @!p2 $0x0  }
0x16: {  	s3 =	sld [smem:$0x3FDB];
	s0 =	simm.s32 @p2 $0x1  }
0x17: {  	s4 =	simm.s32 $0x1BF5;
	[smem:$0x3FB4] =	sst s0  }
0x18: {  	s0 =	sld [smem:$0x3F97];
	_ =	swait.ge [sflag:s4], $0x0  }
0x19: {  	s7 =	sld [smem:$0x3F98]  }
0x1a: {  	s8 =	sadd.s32 $0xFFFFE003, lr  }
0x1b: {  	s9 =	sadd.s32 $0xFFFFFEF7, lr;
	s5 =	simm.s32 $0xFFFFFFFF;
	p2 =	slt.u32 s8, $0xFFFFF086  }
0x1c: {  	p1 =	slt.u32 s9, $0xF7A;
	s5 =	simm.s32 @!p2 $0x0  }
0x1d: {  	s5 =	simm.s32 @p1 $0x1;
	p0 =	seq.s32 s7, s2  }
0x1e: {  	s7 =	smul.u32 @!p0 $0xF7A, s2;
	p2 =	seq.s32 @!p0 s5, $0x0  }
0x1f: {  	s9 =	smul.u32 $0xF7A, s1;
	s8 =	simm.s32 @!p0 $0x1BF5;
	p2 =	por !p2, p0  }
0x20: {  	[sflag:s8] =	ssyncset.s32 @!p0 $0xFFFFF086;
	s6 =	sadd.s32 @!p0 s3, s7;
	s7 =	simm.s32 @!p0 $0x108  }
0x21: {  	s3 =	sadd.s32 s3, s9;
	s6 =	sadd.s32 @!p0 $0x88, s6;
	s7 =	simm.s32 @p2 $0x1082  }
0x22: {  	[simem:s7], [sflag:s8] =	dma.local @!p0 [hbm:s6], $0xF7A  }
0x23: {  	s9 =	sor.u32 $0xD0000000, s2;
	s6 =	simm.s32 $0x108;
	_ =	swait.ge @!p0 [sflag:s8], $0x0  }
0x24: {  	s3 =	sadd.s32 $0x88, s3;
	s6 =	simm.s32 @!p1 $0x1082;
	[sflag:s4] =	ssyncset.s32 $0xFFFFF086  }
0x25: {  	[simem:s6], [sflag:s4] =	dma.local [hbm:s3], $0xF7A  }
0x26: {  	[smem:$0x3F98] =	sst s1;
	(tag) =	ssettag s2;
	_ =	strace s9  }
0x27: {  	s1 =	sld [smem:$0x3FA8]  }
0x28: {  	s2 =	sld [smem:$0x3FA9]  }
0x29: {  	s4 =	sld [smem:$0x3FAB]  }
0x2a: {  	p0 =	seq.s32 s5, $0x0;
	s5 =	sld [smem:$0x3FAC]  }
0x2b: {  	s6 =	sld [smem:$0x3FAD]  }
0x2c: {  	s7 =	sld [smem:$0x3FAE]  }
0x2d: {  	s3 =	simm.s32 $0x108;
	s8 =	sld [smem:$0x3FAF]  }
0x2e: {  	s3 =	simm.s32 @!p0 $0x1082;
	s9 =	sld [smem:$0x3FB0]  }
0x2f: {  	lr =	sadd.s32 s0, s3;
	s0 =	sld [smem:$0x3FA7]  }
0x30: {  	s3 =	sld [smem:$0x3FAA]  }
0x31: {  	[smem:$0x3FB3] =	sst s10  }
0x32: {  	s10 =	sld [smem:$0x3FB1];
	_ =	sdelay $0x3  }
0x33: {  	p0 =	seq.s32 s10, $0x1;
	s10 =	sld [smem:$0x3FB3];
	_ =	sdelay $0x3  }
0x34: {  	[smem:$0x3FB3] =	sst s10  }
0x35: {  	s10 =	sld [smem:$0x3FB2];
	_ =	sdelay $0x3  }
0x36: {  	p1 =	seq.s32 s10, $0x1;
	s10 =	sld [smem:$0x3FB3];
	_ =	sdelay $0x3  }
0x37: {  	[smem:$0x3FB3] =	sst s10  }
0x38: {  	s10 =	sld [smem:$0x3FB4]  }
0x39: {  	_ = 	snop;
	(pc) =	sbr.ind lr, $3  }
0x3a: {  	_ = 	snop  }
0x3b: {  	_ = 	snop  }
0x3c: {  	p2 =	seq.s32 s10, $0x1;
	s10 =	sld [smem:$0x3FB3]  }
0x3d: {  	_ =	shalt  }
0x3e: {  	_ =	shalt  }
0x3f: {  	_ =	shalt  }
0x40: {  	_ =	shalt  }
0x41: {  	_ =	shalt  }
0x42: {  	_ =	shalt  }
0x43: {  	_ =	shalt  }
0x44: {  	_ =	shalt  }
0x45: {  	_ =	shalt  }
0x46: {  	_ =	shalt  }
0x47: {  	_ =	shalt  }
0x48: {  	_ =	shalt  }
0x49: {  	_ =	shalt  }
0x4a: {  	_ =	shalt  }
0x4b: {  	_ =	shalt  }
0x4c: {  	_ =	shalt  }
0x4d: {  	_ =	shalt  }
0x4e: {  	_ =	shalt  }
0x4f: {  	_ =	shalt  }
0x50: {  	_ =	shalt  }
0x51: {  	_ =	shalt  }
0x52: {  	_ =	shalt  }
0x53: {  	_ =	shalt  }
0x54: {  	_ =	shalt  }
0x55: {  	_ =	shalt  }
0x56: {  	_ =	shalt  }
0x57: {  	_ =	shalt  }
0x58: {  	_ =	shalt  }
0x59: {  	_ =	shalt  }
0x5a: {  	_ =	shalt  }
0x5b: {  	_ =	shalt  }
0x5c: {  	_ =	shalt  }
0x5d: {  	_ =	shalt  }
0x5e: {  	_ =	shalt  }
0x5f: {  	_ =	shalt  }
0x60: {  	_ =	shalt  }
0x61: {  	_ =	shalt  }
0x62: {  	_ =	shalt  }
0x63: {  	_ =	shalt  }
0x64: {  	_ =	shalt  }
0x65: {  	_ =	shalt  }
0x66: {  	_ =	shalt  }
0x67: {  	_ =	shalt  }
0x68: {  	_ =	shalt  }
0x69: {  	_ =	shalt  }
0x6a: {  	_ =	shalt  }
0x6b: {  	_ =	shalt  }
0x6c: {  	_ =	shalt  }
0x6d: {  	_ =	shalt  }
0x6e: {  	_ =	shalt  }
0x6f: {  	_ =	shalt  }
0x70: {  	_ =	shalt  }
0x71: {  	_ =	shalt  }
0x72: {  	_ =	shalt  }
0x73: {  	_ =	shalt  }
0x74: {  	_ =	shalt  }
0x75: {  	_ =	shalt  }
0x76: {  	_ =	shalt  }
0x77: {  	_ =	shalt  }
0x78: {  	_ =	shalt  }
0x79: {  	_ =	shalt  }
0x7a: {  	_ =	shalt  }
0x7b: {  	_ =	shalt  }
0x7c: {  	_ =	shalt  }
0x7d: {  	_ =	shalt  }
0x7e: {  	_ =	shalt  }
0x7f: {  	_ =	shalt  }
0x80: {  	_ =	shalt  }
0x81: {  	_ =	shalt  }
0x82: {  	_ =	shalt  }
0x83: {  	_ =	shalt  }
0x84: {  	_ =	shalt  }
0x85: {  	_ =	shalt  }
0x86: {  	_ =	shalt  }
0x87: {  	_ =	shalt  }
.Lfunc_end0:
.L_simem_size_0:
called_computation_lowered:
.L_overlay_start_0:
0x88: {  	s2 =	sld [smem:$0x3FD9]  }
0x89: {  	s3 =	sld [smem:$0x3FFE];
	_ =	sdelay $0x1  }
0x8a: {  	s1 =	srdreg.scid  }
0x8b: {  	s0 =	sand.u32 $0x1, s1  }
0x8c: {  	s17 =	sshll.u32 s0, $0xA;
	s2 =	sadd.s32 s3, s2  }
0x8d: {  	s2 =	sadd.s32 s2, s17  }
0x8e: {  	[smem:$0x3FBF] =	sst s2  }
0x8f: {  	_ = 	snop  }
0x90: {  	s2 =	sld [smem:$0x3FC6]  }
0x91: {  	s18 =	sld [smem:$0x3FD0];
	(tm) =	ssettm $0x1  }
0x92: {  	s4 =	sld [smem:$0x3FFB];
	_ =	sdelay $0x3  }
0x93: {  	_ =	strace s4  }
0x94: {  	s4 =	sld [smem:$0x3FFC];
	_ =	sdelay $0x3  }
0x95: {  	_ =	strace s4  }
0x96: {  	s4 =	sld [smem:$0x3FFD];
	_ =	sdelay $0x3  }
0x97: {  	_ =	strace s4  }
0x98: {  	_ =	strace $0x8FFFFFFF  }
0x99: {  	s19 =	sld [smem:$0x3FDB];
	_ =	sdelay $0x1  }
0x9a: {  	s5 =	simm.s32 $_scs_section_size  }
0x9b: {  	s6 =	simm.s32 $_size__tile_overlayer_lowered;
	s7 =	simm.s32 $_tile_overlayer_lowered  }
0x9c: {  	s22 =	simm.s32 $0x1BFF;
	s21 =	sshll.u32 s7, $0x1;
	s4 =	sadd.s32 s5, s19  }
0x9d: {  	s8 =	simm.s32 $0x0;
	s20 =	sshll.u32 s6, $0x1;
	s6 =	sadd.s32 s21, s4  }
0x9e: {  	[timem:s8], [sflag:s22] =	dma.local [hbm:s6], s20  }
0x9f: {  	_ =	swait.ge [sflag:s22], s20  }
0xa0: {  	s5 =	ssub.s32 $0x0, s20;
	[sflag:s22] =	ssyncset.done $0x0  }
0xa1: {  	[sflag:s22] =	ssyncadd.s32 s5;
	_ =	sdelay $0x1  }
0xa2: {  	s23 =	simm.s32 $0x1B8B  }
0xa3: {  	_ =	swait.ge [sflag:s23], $0x1  }
0xa4: {  	[sflag:s23] =	ssyncset.done $0x0  }
0xa5: {  	s25 =	simm.s32 $0x1B8E;
	s24 =	sld [smem:$0x3FFE];
	[sflag:s23] =	ssyncadd.s32 $0xFFFFFFFF  }
0xa6: {  	s26 =	simm.s32 $execute0_lowered;
	[smem:$0x3FD2] =	sst s25  }
0xa7: {  	s6 =	sshll.u32 s26, $0x1;
	_ =	strace $0x80000046;
	[dreg:$0x1] =	wrdreg $0xFFFFFFFF  }
0xa8: {  	s28 =	simm.s32 $_size_execute0_lowered;
	s4 =	sadd.s32 s4, s6;
	[dreg:$0x0] =	wrdreg $0x0  }
0xa9: {  	s6 =	sshll.u32 s28, $0x1;
	[dreg:$0x2] =	wrdreg s4  }
0xaa: {  	[dreg:$0x3] =	wrdreg s6  }
0xab: {  	[dreg:$0x4] =	wrdreg $0xC0  }
0xac: {  	_ =	task [dreg:s8], $0x5FFFF  }
0xad: {  	[dreg:$0x1] =	wrdreg $0xFFFFFFFF  }
0xae: {  	[dreg:$0x0] =	wrdreg $0x60  }
0xaf: {  	[dreg:$0x2] =	wrdreg s24  }
0xb0: {  	[dreg:$0x3] =	wrdreg s2  }
0xb1: {  	[dreg:$0x4] =	wrdreg s18  }
0xb2: {  	[dreg:$0x5] =	wrdreg $0x9  }
0xb3: {  	_ =	task.clear_ibuf [dreg:s8], $0x6FFFF;
	_ =	strace $0x90000046  }
0xb4: {  	s29 =	simm.s32 $0x9;
	_ =	strace $0x80000048  }
0xb5: {  	_ =	swait.ge [sflag:s29], $0x1  }
0xb6: {  	[sflag:s29] =	ssyncadd.s32 $0xFFFFFFFF  }
0xb7: {  	_ =	strace $0x90000048  }
0xb8: {  	_ =	sfence  }
0xb9: {  	s30 =	sld [smem:$0x0];
	_ =	sdelay $0x2  }
0xba: {  	s31 =	sshll.u32 s1, $0xD;
	s1 =	sshrl.u32 s1, $0x2  }
0xbb: {  	s3 =	sand.u32 $0x4000, s31;
	s1 =	sadd.s32 s1, s30  }
0xbc: {  	s0 =	sor.u32 s3, s0;
	s1 =	sshll.u32 s1, $0x11  }
0xbd: {  	s0 =	sor.u32 s1, s0  }
0xbe: {  	s0 =	sadd.s32 $0x8F2B, s0  }
0xbf: {  	[sflag:s0] =	ssyncadd.remote.s32 $0x1  }
0xc0: {  	_ =	sfence.sel $0xFFFF  }
0xc1: {  	[dreg:$0x0] =	wrdreg $0xFFFFFFFF;
	(pc) =	sbr.abs _section_cstart, $3  }
0xc2: {  	[dreg:$0x1] =	wrdreg $0xFFFFFFFF  }
0xc3: {  	_ =	task.clear_ibuf [dreg:s8], $0x2FFFF;
	_ =	strace $0x9FFFFFFF  }
0xc4: {  	(tm) =	ssettm $0x7FFFFFFF  }
0xc5: {  	_ =	shalt  }
tec
execute0_lowered:
.L_overlay_start_1:
0x0: {  	(tag) =	ssettag $0x1  }
0x1: {  	s4 =	rddreg [dreg:$0x0];
	s1 =	srdreg.scid  }
0x2: {  	s0 =	stileid.u32;
	s2 =	rddreg [dreg:$0x1]  }
0x3: {  	s6 =	rddreg [dreg:$0x2];
	s3 =	simm.s32 $0x0;
	s10 =	simm.s32 $0x4F80  }
0x4: {  	s11 =	simm.s32 $0x7780;
	s12 =	simm.s32 $0x7880;
	s13 =	simm.s32 $0x0  }
0x5: {  	s5 =	sand.u32 $0x1, s1;
	s30 =	sshll.u32 s0, $0x1;
	s1 =	rddreg [dreg:$0x3]  }
0x6: {  	[smem:$0x7FF] =	sst s3;
	s7 =	sor.u32 s5, s30;
	s5 =	ssub.s32 $0x2, s5  }
0x7: {  	s8 =	smul.u32 $0x500, s7;
	s31 =	sshrl.u32 s5, $0x1;
	s7 =	sshll.u32 s7, $0x4  }
0x8: {  	_ =	strace $0x80000047;
	s9 =	ssub.s32 s5, s31;
	s6 =	sadd.s32 s6, s7  }
0x9: {  	v1 =	vlaneseq.u32;
	s8 =	sadd.s32 s8, s4;
	s7 =	smax.u32 s9, $0x1;
	s9 =	simm.s32 $0x2780  }
0xa: {  	v0 =	vimm.f32 $3.000000010e+38;
	v1 =	vmul.u32 $0x10, v1;
	s4 =	sadd.s32 $0x1A00, s8;
	s5 =	sadd.s32 $0xBA00, s8;
	s8 =	simm.s32 $0x1  }
.LBB2_1:
0xb: {  	[tilespmem:s3], [sflag:$0x1] =	stream.linear.gather [hbm4b:s2+s3], $0x2780, $0x38;
	[tilespmem:$0x7900] =	vst v63  }
0xc: {  	_ =	swait.ge [sflag:s8], $0x2780  }
0xd: {  	[sflag:s8] =	ssyncset.done $0x0  }
0xe: {  	[sflag:s8] =	ssyncadd.s32 $0xFFFFD880  }
0xf: {  	[tilespmem:s9], [sflag:$0x1] =	stream.linear.gather [hbm4b:s4+s3], $0x2800, $0x38;
	[tilespmem:$0x7900] =	vst v63  }
0x10: {  	_ =	swait.ge [sflag:s8], $0x2800  }
0x11: {  	[sflag:s8] =	ssyncset.done $0x0  }
0x12: {  	[sflag:s8] =	ssyncadd.s32 $0xFFFFD800  }
0x13: {  	[tilespmem:s10], [sflag:$0x1] =	stream.linear.gather [hbm4b:s5+s3], $0x2800, $0x38;
	[tilespmem:$0x7900] =	vst v63  }
0x14: {  	_ =	swait.ge [sflag:s8], $0x2800  }
0x15: {  	[sflag:s8] =	ssyncset.done $0x0  }
0x16: {  	[sflag:s8] =	ssyncadd.s32 $0xFFFFD800  }
0x17: {  	[tilespmem:$0x7780] =	vst v0  }
0x18: {  	[tilespmem:$0x7790] =	vst v0  }
0x19: {  	[tilespmem:$0x77A0] =	vst v0  }
0x1a: {  	[tilespmem:$0x77B0] =	vst v0  }
0x1b: {  	[tilespmem:$0x77C0] =	vst v0  }
0x1c: {  	[tilespmem:$0x77D0] =	vst v0  }
0x1d: {  	[tilespmem:$0x77E0] =	vst v0  }
0x1e: {  	[tilespmem:$0x77F0] =	vst v0  }
0x1f: {  	[tilespmem:$0x7800] =	vst v0  }
0x20: {  	[tilespmem:$0x7810] =	vst v0  }
0x21: {  	[tilespmem:$0x7820] =	vst v0  }
0x22: {  	[tilespmem:$0x7830] =	vst v0  }
0x23: {  	[tilespmem:$0x7840] =	vst v0  }
0x24: {  	[tilespmem:$0x7850] =	vst v0  }
0x25: {  	[tilespmem:$0x7860] =	vst v0  }
0x26: {  	s14 =	simm.s32 $0x0;
	[tilespmem:$0x7870] =	vst v0  }
.LBB2_2:
0x27: {  	s15 =	sshra.s32 s14, $0x2  }
0x28: {  	v2 =	vld [tilespmem:s15+$0x2780];
	_ =	sdelay $0x7  }
0x29: {  	v2 =	vld.idx.msk [tilespmem:v2+s3+$0x0], $0xffff;
	_ =	sdelay $0x4  }
0x2a: {  	v2 =	vadd.s32 v1, v2;
	_ =	sdelay $0x3  }
0x2b: {  	v3 =	vld [tilespmem:s15+$0x4F80]  }
0x2c: {  	v4 =	vld.idx.msk [tilespmem:v2+s11+$0x0], $0xffff  }
0x2d: {  	p0 =	sne.s32 s14, $0x9FC0  }
.Ltmp0:
0x2e: {  	_ = 	snop;
	(pc) =	sbr.rel @p0 .LBB2_2-.Ltmp0, $3  }
0x2f: {  	_ =	sdelay $0x1  }
0x30: {  	v3 =	vmin.f32 v4, v3  }
0x31: {  	s14 =	sadd.s32 $0x40, s14;
	[tilespmem:v2+s11+$0x0] =	vst.idx.msk $0xffff, v3  }
0x32: {  	v2 =	vld [tilespmem:$0x7780]  }
0x33: {  	v3 =	vld [tilespmem:$0x7790]  }
0x34: {  	v4 =	vld [tilespmem:$0x77A0]  }
0x35: {  	v5 =	vld [tilespmem:$0x77B0]  }
0x36: {  	v6 =	vld [tilespmem:$0x77C0]  }
0x37: {  	v7 =	vld [tilespmem:$0x77D0]  }
0x38: {  	v2 =	vmin.f32 v2, v3;
	v3 =	vld [tilespmem:$0x77E0]  }
0x39: {  	v56 =	vld [tilespmem:$0x77F0];
	v2 =	vmin.f32 v2, v4  }
0x3a: {  	v57 =	vld [tilespmem:$0x7800];
	v2 =	vmin.f32 v2, v5  }
0x3b: {  	v58 =	vld [tilespmem:$0x7810];
	v2 =	vmin.f32 v2, v6  }
0x3c: {  	v59 =	vld [tilespmem:$0x7820];
	v2 =	vmin.f32 v2, v7  }
0x3d: {  	v2 =	vmin.f32 v2, v3;
	v3 =	vld [tilespmem:$0x7830]  }
0x3e: {  	v60 =	vld [tilespmem:$0x7840];
	v2 =	vmin.f32 v2, v56  }
0x3f: {  	v61 =	vld [tilespmem:$0x7850];
	v2 =	vmin.f32 v2, v57  }
0x40: {  	v62 =	vld [tilespmem:$0x7860];
	v2 =	vmin.f32 v2, v58  }
0x41: {  	v63 =	vld [tilespmem:$0x7870];
	v2 =	vmin.f32 v2, v59  }
0x42: {  	v2 =	vmin.f32 v2, v3  }
0x43: {  	v2 =	vmin.f32 v2, v60  }
0x44: {  	v2 =	vmin.f32 v2, v61  }
0x45: {  	s13 =	sadd.s32 $0x1, s13;
	v2 =	vmin.f32 v2, v62  }
0x46: {  	p0 =	sne.s32 s13, s7;
	v2 =	vmin.f32 v2, v63  }
.Ltmp1:
0x47: {  	[tilespmem:$0x7880] =	vst v2;
	(pc) =	sbr.rel @p0 .LBB2_1-.Ltmp1, $4  }
0x48: {  	[hbm4b:s6+s3] =	stream.linear.scatter [tilespmem:s12], [sflag:$0x1], $0x80, $0x38;
	[tilespmem:$0x7900] =	vst v63  }
0x49: {  	_ =	swait.ge [sflag:s8], $0x80  }
0x4a: {  	[sflag:s8] =	ssyncset.done $0x0  }
0x4b: {  	[sflag:s8] =	ssyncadd.s32 $0xFFFFFF80  }
0x4c: {  	_ =	sfence.sel $0x180000  }
0x4d: {  	[bflag:$0x0] =	sbarrier.arrive $0xFFFF  }
0x4e: {  	p0 =	sne.s32 s0, $0x0;
	_ =	strace $0x90000047  }
0x4f: {  	s0 =	sadd.s32 @!p0 $0x100000, s1;
	[bflag:$0x2] =	sbarrier.arrive $0xFFFF  }
0x50: {  	[sflag:s0] =	ssyncadd.tile.s32 @!p0 $0x1;
	_ =	shalt  }
.Lfunc_end2:
_tile_overlayer_lowered:
.L_overlay_start_2:
0x51: {  	(tag) =	ssettag $0x2  }
0x52: {  	s0 =	rddreg [dreg:$0x0];
	s2 =	stileid.u32  }
0x53: {  	s1 =	rddreg [dreg:$0x1];
	p0 =	sne.s32 s2, $0x0  }
0x54: {  	s3 =	rddreg [dreg:$0x2];
	[bflag:$0x3] =	sbarrier.arrive $0xFFFF;
	s2 =	simm.s32 @!p0 $0x1C01  }
0x55: {  	[timem:s3], [sflag:s2] =	dma.local @!p0 [hbm:s0], s1  }
0x56: {  	s0 =	simm.s32 @!p0 $0x1  }
0x57: {  	_ =	swait.ge @!p0 [sflag:s0], s1  }
0x58: {  	s1 =	ssub.s32 @!p0 $0x0, s1;
	[sflag:s0] =	ssyncset.done @!p0 $0x0  }
0x59: {  	[sflag:s0] =	ssyncadd.s32 @!p0 s1  }
0x5a: {  	[bflag:$0x3] =	sbarrier.arrive $0xFFFF  }
0x5b: {  	_ =	shalt  }

// kernel: kernel.9.cloned.1.call-start
scs
__scs_entry_jumppad:
0x0: {  	(pc) =	sbr.rel $0x88, $3  }
0x1: {  	(tag) =	ssettag $0x0;
	lr =	simm.s32 $0x1  }
0x2: {  	[smem:$0x3F98] =	sst lr;
	_ =	strace $0xD0000000  }
0x3: {  	_ = 	snop  }
0x4: {  	_ = 	snop  }
0x5: {  	_ = 	snop  }
0x6: {  	_ = 	snop  }
0x7: {  	_ = 	snop  }
__scs_overlays_trampoline_lowered:
0x8: {  	[smem:$0x3FA7] =	sst s0  }
0x9: {  	[smem:$0x3FA8] =	sst s1  }
0xa: {  	[smem:$0x3FA9] =	sst s2  }
0xb: {  	[smem:$0x3FAA] =	sst s3  }
0xc: {  	[smem:$0x3FAB] =	sst s4  }
0xd: {  	[smem:$0x3FAC] =	sst s5  }
0xe: {  	[smem:$0x3FAD] =	sst s6  }
0xf: {  	[smem:$0x3FAE] =	sst s7  }
0x10: {  	[smem:$0x3FAF] =	sst s8  }
0x11: {  	[smem:$0x3FB0] =	sst s9;
	s0 =	simm.s32 @!p0 $0x0  }
0x12: {  	s1 =	sld [smem:$0x3F96];
	s0 =	simm.s32 @p0 $0x1  }
0x13: {  	[smem:$0x3FB1] =	sst s0;
	s0 =	simm.s32 @!p1 $0x0  }
0x14: {  	s2 =	sld [smem:$0x3F95];
	s0 =	simm.s32 @p1 $0x1  }
0x15: {  	[smem:$0x3FB2] =	sst s0;
	s0 =	simm.s32 @!p2 $0x0  }
0x16: {  	s3 =	sld [smem:$0x3FDB];
	s0 =	simm.s32 @p2 $0x1  }
0x17: {  	s4 =	simm.s32 $0x1BF5;
	[smem:$0x3FB4] =	sst s0  }
0x18: {  	s0 =	sld [smem:$0x3F97];
	_ =	swait.ge [sflag:s4], $0x0  }
0x19: {  	s7 =	sld [smem:$0x3F98]  }
0x1a: {  	s8 =	sadd.s32 $0xFFFFE003, lr  }
0x1b: {  	s9 =	sadd.s32 $0xFFFFFEF7, lr;
	s5 =	simm.s32 $0xFFFFFFFF;
	p2 =	slt.u32 s8, $0xFFFFF086  }
0x1c: {  	p1 =	slt.u32 s9, $0xF7A;
	s5 =	simm.s32 @!p2 $0x0  }
0x1d: {  	s5 =	simm.s32 @p1 $0x1;
	p0 =	seq.s32 s7, s2  }
0x1e: {  	s7 =	smul.u32 @!p0 $0xF7A, s2;
	p2 =	seq.s32 @!p0 s5, $0x0  }
0x1f: {  	s9 =	smul.u32 $0xF7A, s1;
	s8 =	simm.s32 @!p0 $0x1BF5;
	p2 =	por !p2, p0  }
0x20: {  	[sflag:s8] =	ssyncset.s32 @!p0 $0xFFFFF086;
	s6 =	sadd.s32 @!p0 s3, s7;
	s7 =	simm.s32 @!p0 $0x108  }
0x21: {  	s3 =	sadd.s32 s3, s9;
	s6 =	sadd.s32 @!p0 $0x88, s6;
	s7 =	simm.s32 @p2 $0x1082  }
0x22: {  	[simem:s7], [sflag:s8] =	dma.local @!p0 [hbm:s6], $0xF7A  }
0x23: {  	s9 =	sor.u32 $0xD0000000, s2;
	s6 =	simm.s32 $0x108;
	_ =	swait.ge @!p0 [sflag:s8], $0x0  }
0x24: {  	s3 =	sadd.s32 $0x88, s3;
	s6 =	simm.s32 @!p1 $0x1082;
	[sflag:s4] =	ssyncset.s32 $0xFFFFF086  }
0x25: {  	[simem:s6], [sflag:s4] =	dma.local [hbm:s3], $0xF7A  }
0x26: {  	[smem:$0x3F98] =	sst s1;
	(tag) =	ssettag s2;
	_ =	strace s9  }
0x27: {  	s1 =	sld [smem:$0x3FA8]  }
0x28: {  	s2 =	sld [smem:$0x3FA9]  }
0x29: {  	s4 =	sld [smem:$0x3FAB]  }
0x2a: {  	p0 =	seq.s32 s5, $0x0;
	s5 =	sld [smem:$0x3FAC]  }
0x2b: {  	s6 =	sld [smem:$0x3FAD]  }
0x2c: {  	s7 =	sld [smem:$0x3FAE]  }
0x2d: {  	s3 =	simm.s32 $0x108;
	s8 =	sld [smem:$0x3FAF]  }
0x2e: {  	s3 =	simm.s32 @!p0 $0x1082;
	s9 =	sld [smem:$0x3FB0]  }
0x2f: {  	lr =	sadd.s32 s0, s3;
	s0 =	sld [smem:$0x3FA7]  }
0x30: {  	s3 =	sld [smem:$0x3FAA]  }
0x31: {  	[smem:$0x3FB3] =	sst s10  }
0x32: {  	s10 =	sld [smem:$0x3FB1];
	_ =	sdelay $0x3  }
0x33: {  	p0 =	seq.s32 s10, $0x1;
	s10 =	sld [smem:$0x3FB3];
	_ =	sdelay $0x3  }
0x34: {  	[smem:$0x3FB3] =	sst s10  }
0x35: {  	s10 =	sld [smem:$0x3FB2];
	_ =	sdelay $0x3  }
0x36: {  	p1 =	seq.s32 s10, $0x1;
	s10 =	sld [smem:$0x3FB3];
	_ =	sdelay $0x3  }
0x37: {  	[smem:$0x3FB3] =	sst s10  }
0x38: {  	s10 =	sld [smem:$0x3FB4]  }
0x39: {  	_ = 	snop;
	(pc) =	sbr.ind lr, $3  }
0x3a: {  	_ = 	snop  }
0x3b: {  	_ = 	snop  }
0x3c: {  	p2 =	seq.s32 s10, $0x1;
	s10 =	sld [smem:$0x3FB3]  }
0x3d: {  	_ =	shalt  }
0x3e: {  	_ =	shalt  }
0x3f: {  	_ =	shalt  }
0x40: {  	_ =	shalt  }
0x41: {  	_ =	shalt  }
0x42: {  	_ =	shalt  }
0x43: {  	_ =	shalt  }
0x44: {  	_ =	shalt  }
0x45: {  	_ =	shalt  }
0x46: {  	_ =	shalt  }
0x47: {  	_ =	shalt  }
0x48: {  	_ =	shalt  }
0x49: {  	_ =	shalt  }
0x4a: {  	_ =	shalt  }
0x4b: {  	_ =	shalt  }
0x4c: {  	_ =	shalt  }
0x4d: {  	_ =	shalt  }
0x4e: {  	_ =	shalt  }
0x4f: {  	_ =	shalt  }
0x50: {  	_ =	shalt  }
0x51: {  	_ =	shalt  }
0x52: {  	_ =	shalt  }
0x53: {  	_ =	shalt  }
0x54: {  	_ =	shalt  }
0x55: {  	_ =	shalt  }
0x56: {  	_ =	shalt  }
0x57: {  	_ =	shalt  }
0x58: {  	_ =	shalt  }
0x59: {  	_ =	shalt  }
0x5a: {  	_ =	shalt  }
0x5b: {  	_ =	shalt  }
0x5c: {  	_ =	shalt  }
0x5d: {  	_ =	shalt  }
0x5e: {  	_ =	shalt  }
0x5f: {  	_ =	shalt  }
0x60: {  	_ =	shalt  }
0x61: {  	_ =	shalt  }
0x62: {  	_ =	shalt  }
0x63: {  	_ =	shalt  }
0x64: {  	_ =	shalt  }
0x65: {  	_ =	shalt  }
0x66: {  	_ =	shalt  }
0x67: {  	_ =	shalt  }
0x68: {  	_ =	shalt  }
0x69: {  	_ =	shalt  }
0x6a: {  	_ =	shalt  }
0x6b: {  	_ =	shalt  }
0x6c: {  	_ =	shalt  }
0x6d: {  	_ =	shalt  }
0x6e: {  	_ =	shalt  }
0x6f: {  	_ =	shalt  }
0x70: {  	_ =	shalt  }
0x71: {  	_ =	shalt  }
0x72: {  	_ =	shalt  }
0x73: {  	_ =	shalt  }
0x74: {  	_ =	shalt  }
0x75: {  	_ =	shalt  }
0x76: {  	_ =	shalt  }
0x77: {  	_ =	shalt  }
0x78: {  	_ =	shalt  }
0x79: {  	_ =	shalt  }
0x7a: {  	_ =	shalt  }
0x7b: {  	_ =	shalt  }
0x7c: {  	_ =	shalt  }
0x7d: {  	_ =	shalt  }
0x7e: {  	_ =	shalt  }
0x7f: {  	_ =	shalt  }
0x80: {  	_ =	shalt  }
0x81: {  	_ =	shalt  }
0x82: {  	_ =	shalt  }
0x83: {  	_ =	shalt  }
0x84: {  	_ =	shalt  }
0x85: {  	_ =	shalt  }
0x86: {  	_ =	shalt  }
0x87: {  	_ =	shalt  }
.Lfunc_end0:
.L_simem_size_0:
called_computation.1_lowered:
.L_overlay_start_0:
0x88: {  	s2 =	sld [smem:$0x3FD9]  }
0x89: {  	s3 =	sld [smem:$0x3FFE];
	_ =	sdelay $0x1  }
0x8a: {  	s1 =	srdreg.scid  }
0x8b: {  	s0 =	sand.u32 $0x1, s1  }
0x8c: {  	s17 =	sshll.u32 s0, $0xA;
	s2 =	sadd.s32 s3, s2  }
0x8d: {  	s2 =	sadd.s32 s2, s17  }
0x8e: {  	[smem:$0x3FBF] =	sst s2  }
0x8f: {  	_ = 	snop  }
0x90: {  	s2 =	sld [smem:$0x3FC6]  }
0x91: {  	s18 =	sld [smem:$0x3FD0];
	(tm) =	ssettm $0x1  }
0x92: {  	s4 =	sld [smem:$0x3FFB];
	_ =	sdelay $0x3  }
0x93: {  	_ =	strace s4  }
0x94: {  	s4 =	sld [smem:$0x3FFC];
	_ =	sdelay $0x3  }
0x95: {  	_ =	strace s4  }
0x96: {  	s4 =	sld [smem:$0x3FFD];
	_ =	sdelay $0x3  }
0x97: {  	_ =	strace s4  }
0x98: {  	_ =	strace $0x8FFFFFFF  }
0x99: {  	s19 =	sld [smem:$0x3FDB];
	_ =	sdelay $0x1  }
0x9a: {  	s5 =	simm.s32 $_scs_section_size  }
0x9b: {  	s6 =	simm.s32 $_size__tile_overlayer_lowered;
	s7 =	simm.s32 $_tile_overlayer_lowered  }
0x9c: {  	s22 =	simm.s32 $0x1BFF;
	s21 =	sshll.u32 s7, $0x1;
	s4 =	sadd.s32 s5, s19  }
0x9d: {  	s8 =	simm.s32 $0x0;
	s20 =	sshll.u32 s6, $0x1;
	s6 =	sadd.s32 s21, s4  }
0x9e: {  	[timem:s8], [sflag:s22] =	dma.local [hbm:s6], s20  }
0x9f: {  	_ =	swait.ge [sflag:s22], s20  }
0xa0: {  	s5 =	ssub.s32 $0x0, s20;
	[sflag:s22] =	ssyncset.done $0x0  }
0xa1: {  	[sflag:s22] =	ssyncadd.s32 s5;
	_ =	sdelay $0x1  }
0xa2: {  	s23 =	simm.s32 $0x1B8B  }
0xa3: {  	_ =	swait.ge [sflag:s23], $0x1  }
0xa4: {  	[sflag:s23] =	ssyncset.done $0x0  }
0xa5: {  	s25 =	simm.s32 $0x1B8E;
	s24 =	sld [smem:$0x3FFE];
	[sflag:s23] =	ssyncadd.s32 $0xFFFFFFFF  }
0xa6: {  	s26 =	simm.s32 $execute0_lowered;
	[smem:$0x3FD2] =	sst s25  }
0xa7: {  	s6 =	sshll.u32 s26, $0x1;
	_ =	strace $0x80000049;
	[dreg:$0x1] =	wrdreg $0xFFFFFFFF  }
0xa8: {  	s28 =	simm.s32 $_size_execute0_lowered;
	s4 =	sadd.s32 s4, s6;
	[dreg:$0x0] =	wrdreg $0x0  }
0xa9: {  	s6 =	sshll.u32 s28, $0x1;
	[dreg:$0x2] =	wrdreg s4  }
0xaa: {  	[dreg:$0x3] =	wrdreg s6  }
0xab: {  	[dreg:$0x4] =	wrdreg $0xC0  }
0xac: {  	_ =	task [dreg:s8], $0x5FFFF  }
0xad: {  	[dreg:$0x1] =	wrdreg $0xFFFFFFFF  }
0xae: {  	[dreg:$0x0] =	wrdreg $0x60  }
0xaf: {  	[dreg:$0x2] =	wrdreg s24  }
0xb0: {  	[dreg:$0x3] =	wrdreg s2  }
0xb1: {  	[dreg:$0x4] =	wrdreg s18  }
0xb2: {  	[dreg:$0x5] =	wrdreg $0xA6000  }
0xb3: {  	[dreg:$0x6] =	wrdreg $0x9  }
0xb4: {  	_ =	task.clear_ibuf [dreg:s8], $0x7FFFF;
	_ =	strace $0x90000049  }
0xb5: {  	s29 =	simm.s32 $0x9;
	_ =	strace $0x8000004B  }
0xb6: {  	_ =	swait.ge [sflag:s29], $0x1  }
0xb7: {  	[sflag:s29] =	ssyncadd.s32 $0xFFFFFFFF  }
0xb8: {  	_ =	strace $0x9000004B  }
0xb9: {  	_ =	sfence  }
0xba: {  	s30 =	sld [smem:$0x0];
	_ =	sdelay $0x2  }
0xbb: {  	s31 =	sshll.u32 s1, $0xD;
	s1 =	sshrl.u32 s1, $0x2  }
0xbc: {  	s3 =	sand.u32 $0x4000, s31;
	s1 =	sadd.s32 s1, s30  }
0xbd: {  	s0 =	sor.u32 s3, s0;
	s1 =	sshll.u32 s1, $0x11  }
0xbe: {  	s0 =	sor.u32 s1, s0  }
0xbf: {  	s0 =	sadd.s32 $0x8F2B, s0  }
0xc0: {  	[sflag:s0] =	ssyncadd.remote.s32 $0x1  }
0xc1: {  	_ =	sfence.sel $0xFFFF  }
0xc2: {  	[dreg:$0x0] =	wrdreg $0xFFFFFFFF;
	(pc) =	sbr.abs _section_cstart, $3  }
0xc3: {  	[dreg:$0x1] =	wrdreg $0xFFFFFFFF  }
0xc4: {  	_ =	task.clear_ibuf [dreg:s8], $0x2FFFF;
	_ =	strace $0x9FFFFFFF  }
0xc5: {  	(tm) =	ssettm $0x7FFFFFFF  }
tec
execute0_lowered:
.L_overlay_start_1:
0x0: {  	(tag) =	ssettag $0x1  }
0x1: {  	s0 =	srdreg.scid  }
0x2: {  	s2 =	rddreg [dreg:$0x0];
	s28 =	stileid.u32;
	s17 =	sand.u32 $0x1, s0  }
0x3: {  	s4 =	sshll.u32 s28, $0x1;
	s24 =	smul.u32 $0x14000, s28;
	s0 =	ssub.s32 $0x2, s17  }
0x4: {  	s22 =	sor.u32 s17, s4;
	s23 =	smul.u32 $0x140000, s17;
	s3 =	sshrl.u32 s0, $0x1  }
0x5: {  	s4 =	sor.u32 $0x2000, s24;
	s5 =	sor.u32 $0x3000, s24;
	s6 =	sadd.s32 $0x4000, s24  }
0x6: {  	s7 =	sadd.s32 $0x5000, s24;
	s8 =	sadd.s32 $0x6000, s24;
	s9 =	sadd.s32 $0x7000, s24  }
0x7: {  	s10 =	sadd.s32 $0x8000, s24;
	s11 =	sadd.s32 $0x9000, s24;
	s12 =	sadd.s32 $0xA000, s24  }
0x8: {  	s13 =	sadd.s32 $0xB000, s24;
	s14 =	sadd.s32 $0xC000, s24;
	s15 =	sadd.s32 $0xD000, s24  }
0x9: {  	s16 =	sadd.s32 $0xE000, s24;
	s17 =	sadd.s32 $0xF000, s24;
	s18 =	sadd.s32 $0x10000, s24  }
0xa: {  	s19 =	sadd.s32 $0x11000, s24;
	s20 =	sadd.s32 $0x12000, s24;
	s21 =	sadd.s32 $0x13000, s24  }
0xb: {  	s0 =	ssub.s32 s0, s3;
	s3 =	sor.u32 $0x1000, s24;
	s24 =	sadd.s32 s24, s23  }
0xc: {  	s25 =	sadd.s32 $0x46C00, s2;
	s24 =	sshrl.u32 s24, $0x3  }
0xd: {  	s26 =	sadd.s32 s23, s3;
	s24 =	sadd.s32 s25, s24  }
0xe: {  	[dreg:$0x5] =	wrdreg s24;
	s24 =	sshrl.u32 s26, $0x3  }
0xf: {  	s26 =	sadd.s32 s23, s4;
	s24 =	sadd.s32 s25, s24  }
0x10: {  	[dreg:$0x6] =	wrdreg s24;
	s24 =	sshrl.u32 s26, $0x3  }
0x11: {  	s26 =	sadd.s32 s23, s5;
	s24 =	sadd.s32 s25, s24  }
0x12: {  	[dreg:$0x7] =	wrdreg s24;
	s24 =	sshrl.u32 s26, $0x3  }
0x13: {  	s26 =	sadd.s32 s23, s6;
	s24 =	sadd.s32 s25, s24  }
0x14: {  	[dreg:$0x8] =	wrdreg s24;
	s24 =	sshrl.u32 s26, $0x3  }
0x15: {  	s26 =	sadd.s32 s23, s7;
	s24 =	sadd.s32 s25, s24  }
0x16: {  	[dreg:$0x9] =	wrdreg s24;
	s24 =	sshrl.u32 s26, $0x3  }
0x17: {  	s26 =	sadd.s32 s23, s8;
	s24 =	sadd.s32 s25, s24  }
0x18: {  	[dreg:$0xa] =	wrdreg s24;
	s24 =	sshrl.u32 s26, $0x3  }
0x19: {  	s26 =	sadd.s32 s23, s9;
	s24 =	sadd.s32 s25, s24  }
0x1a: {  	[dreg:$0xb] =	wrdreg s24;
	s24 =	sshrl.u32 s26, $0x3  }
0x1b: {  	s26 =	sadd.s32 s23, s10;
	s24 =	sadd.s32 s25, s24  }
0x1c: {  	[dreg:$0xc] =	wrdreg s24;
	s24 =	sshrl.u32 s26, $0x3  }
0x1d: {  	s26 =	sadd.s32 s23, s11;
	s24 =	sadd.s32 s25, s24  }
0x1e: {  	[dreg:$0xd] =	wrdreg s24;
	s24 =	sshrl.u32 s26, $0x3  }
0x1f: {  	s26 =	sadd.s32 s23, s12;
	s24 =	sadd.s32 s25, s24  }
0x20: {  	[dreg:$0xe] =	wrdreg s24;
	s24 =	sshrl.u32 s26, $0x3  }
0x21: {  	s26 =	sadd.s32 s23, s13;
	s24 =	sadd.s32 s25, s24  }
0x22: {  	[dreg:$0xf] =	wrdreg s24;
	s24 =	sshrl.u32 s26, $0x3  }
0x23: {  	s26 =	sadd.s32 s23, s14;
	s24 =	sadd.s32 s25, s24  }
0x24: {  	[dreg:$0x10] =	wrdreg s24;
	s24 =	sshrl.u32 s26, $0x3  }
0x25: {  	s26 =	sadd.s32 s23, s15;
	s24 =	sadd.s32 s25, s24  }
0x26: {  	[dreg:$0x11] =	wrdreg s24;
	s24 =	sshrl.u32 s26, $0x3  }
0x27: {  	s26 =	sadd.s32 s23, s16;
	s24 =	sadd.s32 s25, s24  }
0x28: {  	[dreg:$0x12] =	wrdreg s24;
	s24 =	sshrl.u32 s26, $0x3  }
0x29: {  	s26 =	sadd.s32 s23, s17;
	s24 =	sadd.s32 s25, s24  }
0x2a: {  	[dreg:$0x13] =	wrdreg s24;
	s24 =	sshrl.u32 s26, $0x3  }
0x2b: {  	s1 =	simm.s32 $0x0;
	s26 =	sadd.s32 s23, s18;
	s24 =	sadd.s32 s25, s24  }
0x2c: {  	[dreg:$0x14] =	wrdreg s24;
	s24 =	sshrl.u32 s26, $0x3;
	s26 =	sadd.s32 s23, s19  }
0x2d: {  	[smem:$0x7FF] =	sst s1;
	s24 =	sadd.s32 s25, s24;
	s26 =	sshrl.u32 s26, $0x3  }
0x2e: {  	[dreg:$0x15] =	wrdreg s24;
	s24 =	sadd.s32 s25, s26;
	s26 =	sadd.s32 s23, s20  }
0x2f: {  	[dreg:$0x16] =	wrdreg s24;
	s24 =	sshrl.u32 s26, $0x3;
	s26 =	sadd.s32 s23, s21  }
0x30: {  	s23 =	rddreg [dreg:$0x3];
	s24 =	sadd.s32 s25, s24;
	s26 =	sshrl.u32 s26, $0x3  }
0x31: {  	[dreg:$0x17] =	wrdreg s24;
	s24 =	sadd.s32 s25, s26  }
0x32: {  	s26 =	sadd.s32 $0x1A00, s2;
	s25 =	smul.u32 $0x2800, s22;
	[dreg:$0x18] =	wrdreg s24  }
0x33: {  	_ =	strace $0x8000004A;
	[dreg:$0x19] =	wrdreg s26  }
0x34: {  	s6 =	sadd.s32 s6, s23;
	[dreg:$0x1c] =	wrdreg s25  }
0x35: {  	s8 =	sadd.s32 s8, s23;
	[smem:$0x7EC] =	sst s6  }
0x36: {  	s9 =	sadd.s32 s9, s23;
	[smem:$0x7ED] =	sst s8  }
0x37: {  	s30 =	sadd.s32 $0x1FA00, s2;
	s10 =	sadd.s32 s10, s23;
	[smem:$0x7EE] =	sst s9  }
0x38: {  	s0 =	smax.u32 s0, $0x1;
	s11 =	sadd.s32 s11, s23;
	[smem:$0x7EF] =	sst s10  }
0x39: {  	s29 =	sadd.s32 s4, s23;
	s12 =	sadd.s32 s12, s23;
	[smem:$0x7F0] =	sst s11  }
0x3a: {  	s31 =	sadd.s32 s5, s23;
	s13 =	sadd.s32 s13, s23;
	[smem:$0x7F1] =	sst s12  }
0x3b: {  	s7 =	sadd.s32 s7, s23;
	s14 =	sadd.s32 s14, s23;
	[smem:$0x7F2] =	sst s13  }
0x3c: {  	s15 =	sadd.s32 s15, s23;
	s16 =	sadd.s32 s16, s23;
	[smem:$0x7F3] =	sst s14  }
0x3d: {  	s17 =	sadd.s32 s17, s23;
	s18 =	sadd.s32 s18, s23;
	[smem:$0x7F4] =	sst s15  }
0x3e: {  	s4 =	simm.s32 $0x6600;
	s5 =	simm.s32 $0x1;
	[smem:$0x7F5] =	sst s16  }
0x3f: {  	s22 =	sadd.s32 s19, s23;
	s19 =	simm.s32 $0x20;
	[smem:$0x7F6] =	sst s17  }
0x40: {  	s24 =	smul.u32 $0x50000, s28;
	s28 =	sadd.s32 s3, s23;
	[smem:$0x7F7] =	sst s18  }
0x41: {  	s26 =	sadd.s32 $0x15A00, s2;
	[smem:$0x7F8] =	sst s22;
	s25 =	sadd.s32 s21, s23  }
0x42: {  	[smem:$0x7FB] =	sst s0;
	s0 =	simm.s32 $0x4F80;
	s6 =	simm.s32 $0x5000  }
0x43: {  	s8 =	simm.s32 $0x5300;
	s9 =	simm.s32 $0x7600;
	s10 =	simm.s32 $0x2  }
0x44: {  	s11 =	simm.s32 $0x5080;
	s12 =	simm.s32 $0x5480;
	[dreg:$0x1e] =	wrdreg s28  }
0x45: {  	s13 =	simm.s32 $0x5380;
	s14 =	simm.s32 $0x8600;
	[dreg:$0x1f] =	wrdreg s29  }
0x46: {  	s15 =	simm.s32 $0x3;
	s16 =	simm.s32 $0x5100;
	[smem:$0x7FC] =	sst s31  }
0x47: {  	s17 =	simm.s32 $0x5500;
	s18 =	simm.s32 $0x5180;
	[smem:$0x7FD] =	sst s7  }
.Ltmp0:
0x48: {  	s22 =	simm.s32 $0x5580;
	[dreg:$0x1a] =	wrdreg s26;
	(pc) =	sbr.rel .LBB2_1-.Ltmp0, $4  }
0x49: {  	s21 =	simm.s32 $0x6;
	s26 =	sadd.s32 $0xBA00, s2;
	[smem:$0x7FA] =	sst s25  }
0x4a: {  	[dreg:$0x1b] =	wrdreg s26;
	s26 =	sshrl.u32 s24, $0x2;
	s24 =	sadd.s32 s20, s23  }
0x4b: {  	s2 =	simm.s32 $0x5600;
	s26 =	sadd.s32 s26, s23;
	[smem:$0x7F9] =	sst s24  }
0x4c: {  	v0 =	vimm.f32 $0.0e+00;
	s25 =	simm.s32 $0x4;
	s20 =	simm.s32 $0x0;
	[dreg:$0x1d] =	wrdreg s26  }
.LBB2_16:
0x4d: {  	s3 =	simm.s32 $0x5  }
0x4e: {  	_ =	swait.ge [sflag:s3], $0x1000  }
0x4f: {  	[sflag:s3] =	ssyncset.done $0x0  }
0x50: {  	[sflag:s3] =	ssyncadd.s32 $0xFFFFF000  }
0x51: {  	_ =	swait.ge [sflag:s21], $0x1000  }
0x52: {  	[sflag:s21] =	ssyncset.done $0x0  }
0x53: {  	s24 =	simm.s32 $0x7;
	[sflag:s21] =	ssyncadd.s32 $0xFFFFF000  }
0x54: {  	_ =	swait.ge [sflag:s24], $0x1000  }
0x55: {  	[sflag:s24] =	ssyncset.done $0x0  }
0x56: {  	s26 =	simm.s32 $0x8;
	[sflag:s24] =	ssyncadd.s32 $0xFFFFF000  }
0x57: {  	_ =	swait.ge [sflag:s26], $0x1000  }
0x58: {  	[sflag:s26] =	ssyncset.done $0x0  }
0x59: {  	[sflag:s26] =	ssyncadd.s32 $0xFFFFF000  }
0x5a: {  	[bflag:$0x0] =	sbarrier.arrive $0xFFFF  }
0x5b: {  	s20 =	simm.s32 $0x9600;
	s24 =	simm.s32 $0x9;
	s26 =	rddreg [dreg:$0x1d]  }
0x5c: {  	[tilespmem:s20], [sflag:$0x9] =	stream.linear.gather [spmem:s26], $0x1000, $0x38;
	[tilespmem:$0x1E600] =	vst v63  }
0x5d: {  	_ =	swait.ge [sflag:s24], $0x1000  }
0x5e: {  	[sflag:s24] =	ssyncset.done $0x0  }
0x5f: {  	s7 =	rddreg [dreg:$0x5];
	[sflag:s24] =	ssyncadd.s32 $0xFFFFF000  }
0x60: {  	[hbm4b:s7+s1] =	stream.linear.scatter [tilespmem:s20], [sflag:$0x9], $0x1000, $0x38;
	[tilespmem:$0x1E600] =	vst v63  }
0x61: {  	_ =	swait.ge [sflag:s24], $0x1000  }
0x62: {  	[sflag:s24] =	ssyncset.done $0x0  }
0x63: {  	s28 =	rddreg [dreg:$0x1e];
	[sflag:s24] =	ssyncadd.s32 $0xFFFFF000  }
0x64: {  	[tilespmem:s20], [sflag:$0x9] =	stream.linear.gather [spmem:s28], $0x1000, $0x38;
	[tilespmem:$0x1E600] =	vst v63  }
0x65: {  	_ =	swait.ge [sflag:s24], $0x1000  }
0x66: {  	[sflag:s24] =	ssyncset.done $0x0  }
0x67: {  	s7 =	rddreg [dreg:$0x6];
	[sflag:s24] =	ssyncadd.s32 $0xFFFFF000  }
0x68: {  	[hbm4b:s7+s1] =	stream.linear.scatter [tilespmem:s20], [sflag:$0x9], $0x1000, $0x38;
	[tilespmem:$0x1E600] =	vst v63  }
0x69: {  	_ =	swait.ge [sflag:s24], $0x1000  }
0x6a: {  	[sflag:s24] =	ssyncset.done $0x0  }
0x6b: {  	s29 =	rddreg [dreg:$0x1f];
	[sflag:s24] =	ssyncadd.s32 $0xFFFFF000  }
0x6c: {  	[tilespmem:s20], [sflag:$0x9] =	stream.linear.gather [spmem:s29], $0x1000, $0x38;
	[tilespmem:$0x1E600] =	vst v63  }
0x6d: {  	_ =	swait.ge [sflag:s24], $0x1000  }
0x6e: {  	[sflag:s24] =	ssyncset.done $0x0  }
0x6f: {  	s7 =	rddreg [dreg:$0x7];
	[sflag:s24] =	ssyncadd.s32 $0xFFFFF000  }
0x70: {  	[hbm4b:s7+s1] =	stream.linear.scatter [tilespmem:s20], [sflag:$0x9], $0x1000, $0x38;
	[tilespmem:$0x1E600] =	vst v63  }
0x71: {  	_ =	swait.ge [sflag:s24], $0x1000  }
0x72: {  	s31 =	sld [smem:$0x7FC]  }
0x73: {  	[sflag:s24] =	ssyncset.done $0x0  }
0x74: {  	[sflag:s24] =	ssyncadd.s32 $0xFFFFF000  }
0x75: {  	[tilespmem:s20], [sflag:$0x9] =	stream.linear.gather [spmem:s31], $0x1000, $0x38;
	[tilespmem:$0x1E600] =	vst v63  }
0x76: {  	_ =	swait.ge [sflag:s24], $0x1000  }
0x77: {  	[sflag:s24] =	ssyncset.done $0x0  }
0x78: {  	s7 =	rddreg [dreg:$0x8];
	[sflag:s24] =	ssyncadd.s32 $0xFFFFF000  }
0x79: {  	[hbm4b:s7+s1] =	stream.linear.scatter [tilespmem:s20], [sflag:$0x9], $0x1000, $0x38;
	[tilespmem:$0x1E600] =	vst v63  }
0x7a: {  	_ =	swait.ge [sflag:s24], $0x1000  }
0x7b: {  	s7 =	sld [smem:$0x7EC]  }
0x7c: {  	[sflag:s24] =	ssyncset.done $0x0  }
0x7d: {  	[sflag:s24] =	ssyncadd.s32 $0xFFFFF000  }
0x7e: {  	[tilespmem:s20], [sflag:$0x9] =	stream.linear.gather [spmem:s7], $0x1000, $0x38;
	[tilespmem:$0x1E600] =	vst v63  }
0x7f: {  	_ =	swait.ge [sflag:s24], $0x1000  }
0x80: {  	[sflag:s24] =	ssyncset.done $0x0  }
0x81: {  	s7 =	rddreg [dreg:$0x9];
	[sflag:s24] =	ssyncadd.s32 $0xFFFFF000  }
0x82: {  	[hbm4b:s7+s1] =	stream.linear.scatter [tilespmem:s20], [sflag:$0x9], $0x1000, $0x38;
	[tilespmem:$0x1E600] =	vst v63  }
0x83: {  	_ =	swait.ge [sflag:s24], $0x1000  }
0x84: {  	s7 =	sld [smem:$0x7FD]  }
0x85: {  	[sflag:s24] =	ssyncset.done $0x0  }
0x86: {  	[sflag:s24] =	ssyncadd.s32 $0xFFFFF000  }
0x87: {  	[tilespmem:s20], [sflag:$0x9] =	stream.linear.gather [spmem:s7], $0x1000, $0x38;
	[tilespmem:$0x1E600] =	vst v63  }
0x88: {  	_ =	swait.ge [sflag:s24], $0x1000  }
0x89: {  	[sflag:s24] =	ssyncset.done $0x0  }
0x8a: {  	s3 =	rddreg [dreg:$0xa];
	[sflag:s24] =	ssyncadd.s32 $0xFFFFF000  }
0x8b: {  	[hbm4b:s3+s1] =	stream.linear.scatter [tilespmem:s20], [sflag:$0x9], $0x1000, $0x38;
	[tilespmem:$0x1E600] =	vst v63  }
0x8c: {  	_ =	swait.ge [sflag:s24], $0x1000  }
0x8d: {  	s3 =	sld [smem:$0x7ED]  }
0x8e: {  	[sflag:s24] =	ssyncset.done $0x0  }
0x8f: {  	[sflag:s24] =	ssyncadd.s32 $0xFFFFF000  }
0x90: {  	[tilespmem:s20], [sflag:$0x9] =	stream.linear.gather [spmem:s3], $0x1000, $0x38;
	[tilespmem:$0x1E600] =	vst v63  }
0x91: {  	_ =	swait.ge [sflag:s24], $0x1000  }
0x92: {  	[sflag:s24] =	ssyncset.done $0x0  }
0x93: {  	s3 =	rddreg [dreg:$0xb];
	[sflag:s24] =	ssyncadd.s32 $0xFFFFF000  }
0x94: {  	[hbm4b:s3+s1] =	stream.linear.scatter [tilespmem:s20], [sflag:$0x9], $0x1000, $0x38;
	[tilespmem:$0x1E600] =	vst v63  }
0x95: {  	_ =	swait.ge [sflag:s24], $0x1000  }
0x96: {  	s3 =	sld [smem:$0x7EE]  }
0x97: {  	[sflag:s24] =	ssyncset.done $0x0  }
0x98: {  	[sflag:s24] =	ssyncadd.s32 $0xFFFFF000  }
0x99: {  	[tilespmem:s20], [sflag:$0x9] =	stream.linear.gather [spmem:s3], $0x1000, $0x38;
	[tilespmem:$0x1E600] =	vst v63  }
0x9a: {  	_ =	swait.ge [sflag:s24], $0x1000  }
0x9b: {  	[sflag:s24] =	ssyncset.done $0x0  }
0x9c: {  	s3 =	rddreg [dreg:$0xc];
	[sflag:s24] =	ssyncadd.s32 $0xFFFFF000  }
0x9d: {  	[hbm4b:s3+s1] =	stream.linear.scatter [tilespmem:s20], [sflag:$0x9], $0x1000, $0x38;
	[tilespmem:$0x1E600] =	vst v63  }
0x9e: {  	_ =	swait.ge [sflag:s24], $0x1000  }
0x9f: {  	s3 =	sld [smem:$0x7EF]  }
0xa0: {  	[sflag:s24] =	ssyncset.done $0x0  }
0xa1: {  	[sflag:s24] =	ssyncadd.s32 $0xFFFFF000  }
0xa2: {  	[tilespmem:s20], [sflag:$0x9] =	stream.linear.gather [spmem:s3], $0x1000, $0x38;
	[tilespmem:$0x1E600] =	vst v63  }
0xa3: {  	_ =	swait.ge [sflag:s24], $0x1000  }
0xa4: {  	[sflag:s24] =	ssyncset.done $0x0  }
0xa5: {  	s3 =	rddreg [dreg:$0xd];
	[sflag:s24] =	ssyncadd.s32 $0xFFFFF000  }
0xa6: {  	[hbm4b:s3+s1] =	stream.linear.scatter [tilespmem:s20], [sflag:$0x9], $0x1000, $0x38;
	[tilespmem:$0x1E600] =	vst v63  }
0xa7: {  	_ =	swait.ge [sflag:s24], $0x1000  }
0xa8: {  	s3 =	sld [smem:$0x7F0]  }
0xa9: {  	[sflag:s24] =	ssyncset.done $0x0  }
0xaa: {  	[sflag:s24] =	ssyncadd.s32 $0xFFFFF000  }
0xab: {  	[tilespmem:s20], [sflag:$0x9] =	stream.linear.gather [spmem:s3], $0x1000, $0x38;
	[tilespmem:$0x1E600] =	vst v63  }
0xac: {  	_ =	swait.ge [sflag:s24], $0x1000  }
0xad: {  	[sflag:s24] =	ssyncset.done $0x0  }
0xae: {  	s3 =	rddreg [dreg:$0xe];
	[sflag:s24] =	ssyncadd.s32 $0xFFFFF000  }
0xaf: {  	[hbm4b:s3+s1] =	stream.linear.scatter [tilespmem:s20], [sflag:$0x9], $0x1000, $0x38;
	[tilespmem:$0x1E600] =	vst v63  }
0xb0: {  	_ =	swait.ge [sflag:s24], $0x1000  }
0xb1: {  	s3 =	sld [smem:$0x7F1]  }
0xb2: {  	[sflag:s24] =	ssyncset.done $0x0  }
0xb3: {  	[sflag:s24] =	ssyncadd.s32 $0xFFFFF000  }
0xb4: {  	[tilespmem:s20], [sflag:$0x9] =	stream.linear.gather [spmem:s3], $0x1000, $0x38;
	[tilespmem:$0x1E600] =	vst v63  }
0xb5: {  	_ =	swait.ge [sflag:s24], $0x1000  }
0xb6: {  	[sflag:s24] =	ssyncset.done $0x0  }
0xb7: {  	s3 =	rddreg [dreg:$0xf];
	[sflag:s24] =	ssyncadd.s32 $0xFFFFF000  }
0xb8: {  	[hbm4b:s3+s1] =	stream.linear.scatter [tilespmem:s20], [sflag:$0x9], $0x1000, $0x38;
	[tilespmem:$0x1E600] =	vst v63  }
0xb9: {  	_ =	swait.ge [sflag:s24], $0x1000  }
0xba: {  	s3 =	sld [smem:$0x7F2]  }
0xbb: {  	[sflag:s24] =	ssyncset.done $0x0  }
0xbc: {  	[sflag:s24] =	ssyncadd.s32 $0xFFFFF000  }
0xbd: {  	[tilespmem:s20], [sflag:$0x9] =	stream.linear.gather [spmem:s3], $0x1000, $0x38;
	[tilespmem:$0x1E600] =	vst v63  }
0xbe: {  	_ =	swait.ge [sflag:s24], $0x1000  }
0xbf: {  	[sflag:s24] =	ssyncset.done $0x0  }
0xc0: {  	s3 =	rddreg [dreg:$0x10];
	[sflag:s24] =	ssyncadd.s32 $0xFFFFF000  }
0xc1: {  	[hbm4b:s3+s1] =	stream.linear.scatter [tilespmem:s20], [sflag:$0x9], $0x1000, $0x38;
	[tilespmem:$0x1E600] =	vst v63  }
0xc2: {  	_ =	swait.ge [sflag:s24], $0x1000  }
0xc3: {  	s3 =	sld [smem:$0x7F3]  }
0xc4: {  	[sflag:s24] =	ssyncset.done $0x0  }
0xc5: {  	[sflag:s24] =	ssyncadd.s32 $0xFFFFF000  }
0xc6: {  	[tilespmem:s20], [sflag:$0x9] =	stream.linear.gather [spmem:s3], $0x1000, $0x38;
	[tilespmem:$0x1E600] =	vst v63  }
0xc7: {  	_ =	swait.ge [sflag:s24], $0x1000  }
0xc8: {  	[sflag:s24] =	ssyncset.done $0x0  }
0xc9: {  	s3 =	rddreg [dreg:$0x11];
	[sflag:s24] =	ssyncadd.s32 $0xFFFFF000  }
0xca: {  	[hbm4b:s3+s1] =	stream.linear.scatter [tilespmem:s20], [sflag:$0x9], $0x1000, $0x38;
	[tilespmem:$0x1E600] =	vst v63  }
0xcb: {  	_ =	swait.ge [sflag:s24], $0x1000  }
0xcc: {  	s3 =	sld [smem:$0x7F4]  }
0xcd: {  	[sflag:s24] =	ssyncset.done $0x0  }
0xce: {  	[sflag:s24] =	ssyncadd.s32 $0xFFFFF000  }
0xcf: {  	[tilespmem:s20], [sflag:$0x9] =	stream.linear.gather [spmem:s3], $0x1000, $0x38;
	[tilespmem:$0x1E600] =	vst v63  }
0xd0: {  	_ =	swait.ge [sflag:s24], $0x1000  }
0xd1: {  	[sflag:s24] =	ssyncset.done $0x0  }
0xd2: {  	s3 =	rddreg [dreg:$0x12];
	[sflag:s24] =	ssyncadd.s32 $0xFFFFF000  }
0xd3: {  	[hbm4b:s3+s1] =	stream.linear.scatter [tilespmem:s20], [sflag:$0x9], $0x1000, $0x38;
	[tilespmem:$0x1E600] =	vst v63  }
0xd4: {  	_ =	swait.ge [sflag:s24], $0x1000  }
0xd5: {  	s3 =	sld [smem:$0x7F5]  }
0xd6: {  	[sflag:s24] =	ssyncset.done $0x0  }
0xd7: {  	[sflag:s24] =	ssyncadd.s32 $0xFFFFF000  }
0xd8: {  	[tilespmem:s20], [sflag:$0x9] =	stream.linear.gather [spmem:s3], $0x1000, $0x38;
	[tilespmem:$0x1E600] =	vst v63  }
0xd9: {  	_ =	swait.ge [sflag:s24], $0x1000  }
0xda: {  	[sflag:s24] =	ssyncset.done $0x0  }
0xdb: {  	s3 =	rddreg [dreg:$0x13];
	[sflag:s24] =	ssyncadd.s32 $0xFFFFF000  }
0xdc: {  	[hbm4b:s3+s1] =	stream.linear.scatter [tilespmem:s20], [sflag:$0x9], $0x1000, $0x38;
	[tilespmem:$0x1E600] =	vst v63  }
0xdd: {  	_ =	swait.ge [sflag:s24], $0x1000  }
0xde: {  	s3 =	sld [smem:$0x7F6]  }
0xdf: {  	[sflag:s24] =	ssyncset.done $0x0  }
0xe0: {  	[sflag:s24] =	ssyncadd.s32 $0xFFFFF000  }
0xe1: {  	[tilespmem:s20], [sflag:$0x9] =	stream.linear.gather [spmem:s3], $0x1000, $0x38;
	[tilespmem:$0x1E600] =	vst v63  }
0xe2: {  	_ =	swait.ge [sflag:s24], $0x1000  }
0xe3: {  	[sflag:s24] =	ssyncset.done $0x0  }
0xe4: {  	s3 =	rddreg [dreg:$0x14];
	[sflag:s24] =	ssyncadd.s32 $0xFFFFF000  }
0xe5: {  	[hbm4b:s3+s1] =	stream.linear.scatter [tilespmem:s20], [sflag:$0x9], $0x1000, $0x38;
	[tilespmem:$0x1E600] =	vst v63  }
0xe6: {  	_ =	swait.ge [sflag:s24], $0x1000  }
0xe7: {  	s3 =	sld [smem:$0x7F7]  }
0xe8: {  	[sflag:s24] =	ssyncset.done $0x0  }
0xe9: {  	[sflag:s24] =	ssyncadd.s32 $0xFFFFF000  }
0xea: {  	[tilespmem:s20], [sflag:$0x9] =	stream.linear.gather [spmem:s3], $0x1000, $0x38;
	[tilespmem:$0x1E600] =	vst v63  }
0xeb: {  	_ =	swait.ge [sflag:s24], $0x1000  }
0xec: {  	[sflag:s24] =	ssyncset.done $0x0  }
0xed: {  	s3 =	rddreg [dreg:$0x15];
	[sflag:s24] =	ssyncadd.s32 $0xFFFFF000  }
0xee: {  	[hbm4b:s3+s1] =	stream.linear.scatter [tilespmem:s20], [sflag:$0x9], $0x1000, $0x38;
	[tilespmem:$0x1E600] =	vst v63  }
0xef: {  	_ =	swait.ge [sflag:s24], $0x1000  }
0xf0: {  	s3 =	sld [smem:$0x7F8]  }
0xf1: {  	[sflag:s24] =	ssyncset.done $0x0  }
0xf2: {  	[sflag:s24] =	ssyncadd.s32 $0xFFFFF000  }
0xf3: {  	[tilespmem:s20], [sflag:$0x9] =	stream.linear.gather [spmem:s3], $0x1000, $0x38;
	[tilespmem:$0x1E600] =	vst v63  }
0xf4: {  	_ =	swait.ge [sflag:s24], $0x1000  }
0xf5: {  	[sflag:s24] =	ssyncset.done $0x0  }
0xf6: {  	s3 =	rddreg [dreg:$0x16];
	[sflag:s24] =	ssyncadd.s32 $0xFFFFF000  }
0xf7: {  	[hbm4b:s3+s1] =	stream.linear.scatter [tilespmem:s20], [sflag:$0x9], $0x1000, $0x38;
	[tilespmem:$0x1E600] =	vst v63  }
0xf8: {  	_ =	swait.ge [sflag:s24], $0x1000  }
0xf9: {  	s3 =	sld [smem:$0x7F9]  }
0xfa: {  	[sflag:s24] =	ssyncset.done $0x0  }
0xfb: {  	[sflag:s24] =	ssyncadd.s32 $0xFFFFF000  }
0xfc: {  	[tilespmem:s20], [sflag:$0x9] =	stream.linear.gather [spmem:s3], $0x1000, $0x38;
	[tilespmem:$0x1E600] =	vst v63  }
0xfd: {  	_ =	swait.ge [sflag:s24], $0x1000  }
0xfe: {  	[sflag:s24] =	ssyncset.done $0x0  }
0xff: {  	s3 =	rddreg [dreg:$0x17];
	[sflag:s24] =	ssyncadd.s32 $0xFFFFF000  }
0x100: {  	[hbm4b:s3+s1] =	stream.linear.scatter [tilespmem:s20], [sflag:$0x9], $0x1000, $0x38;
	[tilespmem:$0x1E600] =	vst v63  }
0x101: {  	_ =	swait.ge [sflag:s24], $0x1000  }
0x102: {  	s3 =	sld [smem:$0x7FA]  }
0x103: {  	[sflag:s24] =	ssyncset.done $0x0  }
0x104: {  	[sflag:s24] =	ssyncadd.s32 $0xFFFFF000  }
0x105: {  	[tilespmem:s20], [sflag:$0x9] =	stream.linear.gather [spmem:s3], $0x1000, $0x38;
	[tilespmem:$0x1E600] =	vst v63  }
0x106: {  	_ =	swait.ge [sflag:s24], $0x1000  }
0x107: {  	[sflag:s24] =	ssyncset.done $0x0  }
0x108: {  	s3 =	rddreg [dreg:$0x18];
	[sflag:s24] =	ssyncadd.s32 $0xFFFFF000  }
0x109: {  	[hbm4b:s3+s1] =	stream.linear.scatter [tilespmem:s20], [sflag:$0x9], $0x1000, $0x38;
	[tilespmem:$0x1E600] =	vst v63  }
0x10a: {  	_ =	swait.ge [sflag:s24], $0x1000  }
0x10b: {  	s3 =	sld [smem:$0x7EB];
	_ =	sdelay $0x2  }
0x10c: {  	s20 =	sadd.s32 $0x1, s3;
	s3 =	sld [smem:$0x7FB];
	_ =	sdelay $0x2  }
0x10d: {  	p0 =	sne.s32 s20, s3  }
.Ltmp1:
0x10e: {  	_ = 	snop;
	(pc) =	sbr.rel @!p0 .LBB2_17-.Ltmp1, $3  }
0x10f: {  	_ =	sdelay $0x1  }
0x110: {  	[sflag:s24] =	ssyncset.done $0x0  }
0x111: {  	[sflag:s24] =	ssyncadd.s32 $0xFFFFF000  }
.LBB2_1:
0x112: {  	[smem:$0x7EB] =	sst s20;
	s20 =	simm.s32 $0x0;
	s24 =	simm.s32 $0x200  }
.LBB2_2:
0x113: {  	p0 =	sne.s32 s24, $0x3E00;
	[tilespmem:s20+$0x9670] =	vst v0  }
0x114: {  	[tilespmem:s20+$0x9600] =	vst v0  }
0x115: {  	[tilespmem:s20+$0x9610] =	vst v0  }
.Ltmp2:
0x116: {  	[tilespmem:s20+$0x9620] =	vst v0;
	(pc) =	sbr.rel @p0 .LBB2_2-.Ltmp2, $4  }
0x117: {  	[tilespmem:s20+$0x9630] =	vst v0  }
0x118: {  	[tilespmem:s20+$0x9640] =	vst v0  }
0x119: {  	[tilespmem:s20+$0x9650] =	vst v0  }
0x11a: {  	[tilespmem:s20+$0x9660] =	vst v0;
	s20 =	sshra.s32 s24, $0x2;
	s24 =	sadd.s32 $0x200, s24  }
0x11b: {  	[tilespmem:s20+$0x9670] =	vst v0  }
0x11c: {  	[tilespmem:s20+$0x9600] =	vst v0  }
0x11d: {  	[tilespmem:s20+$0x9610] =	vst v0  }
0x11e: {  	[tilespmem:s20+$0x9620] =	vst v0  }
0x11f: {  	[tilespmem:s20+$0x9630] =	vst v0  }
0x120: {  	[tilespmem:s20+$0x9640] =	vst v0  }
0x121: {  	[tilespmem:s20+$0x9650] =	vst v0  }
0x122: {  	[tilespmem:s20+$0x9660] =	vst v0;
	s20 =	simm.s32 $0x9600;
	s24 =	simm.s32 $0x9  }
0x123: {  	[spmem:s26] =	stream.linear.scatter [tilespmem:s20], [sflag:$0x9], $0x1000, $0x38;
	[tilespmem:$0x1E600] =	vst v63  }
0x124: {  	_ =	swait.ge [sflag:s24], $0x1000  }
0x125: {  	[sflag:s24] =	ssyncset.done $0x0  }
0x126: {  	[sflag:s24] =	ssyncadd.s32 $0xFFFFF000  }
0x127: {  	[spmem:s28] =	stream.linear.scatter [tilespmem:s20], [sflag:$0x9], $0x1000, $0x38;
	[tilespmem:$0x1E600] =	vst v63  }
0x128: {  	_ =	swait.ge [sflag:s24], $0x1000  }
0x129: {  	[sflag:s24] =	ssyncset.done $0x0  }
0x12a: {  	[sflag:s24] =	ssyncadd.s32 $0xFFFFF000  }
0x12b: {  	[spmem:s29] =	stream.linear.scatter [tilespmem:s20], [sflag:$0x9], $0x1000, $0x38;
	[tilespmem:$0x1E600] =	vst v63  }
0x12c: {  	_ =	swait.ge [sflag:s24], $0x1000  }
0x12d: {  	[sflag:s24] =	ssyncset.done $0x0  }
0x12e: {  	[sflag:s24] =	ssyncadd.s32 $0xFFFFF000  }
0x12f: {  	[spmem:s31] =	stream.linear.scatter [tilespmem:s20], [sflag:$0x9], $0x1000, $0x38;
	[tilespmem:$0x1E600] =	vst v63  }
0x130: {  	_ =	swait.ge [sflag:s24], $0x1000  }
0x131: {  	s3 =	sld [smem:$0x7EC]  }
0x132: {  	[sflag:s24] =	ssyncset.done $0x0  }
0x133: {  	[sflag:s24] =	ssyncadd.s32 $0xFFFFF000  }
0x134: {  	[spmem:s3] =	stream.linear.scatter [tilespmem:s20], [sflag:$0x9], $0x1000, $0x38;
	[tilespmem:$0x1E600] =	vst v63  }
0x135: {  	_ =	swait.ge [sflag:s24], $0x1000  }
0x136: {  	[sflag:s24] =	ssyncset.done $0x0  }
0x137: {  	[sflag:s24] =	ssyncadd.s32 $0xFFFFF000  }
0x138: {  	[spmem:s7] =	stream.linear.scatter [tilespmem:s20], [sflag:$0x9], $0x1000, $0x38;
	[tilespmem:$0x1E600] =	vst v63  }
0x139: {  	_ =	swait.ge [sflag:s24], $0x1000  }
0x13a: {  	s28 =	sld [smem:$0x7ED]  }
0x13b: {  	[sflag:s24] =	ssyncset.done $0x0  }
0x13c: {  	[sflag:s24] =	ssyncadd.s32 $0xFFFFF000  }
0x13d: {  	[spmem:s28] =	stream.linear.scatter [tilespmem:s20], [sflag:$0x9], $0x1000, $0x38;
	[tilespmem:$0x1E600] =	vst v63  }
0x13e: {  	_ =	swait.ge [sflag:s24], $0x1000  }
0x13f: {  	s29 =	sld [smem:$0x7EE]  }
0x140: {  	[sflag:s24] =	ssyncset.done $0x0  }
0x141: {  	[sflag:s24] =	ssyncadd.s32 $0xFFFFF000  }
0x142: {  	[spmem:s29] =	stream.linear.scatter [tilespmem:s20], [sflag:$0x9], $0x1000, $0x38;
	[tilespmem:$0x1E600] =	vst v63  }
0x143: {  	_ =	swait.ge [sflag:s24], $0x1000  }
0x144: {  	s31 =	sld [smem:$0x7EF]  }
0x145: {  	[sflag:s24] =	ssyncset.done $0x0  }
0x146: {  	[sflag:s24] =	ssyncadd.s32 $0xFFFFF000  }
0x147: {  	[spmem:s31] =	stream.linear.scatter [tilespmem:s20], [sflag:$0x9], $0x1000, $0x38;
	[tilespmem:$0x1E600] =	vst v63  }
0x148: {  	_ =	swait.ge [sflag:s24], $0x1000  }
0x149: {  	s7 =	sld [smem:$0x7F0]  }
0x14a: {  	[sflag:s24] =	ssyncset.done $0x0  }
0x14b: {  	[sflag:s24] =	ssyncadd.s32 $0xFFFFF000  }
0x14c: {  	[spmem:s7] =	stream.linear.scatter [tilespmem:s20], [sflag:$0x9], $0x1000, $0x38;
	[tilespmem:$0x1E600] =	vst v63  }
0x14d: {  	_ =	swait.ge [sflag:s24], $0x1000  }
0x14e: {  	s26 =	sld [smem:$0x7F1]  }
0x14f: {  	[sflag:s24] =	ssyncset.done $0x0  }
0x150: {  	[sflag:s24] =	ssyncadd.s32 $0xFFFFF000  }
0x151: {  	[spmem:s26] =	stream.linear.scatter [tilespmem:s20], [sflag:$0x9], $0x1000, $0x38;
	[tilespmem:$0x1E600] =	vst v63  }
0x152: {  	_ =	swait.ge [sflag:s24], $0x1000  }
0x153: {  	s28 =	sld [smem:$0x7F2]  }
0x154: {  	[sflag:s24] =	ssyncset.done $0x0  }
0x155: {  	[sflag:s24] =	ssyncadd.s32 $0xFFFFF000  }
0x156: {  	[spmem:s28] =	stream.linear.scatter [tilespmem:s20], [sflag:$0x9], $0x1000, $0x38;
	[tilespmem:$0x1E600] =	vst v63  }
0x157: {  	_ =	swait.ge [sflag:s24], $0x1000  }
0x158: {  	s29 =	sld [smem:$0x7F3]  }
0x159: {  	[sflag:s24] =	ssyncset.done $0x0  }
0x15a: {  	[sflag:s24] =	ssyncadd.s32 $0xFFFFF000  }
0x15b: {  	[spmem:s29] =	stream.linear.scatter [tilespmem:s20], [sflag:$0x9], $0x1000, $0x38;
	[tilespmem:$0x1E600] =	vst v63  }
0x15c: {  	_ =	swait.ge [sflag:s24], $0x1000  }
0x15d: {  	s31 =	sld [smem:$0x7F4]  }
0x15e: {  	[sflag:s24] =	ssyncset.done $0x0  }
0x15f: {  	[sflag:s24] =	ssyncadd.s32 $0xFFFFF000  }
0x160: {  	[spmem:s31] =	stream.linear.scatter [tilespmem:s20], [sflag:$0x9], $0x1000, $0x38;
	[tilespmem:$0x1E600] =	vst v63  }
0x161: {  	_ =	swait.ge [sflag:s24], $0x1000  }
0x162: {  	s7 =	sld [smem:$0x7F5]  }
0x163: {  	[sflag:s24] =	ssyncset.done $0x0  }
0x164: {  	[sflag:s24] =	ssyncadd.s32 $0xFFFFF000  }
0x165: {  	[spmem:s7] =	stream.linear.scatter [tilespmem:s20], [sflag:$0x9], $0x1000, $0x38;
	[tilespmem:$0x1E600] =	vst v63  }
0x166: {  	_ =	swait.ge [sflag:s24], $0x1000  }
0x167: {  	s26 =	sld [smem:$0x7F6]  }
0x168: {  	[sflag:s24] =	ssyncset.done $0x0  }
0x169: {  	[sflag:s24] =	ssyncadd.s32 $0xFFFFF000  }
0x16a: {  	[spmem:s26] =	stream.linear.scatter [tilespmem:s20], [sflag:$0x9], $0x1000, $0x38;
	[tilespmem:$0x1E600] =	vst v63  }
0x16b: {  	_ =	swait.ge [sflag:s24], $0x1000  }
0x16c: {  	s28 =	sld [smem:$0x7F7]  }
0x16d: {  	[sflag:s24] =	ssyncset.done $0x0  }
0x16e: {  	[sflag:s24] =	ssyncadd.s32 $0xFFFFF000  }
0x16f: {  	[spmem:s28] =	stream.linear.scatter [tilespmem:s20], [sflag:$0x9], $0x1000, $0x38;
	[tilespmem:$0x1E600] =	vst v63  }
0x170: {  	_ =	swait.ge [sflag:s24], $0x1000  }
0x171: {  	s29 =	sld [smem:$0x7F8]  }
0x172: {  	[sflag:s24] =	ssyncset.done $0x0  }
0x173: {  	[sflag:s24] =	ssyncadd.s32 $0xFFFFF000  }
0x174: {  	[spmem:s29] =	stream.linear.scatter [tilespmem:s20], [sflag:$0x9], $0x1000, $0x38;
	[tilespmem:$0x1E600] =	vst v63  }
0x175: {  	_ =	swait.ge [sflag:s24], $0x1000  }
0x176: {  	s31 =	sld [smem:$0x7F9]  }
0x177: {  	[sflag:s24] =	ssyncset.done $0x0  }
0x178: {  	[sflag:s24] =	ssyncadd.s32 $0xFFFFF000  }
0x179: {  	[spmem:s31] =	stream.linear.scatter [tilespmem:s20], [sflag:$0x9], $0x1000, $0x38;
	[tilespmem:$0x1E600] =	vst v63  }
0x17a: {  	_ =	swait.ge [sflag:s24], $0x1000  }
0x17b: {  	s7 =	sld [smem:$0x7FA]  }
0x17c: {  	[sflag:s24] =	ssyncset.done $0x0  }
0x17d: {  	[sflag:s24] =	ssyncadd.s32 $0xFFFFF000  }
0x17e: {  	[spmem:s7] =	stream.linear.scatter [tilespmem:s20], [sflag:$0x9], $0x1000, $0x38;
	[tilespmem:$0x1E600] =	vst v63  }
0x17f: {  	_ =	swait.ge [sflag:s24], $0x1000  }
0x180: {  	[sflag:s24] =	ssyncset.done $0x0  }
0x181: {  	[sflag:s24] =	ssyncadd.s32 $0xFFFFF000  }
0x182: {  	[bflag:$0x0] =	sbarrier.arrive $0xFFFF  }
0x183: {  	s26 =	simm.s32 $0x0;
	s28 =	rddreg [dreg:$0x1]  }
0x184: {  	[tilespmem:s26], [sflag:$0x9] =	stream.linear.gather [hbm4b:s28+s26], $0x2780, $0x38;
	[tilespmem:$0x1E600] =	vst v63  }
0x185: {  	_ =	swait.ge [sflag:s24], $0x2780  }
0x186: {  	[sflag:s24] =	ssyncset.done $0x0  }
0x187: {  	[sflag:s24] =	ssyncadd.s32 $0xFFFFD880  }
0x188: {  	s31 =	simm.s32 $0x3F80;
	s29 =	rddreg [dreg:$0x2]  }
0x189: {  	[tilespmem:s31], [sflag:$0x9] =	stream.linear.gather [hbm4b:s29+s26], $0x1000, $0x38;
	[tilespmem:$0x1E600] =	vst v63  }
0x18a: {  	_ =	swait.ge [sflag:s24], $0x1000  }
0x18b: {  	[sflag:s24] =	ssyncset.done $0x0  }
0x18c: {  	[sflag:s24] =	ssyncadd.s32 $0xFFFFF000  }
0x18d: {  	v1 =	vld [tilespmem:$0x3F80]  }
0x18e: {  	v2 =	vld [tilespmem:$0x4000]  }
0x18f: {  	v3 =	vld [tilespmem:$0x4080]  }
0x190: {  	v4 =	vld [tilespmem:$0x4100]  }
0x191: {  	v5 =	vld [tilespmem:$0x4180]  }
0x192: {  	v6 =	vld [tilespmem:$0x4200]  }
0x193: {  	v1 =	vmin.f32 v1, v2;
	v2 =	vld [tilespmem:$0x4280]  }
0x194: {  	v1 =	vmin.f32 v1, v3;
	v3 =	vld [tilespmem:$0x4300]  }
0x195: {  	v49 =	vld [tilespmem:$0x4380];
	v1 =	vmin.f32 v1, v4  }
0x196: {  	v50 =	vld [tilespmem:$0x4400];
	v1 =	vmin.f32 v1, v5  }
0x197: {  	v51 =	vld [tilespmem:$0x4480];
	v1 =	vmin.f32 v1, v6  }
0x198: {  	v1 =	vmin.f32 v1, v2;
	v2 =	vld [tilespmem:$0x4500]  }
0x199: {  	v1 =	vmin.f32 v1, v3;
	v3 =	vld [tilespmem:$0x4580]  }
0x19a: {  	v52 =	vld [tilespmem:$0x4600];
	v1 =	vmin.f32 v1, v49  }
0x19b: {  	v53 =	vld [tilespmem:$0x4680];
	v1 =	vmin.f32 v1, v50  }
0x19c: {  	v54 =	vld [tilespmem:$0x4700];
	v1 =	vmin.f32 v1, v51  }
0x19d: {  	v1 =	vmin.f32 v1, v2;
	v2 =	vld [tilespmem:$0x4780]  }
0x19e: {  	v1 =	vmin.f32 v1, v3;
	v3 =	vld [tilespmem:$0x4800]  }
0x19f: {  	v55 =	vld [tilespmem:$0x4880];
	v1 =	vmin.f32 v1, v52  }
0x1a0: {  	v56 =	vld [tilespmem:$0x4900];
	v1 =	vmin.f32 v1, v53  }
0x1a1: {  	v57 =	vld [tilespmem:$0x4980];
	v1 =	vmin.f32 v1, v54  }
0x1a2: {  	v1 =	vmin.f32 v1, v2;
	v2 =	vld [tilespmem:$0x4A00]  }
0x1a3: {  	v1 =	vmin.f32 v1, v3;
	v3 =	vld [tilespmem:$0x4A80]  }
0x1a4: {  	v58 =	vld [tilespmem:$0x4B00];
	v1 =	vmin.f32 v1, v55  }
0x1a5: {  	v59 =	vld [tilespmem:$0x4B80];
	v1 =	vmin.f32 v1, v56  }
0x1a6: {  	v60 =	vld [tilespmem:$0x4C00];
	v1 =	vmin.f32 v1, v57  }
0x1a7: {  	v1 =	vmin.f32 v1, v2;
	v2 =	vld [tilespmem:$0x4C80]  }
0x1a8: {  	v1 =	vmin.f32 v1, v3;
	v3 =	vld [tilespmem:$0x4D00]  }
0x1a9: {  	v61 =	vld [tilespmem:$0x4D80];
	v1 =	vmin.f32 v1, v58  }
0x1aa: {  	v62 =	vld [tilespmem:$0x4E00];
	v1 =	vmin.f32 v1, v59  }
0x1ab: {  	v63 =	vld [tilespmem:$0x4E80];
	v1 =	vmin.f32 v1, v60  }
0x1ac: {  	v1 =	vmin.f32 v1, v2;
	v2 =	vld [tilespmem:$0x4F00]  }
0x1ad: {  	v1 =	vmin.f32 v1, v3  }
.Ltmp3:
0x1ae: {  	v1 =	vmin.f32 v1, v61;
	(pc) =	sbr.rel .LBB2_4-.Ltmp3, $4  }
0x1af: {  	v1 =	vmin.f32 v1, v62  }
0x1b0: {  	v1 =	vmin.f32 v1, v63  }
0x1b1: {  	v1 =	vmin.f32 v1, v2  }
0x1b2: {  	s26 =	simm.s32 $0x0;
	[tilespmem:$0x4F80] =	vst v1  }
.LBB2_15:
0x1b3: {  	s26 =	sadd.s32 $0x1, s26  }
0x1b4: {  	p0 =	sne.s32 s26, $0x5  }
.Ltmp4:
0x1b5: {  	_ = 	snop;
	(pc) =	sbr.rel @!p0 .LBB2_16-.Ltmp4, $1  }
0x1b6: {  	_ =	sdelay $0x3  }
.LBB2_4:
0x1b7: {  	s3 =	sshll.u32 s26, $0xB;
	s7 =	rddreg [dreg:$0x1c]  }
0x1b8: {  	s3 =	sadd.s32 s7, s3  }
0x1b9: {  	s24 =	rddreg [dreg:$0x19];
	s3 =	sshrl.u32 s3, $0x3  }
0x1ba: {  	s29 =	simm.s32 $0x2780;
	s20 =	sadd.s32 s24, s3;
	s24 =	simm.s32 $0x9  }
0x1bb: {  	[tilespmem:s29], [sflag:$0x9] =	stream.linear.gather [hbm4b:s20+s1], $0x800, $0x38;
	[tilespmem:$0x1E600] =	vst v63  }
0x1bc: {  	_ =	swait.ge [sflag:s24], $0x800  }
0x1bd: {  	[sflag:s24] =	ssyncset.done $0x0;
	s31 =	rddreg [dreg:$0x1a]  }
0x1be: {  	s29 =	simm.s32 $0x2F80;
	[sflag:s24] =	ssyncadd.s32 $0xFFFFF800;
	s7 =	sadd.s32 s31, s3  }
0x1bf: {  	[tilespmem:s29], [sflag:$0x9] =	stream.linear.gather [hbm4b:s7+s1], $0x800, $0x38;
	[tilespmem:$0x1E600] =	vst v63  }
0x1c0: {  	_ =	swait.ge [sflag:s24], $0x800  }
0x1c1: {  	[sflag:s24] =	ssyncset.done $0x0;
	s31 =	rddreg [dreg:$0x1b]  }
0x1c2: {  	s20 =	simm.s32 $0x3780;
	[sflag:s24] =	ssyncadd.s32 $0xFFFFF800;
	s3 =	sadd.s32 s31, s3  }
0x1c3: {  	[tilespmem:s20], [sflag:$0x9] =	stream.linear.gather [hbm4b:s3+s1], $0x800, $0x38;
	[tilespmem:$0x1E600] =	vst v63  }
0x1c4: {  	_ =	swait.ge [sflag:s24], $0x800  }
0x1c5: {  	p0 =	seq.s32 s26, $0x0;
	[sflag:s24] =	ssyncset.done $0x0  }
0x1c6: {  	s3 =	simm.s32 @!p0 $0x5;
	[sflag:s24] =	ssyncadd.s32 $0xFFFFF800  }
0x1c7: {  	_ =	swait.ge @!p0 [sflag:s3], $0x1000  }
0x1c8: {  	[sflag:s3] =	ssyncset.done @!p0 $0x0  }
0x1c9: {  	[sflag:s3] =	ssyncadd.s32 @!p0 $0xFFFFF000;
	s3 =	simm.s32 @!p0 $0x6  }
0x1ca: {  	_ =	swait.ge @!p0 [sflag:s3], $0x1000  }
0x1cb: {  	[sflag:s3] =	ssyncset.done @!p0 $0x0  }
0x1cc: {  	[sflag:s3] =	ssyncadd.s32 @!p0 $0xFFFFF000  }
0x1cd: {  	v1 =	vld [tilespmem:$0x2780];
	_ =	sdelay $0x6  }
0x1ce: {  	s24 =	simm.s32 $0x0;
	[tilespmem:$0x5200] =	vst v1  }
0x1cf: {  	v1 =	vld.idx.msk [tilespmem:v1+s24+$0x0], $0xffff;
	_ =	sdelay $0x6  }
0x1d0: {  	v2 =	vld [tilespmem:$0x3780]  }
0x1d1: {  	v1 =	vld.idx.msk [tilespmem:v1+s0+$0x0], $0xffff;
	_ =	sdelay $0x4  }
0x1d2: {  	v1 =	vsub.f32 v2, v1;
	_ =	sdelay $0x1  }
0x1d3: {  	v1 =	vmul.f32 v1, v1;
	_ =	sdelay $0x1  }
0x1d4: {  	v1 =	vmul.f32 $-9.999989860e-01, v1;
	_ =	sdelay $0x1  }
0x1d5: {  	v1 =	vmul.f32 $1.442695020e+00, v1;
	_ =	sdelay $0x1  }
0x1d6: {  	(erf) = vpow2.f32 v1;
	_ =	sdelay $0x1  }
0x1d7: {  	v2 =	vld [tilespmem:$0x2F80]  }
0x1d8: {  	v1 =	vld [tilespmem:$0x2790];
	_ =	sdelay $0x4  }
0x1d9: {  	[tilespmem:$0x5400] =	vst v2  }
0x1da: {  	[tilespmem:$0x5210] =	vst v1;
	v3 =	vpop (erf)  }
0x1db: {  	[tilespmem:$0x5000] =	vst v3  }
0x1dc: {  	v1 =	vld.idx.msk [tilespmem:v1+s24+$0x0], $0xffff;
	_ =	sdelay $0x6  }
0x1dd: {  	v2 =	vld [tilespmem:$0x3790]  }
0x1de: {  	v1 =	vld.idx.msk [tilespmem:v1+s0+$0x0], $0xffff;
	_ =	sdelay $0x4  }
0x1df: {  	v1 =	vsub.f32 v2, v1;
	_ =	sdelay $0x1  }
0x1e0: {  	v1 =	vmul.f32 v1, v1;
	_ =	sdelay $0x1  }
0x1e1: {  	v1 =	vmul.f32 $-9.999989860e-01, v1;
	_ =	sdelay $0x1  }
0x1e2: {  	v1 =	vmul.f32 $1.442695020e+00, v1;
	_ =	sdelay $0x1  }
0x1e3: {  	(erf) = vpow2.f32 v1;
	_ =	sdelay $0x3  }
0x1e4: {  	v1 =	vld [tilespmem:$0x2F90];
	_ =	sdelay $0x4  }
0x1e5: {  	[tilespmem:$0x5410] =	vst v1;
	v2 =	vpop (erf)  }
0x1e6: {  	s29 =	simm.s32 $0x5200;
	[tilespmem:$0x5010] =	vst v2  }
0x1e7: {  	[tilespmem:s2], [sflag:$0x1] =	stream.indirect.gather [hbm4b:s30+s19], $0x80, s29, s19, $0xb8;
	[tilespmem:$0x1E600] =	vst v63  }
0x1e8: {  	v1 =	vld [tilespmem:$0x27A0];
	_ =	sdelay $0x6  }
0x1e9: {  	[tilespmem:$0x5280] =	vst v1  }
0x1ea: {  	v1 =	vld.idx.msk [tilespmem:v1+s24+$0x0], $0xffff;
	_ =	sdelay $0x6  }
0x1eb: {  	v2 =	vld [tilespmem:$0x37A0]  }
0x1ec: {  	v1 =	vld.idx.msk [tilespmem:v1+s0+$0x0], $0xffff;
	_ =	sdelay $0x4  }
0x1ed: {  	v1 =	vsub.f32 v2, v1;
	_ =	sdelay $0x1  }
0x1ee: {  	v1 =	vmul.f32 v1, v1;
	_ =	sdelay $0x1  }
0x1ef: {  	v1 =	vmul.f32 $-9.999989860e-01, v1;
	_ =	sdelay $0x1  }
0x1f0: {  	v1 =	vmul.f32 $1.442695020e+00, v1;
	_ =	sdelay $0x1  }
0x1f1: {  	(erf) = vpow2.f32 v1;
	_ =	sdelay $0x1  }
0x1f2: {  	v2 =	vld [tilespmem:$0x2FA0]  }
0x1f3: {  	v1 =	vld [tilespmem:$0x27B0];
	_ =	sdelay $0x4  }
0x1f4: {  	[tilespmem:$0x5480] =	vst v2  }
0x1f5: {  	[tilespmem:$0x5290] =	vst v1;
	v3 =	vpop (erf)  }
0x1f6: {  	[tilespmem:$0x5080] =	vst v3  }
0x1f7: {  	v1 =	vld.idx.msk [tilespmem:v1+s24+$0x0], $0xffff;
	_ =	sdelay $0x6  }
0x1f8: {  	v2 =	vld [tilespmem:$0x37B0]  }
0x1f9: {  	v1 =	vld.idx.msk [tilespmem:v1+s0+$0x0], $0xffff;
	_ =	sdelay $0x4  }
0x1fa: {  	v1 =	vsub.f32 v2, v1;
	_ =	sdelay $0x1  }
0x1fb: {  	v1 =	vmul.f32 v1, v1;
	_ =	sdelay $0x1  }
0x1fc: {  	v1 =	vmul.f32 $-9.999989860e-01, v1;
	_ =	sdelay $0x1  }
0x1fd: {  	v1 =	vmul.f32 $1.442695020e+00, v1;
	_ =	sdelay $0x1  }
0x1fe: {  	(erf) = vpow2.f32 v1;
	_ =	sdelay $0x3  }
0x1ff: {  	v1 =	vld [tilespmem:$0x2FB0];
	_ =	sdelay $0x4  }
0x200: {  	[tilespmem:$0x5490] =	vst v1;
	v2 =	vpop (erf)  }
0x201: {  	s28 =	simm.s32 $0x0;
	s31 =	simm.s32 $0x5280;
	[tilespmem:$0x5090] =	vst v2  }
0x202: {  	[tilespmem:s4], [sflag:$0x2] =	stream.indirect.gather [hbm4b:s30+s19], $0x80, s31, s19, $0xb8;
	[tilespmem:$0x1E600] =	vst v63  }
.LBB2_5:
0x203: {  	s3 =	simm.s32 $0x0  }
0x204: {  	s20 =	simm.s32 $0x2;
	v1 =	vmov s3  }
0x205: {  	_ =	swait.ge [sflag:s5], $0x1000;
	v2 =	vmov s20;
	v1 =	vand.u32 $0xFFFFFFFC, v1  }
0x206: {  	[sflag:s5] =	ssyncset.done $0x0;
	v2 =	vand.u32 $0xFFFFFFFE, v2;
	v1 =	vbroadcast v1, $0x0  }
0x207: {  	s29 =	simm.s32 $0x5700;
	[sflag:s5] =	ssyncadd.s32 $0xFFFFF000;
	v2 =	vbroadcast v2, $0x0  }
0x208: {  	v4 =	vld [tilespmem:s29+$0x70]  }
0x209: {  	v5 =	vld [tilespmem:s29+$0xFFFFFF00]  }
0x20a: {  	s24 =	simm.s32 $0x1;
	v6 =	vld [tilespmem:s29+$0xFFFFFF10]  }
0x20b: {  	v3 =	vmov s24;
	v7 =	vld [tilespmem:s29+$0xFFFFFF20]  }
0x20c: {  	v3 =	vand.u32 $0xFFFFFFFD, v3;
	v1 =	vld.idx.msk [tilespmem:v1+s6+$0x0], $0xffff  }
0x20d: {  	v3 =	vbroadcast v3, $0x0;
	v2 =	vld.idx.msk [tilespmem:v2+s6+$0x0], $0xffff  }
0x20e: {  	v8 =	vld [tilespmem:s29+$0xFFFFFF30]  }
0x20f: {  	v9 =	vld [tilespmem:s29+$0xFFFFFF40]  }
0x210: {  	v10 =	vld [tilespmem:s29+$0xFFFFFF50]  }
0x211: {  	v11 =	vld [tilespmem:s29+$0xFFFFFF60];
	v5 =	vmul.f32 v5, v1  }
0x212: {  	v13 =	vld [tilespmem:s29+$0x40];
	v4 =	vmul.f32 v4, v2  }
0x213: {  	v3 =	vld.idx.msk [tilespmem:v3+s6+$0x0], $0xffff;
	[tilespmem:s29+$0xFFFFFF00] =	vst v5;
	v5 =	vmul.f32 v6, v1  }
0x214: {  	v6 =	vld [tilespmem:s29+$0xFFFFFF70];
	[tilespmem:s29+$0x70] =	vst v4;
	v4 =	vmul.f32 v7, v1  }
0x215: {  	v7 =	vld [tilespmem:s29+$0xFFFFFF80];
	[tilespmem:s29+$0xFFFFFF10] =	vst v5;
	v5 =	vmul.f32 v8, v1  }
0x216: {  	v8 =	vld [tilespmem:s29+$0xFFFFFF90];
	[tilespmem:s29+$0xFFFFFF20] =	vst v4;
	v4 =	vmul.f32 v9, v1  }
0x217: {  	v9 =	vld [tilespmem:s29+$0xFFFFFFA0];
	[tilespmem:s29+$0xFFFFFF30] =	vst v5;
	v5 =	vmul.f32 v10, v1  }
0x218: {  	v10 =	vld [tilespmem:s29+$0xFFFFFFB0];
	[tilespmem:s29+$0xFFFFFF40] =	vst v4;
	v4 =	vmul.f32 v11, v1  }
0x219: {  	v11 =	vld [tilespmem:s29+$0xFFFFFFC0];
	v6 =	vmul.f32 v6, v1;
	[tilespmem:s29+$0xFFFFFF50] =	vst v5  }
0x21a: {  	v5 =	vmul.f32 v7, v3;
	v7 =	vld [tilespmem:s29+$0xFFFFFFD0];
	[tilespmem:s29+$0xFFFFFF60] =	vst v4  }
0x21b: {  	s7 =	simm.s32 $0x3;
	v4 =	vld [tilespmem:s29+$0xFFFFFFE0];
	v8 =	vmul.f32 v8, v3;
	[tilespmem:s29+$0xFFFFFF70] =	vst v6  }
0x21c: {  	v12 =	vmov s7;
	v6 =	vld [tilespmem:s29+$0xFFFFFFF0];
	[tilespmem:s29+$0xFFFFFF80] =	vst v5;
	v5 =	vmul.f32 v9, v3  }
0x21d: {  	v9 =	vld [tilespmem:s29+$0x0];
	[tilespmem:s29+$0xFFFFFF90] =	vst v8;
	v8 =	vmul.f32 v10, v3  }
0x21e: {  	v10 =	vld [tilespmem:s29+$0x10];
	[tilespmem:s29+$0xFFFFFFA0] =	vst v5;
	v5 =	vmul.f32 v11, v3  }
0x21f: {  	[tilespmem:s29+$0xFFFFFFB0] =	vst v8;
	v7 =	vmul.f32 v7, v3;
	v8 =	vld [tilespmem:s29+$0x20]  }
0x220: {  	v11 =	vld [tilespmem:s29+$0x30];
	v4 =	vmul.f32 v4, v3;
	[tilespmem:s29+$0xFFFFFFC0] =	vst v5  }
0x221: {  	v1 =	vld.idx.msk [tilespmem:v12+s6+$0x0], $0xffff;
	v3 =	vmul.f32 v6, v3;
	[tilespmem:s29+$0xFFFFFFD0] =	vst v7  }
0x222: {  	[tilespmem:s29+$0xFFFFFFE0] =	vst v4;
	v5 =	vmul.f32 v9, v2;
	v4 =	vld [tilespmem:s29+$0x50]  }
0x223: {  	s20 =	simm.s32 $0x4;
	[tilespmem:s29+$0xFFFFFFF0] =	vst v3;
	v6 =	vmul.f32 v10, v2;
	v3 =	vld [tilespmem:s29+$0x60]  }
0x224: {  	s24 =	simm.s32 $0x7;
	v7 =	vmov s20;
	[tilespmem:s29+$0x0] =	vst v5;
	v9 =	vmul.f32 v8, v2;
	v8 =	vld [tilespmem:s29+$0x80]  }
0x225: {  	s20 =	simm.s32 $0x5;
	v12 =	vand.u32 $0xFFFFFFFC, v7;
	v7 =	vld [tilespmem:s29+$0x90];
	v5 =	vmov s24;
	v10 =	vmul.f32 v11, v2;
	[tilespmem:s29+$0x10] =	vst v6  }
0x226: {  	s31 =	simm.s32 $0x5700;
	s24 =	simm.s32 $0x6;
	v11 =	vmul.f32 v13, v2;
	v6 =	vbroadcast v12, $0x0;
	v12 =	vmov s20;
	s20 =	simm.s32 $0x8;
	[tilespmem:s29+$0x20] =	vst v9;
	v9 =	vld [tilespmem:s29+$0xA0]  }
.LBB2_6:
0x227: {  	p0 =	slt.u32 s20, $0x1C;
	v12 =	vand.u32 $0xFFFFFFFD, v12;
	v13 =	vmov s24;
	[tilespmem:s29+$0x30] =	vst v10;
	v4 =	vmul.f32 v4, v2;
	v10 =	vld [tilespmem:s29+$0xB0]  }
0x228: {  	v12 =	vbroadcast v12, $0x0;
	v13 =	vand.u32 $0xFFFFFFFE, v13;
	[tilespmem:s29+$0x40] =	vst v11;
	v2 =	vmul.f32 v3, v2;
	v3 =	vld [tilespmem:s29+$0xC0]  }
0x229: {  	v11 =	vbroadcast v13, $0x0;
	[tilespmem:s29+$0x50] =	vst v4;
	v4 =	vmul.f32 v8, v1;
	v8 =	vld [tilespmem:s29+$0xD0]  }
0x22a: {  	[tilespmem:s29+$0x60] =	vst v2;
	v2 =	vmul.f32 v7, v1;
	v7 =	vld [tilespmem:s29+$0xE0]  }
0x22b: {  	[tilespmem:s29+$0x80] =	vst v4;
	v4 =	vmul.f32 v9, v1;
	v9 =	vld [tilespmem:s29+$0xF0]  }
0x22c: {  	v5 =	vld.idx.msk [tilespmem:v5+s6+$0x0], $0xffff;
	[tilespmem:s29+$0x90] =	vst v2;
	v2 =	vmul.f32 v10, v1  }
0x22d: {  	v6 =	vld.idx.msk [tilespmem:v6+s6+$0x0], $0xffff;
	[tilespmem:s29+$0xA0] =	vst v4;
	v3 =	vmul.f32 v3, v1  }
0x22e: {  	v4 =	vld.idx.msk [tilespmem:v12+s6+$0x0], $0xffff;
	[tilespmem:s29+$0xB0] =	vst v2;
	v8 =	vmul.f32 v8, v1  }
0x22f: {  	s29 =	sadd.s32 $0x200, s29;
	v2 =	vld.idx.msk [tilespmem:v11+s6+$0x0], $0xffff;
	[tilespmem:s31+$0xC0] =	vst v3;
	v3 =	vmul.f32 v7, v1  }
0x230: {  	v7 =	vld [tilespmem:s29+$0x70];
	[tilespmem:s31+$0xD0] =	vst v8;
	v9 =	vmul.f32 v9, v1  }
0x231: {  	v8 =	vld [tilespmem:s29+$0xFFFFFF00];
	[tilespmem:s31+$0xE0] =	vst v3  }
0x232: {  	v1 =	vmov v5;
	v3 =	vld [tilespmem:s29+$0xFFFFFF10];
	[tilespmem:s31+$0xF0] =	vst v9;
	s31 =	smov.u32 s29  }
0x233: {  	v5 =	vld [tilespmem:s29+$0xFFFFFF20]  }
0x234: {  	v9 =	vld [tilespmem:s29+$0xFFFFFF30]  }
0x235: {  	v10 =	vld [tilespmem:s29+$0xFFFFFF40];
	v7 =	vmul.f32 v7, v2  }
0x236: {  	v8 =	vmul.f32 v8, v6;
	v11 =	vld [tilespmem:s29+$0xFFFFFF50]  }
0x237: {  	v3 =	vmul.f32 v3, v6;
	v12 =	vld [tilespmem:s29+$0xFFFFFF60];
	[tilespmem:s29+$0x70] =	vst v7  }
0x238: {  	[tilespmem:s29+$0xFFFFFF00] =	vst v8;
	v5 =	vmul.f32 v5, v6;
	v7 =	vld [tilespmem:s29+$0xFFFFFF70]  }
0x239: {  	[tilespmem:s29+$0xFFFFFF10] =	vst v3;
	v3 =	vmul.f32 v9, v6;
	v8 =	vld [tilespmem:s29+$0xFFFFFF80]  }
0x23a: {  	[tilespmem:s29+$0xFFFFFF20] =	vst v5;
	v5 =	vmul.f32 v10, v6;
	v9 =	vld [tilespmem:s29+$0xFFFFFF90]  }
0x23b: {  	[tilespmem:s29+$0xFFFFFF30] =	vst v3;
	v3 =	vmul.f32 v11, v6;
	v10 =	vld [tilespmem:s29+$0xFFFFFFA0]  }
0x23c: {  	[tilespmem:s29+$0xFFFFFF40] =	vst v5;
	v5 =	vmul.f32 v12, v6;
	v11 =	vld [tilespmem:s29+$0xFFFFFFB0]  }
0x23d: {  	[tilespmem:s29+$0xFFFFFF50] =	vst v3;
	v3 =	vmul.f32 v7, v6;
	v6 =	vld [tilespmem:s29+$0xFFFFFFC0]  }
0x23e: {  	[tilespmem:s29+$0xFFFFFF60] =	vst v5;
	v5 =	vmul.f32 v8, v4;
	v7 =	vld [tilespmem:s29+$0xFFFFFFD0]  }
0x23f: {  	[tilespmem:s29+$0xFFFFFF70] =	vst v3;
	v3 =	vmul.f32 v9, v4;
	v8 =	vld [tilespmem:s29+$0xFFFFFFE0]  }
0x240: {  	[tilespmem:s29+$0xFFFFFF80] =	vst v5;
	v5 =	vmul.f32 v10, v4;
	v9 =	vld [tilespmem:s29+$0xFFFFFFF0]  }
0x241: {  	[tilespmem:s29+$0xFFFFFF90] =	vst v3;
	v3 =	vmul.f32 v11, v4;
	v10 =	vld [tilespmem:s29+$0x0]  }
0x242: {  	[tilespmem:s29+$0xFFFFFFA0] =	vst v5;
	v5 =	vmul.f32 v6, v4;
	v6 =	vld [tilespmem:s29+$0x10]  }
0x243: {  	[tilespmem:s29+$0xFFFFFFB0] =	vst v3;
	v3 =	vmul.f32 v7, v4;
	v7 =	vld [tilespmem:s29+$0x20]  }
0x244: {  	[tilespmem:s29+$0xFFFFFFC0] =	vst v5;
	v5 =	vmul.f32 v8, v4;
	v11 =	vld [tilespmem:s29+$0x30]  }
0x245: {  	[tilespmem:s29+$0xFFFFFFD0] =	vst v3;
	v3 =	vmul.f32 v9, v4;
	v9 =	vld [tilespmem:s29+$0x40]  }
.Ltmp5:
0x246: {  	[tilespmem:s29+$0xFFFFFFE0] =	vst v5;
	v5 =	vmul.f32 v10, v2;
	v4 =	vld [tilespmem:s29+$0x50];
	(pc) =	sbr.rel @p0 .LBB2_6-.Ltmp5, $4  }
0x247: {  	[tilespmem:s29+$0xFFFFFFF0] =	vst v3;
	v6 =	vmul.f32 v6, v2;
	v3 =	vld [tilespmem:s29+$0x60]  }
0x248: {  	s3 =	sadd.s32 $0x3, s20;
	v10 =	vmov s20;
	[tilespmem:s29+$0x0] =	vst v5;
	v13 =	vmul.f32 v7, v2;
	v8 =	vld [tilespmem:s29+$0x80]  }
0x249: {  	s24 =	sadd.s32 $0x1, s20;
	v12 =	vand.u32 $0xFFFFFFFC, v10;
	v5 =	vmov s3;
	[tilespmem:s29+$0x10] =	vst v6;
	v10 =	vmul.f32 v11, v2;
	v7 =	vld [tilespmem:s29+$0x90]  }
0x24a: {  	v6 =	vbroadcast v12, $0x0;
	v12 =	vmov s24;
	s24 =	sadd.s32 $0x2, s20;
	s20 =	sadd.s32 $0x4, s20;
	[tilespmem:s29+$0x20] =	vst v13;
	v11 =	vmul.f32 v9, v2;
	v9 =	vld [tilespmem:s29+$0xA0]  }
0x24b: {  	v13 =	vld [tilespmem:s29+$0xB0]  }
0x24c: {  	v15 =	vld [tilespmem:s29+$0xC0]  }
0x24d: {  	v14 =	vmov s24;
	v16 =	vld [tilespmem:s29+$0xD0]  }
0x24e: {  	v17 =	vld [tilespmem:s29+$0xE0];
	[tilespmem:s29+$0x30] =	vst v10;
	v4 =	vmul.f32 v4, v2;
	v14 =	vand.u32 $0xFFFFFFFE, v14  }
0x24f: {  	v12 =	vand.u32 $0xFFFFFFFD, v12;
	v5 =	vld.idx.msk [tilespmem:v5+s6+$0x0], $0xffff;
	[tilespmem:s29+$0x40] =	vst v11;
	v2 =	vmul.f32 v3, v2;
	v14 =	vbroadcast v14, $0x0  }
0x250: {  	s20 =	sadd.s32 $0x200, s29;
	v12 =	vbroadcast v12, $0x0;
	v3 =	vld.idx.msk [tilespmem:v6+s6+$0x0], $0xffff;
	v8 =	vmul.f32 v8, v1;
	[tilespmem:s29+$0x50] =	vst v4  }
0x251: {  	v10 =	vld [tilespmem:s20+$0xFFFFFF00];
	v4 =	vmul.f32 v7, v1;
	[tilespmem:s29+$0x60] =	vst v2  }
0x252: {  	[tilespmem:s29+$0x80] =	vst v8;
	v8 =	vld [tilespmem:s29+$0xF0];
	v2 =	vmul.f32 v9, v1  }
0x253: {  	v11 =	vld [tilespmem:s20+$0xFFFFFF10];
	[tilespmem:s29+$0x90] =	vst v4;
	v4 =	vmul.f32 v13, v1  }
0x254: {  	v9 =	vld [tilespmem:s20+$0x70];
	[tilespmem:s29+$0xA0] =	vst v2;
	v2 =	vmul.f32 v15, v1  }
0x255: {  	[tilespmem:s29+$0xB0] =	vst v4;
	v4 =	vmul.f32 v16, v1;
	v7 =	vld.idx.msk [tilespmem:v14+s6+$0x0], $0xffff  }
0x256: {  	v6 =	vld.idx.msk [tilespmem:v12+s6+$0x0], $0xffff;
	[tilespmem:s31+$0xC0] =	vst v2;
	v2 =	vmul.f32 v17, v1  }
0x257: {  	v12 =	vld [tilespmem:s20+$0xFFFFFF20];
	[tilespmem:s31+$0xD0] =	vst v4;
	v1 =	vmul.f32 v8, v1  }
0x258: {  	v4 =	vld [tilespmem:s20+$0xFFFFFF30];
	[tilespmem:s31+$0xE0] =	vst v2  }
0x259: {  	v2 =	vld [tilespmem:s20+$0xFFFFFF40];
	[tilespmem:s31+$0xF0] =	vst v1;
	v1 =	vmul.f32 v10, v3  }
0x25a: {  	v8 =	vmul.f32 v9, v7;
	v9 =	vld [tilespmem:s20+$0xFFFFFF50]  }
0x25b: {  	v10 =	vmul.f32 v11, v3;
	v11 =	vld [tilespmem:s20+$0xFFFFFF60];
	[tilespmem:s20+$0xFFFFFF00] =	vst v1  }
0x25c: {  	v1 =	vmul.f32 v12, v3;
	[tilespmem:s20+$0x70] =	vst v8;
	v8 =	vld [tilespmem:s20+$0xFFFFFF70]  }
0x25d: {  	[tilespmem:s20+$0xFFFFFF10] =	vst v10;
	v10 =	vld [tilespmem:s20+$0xFFFFFF80];
	v4 =	vmul.f32 v4, v3  }
0x25e: {  	[tilespmem:s20+$0xFFFFFF20] =	vst v1;
	v1 =	vmul.f32 v2, v3;
	v2 =	vld [tilespmem:s20+$0xFFFFFF90]  }
0x25f: {  	[tilespmem:s20+$0xFFFFFF30] =	vst v4;
	v4 =	vmul.f32 v9, v3;
	v9 =	vld [tilespmem:s20+$0xFFFFFFA0]  }
0x260: {  	[tilespmem:s20+$0xFFFFFF40] =	vst v1;
	v1 =	vmul.f32 v11, v3;
	v11 =	vld [tilespmem:s20+$0xFFFFFFB0]  }
0x261: {  	[tilespmem:s20+$0xFFFFFF50] =	vst v4;
	v3 =	vmul.f32 v8, v3;
	v4 =	vld [tilespmem:s20+$0xFFFFFFC0]  }
0x262: {  	[tilespmem:s20+$0xFFFFFF60] =	vst v1;
	v1 =	vmul.f32 v10, v6;
	v8 =	vld [tilespmem:s20+$0xFFFFFFD0]  }
0x263: {  	v2 =	vmul.f32 v2, v6;
	[tilespmem:s20+$0xFFFFFF70] =	vst v3;
	v3 =	vld [tilespmem:s20+$0xFFFFFFE0]  }
0x264: {  	[tilespmem:s20+$0xFFFFFF80] =	vst v1;
	v1 =	vmul.f32 v9, v6;
	v9 =	vld [tilespmem:s20+$0xFFFFFFF0]  }
0x265: {  	v10 =	vld [tilespmem:s20+$0x0];
	[tilespmem:s20+$0xFFFFFF90] =	vst v2;
	v2 =	vmul.f32 v11, v6  }
0x266: {  	[tilespmem:s20+$0xFFFFFFA0] =	vst v1;
	v1 =	vmul.f32 v4, v6;
	v4 =	vld [tilespmem:s20+$0x10]  }
0x267: {  	[tilespmem:s20+$0xFFFFFFB0] =	vst v2;
	v2 =	vmul.f32 v8, v6;
	v8 =	vld [tilespmem:s20+$0x20]  }
0x268: {  	[tilespmem:s20+$0xFFFFFFC0] =	vst v1;
	v1 =	vmul.f32 v3, v6;
	v3 =	vld [tilespmem:s20+$0x30]  }
0x269: {  	[tilespmem:s20+$0xFFFFFFD0] =	vst v2;
	v2 =	vmul.f32 v9, v6;
	v6 =	vld [tilespmem:s20+$0x40]  }
0x26a: {  	v9 =	vld [tilespmem:s20+$0x50];
	[tilespmem:s20+$0xFFFFFFE0] =	vst v1;
	v1 =	vmul.f32 v10, v7  }
0x26b: {  	[tilespmem:s20+$0xFFFFFFF0] =	vst v2;
	v2 =	vmul.f32 v4, v7;
	v4 =	vld [tilespmem:s20+$0x60]  }
0x26c: {  	[tilespmem:s20+$0x0] =	vst v1;
	v1 =	vmul.f32 v8, v7;
	v8 =	vld [tilespmem:s20+$0x80]  }
0x26d: {  	[tilespmem:s20+$0x10] =	vst v2;
	v2 =	vmul.f32 v3, v7;
	v3 =	vld [tilespmem:s20+$0x90]  }
0x26e: {  	[tilespmem:s20+$0x20] =	vst v1;
	v1 =	vmul.f32 v6, v7;
	v6 =	vld [tilespmem:s20+$0xA0]  }
0x26f: {  	[tilespmem:s20+$0x30] =	vst v2;
	v2 =	vmul.f32 v9, v7;
	v9 =	vld [tilespmem:s20+$0xB0]  }
0x270: {  	[tilespmem:s20+$0x40] =	vst v1;
	v1 =	vmul.f32 v4, v7;
	v4 =	vld [tilespmem:s20+$0xC0]  }
0x271: {  	v7 =	vld [tilespmem:s20+$0xD0];
	[tilespmem:s20+$0x50] =	vst v2;
	v2 =	vmul.f32 v8, v5  }
0x272: {  	[tilespmem:s20+$0x60] =	vst v1;
	v1 =	vmul.f32 v3, v5;
	v3 =	vld [tilespmem:s20+$0xE0]  }
0x273: {  	[tilespmem:s20+$0x80] =	vst v2;
	v2 =	vmul.f32 v6, v5;
	v6 =	vld [tilespmem:s20+$0xF0]  }
0x274: {  	[tilespmem:s20+$0x90] =	vst v1;
	v1 =	vmul.f32 v9, v5  }
0x275: {  	[tilespmem:s20+$0xA0] =	vst v2;
	v2 =	vmul.f32 v4, v5  }
0x276: {  	[tilespmem:s20+$0xB0] =	vst v1;
	v1 =	vmul.f32 v7, v5  }
0x277: {  	[tilespmem:s20+$0xC0] =	vst v2;
	v2 =	vmul.f32 v3, v5  }
0x278: {  	[tilespmem:s20+$0xD0] =	vst v1;
	v1 =	vmul.f32 v6, v5  }
0x279: {  	[tilespmem:s20+$0xE0] =	vst v2  }
0x27a: {  	s3 =	simm.s32 $0x5400;
	[tilespmem:s20+$0xF0] =	vst v1;
	s20 =	sor.u32 s26, s28  }
0x27b: {  	[spmem:s23] =	stream.indirect.scatter.add.f32 [tilespmem:s2], [sflag:$0x5], $0x80, s3, s19, $0xb8;
	[tilespmem:$0x1E600] =	vst v63  }
0x27c: {  	p0 =	seq.s32 s20, $0x0  }
0x27d: {  	s3 =	simm.s32 @!p0 $0x7  }
0x27e: {  	_ =	swait.ge @!p0 [sflag:s3], $0x1000  }
0x27f: {  	[sflag:s3] =	ssyncset.done @!p0 $0x0  }
0x280: {  	s29 =	sshll.u32 s28, $0x7;
	[sflag:s3] =	ssyncadd.s32 @!p0 $0xFFFFF000  }
0x281: {  	v1 =	vld [tilespmem:s29+$0x27C0];
	_ =	sdelay $0x6  }
0x282: {  	s24 =	simm.s32 $0x0;
	[tilespmem:$0x5300] =	vst v1  }
0x283: {  	v1 =	vld.idx.msk [tilespmem:v1+s24+$0x0], $0xffff;
	_ =	sdelay $0x6  }
0x284: {  	v2 =	vld [tilespmem:s29+$0x37C0]  }
0x285: {  	v1 =	vld.idx.msk [tilespmem:v1+s0+$0x0], $0xffff;
	_ =	sdelay $0x4  }
0x286: {  	v1 =	vsub.f32 v2, v1;
	_ =	sdelay $0x1  }
0x287: {  	v1 =	vmul.f32 v1, v1;
	_ =	sdelay $0x1  }
0x288: {  	v1 =	vmul.f32 $-9.999989860e-01, v1;
	_ =	sdelay $0x1  }
0x289: {  	v1 =	vmul.f32 $1.442695020e+00, v1;
	_ =	sdelay $0x1  }
0x28a: {  	(erf) = vpow2.f32 v1;
	_ =	sdelay $0x8  }
0x28b: {  	v1 =	vpop (erf)  }
0x28c: {  	[tilespmem:$0x5100] =	vst v1  }
0x28d: {  	v1 =	vld [tilespmem:s29+$0x2FC0];
	_ =	sdelay $0x4  }
0x28e: {  	[tilespmem:$0x5500] =	vst v1  }
0x28f: {  	v1 =	vld [tilespmem:s29+$0x27D0];
	_ =	sdelay $0x6  }
0x290: {  	[tilespmem:$0x5310] =	vst v1  }
0x291: {  	v1 =	vld.idx.msk [tilespmem:v1+s24+$0x0], $0xffff;
	_ =	sdelay $0x6  }
0x292: {  	v2 =	vld [tilespmem:s29+$0x37D0]  }
0x293: {  	v1 =	vld.idx.msk [tilespmem:v1+s0+$0x0], $0xffff;
	_ =	sdelay $0x4  }
0x294: {  	v1 =	vsub.f32 v2, v1;
	_ =	sdelay $0x1  }
0x295: {  	v1 =	vmul.f32 v1, v1;
	_ =	sdelay $0x1  }
0x296: {  	v1 =	vmul.f32 $-9.999989860e-01, v1;
	_ =	sdelay $0x1  }
0x297: {  	v1 =	vmul.f32 $1.442695020e+00, v1;
	_ =	sdelay $0x1  }
0x298: {  	(erf) = vpow2.f32 v1;
	_ =	sdelay $0x8  }
0x299: {  	v1 =	vpop (erf)  }
0x29a: {  	[tilespmem:$0x5110] =	vst v1  }
0x29b: {  	v1 =	vld [tilespmem:s29+$0x2FD0];
	_ =	sdelay $0x1  }
0x29c: {  	v2 =	vmov s24  }
0x29d: {  	s7 =	simm.s32 $0x2;
	v2 =	vand.u32 $0xFFFFFFFC, v2  }
0x29e: {  	v3 =	vmov s7;
	v2 =	vbroadcast v2, $0x0  }
0x29f: {  	v3 =	vand.u32 $0xFFFFFFFE, v3;
	[tilespmem:$0x5510] =	vst v1  }
0x2a0: {  	v1 =	vbroadcast v3, $0x0;
	[tilespmem:s9], [sflag:$0x3] =	stream.indirect.gather [hbm4b:s30+s19], $0x80, s8, s19, $0xb8;
	[tilespmem:$0x1E600] =	vst v63  }
0x2a1: {  	_ =	swait.ge [sflag:s10], $0x1000  }
0x2a2: {  	[sflag:s10] =	ssyncset.done $0x0  }
0x2a3: {  	[sflag:s10] =	ssyncadd.s32 $0xFFFFF000  }
0x2a4: {  	s31 =	simm.s32 $0x6700;
	v3 =	vld.idx.msk [tilespmem:v2+s11+$0x0], $0xffff  }
0x2a5: {  	s20 =	simm.s32 $0x1;
	v4 =	vld [tilespmem:s31+$0x70]  }
0x2a6: {  	v2 =	vld.idx.msk [tilespmem:v1+s11+$0x0], $0xffff;
	v1 =	vmov s20  }
0x2a7: {  	v5 =	vld [tilespmem:s31+$0xFFFFFF00];
	v1 =	vand.u32 $0xFFFFFFFD, v1  }
0x2a8: {  	v6 =	vld [tilespmem:s31+$0xFFFFFF10];
	v1 =	vbroadcast v1, $0x0  }
0x2a9: {  	v7 =	vld [tilespmem:s31+$0xFFFFFF20]  }
0x2aa: {  	v8 =	vld [tilespmem:s31+$0xFFFFFF30]  }
0x2ab: {  	v9 =	vld [tilespmem:s31+$0xFFFFFF40]  }
0x2ac: {  	v10 =	vld [tilespmem:s31+$0xFFFFFF50]  }
0x2ad: {  	v11 =	vld [tilespmem:s31+$0xFFFFFF60];
	v5 =	vmul.f32 v5, v3  }
0x2ae: {  	v12 =	vld.idx.msk [tilespmem:v1+s11+$0x0], $0xffff;
	v1 =	vmul.f32 v4, v2  }
0x2af: {  	[tilespmem:s31+$0xFFFFFF00] =	vst v5;
	v5 =	vld [tilespmem:s31+$0xFFFFFF70];
	v4 =	vmul.f32 v6, v3  }
0x2b0: {  	v6 =	vld [tilespmem:s31+$0xFFFFFF80];
	[tilespmem:s31+$0x70] =	vst v1;
	v1 =	vmul.f32 v7, v3  }
0x2b1: {  	s24 =	simm.s32 $0x3;
	[tilespmem:s31+$0xFFFFFF10] =	vst v4;
	v4 =	vmul.f32 v8, v3;
	v7 =	vld [tilespmem:s31+$0xFFFFFF90]  }
0x2b2: {  	v8 =	vmov s24;
	[tilespmem:s31+$0xFFFFFF20] =	vst v1;
	v1 =	vmul.f32 v9, v3;
	v9 =	vld [tilespmem:s31+$0xFFFFFFA0]  }
0x2b3: {  	[tilespmem:s31+$0xFFFFFF30] =	vst v4;
	v4 =	vmul.f32 v10, v3;
	v10 =	vld [tilespmem:s31+$0xFFFFFFB0]  }
0x2b4: {  	[tilespmem:s31+$0xFFFFFF40] =	vst v1;
	v1 =	vmul.f32 v11, v3;
	v11 =	vld [tilespmem:s31+$0xFFFFFFC0]  }
0x2b5: {  	[tilespmem:s31+$0xFFFFFF50] =	vst v4;
	v4 =	vmul.f32 v6, v12;
	v6 =	vld [tilespmem:s31+$0xFFFFFFD0]  }
0x2b6: {  	v3 =	vmul.f32 v5, v3;
	v5 =	vld [tilespmem:s31+$0xFFFFFFE0];
	[tilespmem:s31+$0xFFFFFF60] =	vst v1  }
0x2b7: {  	v7 =	vmul.f32 v7, v12;
	v1 =	vld.idx.msk [tilespmem:v8+s11+$0x0], $0xffff;
	[tilespmem:s31+$0xFFFFFF80] =	vst v4  }
0x2b8: {  	[tilespmem:s31+$0xFFFFFF70] =	vst v3;
	v4 =	vld [tilespmem:s31+$0xFFFFFFF0];
	v3 =	vmul.f32 v9, v12  }
0x2b9: {  	v8 =	vld [tilespmem:s31+$0x0];
	[tilespmem:s31+$0xFFFFFF90] =	vst v7;
	v7 =	vmul.f32 v10, v12  }
0x2ba: {  	v9 =	vld [tilespmem:s31+$0x10];
	[tilespmem:s31+$0xFFFFFFA0] =	vst v3;
	v3 =	vmul.f32 v11, v12  }
0x2bb: {  	[tilespmem:s31+$0xFFFFFFB0] =	vst v7;
	v6 =	vmul.f32 v6, v12;
	v7 =	vld [tilespmem:s31+$0x20]  }
0x2bc: {  	v10 =	vld [tilespmem:s31+$0x30];
	[tilespmem:s31+$0xFFFFFFC0] =	vst v3;
	v3 =	vmul.f32 v5, v12  }
0x2bd: {  	v11 =	vld [tilespmem:s31+$0x40];
	[tilespmem:s31+$0xFFFFFFD0] =	vst v6;
	v5 =	vmul.f32 v4, v12  }
0x2be: {  	v6 =	vmul.f32 v8, v2;
	v4 =	vld [tilespmem:s31+$0x50];
	[tilespmem:s31+$0xFFFFFFE0] =	vst v3  }
0x2bf: {  	s7 =	simm.s32 $0x4;
	v9 =	vmul.f32 v9, v2;
	[tilespmem:s31+$0xFFFFFFF0] =	vst v5;
	v3 =	vld [tilespmem:s31+$0x60]  }
0x2c0: {  	s24 =	simm.s32 $0x5;
	v8 =	vld [tilespmem:s31+$0x80];
	v5 =	vmov s7;
	[tilespmem:s31+$0x0] =	vst v6;
	v13 =	vmul.f32 v7, v2  }
0x2c1: {  	s20 =	simm.s32 $0x7;
	v12 =	vmov s24;
	v10 =	vmul.f32 v10, v2;
	v6 =	vand.u32 $0xFFFFFFFC, v5;
	[tilespmem:s31+$0x10] =	vst v9;
	v7 =	vld [tilespmem:s31+$0x90]  }
0x2c2: {  	s3 =	simm.s32 $0x6;
	s24 =	simm.s32 $0x8;
	v5 =	vmov s20;
	v11 =	vmul.f32 v11, v2;
	v9 =	vld [tilespmem:s31+$0xA0];
	s20 =	simm.s32 $0x6700;
	v6 =	vbroadcast v6, $0x0;
	[tilespmem:s31+$0x20] =	vst v13  }
.LBB2_8:
0x2c3: {  	p1 =	slt.u32 s24, $0x1C;
	v12 =	vand.u32 $0xFFFFFFFD, v12;
	v13 =	vmov s3;
	[tilespmem:s31+$0x30] =	vst v10;
	v4 =	vmul.f32 v4, v2;
	v10 =	vld [tilespmem:s31+$0xB0]  }
0x2c4: {  	v12 =	vbroadcast v12, $0x0;
	v13 =	vand.u32 $0xFFFFFFFE, v13;
	[tilespmem:s31+$0x40] =	vst v11;
	v2 =	vmul.f32 v3, v2;
	v3 =	vld [tilespmem:s31+$0xC0]  }
0x2c5: {  	v11 =	vbroadcast v13, $0x0;
	[tilespmem:s31+$0x50] =	vst v4;
	v4 =	vmul.f32 v8, v1;
	v8 =	vld [tilespmem:s31+$0xD0]  }
0x2c6: {  	[tilespmem:s31+$0x60] =	vst v2;
	v2 =	vmul.f32 v7, v1;
	v7 =	vld [tilespmem:s31+$0xE0]  }
0x2c7: {  	[tilespmem:s31+$0x80] =	vst v4;
	v4 =	vmul.f32 v9, v1;
	v9 =	vld [tilespmem:s31+$0xF0]  }
0x2c8: {  	v5 =	vld.idx.msk [tilespmem:v5+s11+$0x0], $0xffff;
	[tilespmem:s31+$0x90] =	vst v2;
	v2 =	vmul.f32 v10, v1  }
0x2c9: {  	v6 =	vld.idx.msk [tilespmem:v6+s11+$0x0], $0xffff;
	[tilespmem:s31+$0xA0] =	vst v4;
	v3 =	vmul.f32 v3, v1  }
0x2ca: {  	v4 =	vld.idx.msk [tilespmem:v12+s11+$0x0], $0xffff;
	[tilespmem:s31+$0xB0] =	vst v2;
	v8 =	vmul.f32 v8, v1  }
0x2cb: {  	s31 =	sadd.s32 $0x200, s31;
	v2 =	vld.idx.msk [tilespmem:v11+s11+$0x0], $0xffff;
	[tilespmem:s20+$0xC0] =	vst v3;
	v3 =	vmul.f32 v7, v1  }
0x2cc: {  	v7 =	vld [tilespmem:s31+$0x70];
	[tilespmem:s20+$0xD0] =	vst v8;
	v9 =	vmul.f32 v9, v1  }
0x2cd: {  	v8 =	vld [tilespmem:s31+$0xFFFFFF00];
	[tilespmem:s20+$0xE0] =	vst v3  }
0x2ce: {  	v1 =	vmov v5;
	v3 =	vld [tilespmem:s31+$0xFFFFFF10];
	[tilespmem:s20+$0xF0] =	vst v9;
	s20 =	smov.u32 s31  }
0x2cf: {  	v5 =	vld [tilespmem:s31+$0xFFFFFF20]  }
0x2d0: {  	v9 =	vld [tilespmem:s31+$0xFFFFFF30]  }
0x2d1: {  	v10 =	vld [tilespmem:s31+$0xFFFFFF40];
	v7 =	vmul.f32 v7, v2  }
0x2d2: {  	v8 =	vmul.f32 v8, v6;
	v11 =	vld [tilespmem:s31+$0xFFFFFF50]  }
0x2d3: {  	v3 =	vmul.f32 v3, v6;
	v12 =	vld [tilespmem:s31+$0xFFFFFF60];
	[tilespmem:s31+$0x70] =	vst v7  }
0x2d4: {  	[tilespmem:s31+$0xFFFFFF00] =	vst v8;
	v5 =	vmul.f32 v5, v6;
	v7 =	vld [tilespmem:s31+$0xFFFFFF70]  }
0x2d5: {  	[tilespmem:s31+$0xFFFFFF10] =	vst v3;
	v3 =	vmul.f32 v9, v6;
	v8 =	vld [tilespmem:s31+$0xFFFFFF80]  }
0x2d6: {  	[tilespmem:s31+$0xFFFFFF20] =	vst v5;
	v5 =	vmul.f32 v10, v6;
	v9 =	vld [tilespmem:s31+$0xFFFFFF90]  }
0x2d7: {  	[tilespmem:s31+$0xFFFFFF30] =	vst v3;
	v3 =	vmul.f32 v11, v6;
	v10 =	vld [tilespmem:s31+$0xFFFFFFA0]  }
0x2d8: {  	[tilespmem:s31+$0xFFFFFF40] =	vst v5;
	v5 =	vmul.f32 v12, v6;
	v11 =	vld [tilespmem:s31+$0xFFFFFFB0]  }
0x2d9: {  	[tilespmem:s31+$0xFFFFFF50] =	vst v3;
	v3 =	vmul.f32 v7, v6;
	v6 =	vld [tilespmem:s31+$0xFFFFFFC0]  }
0x2da: {  	[tilespmem:s31+$0xFFFFFF60] =	vst v5;
	v5 =	vmul.f32 v8, v4;
	v7 =	vld [tilespmem:s31+$0xFFFFFFD0]  }
0x2db: {  	[tilespmem:s31+$0xFFFFFF70] =	vst v3;
	v3 =	vmul.f32 v9, v4;
	v8 =	vld [tilespmem:s31+$0xFFFFFFE0]  }
0x2dc: {  	[tilespmem:s31+$0xFFFFFF80] =	vst v5;
	v5 =	vmul.f32 v10, v4;
	v9 =	vld [tilespmem:s31+$0xFFFFFFF0]  }
0x2dd: {  	[tilespmem:s31+$0xFFFFFF90] =	vst v3;
	v3 =	vmul.f32 v11, v4;
	v10 =	vld [tilespmem:s31+$0x0]  }
0x2de: {  	[tilespmem:s31+$0xFFFFFFA0] =	vst v5;
	v5 =	vmul.f32 v6, v4;
	v6 =	vld [tilespmem:s31+$0x10]  }
0x2df: {  	[tilespmem:s31+$0xFFFFFFB0] =	vst v3;
	v3 =	vmul.f32 v7, v4;
	v7 =	vld [tilespmem:s31+$0x20]  }
0x2e0: {  	[tilespmem:s31+$0xFFFFFFC0] =	vst v5;
	v5 =	vmul.f32 v8, v4;
	v11 =	vld [tilespmem:s31+$0x30]  }
0x2e1: {  	[tilespmem:s31+$0xFFFFFFD0] =	vst v3;
	v3 =	vmul.f32 v9, v4;
	v9 =	vld [tilespmem:s31+$0x40]  }
.Ltmp6:
0x2e2: {  	[tilespmem:s31+$0xFFFFFFE0] =	vst v5;
	v5 =	vmul.f32 v10, v2;
	v4 =	vld [tilespmem:s31+$0x50];
	(pc) =	sbr.rel @p1 .LBB2_8-.Ltmp6, $4  }
0x2e3: {  	[tilespmem:s31+$0xFFFFFFF0] =	vst v3;
	v6 =	vmul.f32 v6, v2;
	v3 =	vld [tilespmem:s31+$0x60]  }
0x2e4: {  	s3 =	sadd.s32 $0x3, s24;
	v10 =	vmov s24;
	[tilespmem:s31+$0x0] =	vst v5;
	v13 =	vmul.f32 v7, v2;
	v8 =	vld [tilespmem:s31+$0x80]  }
0x2e5: {  	s7 =	sadd.s32 $0x1, s24;
	v12 =	vand.u32 $0xFFFFFFFC, v10;
	v5 =	vmov s3;
	[tilespmem:s31+$0x10] =	vst v6;
	v10 =	vmul.f32 v11, v2;
	v7 =	vld [tilespmem:s31+$0x90]  }
0x2e6: {  	s3 =	sadd.s32 $0x2, s24;
	s24 =	sadd.s32 $0x4, s24;
	v6 =	vbroadcast v12, $0x0;
	v12 =	vmov s7;
	[tilespmem:s31+$0x20] =	vst v13;
	v11 =	vmul.f32 v9, v2;
	v9 =	vld [tilespmem:s31+$0xA0]  }
0x2e7: {  	v13 =	vld [tilespmem:s31+$0xB0]  }
0x2e8: {  	v15 =	vld [tilespmem:s31+$0xC0]  }
0x2e9: {  	v14 =	vmov s3;
	v16 =	vld [tilespmem:s31+$0xD0]  }
0x2ea: {  	v17 =	vld [tilespmem:s31+$0xE0];
	[tilespmem:s31+$0x30] =	vst v10;
	v4 =	vmul.f32 v4, v2;
	v14 =	vand.u32 $0xFFFFFFFE, v14  }
0x2eb: {  	v12 =	vand.u32 $0xFFFFFFFD, v12;
	v5 =	vld.idx.msk [tilespmem:v5+s11+$0x0], $0xffff;
	[tilespmem:s31+$0x40] =	vst v11;
	v2 =	vmul.f32 v3, v2;
	v14 =	vbroadcast v14, $0x0  }
0x2ec: {  	s24 =	sadd.s32 $0x200, s31;
	v12 =	vbroadcast v12, $0x0;
	v3 =	vld.idx.msk [tilespmem:v6+s11+$0x0], $0xffff;
	v8 =	vmul.f32 v8, v1;
	[tilespmem:s31+$0x50] =	vst v4  }
0x2ed: {  	v10 =	vld [tilespmem:s24+$0xFFFFFF00];
	v4 =	vmul.f32 v7, v1;
	[tilespmem:s31+$0x60] =	vst v2  }
0x2ee: {  	[tilespmem:s31+$0x80] =	vst v8;
	v8 =	vld [tilespmem:s31+$0xF0];
	v2 =	vmul.f32 v9, v1  }
0x2ef: {  	v11 =	vld [tilespmem:s24+$0xFFFFFF10];
	[tilespmem:s31+$0x90] =	vst v4;
	v4 =	vmul.f32 v13, v1  }
0x2f0: {  	v9 =	vld [tilespmem:s24+$0x70];
	[tilespmem:s31+$0xA0] =	vst v2;
	v2 =	vmul.f32 v15, v1  }
0x2f1: {  	[tilespmem:s31+$0xB0] =	vst v4;
	v4 =	vmul.f32 v16, v1;
	v7 =	vld.idx.msk [tilespmem:v14+s11+$0x0], $0xffff  }
0x2f2: {  	v6 =	vld.idx.msk [tilespmem:v12+s11+$0x0], $0xffff;
	[tilespmem:s20+$0xC0] =	vst v2;
	v2 =	vmul.f32 v17, v1  }
0x2f3: {  	v12 =	vld [tilespmem:s24+$0xFFFFFF20];
	[tilespmem:s20+$0xD0] =	vst v4;
	v1 =	vmul.f32 v8, v1  }
0x2f4: {  	v4 =	vld [tilespmem:s24+$0xFFFFFF30];
	[tilespmem:s20+$0xE0] =	vst v2  }
0x2f5: {  	v2 =	vld [tilespmem:s24+$0xFFFFFF40];
	[tilespmem:s20+$0xF0] =	vst v1;
	v1 =	vmul.f32 v10, v3  }
0x2f6: {  	v8 =	vmul.f32 v9, v7;
	v9 =	vld [tilespmem:s24+$0xFFFFFF50]  }
0x2f7: {  	v10 =	vmul.f32 v11, v3;
	v11 =	vld [tilespmem:s24+$0xFFFFFF60];
	[tilespmem:s24+$0xFFFFFF00] =	vst v1  }
0x2f8: {  	v1 =	vmul.f32 v12, v3;
	[tilespmem:s24+$0x70] =	vst v8;
	v8 =	vld [tilespmem:s24+$0xFFFFFF70]  }
0x2f9: {  	[tilespmem:s24+$0xFFFFFF10] =	vst v10;
	v10 =	vld [tilespmem:s24+$0xFFFFFF80];
	v4 =	vmul.f32 v4, v3  }
0x2fa: {  	[tilespmem:s24+$0xFFFFFF20] =	vst v1;
	v1 =	vmul.f32 v2, v3;
	v2 =	vld [tilespmem:s24+$0xFFFFFF90]  }
0x2fb: {  	[tilespmem:s24+$0xFFFFFF30] =	vst v4;
	v4 =	vmul.f32 v9, v3;
	v9 =	vld [tilespmem:s24+$0xFFFFFFA0]  }
0x2fc: {  	[tilespmem:s24+$0xFFFFFF40] =	vst v1;
	v1 =	vmul.f32 v11, v3;
	v11 =	vld [tilespmem:s24+$0xFFFFFFB0]  }
0x2fd: {  	[tilespmem:s24+$0xFFFFFF50] =	vst v4;
	v3 =	vmul.f32 v8, v3;
	v4 =	vld [tilespmem:s24+$0xFFFFFFC0]  }
0x2fe: {  	[tilespmem:s24+$0xFFFFFF60] =	vst v1;
	v1 =	vmul.f32 v10, v6;
	v8 =	vld [tilespmem:s24+$0xFFFFFFD0]  }
0x2ff: {  	v2 =	vmul.f32 v2, v6;
	[tilespmem:s24+$0xFFFFFF70] =	vst v3;
	v3 =	vld [tilespmem:s24+$0xFFFFFFE0]  }
0x300: {  	[tilespmem:s24+$0xFFFFFF80] =	vst v1;
	v1 =	vmul.f32 v9, v6;
	v9 =	vld [tilespmem:s24+$0xFFFFFFF0]  }
0x301: {  	v10 =	vld [tilespmem:s24+$0x0];
	[tilespmem:s24+$0xFFFFFF90] =	vst v2;
	v2 =	vmul.f32 v11, v6  }
0x302: {  	[tilespmem:s24+$0xFFFFFFA0] =	vst v1;
	v1 =	vmul.f32 v4, v6;
	v4 =	vld [tilespmem:s24+$0x10]  }
0x303: {  	[tilespmem:s24+$0xFFFFFFB0] =	vst v2;
	v2 =	vmul.f32 v8, v6;
	v8 =	vld [tilespmem:s24+$0x20]  }
0x304: {  	[tilespmem:s24+$0xFFFFFFC0] =	vst v1;
	v1 =	vmul.f32 v3, v6;
	v3 =	vld [tilespmem:s24+$0x30]  }
0x305: {  	[tilespmem:s24+$0xFFFFFFD0] =	vst v2;
	v2 =	vmul.f32 v9, v6;
	v6 =	vld [tilespmem:s24+$0x40]  }
0x306: {  	v9 =	vld [tilespmem:s24+$0x50];
	[tilespmem:s24+$0xFFFFFFE0] =	vst v1;
	v1 =	vmul.f32 v10, v7  }
0x307: {  	[tilespmem:s24+$0xFFFFFFF0] =	vst v2;
	v2 =	vmul.f32 v4, v7;
	v4 =	vld [tilespmem:s24+$0x60]  }
0x308: {  	[tilespmem:s24+$0x0] =	vst v1;
	v1 =	vmul.f32 v8, v7;
	v8 =	vld [tilespmem:s24+$0x80]  }
0x309: {  	[tilespmem:s24+$0x10] =	vst v2;
	v2 =	vmul.f32 v3, v7;
	v3 =	vld [tilespmem:s24+$0x90]  }
0x30a: {  	[tilespmem:s24+$0x20] =	vst v1;
	v1 =	vmul.f32 v6, v7;
	v6 =	vld [tilespmem:s24+$0xA0]  }
0x30b: {  	[tilespmem:s24+$0x30] =	vst v2;
	v2 =	vmul.f32 v9, v7;
	v9 =	vld [tilespmem:s24+$0xB0]  }
0x30c: {  	[tilespmem:s24+$0x40] =	vst v1;
	v1 =	vmul.f32 v4, v7;
	v4 =	vld [tilespmem:s24+$0xC0]  }
0x30d: {  	v7 =	vld [tilespmem:s24+$0xD0];
	[tilespmem:s24+$0x50] =	vst v2;
	v2 =	vmul.f32 v8, v5  }
0x30e: {  	[tilespmem:s24+$0x60] =	vst v1;
	v1 =	vmul.f32 v3, v5;
	v3 =	vld [tilespmem:s24+$0xE0]  }
0x30f: {  	[tilespmem:s24+$0x80] =	vst v2;
	v2 =	vmul.f32 v6, v5;
	v6 =	vld [tilespmem:s24+$0xF0]  }
0x310: {  	[tilespmem:s24+$0x90] =	vst v1;
	v1 =	vmul.f32 v9, v5  }
0x311: {  	[tilespmem:s24+$0xA0] =	vst v2;
	v2 =	vmul.f32 v4, v5  }
0x312: {  	[tilespmem:s24+$0xB0] =	vst v1;
	v1 =	vmul.f32 v7, v5  }
0x313: {  	[tilespmem:s24+$0xC0] =	vst v2;
	v2 =	vmul.f32 v3, v5  }
0x314: {  	[tilespmem:s24+$0xD0] =	vst v1;
	v1 =	vmul.f32 v6, v5  }
0x315: {  	[tilespmem:s24+$0xE0] =	vst v2  }
0x316: {  	s3 =	simm.s32 @!p0 $0x8;
	[tilespmem:s24+$0xF0] =	vst v1  }
0x317: {  	[spmem:s23] =	stream.indirect.scatter.add.f32 [tilespmem:s4], [sflag:$0x6], $0x80, s12, s19, $0xb8;
	[tilespmem:$0x1E600] =	vst v63  }
0x318: {  	_ =	swait.ge @!p0 [sflag:s3], $0x1000  }
0x319: {  	[sflag:s3] =	ssyncset.done @!p0 $0x0  }
0x31a: {  	[sflag:s3] =	ssyncadd.s32 @!p0 $0xFFFFF000  }
0x31b: {  	v1 =	vld [tilespmem:s29+$0x27E0];
	_ =	sdelay $0x6  }
0x31c: {  	s7 =	simm.s32 $0x0;
	[tilespmem:$0x5380] =	vst v1  }
0x31d: {  	v1 =	vld.idx.msk [tilespmem:v1+s7+$0x0], $0xffff;
	_ =	sdelay $0x6  }
0x31e: {  	v2 =	vld [tilespmem:s29+$0x37E0]  }
0x31f: {  	v1 =	vld.idx.msk [tilespmem:v1+s0+$0x0], $0xffff;
	_ =	sdelay $0x4  }
0x320: {  	v1 =	vsub.f32 v2, v1;
	_ =	sdelay $0x1  }
0x321: {  	v1 =	vmul.f32 v1, v1;
	_ =	sdelay $0x1  }
0x322: {  	v1 =	vmul.f32 $-9.999989860e-01, v1;
	_ =	sdelay $0x1  }
0x323: {  	v1 =	vmul.f32 $1.442695020e+00, v1;
	_ =	sdelay $0x1  }
0x324: {  	(erf) = vpow2.f32 v1;
	_ =	sdelay $0x8  }
0x325: {  	v1 =	vpop (erf)  }
0x326: {  	[tilespmem:$0x5180] =	vst v1  }
0x327: {  	v1 =	vld [tilespmem:s29+$0x2FE0];
	_ =	sdelay $0x4  }
0x328: {  	[tilespmem:$0x5580] =	vst v1  }
0x329: {  	v1 =	vld [tilespmem:s29+$0x27F0];
	_ =	sdelay $0x6  }
0x32a: {  	[tilespmem:$0x5390] =	vst v1  }
0x32b: {  	v1 =	vld.idx.msk [tilespmem:v1+s7+$0x0], $0xffff;
	_ =	sdelay $0x6  }
0x32c: {  	v2 =	vld [tilespmem:s29+$0x37F0]  }
0x32d: {  	v1 =	vld.idx.msk [tilespmem:v1+s0+$0x0], $0xffff;
	_ =	sdelay $0x4  }
0x32e: {  	v1 =	vsub.f32 v2, v1;
	_ =	sdelay $0x1  }
0x32f: {  	v1 =	vmul.f32 v1, v1;
	_ =	sdelay $0x1  }
0x330: {  	v1 =	vmul.f32 $-9.999989860e-01, v1;
	_ =	sdelay $0x1  }
0x331: {  	v1 =	vmul.f32 $1.442695020e+00, v1;
	_ =	sdelay $0x1  }
0x332: {  	(erf) = vpow2.f32 v1;
	_ =	sdelay $0x8  }
0x333: {  	v1 =	vpop (erf)  }
0x334: {  	[tilespmem:$0x5190] =	vst v1  }
0x335: {  	v1 =	vld [tilespmem:s29+$0x2FF0];
	_ =	sdelay $0x1  }
0x336: {  	v2 =	vmov s7  }
0x337: {  	s20 =	simm.s32 $0x2;
	v2 =	vand.u32 $0xFFFFFFFC, v2  }
0x338: {  	v3 =	vmov s20;
	v2 =	vbroadcast v2, $0x0  }
0x339: {  	v3 =	vand.u32 $0xFFFFFFFE, v3;
	[tilespmem:$0x5590] =	vst v1  }
0x33a: {  	v1 =	vbroadcast v3, $0x0;
	[tilespmem:s14], [sflag:$0x4] =	stream.indirect.gather [hbm4b:s30+s19], $0x80, s13, s19, $0xb8;
	[tilespmem:$0x1E600] =	vst v63  }
0x33b: {  	_ =	swait.ge [sflag:s15], $0x1000  }
0x33c: {  	[sflag:s15] =	ssyncset.done $0x0  }
0x33d: {  	[sflag:s15] =	ssyncadd.s32 $0xFFFFF000  }
0x33e: {  	s31 =	simm.s32 $0x7700;
	v3 =	vld.idx.msk [tilespmem:v2+s16+$0x0], $0xffff  }
0x33f: {  	s24 =	simm.s32 $0x1;
	v4 =	vld [tilespmem:s31+$0x70]  }
0x340: {  	v2 =	vld.idx.msk [tilespmem:v1+s16+$0x0], $0xffff;
	v1 =	vmov s24  }
0x341: {  	v5 =	vld [tilespmem:s31+$0xFFFFFF00];
	v1 =	vand.u32 $0xFFFFFFFD, v1  }
0x342: {  	v6 =	vld [tilespmem:s31+$0xFFFFFF10];
	v1 =	vbroadcast v1, $0x0  }
0x343: {  	v7 =	vld [tilespmem:s31+$0xFFFFFF20]  }
0x344: {  	v8 =	vld [tilespmem:s31+$0xFFFFFF30]  }
0x345: {  	v9 =	vld [tilespmem:s31+$0xFFFFFF40]  }
0x346: {  	v10 =	vld [tilespmem:s31+$0xFFFFFF50]  }
0x347: {  	v11 =	vld [tilespmem:s31+$0xFFFFFF60];
	v5 =	vmul.f32 v5, v3  }
0x348: {  	v12 =	vld.idx.msk [tilespmem:v1+s16+$0x0], $0xffff;
	v1 =	vmul.f32 v4, v2  }
0x349: {  	[tilespmem:s31+$0xFFFFFF00] =	vst v5;
	v5 =	vld [tilespmem:s31+$0xFFFFFF70];
	v4 =	vmul.f32 v6, v3  }
0x34a: {  	v6 =	vld [tilespmem:s31+$0xFFFFFF80];
	[tilespmem:s31+$0x70] =	vst v1;
	v1 =	vmul.f32 v7, v3  }
0x34b: {  	s7 =	simm.s32 $0x3;
	[tilespmem:s31+$0xFFFFFF10] =	vst v4;
	v4 =	vmul.f32 v8, v3;
	v7 =	vld [tilespmem:s31+$0xFFFFFF90]  }
0x34c: {  	v8 =	vmov s7;
	[tilespmem:s31+$0xFFFFFF20] =	vst v1;
	v1 =	vmul.f32 v9, v3;
	v9 =	vld [tilespmem:s31+$0xFFFFFFA0]  }
0x34d: {  	[tilespmem:s31+$0xFFFFFF30] =	vst v4;
	v4 =	vmul.f32 v10, v3;
	v10 =	vld [tilespmem:s31+$0xFFFFFFB0]  }
0x34e: {  	[tilespmem:s31+$0xFFFFFF40] =	vst v1;
	v1 =	vmul.f32 v11, v3;
	v11 =	vld [tilespmem:s31+$0xFFFFFFC0]  }
0x34f: {  	[tilespmem:s31+$0xFFFFFF50] =	vst v4;
	v4 =	vmul.f32 v6, v12;
	v6 =	vld [tilespmem:s31+$0xFFFFFFD0]  }
0x350: {  	v3 =	vmul.f32 v5, v3;
	v5 =	vld [tilespmem:s31+$0xFFFFFFE0];
	[tilespmem:s31+$0xFFFFFF60] =	vst v1  }
0x351: {  	v7 =	vmul.f32 v7, v12;
	v1 =	vld.idx.msk [tilespmem:v8+s16+$0x0], $0xffff;
	[tilespmem:s31+$0xFFFFFF80] =	vst v4  }
0x352: {  	[tilespmem:s31+$0xFFFFFF70] =	vst v3;
	v4 =	vld [tilespmem:s31+$0xFFFFFFF0];
	v3 =	vmul.f32 v9, v12  }
0x353: {  	v8 =	vld [tilespmem:s31+$0x0];
	[tilespmem:s31+$0xFFFFFF90] =	vst v7;
	v7 =	vmul.f32 v10, v12  }
0x354: {  	v9 =	vld [tilespmem:s31+$0x10];
	[tilespmem:s31+$0xFFFFFFA0] =	vst v3;
	v3 =	vmul.f32 v11, v12  }
0x355: {  	[tilespmem:s31+$0xFFFFFFB0] =	vst v7;
	v6 =	vmul.f32 v6, v12;
	v7 =	vld [tilespmem:s31+$0x20]  }
0x356: {  	v10 =	vld [tilespmem:s31+$0x30];
	[tilespmem:s31+$0xFFFFFFC0] =	vst v3;
	v3 =	vmul.f32 v5, v12  }
0x357: {  	v11 =	vld [tilespmem:s31+$0x40];
	[tilespmem:s31+$0xFFFFFFD0] =	vst v6;
	v5 =	vmul.f32 v4, v12  }
0x358: {  	v6 =	vmul.f32 v8, v2;
	v4 =	vld [tilespmem:s31+$0x50];
	[tilespmem:s31+$0xFFFFFFE0] =	vst v3  }
0x359: {  	s20 =	simm.s32 $0x4;
	v9 =	vmul.f32 v9, v2;
	[tilespmem:s31+$0xFFFFFFF0] =	vst v5;
	v3 =	vld [tilespmem:s31+$0x60]  }
0x35a: {  	s7 =	simm.s32 $0x5;
	v8 =	vld [tilespmem:s31+$0x80];
	v5 =	vmov s20;
	[tilespmem:s31+$0x0] =	vst v6;
	v13 =	vmul.f32 v7, v2  }
0x35b: {  	s24 =	simm.s32 $0x7;
	v12 =	vmov s7;
	v10 =	vmul.f32 v10, v2;
	v6 =	vand.u32 $0xFFFFFFFC, v5;
	[tilespmem:s31+$0x10] =	vst v9;
	v7 =	vld [tilespmem:s31+$0x90]  }
0x35c: {  	s3 =	simm.s32 $0x6;
	s20 =	simm.s32 $0x7700;
	v5 =	vmov s24;
	s24 =	simm.s32 $0x8;
	v11 =	vmul.f32 v11, v2;
	v9 =	vld [tilespmem:s31+$0xA0];
	v6 =	vbroadcast v6, $0x0;
	[tilespmem:s31+$0x20] =	vst v13  }
.LBB2_10:
0x35d: {  	p0 =	slt.u32 s24, $0x1C;
	v12 =	vand.u32 $0xFFFFFFFD, v12;
	v13 =	vmov s3;
	[tilespmem:s31+$0x30] =	vst v10;
	v4 =	vmul.f32 v4, v2;
	v10 =	vld [tilespmem:s31+$0xB0]  }
0x35e: {  	v12 =	vbroadcast v12, $0x0;
	v13 =	vand.u32 $0xFFFFFFFE, v13;
	[tilespmem:s31+$0x40] =	vst v11;
	v2 =	vmul.f32 v3, v2;
	v3 =	vld [tilespmem:s31+$0xC0]  }
0x35f: {  	v11 =	vbroadcast v13, $0x0;
	[tilespmem:s31+$0x50] =	vst v4;
	v4 =	vmul.f32 v8, v1;
	v8 =	vld [tilespmem:s31+$0xD0]  }
0x360: {  	[tilespmem:s31+$0x60] =	vst v2;
	v2 =	vmul.f32 v7, v1;
	v7 =	vld [tilespmem:s31+$0xE0]  }
0x361: {  	[tilespmem:s31+$0x80] =	vst v4;
	v4 =	vmul.f32 v9, v1;
	v9 =	vld [tilespmem:s31+$0xF0]  }
0x362: {  	v5 =	vld.idx.msk [tilespmem:v5+s16+$0x0], $0xffff;
	[tilespmem:s31+$0x90] =	vst v2;
	v2 =	vmul.f32 v10, v1  }
0x363: {  	v6 =	vld.idx.msk [tilespmem:v6+s16+$0x0], $0xffff;
	[tilespmem:s31+$0xA0] =	vst v4;
	v3 =	vmul.f32 v3, v1  }
0x364: {  	v4 =	vld.idx.msk [tilespmem:v12+s16+$0x0], $0xffff;
	[tilespmem:s31+$0xB0] =	vst v2;
	v8 =	vmul.f32 v8, v1  }
0x365: {  	s31 =	sadd.s32 $0x200, s31;
	v2 =	vld.idx.msk [tilespmem:v11+s16+$0x0], $0xffff;
	[tilespmem:s20+$0xC0] =	vst v3;
	v3 =	vmul.f32 v7, v1  }
0x366: {  	v7 =	vld [tilespmem:s31+$0x70];
	[tilespmem:s20+$0xD0] =	vst v8;
	v9 =	vmul.f32 v9, v1  }
0x367: {  	v8 =	vld [tilespmem:s31+$0xFFFFFF00];
	[tilespmem:s20+$0xE0] =	vst v3  }
0x368: {  	v1 =	vmov v5;
	v3 =	vld [tilespmem:s31+$0xFFFFFF10];
	[tilespmem:s20+$0xF0] =	vst v9;
	s20 =	smov.u32 s31  }
0x369: {  	v5 =	vld [tilespmem:s31+$0xFFFFFF20]  }
0x36a: {  	v9 =	vld [tilespmem:s31+$0xFFFFFF30]  }
0x36b: {  	v10 =	vld [tilespmem:s31+$0xFFFFFF40];
	v7 =	vmul.f32 v7, v2  }
0x36c: {  	v8 =	vmul.f32 v8, v6;
	v11 =	vld [tilespmem:s31+$0xFFFFFF50]  }
0x36d: {  	v3 =	vmul.f32 v3, v6;
	v12 =	vld [tilespmem:s31+$0xFFFFFF60];
	[tilespmem:s31+$0x70] =	vst v7  }
0x36e: {  	[tilespmem:s31+$0xFFFFFF00] =	vst v8;
	v5 =	vmul.f32 v5, v6;
	v7 =	vld [tilespmem:s31+$0xFFFFFF70]  }
0x36f: {  	[tilespmem:s31+$0xFFFFFF10] =	vst v3;
	v3 =	vmul.f32 v9, v6;
	v8 =	vld [tilespmem:s31+$0xFFFFFF80]  }
0x370: {  	[tilespmem:s31+$0xFFFFFF20] =	vst v5;
	v5 =	vmul.f32 v10, v6;
	v9 =	vld [tilespmem:s31+$0xFFFFFF90]  }
0x371: {  	[tilespmem:s31+$0xFFFFFF30] =	vst v3;
	v3 =	vmul.f32 v11, v6;
	v10 =	vld [tilespmem:s31+$0xFFFFFFA0]  }
0x372: {  	[tilespmem:s31+$0xFFFFFF40] =	vst v5;
	v5 =	vmul.f32 v12, v6;
	v11 =	vld [tilespmem:s31+$0xFFFFFFB0]  }
0x373: {  	[tilespmem:s31+$0xFFFFFF50] =	vst v3;
	v3 =	vmul.f32 v7, v6;
	v6 =	vld [tilespmem:s31+$0xFFFFFFC0]  }
0x374: {  	[tilespmem:s31+$0xFFFFFF60] =	vst v5;
	v5 =	vmul.f32 v8, v4;
	v7 =	vld [tilespmem:s31+$0xFFFFFFD0]  }
0x375: {  	[tilespmem:s31+$0xFFFFFF70] =	vst v3;
	v3 =	vmul.f32 v9, v4;
	v8 =	vld [tilespmem:s31+$0xFFFFFFE0]  }
0x376: {  	[tilespmem:s31+$0xFFFFFF80] =	vst v5;
	v5 =	vmul.f32 v10, v4;
	v9 =	vld [tilespmem:s31+$0xFFFFFFF0]  }
0x377: {  	[tilespmem:s31+$0xFFFFFF90] =	vst v3;
	v3 =	vmul.f32 v11, v4;
	v10 =	vld [tilespmem:s31+$0x0]  }
0x378: {  	[tilespmem:s31+$0xFFFFFFA0] =	vst v5;
	v5 =	vmul.f32 v6, v4;
	v6 =	vld [tilespmem:s31+$0x10]  }
0x379: {  	[tilespmem:s31+$0xFFFFFFB0] =	vst v3;
	v3 =	vmul.f32 v7, v4;
	v7 =	vld [tilespmem:s31+$0x20]  }
0x37a: {  	[tilespmem:s31+$0xFFFFFFC0] =	vst v5;
	v5 =	vmul.f32 v8, v4;
	v11 =	vld [tilespmem:s31+$0x30]  }
0x37b: {  	[tilespmem:s31+$0xFFFFFFD0] =	vst v3;
	v3 =	vmul.f32 v9, v4;
	v9 =	vld [tilespmem:s31+$0x40]  }
.Ltmp7:
0x37c: {  	[tilespmem:s31+$0xFFFFFFE0] =	vst v5;
	v5 =	vmul.f32 v10, v2;
	v4 =	vld [tilespmem:s31+$0x50];
	(pc) =	sbr.rel @p0 .LBB2_10-.Ltmp7, $4  }
0x37d: {  	[tilespmem:s31+$0xFFFFFFF0] =	vst v3;
	v6 =	vmul.f32 v6, v2;
	v3 =	vld [tilespmem:s31+$0x60]  }
0x37e: {  	s3 =	sadd.s32 $0x3, s24;
	v10 =	vmov s24;
	[tilespmem:s31+$0x0] =	vst v5;
	v13 =	vmul.f32 v7, v2;
	v8 =	vld [tilespmem:s31+$0x80]  }
0x37f: {  	s7 =	sadd.s32 $0x1, s24;
	v12 =	vand.u32 $0xFFFFFFFC, v10;
	v5 =	vmov s3;
	[tilespmem:s31+$0x10] =	vst v6;
	v10 =	vmul.f32 v11, v2;
	v7 =	vld [tilespmem:s31+$0x90]  }
0x380: {  	s3 =	sadd.s32 $0x2, s24;
	s24 =	sadd.s32 $0x4, s24;
	v6 =	vbroadcast v12, $0x0;
	v12 =	vmov s7;
	[tilespmem:s31+$0x20] =	vst v13;
	v11 =	vmul.f32 v9, v2;
	v9 =	vld [tilespmem:s31+$0xA0]  }
0x381: {  	v13 =	vld [tilespmem:s31+$0xB0]  }
0x382: {  	v15 =	vld [tilespmem:s31+$0xC0]  }
0x383: {  	v14 =	vmov s3;
	v16 =	vld [tilespmem:s31+$0xD0]  }
0x384: {  	v17 =	vld [tilespmem:s31+$0xE0];
	[tilespmem:s31+$0x30] =	vst v10;
	v4 =	vmul.f32 v4, v2;
	v14 =	vand.u32 $0xFFFFFFFE, v14  }
0x385: {  	v12 =	vand.u32 $0xFFFFFFFD, v12;
	v5 =	vld.idx.msk [tilespmem:v5+s16+$0x0], $0xffff;
	[tilespmem:s31+$0x40] =	vst v11;
	v2 =	vmul.f32 v3, v2;
	v14 =	vbroadcast v14, $0x0  }
0x386: {  	s24 =	sadd.s32 $0x200, s31;
	v12 =	vbroadcast v12, $0x0;
	v3 =	vld.idx.msk [tilespmem:v6+s16+$0x0], $0xffff;
	v8 =	vmul.f32 v8, v1;
	[tilespmem:s31+$0x50] =	vst v4  }
0x387: {  	v10 =	vld [tilespmem:s24+$0xFFFFFF00];
	v4 =	vmul.f32 v7, v1;
	[tilespmem:s31+$0x60] =	vst v2  }
0x388: {  	[tilespmem:s31+$0x80] =	vst v8;
	v8 =	vld [tilespmem:s31+$0xF0];
	v2 =	vmul.f32 v9, v1  }
0x389: {  	v11 =	vld [tilespmem:s24+$0xFFFFFF10];
	[tilespmem:s31+$0x90] =	vst v4;
	v4 =	vmul.f32 v13, v1  }
0x38a: {  	v9 =	vld [tilespmem:s24+$0x70];
	[tilespmem:s31+$0xA0] =	vst v2;
	v2 =	vmul.f32 v15, v1  }
0x38b: {  	[tilespmem:s31+$0xB0] =	vst v4;
	v4 =	vmul.f32 v16, v1;
	v7 =	vld.idx.msk [tilespmem:v14+s16+$0x0], $0xffff  }
0x38c: {  	v6 =	vld.idx.msk [tilespmem:v12+s16+$0x0], $0xffff;
	[tilespmem:s20+$0xC0] =	vst v2;
	v2 =	vmul.f32 v17, v1  }
0x38d: {  	v12 =	vld [tilespmem:s24+$0xFFFFFF20];
	[tilespmem:s20+$0xD0] =	vst v4;
	v1 =	vmul.f32 v8, v1  }
0x38e: {  	v4 =	vld [tilespmem:s24+$0xFFFFFF30];
	[tilespmem:s20+$0xE0] =	vst v2  }
0x38f: {  	v2 =	vld [tilespmem:s24+$0xFFFFFF40];
	[tilespmem:s20+$0xF0] =	vst v1;
	v1 =	vmul.f32 v10, v3  }
0x390: {  	v8 =	vmul.f32 v9, v7;
	v9 =	vld [tilespmem:s24+$0xFFFFFF50]  }
0x391: {  	v10 =	vmul.f32 v11, v3;
	v11 =	vld [tilespmem:s24+$0xFFFFFF60];
	[tilespmem:s24+$0xFFFFFF00] =	vst v1  }
0x392: {  	v1 =	vmul.f32 v12, v3;
	[tilespmem:s24+$0x70] =	vst v8;
	v8 =	vld [tilespmem:s24+$0xFFFFFF70]  }
0x393: {  	[tilespmem:s24+$0xFFFFFF10] =	vst v10;
	v10 =	vld [tilespmem:s24+$0xFFFFFF80];
	v4 =	vmul.f32 v4, v3  }
0x394: {  	[tilespmem:s24+$0xFFFFFF20] =	vst v1;
	v1 =	vmul.f32 v2, v3;
	v2 =	vld [tilespmem:s24+$0xFFFFFF90]  }
0x395: {  	[tilespmem:s24+$0xFFFFFF30] =	vst v4;
	v4 =	vmul.f32 v9, v3;
	v9 =	vld [tilespmem:s24+$0xFFFFFFA0]  }
0x396: {  	[tilespmem:s24+$0xFFFFFF40] =	vst v1;
	v1 =	vmul.f32 v11, v3;
	v11 =	vld [tilespmem:s24+$0xFFFFFFB0]  }
0x397: {  	[tilespmem:s24+$0xFFFFFF50] =	vst v4;
	v3 =	vmul.f32 v8, v3;
	v4 =	vld [tilespmem:s24+$0xFFFFFFC0]  }
0x398: {  	[tilespmem:s24+$0xFFFFFF60] =	vst v1;
	v1 =	vmul.f32 v10, v6;
	v8 =	vld [tilespmem:s24+$0xFFFFFFD0]  }
0x399: {  	v2 =	vmul.f32 v2, v6;
	[tilespmem:s24+$0xFFFFFF70] =	vst v3;
	v3 =	vld [tilespmem:s24+$0xFFFFFFE0]  }
0x39a: {  	[tilespmem:s24+$0xFFFFFF80] =	vst v1;
	v1 =	vmul.f32 v9, v6;
	v9 =	vld [tilespmem:s24+$0xFFFFFFF0]  }
0x39b: {  	v10 =	vld [tilespmem:s24+$0x0];
	[tilespmem:s24+$0xFFFFFF90] =	vst v2;
	v2 =	vmul.f32 v11, v6  }
0x39c: {  	[tilespmem:s24+$0xFFFFFFA0] =	vst v1;
	v1 =	vmul.f32 v4, v6;
	v4 =	vld [tilespmem:s24+$0x10]  }
0x39d: {  	[tilespmem:s24+$0xFFFFFFB0] =	vst v2;
	v2 =	vmul.f32 v8, v6;
	v8 =	vld [tilespmem:s24+$0x20]  }
0x39e: {  	[tilespmem:s24+$0xFFFFFFC0] =	vst v1;
	v1 =	vmul.f32 v3, v6;
	v3 =	vld [tilespmem:s24+$0x30]  }
0x39f: {  	[tilespmem:s24+$0xFFFFFFD0] =	vst v2;
	v2 =	vmul.f32 v9, v6;
	v6 =	vld [tilespmem:s24+$0x40]  }
0x3a0: {  	v9 =	vld [tilespmem:s24+$0x50];
	[tilespmem:s24+$0xFFFFFFE0] =	vst v1;
	v1 =	vmul.f32 v10, v7  }
0x3a1: {  	[tilespmem:s24+$0xFFFFFFF0] =	vst v2;
	v2 =	vmul.f32 v4, v7;
	v4 =	vld [tilespmem:s24+$0x60]  }
0x3a2: {  	[tilespmem:s24+$0x0] =	vst v1;
	v1 =	vmul.f32 v8, v7;
	v8 =	vld [tilespmem:s24+$0x80]  }
0x3a3: {  	[tilespmem:s24+$0x10] =	vst v2;
	v2 =	vmul.f32 v3, v7;
	v3 =	vld [tilespmem:s24+$0x90]  }
0x3a4: {  	[tilespmem:s24+$0x20] =	vst v1;
	v1 =	vmul.f32 v6, v7;
	v6 =	vld [tilespmem:s24+$0xA0]  }
0x3a5: {  	[tilespmem:s24+$0x30] =	vst v2;
	v2 =	vmul.f32 v9, v7;
	v9 =	vld [tilespmem:s24+$0xB0]  }
0x3a6: {  	[tilespmem:s24+$0x40] =	vst v1;
	v1 =	vmul.f32 v4, v7;
	v4 =	vld [tilespmem:s24+$0xC0]  }
0x3a7: {  	v7 =	vld [tilespmem:s24+$0xD0];
	[tilespmem:s24+$0x50] =	vst v2;
	v2 =	vmul.f32 v8, v5  }
0x3a8: {  	[tilespmem:s24+$0x60] =	vst v1;
	v1 =	vmul.f32 v3, v5;
	v3 =	vld [tilespmem:s24+$0xE0]  }
0x3a9: {  	[tilespmem:s24+$0x80] =	vst v2;
	v2 =	vmul.f32 v6, v5;
	v6 =	vld [tilespmem:s24+$0xF0]  }
0x3aa: {  	[tilespmem:s24+$0x90] =	vst v1;
	v1 =	vmul.f32 v9, v5  }
0x3ab: {  	[tilespmem:s24+$0xA0] =	vst v2;
	v2 =	vmul.f32 v4, v5  }
0x3ac: {  	[tilespmem:s24+$0xB0] =	vst v1;
	v1 =	vmul.f32 v7, v5  }
0x3ad: {  	[tilespmem:s24+$0xC0] =	vst v2;
	v2 =	vmul.f32 v3, v5  }
0x3ae: {  	[tilespmem:s24+$0xD0] =	vst v1;
	v1 =	vmul.f32 v6, v5  }
0x3af: {  	p0 =	seq.s32 s28, $0xF;
	[tilespmem:s24+$0xE0] =	vst v2  }
0x3b0: {  	s3 =	simm.s32 @!p0 $0x5;
	[tilespmem:s24+$0xF0] =	vst v1  }
0x3b1: {  	[spmem:s23] =	stream.indirect.scatter.add.f32 [tilespmem:s9], [sflag:$0x7], $0x80, s17, s19, $0xb8;
	[tilespmem:$0x1E600] =	vst v63  }
0x3b2: {  	_ =	swait.ge @!p0 [sflag:s3], $0x1000  }
0x3b3: {  	[sflag:s3] =	ssyncset.done @!p0 $0x0  }
0x3b4: {  	[sflag:s3] =	ssyncadd.s32 @!p0 $0xFFFFF000  }
0x3b5: {  	v1 =	vld @!p0 [tilespmem:s29+$0x2800];
	_ =	sdelay $0x6  }
0x3b6: {  	s3 =	simm.s32 @!p0 $0x0;
	[tilespmem:$0x5200] =	vst @!p0 v1  }
0x3b7: {  	v1 =	vld.idx.msk @!p0 [tilespmem:v1+s3+$0x0], $0xffff;
	_ =	sdelay $0x6  }
0x3b8: {  	s7 =	simm.s32 @!p0 $0x4F80;
	v2 =	vld @!p0 [tilespmem:s29+$0x3800]  }
0x3b9: {  	v1 =	vld.idx.msk @!p0 [tilespmem:v1+s7+$0x0], $0xffff;
	_ =	sdelay $0x4  }
0x3ba: {  	v1 =	vsub.f32 @!p0 v2, v1;
	_ =	sdelay $0x1  }
0x3bb: {  	v1 =	vmul.f32 @!p0 v1, v1;
	_ =	sdelay $0x1  }
0x3bc: {  	v1 =	vmul.f32 @!p0 $-9.999989860e-01, v1;
	_ =	sdelay $0x1  }
0x3bd: {  	v1 =	vmul.f32 @!p0 $1.442695020e+00, v1;
	_ =	sdelay $0x1  }
0x3be: {  	(erf) = vpow2.f32 @!p0 v1;
	_ =	sdelay $0x8  }
0x3bf: {  	v1 =	vpop @!p0 (erf)  }
0x3c0: {  	[tilespmem:$0x5000] =	vst @!p0 v1  }
0x3c1: {  	v1 =	vld @!p0 [tilespmem:s29+$0x3000];
	_ =	sdelay $0x4  }
0x3c2: {  	[tilespmem:$0x5400] =	vst @!p0 v1  }
0x3c3: {  	v1 =	vld @!p0 [tilespmem:s29+$0x2810];
	_ =	sdelay $0x6  }
0x3c4: {  	[tilespmem:$0x5210] =	vst @!p0 v1  }
0x3c5: {  	v1 =	vld.idx.msk @!p0 [tilespmem:v1+s3+$0x0], $0xffff;
	_ =	sdelay $0x6  }
0x3c6: {  	v2 =	vld @!p0 [tilespmem:s29+$0x3810]  }
0x3c7: {  	v1 =	vld.idx.msk @!p0 [tilespmem:v1+s7+$0x0], $0xffff;
	_ =	sdelay $0x4  }
0x3c8: {  	v1 =	vsub.f32 @!p0 v2, v1;
	_ =	sdelay $0x1  }
0x3c9: {  	v1 =	vmul.f32 @!p0 v1, v1;
	_ =	sdelay $0x1  }
0x3ca: {  	v1 =	vmul.f32 @!p0 $-9.999989860e-01, v1;
	_ =	sdelay $0x1  }
0x3cb: {  	v1 =	vmul.f32 @!p0 $1.442695020e+00, v1;
	_ =	sdelay $0x1  }
0x3cc: {  	(erf) = vpow2.f32 @!p0 v1;
	_ =	sdelay $0x8  }
0x3cd: {  	v1 =	vpop @!p0 (erf)  }
0x3ce: {  	[tilespmem:$0x5010] =	vst @!p0 v1  }
0x3cf: {  	v1 =	vld @!p0 [tilespmem:s29+$0x3010]  }
0x3d0: {  	s24 =	simm.s32 $0x0  }
0x3d1: {  	v2 =	vmov s24  }
0x3d2: {  	s7 =	simm.s32 $0x2;
	v2 =	vand.u32 $0xFFFFFFFC, v2  }
0x3d3: {  	v3 =	vmov s7;
	v2 =	vbroadcast v2, $0x0  }
0x3d4: {  	s20 =	simm.s32 @!p0 $0x5600;
	s3 =	simm.s32 @!p0 $0x20;
	s7 =	simm.s32 @!p0 $0x5200;
	v3 =	vand.u32 $0xFFFFFFFE, v3;
	[tilespmem:$0x5410] =	vst @!p0 v1  }
0x3d5: {  	v1 =	vbroadcast v3, $0x0;
	[tilespmem:s20], [sflag:$0x1] =	stream.indirect.gather @!p0 [hbm4b:s30+s3], $0x80, s7, s3, $0xb8;
	[tilespmem:$0x1E600] =	vst v63  }
0x3d6: {  	_ =	swait.ge [sflag:s25], $0x1000  }
0x3d7: {  	[sflag:s25] =	ssyncset.done $0x0  }
0x3d8: {  	[sflag:s25] =	ssyncadd.s32 $0xFFFFF000  }
0x3d9: {  	s31 =	simm.s32 $0x8700;
	v3 =	vld.idx.msk [tilespmem:v2+s18+$0x0], $0xffff  }
0x3da: {  	s20 =	simm.s32 $0x1;
	v4 =	vld [tilespmem:s31+$0x70]  }
0x3db: {  	v2 =	vld.idx.msk [tilespmem:v1+s18+$0x0], $0xffff;
	v1 =	vmov s20  }
0x3dc: {  	v5 =	vld [tilespmem:s31+$0xFFFFFF00];
	v1 =	vand.u32 $0xFFFFFFFD, v1  }
0x3dd: {  	v6 =	vld [tilespmem:s31+$0xFFFFFF10];
	v1 =	vbroadcast v1, $0x0  }
0x3de: {  	v7 =	vld [tilespmem:s31+$0xFFFFFF20]  }
0x3df: {  	v8 =	vld [tilespmem:s31+$0xFFFFFF30]  }
0x3e0: {  	v9 =	vld [tilespmem:s31+$0xFFFFFF40]  }
0x3e1: {  	v10 =	vld [tilespmem:s31+$0xFFFFFF50]  }
0x3e2: {  	v11 =	vld [tilespmem:s31+$0xFFFFFF60];
	v5 =	vmul.f32 v5, v3  }
0x3e3: {  	v12 =	vld.idx.msk [tilespmem:v1+s18+$0x0], $0xffff;
	v1 =	vmul.f32 v4, v2  }
0x3e4: {  	[tilespmem:s31+$0xFFFFFF00] =	vst v5;
	v5 =	vld [tilespmem:s31+$0xFFFFFF70];
	v4 =	vmul.f32 v6, v3  }
0x3e5: {  	v6 =	vld [tilespmem:s31+$0xFFFFFF80];
	[tilespmem:s31+$0x70] =	vst v1;
	v1 =	vmul.f32 v7, v3  }
0x3e6: {  	s24 =	simm.s32 $0x3;
	[tilespmem:s31+$0xFFFFFF10] =	vst v4;
	v4 =	vmul.f32 v8, v3;
	v7 =	vld [tilespmem:s31+$0xFFFFFF90]  }
0x3e7: {  	v8 =	vmov s24;
	[tilespmem:s31+$0xFFFFFF20] =	vst v1;
	v1 =	vmul.f32 v9, v3;
	v9 =	vld [tilespmem:s31+$0xFFFFFFA0]  }
0x3e8: {  	[tilespmem:s31+$0xFFFFFF30] =	vst v4;
	v4 =	vmul.f32 v10, v3;
	v10 =	vld [tilespmem:s31+$0xFFFFFFB0]  }
0x3e9: {  	[tilespmem:s31+$0xFFFFFF40] =	vst v1;
	v1 =	vmul.f32 v11, v3;
	v11 =	vld [tilespmem:s31+$0xFFFFFFC0]  }
0x3ea: {  	[tilespmem:s31+$0xFFFFFF50] =	vst v4;
	v4 =	vmul.f32 v6, v12;
	v6 =	vld [tilespmem:s31+$0xFFFFFFD0]  }
0x3eb: {  	v3 =	vmul.f32 v5, v3;
	v5 =	vld [tilespmem:s31+$0xFFFFFFE0];
	[tilespmem:s31+$0xFFFFFF60] =	vst v1  }
0x3ec: {  	v7 =	vmul.f32 v7, v12;
	v1 =	vld.idx.msk [tilespmem:v8+s18+$0x0], $0xffff;
	[tilespmem:s31+$0xFFFFFF80] =	vst v4  }
0x3ed: {  	[tilespmem:s31+$0xFFFFFF70] =	vst v3;
	v4 =	vld [tilespmem:s31+$0xFFFFFFF0];
	v3 =	vmul.f32 v9, v12  }
0x3ee: {  	v8 =	vld [tilespmem:s31+$0x0];
	[tilespmem:s31+$0xFFFFFF90] =	vst v7;
	v7 =	vmul.f32 v10, v12  }
0x3ef: {  	v9 =	vld [tilespmem:s31+$0x10];
	[tilespmem:s31+$0xFFFFFFA0] =	vst v3;
	v3 =	vmul.f32 v11, v12  }
0x3f0: {  	[tilespmem:s31+$0xFFFFFFB0] =	vst v7;
	v6 =	vmul.f32 v6, v12;
	v7 =	vld [tilespmem:s31+$0x20]  }
0x3f1: {  	v10 =	vld [tilespmem:s31+$0x30];
	[tilespmem:s31+$0xFFFFFFC0] =	vst v3;
	v3 =	vmul.f32 v5, v12  }
0x3f2: {  	v11 =	vld [tilespmem:s31+$0x40];
	[tilespmem:s31+$0xFFFFFFD0] =	vst v6;
	v5 =	vmul.f32 v4, v12  }
0x3f3: {  	v6 =	vmul.f32 v8, v2;
	v4 =	vld [tilespmem:s31+$0x50];
	[tilespmem:s31+$0xFFFFFFE0] =	vst v3  }
0x3f4: {  	s7 =	simm.s32 $0x4;
	v9 =	vmul.f32 v9, v2;
	[tilespmem:s31+$0xFFFFFFF0] =	vst v5;
	v3 =	vld [tilespmem:s31+$0x60]  }
0x3f5: {  	s24 =	simm.s32 $0x5;
	v8 =	vld [tilespmem:s31+$0x80];
	v5 =	vmov s7;
	[tilespmem:s31+$0x0] =	vst v6;
	v13 =	vmul.f32 v7, v2  }
0x3f6: {  	s20 =	simm.s32 $0x7;
	v12 =	vmov s24;
	v10 =	vmul.f32 v10, v2;
	v6 =	vand.u32 $0xFFFFFFFC, v5;
	[tilespmem:s31+$0x10] =	vst v9;
	v7 =	vld [tilespmem:s31+$0x90]  }
0x3f7: {  	s3 =	simm.s32 $0x6;
	s24 =	simm.s32 $0x8;
	v5 =	vmov s20;
	v11 =	vmul.f32 v11, v2;
	v9 =	vld [tilespmem:s31+$0xA0];
	s20 =	simm.s32 $0x8700;
	v6 =	vbroadcast v6, $0x0;
	[tilespmem:s31+$0x20] =	vst v13  }
.LBB2_12:
0x3f8: {  	p1 =	slt.u32 s24, $0x1C;
	v12 =	vand.u32 $0xFFFFFFFD, v12;
	v13 =	vmov s3;
	[tilespmem:s31+$0x30] =	vst v10;
	v4 =	vmul.f32 v4, v2;
	v10 =	vld [tilespmem:s31+$0xB0]  }
0x3f9: {  	v12 =	vbroadcast v12, $0x0;
	v13 =	vand.u32 $0xFFFFFFFE, v13;
	[tilespmem:s31+$0x40] =	vst v11;
	v2 =	vmul.f32 v3, v2;
	v3 =	vld [tilespmem:s31+$0xC0]  }
0x3fa: {  	v11 =	vbroadcast v13, $0x0;
	[tilespmem:s31+$0x50] =	vst v4;
	v4 =	vmul.f32 v8, v1;
	v8 =	vld [tilespmem:s31+$0xD0]  }
0x3fb: {  	[tilespmem:s31+$0x60] =	vst v2;
	v2 =	vmul.f32 v7, v1;
	v7 =	vld [tilespmem:s31+$0xE0]  }
0x3fc: {  	[tilespmem:s31+$0x80] =	vst v4;
	v4 =	vmul.f32 v9, v1;
	v9 =	vld [tilespmem:s31+$0xF0]  }
0x3fd: {  	v5 =	vld.idx.msk [tilespmem:v5+s18+$0x0], $0xffff;
	[tilespmem:s31+$0x90] =	vst v2;
	v2 =	vmul.f32 v10, v1  }
0x3fe: {  	v6 =	vld.idx.msk [tilespmem:v6+s18+$0x0], $0xffff;
	[tilespmem:s31+$0xA0] =	vst v4;
	v3 =	vmul.f32 v3, v1  }
0x3ff: {  	v4 =	vld.idx.msk [tilespmem:v12+s18+$0x0], $0xffff;
	[tilespmem:s31+$0xB0] =	vst v2;
	v8 =	vmul.f32 v8, v1  }
0x400: {  	s31 =	sadd.s32 $0x200, s31;
	v2 =	vld.idx.msk [tilespmem:v11+s18+$0x0], $0xffff;
	[tilespmem:s20+$0xC0] =	vst v3;
	v3 =	vmul.f32 v7, v1  }
0x401: {  	v7 =	vld [tilespmem:s31+$0x70];
	[tilespmem:s20+$0xD0] =	vst v8;
	v9 =	vmul.f32 v9, v1  }
0x402: {  	v8 =	vld [tilespmem:s31+$0xFFFFFF00];
	[tilespmem:s20+$0xE0] =	vst v3  }
0x403: {  	v1 =	vmov v5;
	v3 =	vld [tilespmem:s31+$0xFFFFFF10];
	[tilespmem:s20+$0xF0] =	vst v9;
	s20 =	smov.u32 s31  }
0x404: {  	v5 =	vld [tilespmem:s31+$0xFFFFFF20]  }
0x405: {  	v9 =	vld [tilespmem:s31+$0xFFFFFF30]  }
0x406: {  	v10 =	vld [tilespmem:s31+$0xFFFFFF40];
	v7 =	vmul.f32 v7, v2  }
0x407: {  	v8 =	vmul.f32 v8, v6;
	v11 =	vld [tilespmem:s31+$0xFFFFFF50]  }
0x408: {  	v3 =	vmul.f32 v3, v6;
	v12 =	vld [tilespmem:s31+$0xFFFFFF60];
	[tilespmem:s31+$0x70] =	vst v7  }
0x409: {  	[tilespmem:s31+$0xFFFFFF00] =	vst v8;
	v5 =	vmul.f32 v5, v6;
	v7 =	vld [tilespmem:s31+$0xFFFFFF70]  }
0x40a: {  	[tilespmem:s31+$0xFFFFFF10] =	vst v3;
	v3 =	vmul.f32 v9, v6;
	v8 =	vld [tilespmem:s31+$0xFFFFFF80]  }
0x40b: {  	[tilespmem:s31+$0xFFFFFF20] =	vst v5;
	v5 =	vmul.f32 v10, v6;
	v9 =	vld [tilespmem:s31+$0xFFFFFF90]  }
0x40c: {  	[tilespmem:s31+$0xFFFFFF30] =	vst v3;
	v3 =	vmul.f32 v11, v6;
	v10 =	vld [tilespmem:s31+$0xFFFFFFA0]  }
0x40d: {  	[tilespmem:s31+$0xFFFFFF40] =	vst v5;
	v5 =	vmul.f32 v12, v6;
	v11 =	vld [tilespmem:s31+$0xFFFFFFB0]  }
0x40e: {  	[tilespmem:s31+$0xFFFFFF50] =	vst v3;
	v3 =	vmul.f32 v7, v6;
	v6 =	vld [tilespmem:s31+$0xFFFFFFC0]  }
0x40f: {  	[tilespmem:s31+$0xFFFFFF60] =	vst v5;
	v5 =	vmul.f32 v8, v4;
	v7 =	vld [tilespmem:s31+$0xFFFFFFD0]  }
0x410: {  	[tilespmem:s31+$0xFFFFFF70] =	vst v3;
	v3 =	vmul.f32 v9, v4;
	v8 =	vld [tilespmem:s31+$0xFFFFFFE0]  }
0x411: {  	[tilespmem:s31+$0xFFFFFF80] =	vst v5;
	v5 =	vmul.f32 v10, v4;
	v9 =	vld [tilespmem:s31+$0xFFFFFFF0]  }
0x412: {  	[tilespmem:s31+$0xFFFFFF90] =	vst v3;
	v3 =	vmul.f32 v11, v4;
	v10 =	vld [tilespmem:s31+$0x0]  }
0x413: {  	[tilespmem:s31+$0xFFFFFFA0] =	vst v5;
	v5 =	vmul.f32 v6, v4;
	v6 =	vld [tilespmem:s31+$0x10]  }
0x414: {  	[tilespmem:s31+$0xFFFFFFB0] =	vst v3;
	v3 =	vmul.f32 v7, v4;
	v7 =	vld [tilespmem:s31+$0x20]  }
0x415: {  	[tilespmem:s31+$0xFFFFFFC0] =	vst v5;
	v5 =	vmul.f32 v8, v4;
	v11 =	vld [tilespmem:s31+$0x30]  }
0x416: {  	[tilespmem:s31+$0xFFFFFFD0] =	vst v3;
	v3 =	vmul.f32 v9, v4;
	v9 =	vld [tilespmem:s31+$0x40]  }
.Ltmp8:
0x417: {  	[tilespmem:s31+$0xFFFFFFE0] =	vst v5;
	v5 =	vmul.f32 v10, v2;
	v4 =	vld [tilespmem:s31+$0x50];
	(pc) =	sbr.rel @p1 .LBB2_12-.Ltmp8, $4  }
0x418: {  	[tilespmem:s31+$0xFFFFFFF0] =	vst v3;
	v6 =	vmul.f32 v6, v2;
	v3 =	vld [tilespmem:s31+$0x60]  }
0x419: {  	s3 =	sadd.s32 $0x3, s24;
	v10 =	vmov s24;
	[tilespmem:s31+$0x0] =	vst v5;
	v13 =	vmul.f32 v7, v2;
	v8 =	vld [tilespmem:s31+$0x80]  }
0x41a: {  	s7 =	sadd.s32 $0x1, s24;
	v12 =	vand.u32 $0xFFFFFFFC, v10;
	v5 =	vmov s3;
	[tilespmem:s31+$0x10] =	vst v6;
	v10 =	vmul.f32 v11, v2;
	v7 =	vld [tilespmem:s31+$0x90]  }
0x41b: {  	s3 =	sadd.s32 $0x2, s24;
	s24 =	sadd.s32 $0x4, s24;
	v6 =	vbroadcast v12, $0x0;
	v12 =	vmov s7;
	[tilespmem:s31+$0x20] =	vst v13;
	v11 =	vmul.f32 v9, v2;
	v9 =	vld [tilespmem:s31+$0xA0]  }
0x41c: {  	v13 =	vld [tilespmem:s31+$0xB0]  }
0x41d: {  	v15 =	vld [tilespmem:s31+$0xC0]  }
0x41e: {  	v16 =	vld [tilespmem:s31+$0xD0]  }
0x41f: {  	v17 =	vld [tilespmem:s31+$0xE0]  }
0x420: {  	v29 =	vld [tilespmem:s31+$0xF0];
	[tilespmem:s31+$0x30] =	vst v10;
	v4 =	vmul.f32 v4, v2  }
0x421: {  	v5 =	vld.idx.msk [tilespmem:v5+s18+$0x0], $0xffff;
	[tilespmem:s31+$0x40] =	vst v11;
	v2 =	vmul.f32 v3, v2  }
0x422: {  	s24 =	sadd.s32 $0x200, s31;
	v3 =	vld.idx.msk [tilespmem:v6+s18+$0x0], $0xffff;
	v8 =	vmul.f32 v8, v1;
	[tilespmem:s31+$0x50] =	vst v4  }
0x423: {  	v14 =	vmov s3;
	v34 =	vld [tilespmem:s24+$0x70];
	v30 =	vmul.f32 v7, v1;
	[tilespmem:s31+$0x60] =	vst v2  }
0x424: {  	v14 =	vand.u32 $0xFFFFFFFE, v14;
	v35 =	vld [tilespmem:s24+$0xFFFFFF00];
	[tilespmem:s31+$0x80] =	vst v8;
	v2 =	vmul.f32 v9, v1  }
0x425: {  	v37 =	vld [tilespmem:s24+$0xFFFFFF10];
	v14 =	vbroadcast v14, $0x0;
	[tilespmem:s31+$0x90] =	vst v30;
	v33 =	vmul.f32 v13, v1  }
0x426: {  	v38 =	vld [tilespmem:s24+$0xFFFFFF20];
	[tilespmem:s31+$0xA0] =	vst v2;
	v2 =	vmul.f32 v15, v1  }
0x427: {  	v12 =	vand.u32 $0xFFFFFFFD, v12;
	v39 =	vld [tilespmem:s24+$0xFFFFFF30];
	v36 =	vmul.f32 v16, v1;
	[tilespmem:s31+$0xB0] =	vst v33  }
0x428: {  	v12 =	vbroadcast v12, $0x0;
	v41 =	vld [tilespmem:s24+$0xFFFFFF50];
	[tilespmem:s20+$0xC0] =	vst v2;
	v2 =	vmul.f32 v17, v1  }
0x429: {  	v43 =	vld [tilespmem:s24+$0xFFFFFF60];
	[tilespmem:s20+$0xD0] =	vst v36;
	v1 =	vmul.f32 v29, v1  }
0x42a: {  	v42 =	vmul.f32 v37, v3;
	[tilespmem:s20+$0xE0] =	vst v2;
	v2 =	vld [tilespmem:s24+$0xFFFFFF40]  }
0x42b: {  	v32 =	vld.idx.msk [tilespmem:v14+s18+$0x0], $0xffff;
	[tilespmem:s20+$0xF0] =	vst v1;
	v1 =	vmul.f32 v35, v3  }
0x42c: {  	v44 =	vld [tilespmem:s24+$0xFFFFFF70];
	v4 =	vmul.f32 v39, v3;
	[tilespmem:s24+$0xFFFFFF10] =	vst v42  }
0x42d: {  	v45 =	vld [tilespmem:s24+$0xFFFFFF80];
	[tilespmem:s24+$0xFFFFFF00] =	vst v1;
	v1 =	vmul.f32 v38, v3  }
0x42e: {  	v46 =	vmul.f32 v41, v3;
	v31 =	vld.idx.msk [tilespmem:v12+s18+$0x0], $0xffff;
	[tilespmem:s24+$0xFFFFFF30] =	vst v4  }
0x42f: {  	[tilespmem:s24+$0xFFFFFF20] =	vst v1;
	v1 =	vmul.f32 v2, v3;
	v2 =	vld [tilespmem:s24+$0xFFFFFF90]  }
0x430: {  	v47 =	vld [tilespmem:s24+$0xFFFFFFA0];
	[tilespmem:s24+$0xFFFFFF50] =	vst v46;
	v40 =	vmul.f32 v34, v32  }
0x431: {  	v48 =	vld [tilespmem:s24+$0xFFFFFFB0];
	[tilespmem:s24+$0xFFFFFF40] =	vst v1;
	v1 =	vmul.f32 v43, v3  }
0x432: {  	v49 =	vld [tilespmem:s24+$0xFFFFFFC0];
	[tilespmem:s24+$0x70] =	vst v40;
	v3 =	vmul.f32 v44, v3  }
0x433: {  	v50 =	vld [tilespmem:s24+$0xFFFFFFD0];
	[tilespmem:s24+$0xFFFFFF60] =	vst v1;
	v1 =	vmul.f32 v45, v31  }
0x434: {  	[tilespmem:s24+$0xFFFFFF70] =	vst v3;
	v3 =	vld [tilespmem:s24+$0xFFFFFFE0];
	v2 =	vmul.f32 v2, v31  }
0x435: {  	v51 =	vld [tilespmem:s24+$0xFFFFFFF0];
	[tilespmem:s24+$0xFFFFFF80] =	vst v1;
	v1 =	vmul.f32 v47, v31  }
0x436: {  	v52 =	vld [tilespmem:s24+$0x0];
	[tilespmem:s24+$0xFFFFFF90] =	vst v2;
	v2 =	vmul.f32 v48, v31  }
0x437: {  	v53 =	vld [tilespmem:s24+$0x10];
	[tilespmem:s24+$0xFFFFFFA0] =	vst v1;
	v1 =	vmul.f32 v49, v31  }
0x438: {  	v54 =	vld [tilespmem:s24+$0x20];
	[tilespmem:s24+$0xFFFFFFB0] =	vst v2;
	v2 =	vmul.f32 v50, v31  }
0x439: {  	[tilespmem:s24+$0xFFFFFFC0] =	vst v1;
	v1 =	vmul.f32 v3, v31;
	v3 =	vld [tilespmem:s24+$0x30]  }
0x43a: {  	v55 =	vld [tilespmem:s24+$0x40];
	[tilespmem:s24+$0xFFFFFFD0] =	vst v2;
	v2 =	vmul.f32 v51, v31  }
0x43b: {  	v56 =	vld [tilespmem:s24+$0x50];
	[tilespmem:s24+$0xFFFFFFE0] =	vst v1;
	v1 =	vmul.f32 v52, v32  }
0x43c: {  	v57 =	vld [tilespmem:s24+$0x60];
	[tilespmem:s24+$0xFFFFFFF0] =	vst v2;
	v2 =	vmul.f32 v53, v32  }
0x43d: {  	v58 =	vld [tilespmem:s24+$0x80];
	[tilespmem:s24+$0x0] =	vst v1;
	v1 =	vmul.f32 v54, v32  }
0x43e: {  	[tilespmem:s24+$0x10] =	vst v2;
	v2 =	vmul.f32 v3, v32;
	v3 =	vld [tilespmem:s24+$0x90]  }
0x43f: {  	v59 =	vld [tilespmem:s24+$0xA0];
	[tilespmem:s24+$0x20] =	vst v1;
	v1 =	vmul.f32 v55, v32  }
0x440: {  	v60 =	vld [tilespmem:s24+$0xB0];
	[tilespmem:s24+$0x30] =	vst v2;
	v2 =	vmul.f32 v56, v32  }
0x441: {  	v61 =	vld [tilespmem:s24+$0xC0];
	[tilespmem:s24+$0x40] =	vst v1;
	v1 =	vmul.f32 v57, v32  }
0x442: {  	v62 =	vld [tilespmem:s24+$0xD0];
	[tilespmem:s24+$0x50] =	vst v2;
	v2 =	vmul.f32 v58, v5  }
0x443: {  	[tilespmem:s24+$0x60] =	vst v1;
	v1 =	vmul.f32 v3, v5;
	v3 =	vld [tilespmem:s24+$0xE0]  }
0x444: {  	v63 =	vld [tilespmem:s24+$0xF0];
	[tilespmem:s24+$0x80] =	vst v2;
	v2 =	vmul.f32 v59, v5  }
0x445: {  	[tilespmem:s24+$0x90] =	vst v1;
	v1 =	vmul.f32 v60, v5  }
0x446: {  	[tilespmem:s24+$0xA0] =	vst v2;
	v2 =	vmul.f32 v61, v5  }
0x447: {  	[tilespmem:s24+$0xB0] =	vst v1;
	v1 =	vmul.f32 v62, v5  }
.Ltmp9:
0x448: {  	[tilespmem:s24+$0xC0] =	vst v2;
	v2 =	vmul.f32 v3, v5;
	(pc) =	sbr.rel @p0 .LBB2_15-.Ltmp9, $4  }
0x449: {  	[tilespmem:s24+$0xD0] =	vst v1;
	v1 =	vmul.f32 v63, v5  }
0x44a: {  	[tilespmem:s24+$0xE0] =	vst v2  }
0x44b: {  	[tilespmem:s24+$0xF0] =	vst v1  }
0x44c: {  	[spmem:s23] =	stream.indirect.scatter.add.f32 [tilespmem:s14], [sflag:$0x8], $0x80, s22, s19, $0xb8;
	[tilespmem:$0x1E600] =	vst v63  }
0x44d: {  	_ =	swait.ge [sflag:s21], $0x1000  }
0x44e: {  	[sflag:s21] =	ssyncset.done $0x0  }
0x44f: {  	[sflag:s21] =	ssyncadd.s32 $0xFFFFF000  }
0x450: {  	v1 =	vld [tilespmem:s29+$0x2820];
	_ =	sdelay $0x6  }
0x451: {  	[tilespmem:$0x5280] =	vst v1  }
0x452: {  	v1 =	vld.idx.msk [tilespmem:v1+s1+$0x0], $0xffff;
	_ =	sdelay $0x6  }
0x453: {  	v2 =	vld [tilespmem:s29+$0x3820]  }
0x454: {  	v1 =	vld.idx.msk [tilespmem:v1+s0+$0x0], $0xffff;
	_ =	sdelay $0x4  }
0x455: {  	v1 =	vsub.f32 v2, v1;
	_ =	sdelay $0x1  }
0x456: {  	v1 =	vmul.f32 v1, v1;
	_ =	sdelay $0x1  }
0x457: {  	v1 =	vmul.f32 $-9.999989860e-01, v1;
	_ =	sdelay $0x1  }
0x458: {  	v1 =	vmul.f32 $1.442695020e+00, v1;
	_ =	sdelay $0x1  }
0x459: {  	(erf) = vpow2.f32 v1;
	_ =	sdelay $0x8  }
0x45a: {  	v1 =	vpop (erf)  }
0x45b: {  	[tilespmem:$0x5080] =	vst v1  }
0x45c: {  	v1 =	vld [tilespmem:s29+$0x3020];
	_ =	sdelay $0x3  }
0x45d: {  	s3 =	sadd.s32 $0xA0, s29  }
0x45e: {  	s3 =	sor.u32 $0x30, s3;
	[tilespmem:$0x5480] =	vst v1  }
0x45f: {  	v1 =	vld [tilespmem:s3+$0x2780];
	_ =	sdelay $0x6  }
0x460: {  	[tilespmem:$0x5290] =	vst v1  }
0x461: {  	v1 =	vld.idx.msk [tilespmem:v1+s1+$0x0], $0xffff;
	_ =	sdelay $0x6  }
0x462: {  	v2 =	vld [tilespmem:s3+$0x3780]  }
0x463: {  	v1 =	vld.idx.msk [tilespmem:v1+s0+$0x0], $0xffff;
	_ =	sdelay $0x4  }
0x464: {  	v1 =	vsub.f32 v2, v1;
	_ =	sdelay $0x1  }
0x465: {  	v1 =	vmul.f32 v1, v1;
	_ =	sdelay $0x1  }
0x466: {  	v1 =	vmul.f32 $-9.999989860e-01, v1;
	_ =	sdelay $0x1  }
0x467: {  	v1 =	vmul.f32 $1.442695020e+00, v1;
	_ =	sdelay $0x1  }
0x468: {  	(erf) = vpow2.f32 v1;
	_ =	sdelay $0x8  }
0x469: {  	v1 =	vpop (erf)  }
0x46a: {  	[tilespmem:$0x5090] =	vst v1  }
0x46b: {  	v1 =	vld [tilespmem:s3+$0x2F80];
	_ =	sdelay $0x1  }
.Ltmp10:
0x46c: {  	_ = 	snop;
	(pc) =	sbr.rel .LBB2_5-.Ltmp10, $3  }
0x46d: {  	_ =	sdelay $0x1  }
0x46e: {  	s31 =	simm.s32 $0x5280;
	s28 =	sadd.s32 $0x1, s28;
	[tilespmem:$0x5490] =	vst v1  }
0x46f: {  	[tilespmem:s4], [sflag:$0x2] =	stream.indirect.gather [hbm4b:s30+s19], $0x80, s31, s19, $0xb8;
	[tilespmem:$0x1E600] =	vst v63  }
.LBB2_17:
0x470: {  	_ =	sfence.sel $0x180000  }
0x471: {  	[bflag:$0x0] =	sbarrier.arrive $0xFFFF  }
0x472: {  	_ =	strace $0x9000004A  }
0x473: {  	s0 =	stileid.u32;
	[bflag:$0x2] =	sbarrier.arrive $0xFFFF  }
0x474: {  	p0 =	sne.s32 s0, $0x0;
	s0 =	rddreg [dreg:$0x4]  }
0x475: {  	s0 =	sadd.s32 @!p0 $0x100000, s0  }
0x476: {  	[sflag:s0] =	ssyncadd.tile.s32 @!p0 $0x1;
	_ =	shalt  }
.Lfunc_end2:
_tile_overlayer_lowered:
.L_overlay_start_2:
0x477: {  	(tag) =	ssettag $0x2  }
0x478: {  	s0 =	rddreg [dreg:$0x0];
	s2 =	stileid.u32  }
0x479: {  	s1 =	rddreg [dreg:$0x1];
	p0 =	sne.s32 s2, $0x0  }
0x47a: {  	s3 =	rddreg [dreg:$0x2];
	[bflag:$0x3] =	sbarrier.arrive $0xFFFF;
	s2 =	simm.s32 @!p0 $0x1C09  }
0x47b: {  	[timem:s3], [sflag:s2] =	dma.local @!p0 [hbm:s0], s1  }
0x47c: {  	s0 =	simm.s32 @!p0 $0x9  }
0x47d: {  	_ =	swait.ge @!p0 [sflag:s0], s1  }
0x47e: {  	s1 =	ssub.s32 @!p0 $0x0, s1;
	[sflag:s0] =	ssyncset.done @!p0 $0x0  }
0x47f: {  	[sflag:s0] =	ssyncadd.s32 @!p0 s1  }
0x480: {  	[bflag:$0x3] =	sbarrier.arrive $0xFFFF  }
0x481: {  	_ =	shalt  }

</sc_bundles>
